<compile_context>
chip_gen: v7x
topology: tpu7x:2x2x1
jax: 0.10.2.dev20260603
libtpu: 0.0.44.dev20260713+nightly
codegen_flags: <defaults>
</compile_context>

<pallas_src>
import functools

import jax
import jax.numpy as jnp
from jax import lax
from jax.experimental import pallas as pl
from jax.experimental.pallas import tpu as pltpu
from jax.experimental.pallas import tpu_sc as plsc

N = 10000
H = 16
B = 16
E = 160000
NB = 512
C = 1600
NCHUNK = E // C



def _sc_body(cal_hbm, src_hbm, tgt_hbm, wz_hbm, wr_hbm, wh_hbm, out_hbm,
             cal_v, src_v, tgt_v, w_v, acc_v, sem0, sem1):
    cid = lax.axis_index("c")
    sid = lax.axis_index("s")
    h0 = cid * 8
    pltpu.sync_copy(cal_hbm.at[sid], cal_v)

    sems = (sem0, sem1)
    zero16 = jnp.zeros((16,), jnp.float32)

    for g, wt_hbm in enumerate((wz_hbm, wr_hbm, wh_hbm)):
        def start(slot, c, wt=wt_hbm):
            sem = sems[slot]
            pltpu.async_copy(src_hbm.at[pl.ds(c * C, C)], src_v.at[slot], sem)
            pltpu.async_copy(tgt_hbm.at[pl.ds(c * C, C)], tgt_v.at[slot], sem)
            pltpu.async_copy(wt.at[pl.ds(h0, 8), pl.ds(c * C, C)],
                             w_v.at[slot], sem)

        def wait(slot, c, wt=wt_hbm):
            sem = sems[slot]
            pltpu.make_async_copy(src_hbm.at[pl.ds(c * C, C)],
                                  src_v.at[slot], sem).wait()
            pltpu.make_async_copy(tgt_hbm.at[pl.ds(c * C, C)],
                                  tgt_v.at[slot], sem).wait()
            pltpu.make_async_copy(wt.at[pl.ds(h0, 8), pl.ds(c * C, C)],
                                  w_v.at[slot], sem).wait()

        def compute(slot):
            @plsc.parallel_loop(0, C // 16, unroll=4)
            def _(i):
                s16 = src_v[slot, pl.ds(i * 16, 16)]
                t16 = tgt_v[slot, pl.ds(i * 16, 16)]
                g16 = plsc.load_gather(cal_v, [s16])
                for j in range(8):
                    w16 = w_v[slot, j, pl.ds(i * 16, 16)]
                    idx = t16 + (j * N) if j else t16
                    plsc.addupdate_scatter(acc_v, [idx], g16 * w16)

        start(0, 0)

        @plsc.parallel_loop(0, (8 * N) // 16, unroll=8)
        def _(i):
            acc_v[pl.ds(i * 16, 16)] = zero16

        @pl.loop(0, NCHUNK, step=2)
        def _(c):
            start(1, c + 1)
            wait(0, c)
            compute(0)

            @pl.when(c + 2 < NCHUNK)
            def _():
                start(0, c + 2)

            wait(1, c + 1)
            compute(1)

        for j in range(8):
            pltpu.sync_copy(acc_v.at[pl.ds(j * N, N)], out_hbm.at[g, h0 + j, sid])


def _sc_sparse(calcium_t, src, tgt, wt_z, wt_r, wt_h):
    mesh = plsc.VectorSubcoreMesh(core_axis_name="c", subcore_axis_name="s")
    fn = pl.kernel(
        _sc_body,
        out_type=jax.ShapeDtypeStruct((3, H, B, N), jnp.float32),
        mesh=mesh,
        scratch_types=[
            pltpu.VMEM((N,), jnp.float32),
            pltpu.VMEM((2, C), jnp.int32),
            pltpu.VMEM((2, C), jnp.int32),
            pltpu.VMEM((2, 8, C), jnp.float32),
            pltpu.VMEM((8 * N,), jnp.float32),
            pltpu.SemaphoreType.DMA,
            pltpu.SemaphoreType.DMA,
        ],
        compiler_params=pltpu.CompilerParams(
            needs_layout_passes=False, use_tc_tiling_on_sc=False),
    )
    return fn(calcium_t, src, tgt, wt_z, wt_r, wt_h)



def _rec_body(hid_ref, uz_ref, ur_ref, bz_ref, br_ref, rz_ref, rr_ref):
    hid = hid_ref[...]
    uz = uz_ref[...]
    ur = ur_ref[...]
    rec_z = jnp.broadcast_to(bz_ref[...][:, None, :], (H, B, NB))
    rec_r = jnp.broadcast_to(br_ref[...][:, None, :], (H, B, NB))
    for h in range(H):
        hh = hid[h][None, :, :]
        rec_z = rec_z + hh * uz[h][:, None, :]
        rec_r = rec_r + hh * ur[h][:, None, :]
    rz_ref[...] = rec_z
    rr_ref[...] = rec_r


def _gate_body(hid_ref, uh_ref, iz_ref, ir_ref, ih_ref, rz_ref, rr_ref,
               bh_ref, w_ref, hnew_ref, cal_ref):
    hid = hid_ref[...]
    uh = uh_ref[...]
    z = jax.nn.sigmoid(iz_ref[...] + rz_ref[...])
    r = jax.nn.sigmoid(ir_ref[...] + rr_ref[...])

    rh = r * hid
    rec_h = jnp.zeros((H, B, NB), jnp.float32)
    for h in range(H):
        rec_h = rec_h + rh[h][None, :, :] * uh[h][:, None, :]
    h_t = jnp.tanh(ih_ref[...] + rec_h + bh_ref[...][:, None, :])

    hnew = (1.0 - z) * hid + z * h_t
    hnew_ref[...] = hnew

    w = w_ref[...][:, 0]
    cal_ref[...] = jax.nn.relu(jnp.sum(hnew * w[:, None, None], axis=0))


_HBN = pl.BlockSpec((H, B, NB), lambda j: (0, 0, j))
_HN = pl.BlockSpec((H, NB), lambda j: (0, j))


def _rec_call(hid_t, u_z, u_r, b_z, b_r):
    return pl.pallas_call(
        _rec_body,
        grid=(pl.cdiv(N, NB),),
        in_specs=[_HBN, _HBN, _HBN, _HN, _HN],
        out_specs=[_HBN, _HBN],
        out_shape=[
            jax.ShapeDtypeStruct((H, B, N), jnp.float32),
            jax.ShapeDtypeStruct((H, B, N), jnp.float32),
        ],
    )(hid_t, u_z, u_r, b_z, b_r)


def _gate_call(hid_t, u_h, i_z, i_r, i_h, r_z, r_r, b_h, w2d):
    wspec = pl.BlockSpec((H, 128), lambda j: (0, 0))
    return pl.pallas_call(
        _gate_body,
        grid=(pl.cdiv(N, NB),),
        in_specs=[_HBN, _HBN, _HBN, _HBN, _HBN, _HBN, _HBN, _HN, wspec],
        out_specs=[_HBN, pl.BlockSpec((B, NB), lambda j: (0, j))],
        out_shape=[
            jax.ShapeDtypeStruct((H, B, N), jnp.float32),
            jax.ShapeDtypeStruct((B, N), jnp.float32),
        ],
    )(hid_t, u_h, i_z, i_r, i_h, r_z, r_r, b_h, w2d)


def kernel(calcium_t, hidden, W_z_values, W_r_values, W_h_values,
           U_z, U_r, U_h, b_z, b_r, b_h, output_projection, src, tgt):
    hid_t = jnp.transpose(hidden, (2, 0, 1))
    u_z = jnp.transpose(U_z, (1, 2, 0))
    u_r = jnp.transpose(U_r, (1, 2, 0))
    u_h = jnp.transpose(U_h, (1, 2, 0))
    bz_t = b_z.T
    br_t = b_r.T
    bh_t = b_h.T
    w2d = jnp.broadcast_to(output_projection[:, None], (H, 128))
    wt_z = W_z_values.T
    wt_r = W_r_values.T
    wt_h = W_h_values.T

    inp = _sc_sparse(calcium_t, src, tgt, wt_z, wt_r, wt_h)

    r_z, r_r = _rec_call(hid_t, u_z, u_r, bz_t, br_t)

    hnew_t, calcium_t1 = _gate_call(hid_t, u_h, inp[0], inp[1], inp[2],
                                    r_z, r_r, bh_t, w2d)
    hidden_new = jnp.transpose(hnew_t, (1, 2, 0))
    return (calcium_t1, hidden_new)

# --- scband reference (transcript-rebuilt; emitter-appended) ---
"""Pipeline reference for scband-sparse-grubrain-72962904424823 (READ-ONLY COPY).

The authoritative reference and input builder live on the scoring server;
editing this copy changes nothing except your own understanding.
"""

import jax, jax.numpy as jnp
import numpy as np

N = 10000
H = 16
DEG = 16
E = N * DEG
B = 16


def setup_inputs(seed: int = 0) -> dict:
    key = jax.random.key(seed)
    ks = jax.random.split(key, 10)
    rng = np.random.default_rng(0)
    src = jnp.asarray(rng.integers(0, N, size=E), dtype=jnp.int32)
    tgt = jnp.asarray(rng.integers(0, N, size=E), dtype=jnp.int32)
    return {
        "calcium_t": jax.random.normal(ks[0], (B, N), jnp.float32),
        "hidden": jax.random.normal(ks[1], (B, N, H), jnp.float32),
        "W_z_values": jax.random.normal(ks[2], (E, H), jnp.float32) * 0.01,
        "W_r_values": jax.random.normal(ks[3], (E, H), jnp.float32) * 0.01,
        "W_h_values": jax.random.normal(ks[4], (E, H), jnp.float32) * 0.01,
        "U_z": jax.random.normal(ks[5], (N, H, H), jnp.float32) * 0.01,
        "U_r": jax.random.normal(ks[6], (N, H, H), jnp.float32) * 0.01,
        "U_h": jax.random.normal(ks[7], (N, H, H), jnp.float32) * 0.01,
        "b_z": jnp.zeros((N, H), jnp.float32),
        "b_r": jnp.zeros((N, H), jnp.float32),
        "b_h": jnp.zeros((N, H), jnp.float32),
        "output_projection": jax.random.normal(ks[8], (H,), jnp.float32),
        "src": src,
        "tgt": tgt,
    }


def _sparse_matmul(values, calcium, src, tgt):
    # Equivalent to torch.sparse.mm(W, calcium.T).T with W row = tgt*H+h, col = src,
    # values laid out edge-major (E, H). Gather calcium at src, weight, scatter-add to tgt.
    gathered = jnp.take(calcium, src, axis=1)            # (B, E)
    contrib = values[:, None, :] * jnp.transpose(gathered)[:, :, None]  # (E, B, H)
    out = jax.ops.segment_sum(contrib, tgt, num_segments=N)            # (N, B, H)
    return jnp.transpose(out, (1, 0, 2))                 # (B, N, H)


def reference(calcium_t, hidden, W_z_values, W_r_values, W_h_values, U_z, U_r, U_h, b_z, b_r, b_h, output_projection, src, tgt):
    inp_z = _sparse_matmul(W_z_values, calcium_t, src, tgt)
    inp_r = _sparse_matmul(W_r_values, calcium_t, src, tgt)
    inp_h = _sparse_matmul(W_h_values, calcium_t, src, tgt)
    rec_z = jnp.einsum('bnh,nhi->bni', hidden, U_z)
    rec_r = jnp.einsum('bnh,nhi->bni', hidden, U_r)
    z = jax.nn.sigmoid(inp_z + rec_z + b_z[None])
    r = jax.nn.sigmoid(inp_r + rec_r + b_r[None])
    rec_h = jnp.einsum('bnh,nhi->bni', r * hidden, U_h)
    h_tilde = jnp.tanh(inp_h + rec_h + b_h[None])
    hidden_new = (1.0 - z) * hidden + z * h_tilde
    calcium_t1 = jax.nn.relu(jnp.sum(hidden_new * output_projection, axis=-1))
    return (calcium_t1, hidden_new)

if __name__ == "__main__":
    import jax
    _d = setup_inputs()
    print(jax.jit(kernel)(*tuple(_d.values())))

</pallas_src>

<mosaic_0001>
#map = affine_map<(d0, d1) -> (0, 0)>
#map1 = affine_map<(d0, d1) -> (0)>
#map2 = affine_map<(d0, d1) -> (0, 0, 0, 0)>
module attributes {stable_mosaic.version = 14 : i64} {
  func.func @_sc_body(%arg0: i32, %arg1: i32, %arg2: memref<16x10000xf32, #tpu.memory_space<hbm>>, %arg3: memref<160000xi32, #tpu.memory_space<hbm>>, %arg4: memref<160000xi32, #tpu.memory_space<hbm>>, %arg5: memref<16x160000xf32, #tpu.memory_space<hbm>>, %arg6: memref<16x160000xf32, #tpu.memory_space<hbm>>, %arg7: memref<16x160000xf32, #tpu.memory_space<hbm>>, %arg8: memref<3x16x16x10000xf32, #tpu.memory_space<hbm>>, %arg9: memref<10000xf32, #tpu.memory_space<vmem>>, %arg10: memref<2x1600xi32, #tpu.memory_space<vmem>>, %arg11: memref<2x1600xi32, #tpu.memory_space<vmem>>, %arg12: memref<2x8x1600xf32, #tpu.memory_space<vmem>>, %arg13: memref<80000xf32, #tpu.memory_space<vmem>>, %arg14: memref<!tpu.dma_semaphore, #tpu.memory_space<semaphore_mem>>, %arg15: memref<!tpu.dma_semaphore, #tpu.memory_space<semaphore_mem>>) attributes {dimension_semantics = [#tpu.dimension_semantics<core_parallel>, #tpu.dimension_semantics<subcore_parallel>], iteration_bounds = array<i64: 2, 16>, scalar_prefetch = 0 : i64, scratch_operands = 7 : i64, tpu.core_type = #tpu.core_type<sc_vector_subcore>, window_params = [{transform_indices = #map}, {transform_indices = #map1}, {transform_indices = #map1}, {transform_indices = #map}, {transform_indices = #map}, {transform_indices = #map}, {transform_indices = #map2}]} {
    %mul3A = arith.constant 8 : i32
    %mul3A_0 = arith.muli %arg0, %mul3A : i32
    "tpu.region"() ({
      %run_scoped3A_198 = tpu.sem_alloc : memref<!tpu.dma_semaphore, #tpu.memory_space<semaphore_mem>>
      %dma_start3A_199 = arith.constant 0 : i32
      %dma_start3A_200 = tpu.memref_slice %arg2[%arg1, %dma_start3A_199] : memref<16x10000xf32, #tpu.memory_space<hbm>> -> memref<1x10000xf32, #tpu.memory_space<hbm>>
      %dma_start3A_201 = tpu.memref_squeeze %dma_start3A_200 : memref<1x10000xf32, #tpu.memory_space<hbm>> -> memref<10000xf32, #tpu.memory_space<hbm>>
      %dma_start3A_202 = arith.constant 0 : i32
      %dma_start3A_203 = tpu.memref_slice %arg2[%arg1, %dma_start3A_202] : memref<16x10000xf32, #tpu.memory_space<hbm>> -> memref<1x10000xf32, #tpu.memory_space<hbm>>
      %dma_start3A_204 = tpu.memref_squeeze %dma_start3A_203 : memref<1x10000xf32, #tpu.memory_space<hbm>> -> memref<10000xf32, #tpu.memory_space<hbm>>
      tpu.enqueue_dma source(%dma_start3A_204 : memref<10000xf32, #tpu.memory_space<hbm>>) target(%arg9 : memref<10000xf32, #tpu.memory_space<vmem>>) target_semaphore(%run_scoped3A_198 : memref<!tpu.dma_semaphore, #tpu.memory_space<semaphore_mem>>)
      %dma_wait3A = arith.constant 0 : i32
      %dma_wait3A_205 = tpu.memref_slice %arg2[%arg1, %dma_wait3A] : memref<16x10000xf32, #tpu.memory_space<hbm>> -> memref<1x10000xf32, #tpu.memory_space<hbm>>
      %dma_wait3A_206 = tpu.memref_squeeze %dma_wait3A_205 : memref<1x10000xf32, #tpu.memory_space<hbm>> -> memref<10000xf32, #tpu.memory_space<hbm>>
      %dma_wait3A_207 = arith.constant 0 : i32
      %dma_wait3A_208 = tpu.memref_slice %arg2[%arg1, %dma_wait3A_207] : memref<16x10000xf32, #tpu.memory_space<hbm>> -> memref<1x10000xf32, #tpu.memory_space<hbm>>
      %dma_wait3A_209 = tpu.memref_squeeze %dma_wait3A_208 : memref<1x10000xf32, #tpu.memory_space<hbm>> -> memref<10000xf32, #tpu.memory_space<hbm>>
      tpu.wait_dma2 semaphore(%run_scoped3A_198 : memref<!tpu.dma_semaphore, #tpu.memory_space<semaphore_mem>>) src(%dma_wait3A_209 : memref<10000xf32, #tpu.memory_space<hbm>>) dst(%arg9 : memref<10000xf32, #tpu.memory_space<vmem>>)
      tpu.yield
    }) : () -> ()
    %broadcast_in_dim3A = arith.constant 0.000000e+00 : f32
    %broadcast_in_dim3A_1 = vector.broadcast %broadcast_in_dim3A : f32 to vector<16xf32>
    %dma_start3A = arith.constant 0 : i32
    %dma_start3A_2 = arith.constant 0 : i32
    %dma_start3A_3 = tpu.memref_slice %arg10[%dma_start3A, %dma_start3A_2] : memref<2x1600xi32, #tpu.memory_space<vmem>> -> memref<1x1600xi32, #tpu.memory_space<vmem>>
    %dma_start3A_4 = tpu.memref_squeeze %dma_start3A_3 : memref<1x1600xi32, #tpu.memory_space<vmem>> -> memref<1600xi32, #tpu.memory_space<vmem>>
    %dma_start3A_5 = arith.constant 0 : i32
    %dma_start3A_6 = tpu.memref_slice %arg3[%dma_start3A_5] : memref<160000xi32, #tpu.memory_space<hbm>> -> memref<1600xi32, #tpu.memory_space<hbm>>
    %dma_start3A_7 = arith.constant 0 : i32
    %dma_start3A_8 = tpu.memref_slice %arg10[%dma_start3A, %dma_start3A_7] : memref<2x1600xi32, #tpu.memory_space<vmem>> -> memref<1x1600xi32, #tpu.memory_space<vmem>>
    %dma_start3A_9 = tpu.memref_squeeze %dma_start3A_8 : memref<1x1600xi32, #tpu.memory_space<vmem>> -> memref<1600xi32, #tpu.memory_space<vmem>>
    %dma_start3A_10 = arith.constant 0 : i32
    %dma_start3A_11 = tpu.memref_slice %arg3[%dma_start3A_10] : memref<160000xi32, #tpu.memory_space<hbm>> -> memref<1600xi32, #tpu.memory_space<hbm>>
    tpu.enqueue_dma source(%dma_start3A_11 : memref<1600xi32, #tpu.memory_space<hbm>>) target(%dma_start3A_9 : memref<1600xi32, #tpu.memory_space<vmem>>) target_semaphore(%arg14 : memref<!tpu.dma_semaphore, #tpu.memory_space<semaphore_mem>>)
    %dma_start3A_12 = arith.constant 0 : i32
    %dma_start3A_13 = arith.constant 0 : i32
    %dma_start3A_14 = tpu.memref_slice %arg11[%dma_start3A_12, %dma_start3A_13] : memref<2x1600xi32, #tpu.memory_space<vmem>> -> memref<1x1600xi32, #tpu.memory_space<vmem>>
    %dma_start3A_15 = tpu.memref_squeeze %dma_start3A_14 : memref<1x1600xi32, #tpu.memory_space<vmem>> -> memref<1600xi32, #tpu.memory_space<vmem>>
    %dma_start3A_16 = arith.constant 0 : i32
    %dma_start3A_17 = tpu.memref_slice %arg4[%dma_start3A_16] : memref<160000xi32, #tpu.memory_space<hbm>> -> memref<1600xi32, #tpu.memory_space<hbm>>
    %dma_start3A_18 = arith.constant 0 : i32
    %dma_start3A_19 = tpu.memref_slice %arg11[%dma_start3A_12, %dma_start3A_18] : memref<2x1600xi32, #tpu.memory_space<vmem>> -> memref<1x1600xi32, #tpu.memory_space<vmem>>
    %dma_start3A_20 = tpu.memref_squeeze %dma_start3A_19 : memref<1x1600xi32, #tpu.memory_space<vmem>> -> memref<1600xi32, #tpu.memory_space<vmem>>
    %dma_start3A_21 = arith.constant 0 : i32
    %dma_start3A_22 = tpu.memref_slice %arg4[%dma_start3A_21] : memref<160000xi32, #tpu.memory_space<hbm>> -> memref<1600xi32, #tpu.memory_space<hbm>>
    tpu.enqueue_dma source(%dma_start3A_22 : memref<1600xi32, #tpu.memory_space<hbm>>) target(%dma_start3A_20 : memref<1600xi32, #tpu.memory_space<vmem>>) target_semaphore(%arg14 : memref<!tpu.dma_semaphore, #tpu.memory_space<semaphore_mem>>)
    %dma_start3A_23 = arith.constant 0 : i32
    %dma_start3A_24 = arith.constant 0 : i32
    %dma_start3A_25 = arith.constant 0 : i32
    %dma_start3A_26 = tpu.memref_slice %arg12[%dma_start3A_23, %dma_start3A_24, %dma_start3A_25] : memref<2x8x1600xf32, #tpu.memory_space<vmem>> -> memref<1x8x1600xf32, #tpu.memory_space<vmem>>
    %dma_start3A_27 = tpu.memref_squeeze %dma_start3A_26 : memref<1x8x1600xf32, #tpu.memory_space<vmem>> -> memref<8x1600xf32, #tpu.memory_space<vmem>>
    %dma_start3A_28 = arith.constant 0 : i32
    %dma_start3A_29 = tpu.memref_slice %arg5[%mul3A_0, %dma_start3A_28] : memref<16x160000xf32, #tpu.memory_space<hbm>> -> memref<8x1600xf32, #tpu.memory_space<hbm>>
    %dma_start3A_30 = arith.constant 0 : i32
    %dma_start3A_31 = arith.constant 0 : i32
    %dma_start3A_32 = tpu.memref_slice %arg12[%dma_start3A_23, %dma_start3A_30, %dma_start3A_31] : memref<2x8x1600xf32, #tpu.memory_space<vmem>> -> memref<1x8x1600xf32, #tpu.memory_space<vmem>>
    %dma_start3A_33 = tpu.memref_squeeze %dma_start3A_32 : memref<1x8x1600xf32, #tpu.memory_space<vmem>> -> memref<8x1600xf32, #tpu.memory_space<vmem>>
    %dma_start3A_34 = arith.constant 0 : i32
    %dma_start3A_35 = tpu.memref_slice %arg5[%mul3A_0, %dma_start3A_34] : memref<16x160000xf32, #tpu.memory_space<hbm>> -> memref<8x1600xf32, #tpu.memory_space<hbm>>
    tpu.enqueue_dma source(%dma_start3A_35 : memref<8x1600xf32, #tpu.memory_space<hbm>>) target(%dma_start3A_33 : memref<8x1600xf32, #tpu.memory_space<vmem>>) target_semaphore(%arg14 : memref<!tpu.dma_semaphore, #tpu.memory_space<semaphore_mem>>)
    %parallel_loop3A = arith.constant 0 : i32
    %parallel_loop3A_36 = arith.constant 5000 : i32
    %parallel_loop3A_37 = arith.constant 1 : i32
    scf.for %parallel_loop3A_198 = %parallel_loop3A to %parallel_loop3A_36 step %parallel_loop3A_37  : i32 {
      %parallel_loop3A_199 = arith.constant 16 : i32
      %parallel_loop3A_200 = arith.muli %parallel_loop3A_198, %parallel_loop3A_199 : i32
      %parallel_loop3A_201 = arith.index_cast %parallel_loop3A_200 : i32 to index
      %parallel_loop3A_202 = tpu.vector_load %arg13[%parallel_loop3A_201] {strides = array<i32>} : memref<80000xf32, #tpu.memory_space<vmem>>, vector<16xf32>,
      tpu.vector_store %arg13[%parallel_loop3A_201], %broadcast_in_dim3A_1 {strides = array<i32>} : memref<80000xf32, #tpu.memory_space<vmem>>, vector<16xf32>,
    } {sc.loop_unroll_factor = 8 : i64, sc.parallel_access}
    %scan3A = arith.constant 0 : i32
    %scan3A_38 = arith.constant 50 : i32
    %scan3A_39 = arith.addi %scan3A, %scan3A_38 : i32
    %scan3A_40 = arith.constant 1 : i32
    scf.for %scan3A_198 = %scan3A to %scan3A_39 step %scan3A_40  : i32 {
      %mul3A_199 = arith.constant 2 : i32
      %mul3A_200 = arith.muli %scan3A_198, %mul3A_199 : i32
      %add3A_201 = arith.constant 0 : i32
      %add3A_202 = arith.addi %add3A_201, %mul3A_200 : i32
      %add3A_203 = arith.constant 1 : i32
      %add3A_204 = arith.addi %add3A_202, %add3A_203 : i32
      %mul3A_205 = arith.constant 1600 : i32
      %mul3A_206 = arith.muli %add3A_204, %mul3A_205 : i32
      %dma_start3A_207 = arith.constant 1 : i32
      %dma_start3A_208 = arith.constant 0 : i32
      %dma_start3A_209 = tpu.memref_slice %arg10[%dma_start3A_207, %dma_start3A_208] : memref<2x1600xi32, #tpu.memory_space<vmem>> -> memref<1x1600xi32, #tpu.memory_space<vmem>>
      %dma_start3A_210 = tpu.memref_squeeze %dma_start3A_209 : memref<1x1600xi32, #tpu.memory_space<vmem>> -> memref<1600xi32, #tpu.memory_space<vmem>>
      %dma_start3A_211 = tpu.memref_slice %arg3[%mul3A_206] : memref<160000xi32, #tpu.memory_space<hbm>> -> memref<1600xi32, #tpu.memory_space<hbm>>
      %dma_start3A_212 = arith.constant 0 : i32
      %dma_start3A_213 = tpu.memref_slice %arg10[%dma_start3A_207, %dma_start3A_212] : memref<2x1600xi32, #tpu.memory_space<vmem>> -> memref<1x1600xi32, #tpu.memory_space<vmem>>
      %dma_start3A_214 = tpu.memref_squeeze %dma_start3A_213 : memref<1x1600xi32, #tpu.memory_space<vmem>> -> memref<1600xi32, #tpu.memory_space<vmem>>
      %dma_start3A_215 = tpu.memref_slice %arg3[%mul3A_206] : memref<160000xi32, #tpu.memory_space<hbm>> -> memref<1600xi32, #tpu.memory_space<hbm>>
      tpu.enqueue_dma source(%dma_start3A_215 : memref<1600xi32, #tpu.memory_space<hbm>>) target(%dma_start3A_214 : memref<1600xi32, #tpu.memory_space<vmem>>) target_semaphore(%arg15 : memref<!tpu.dma_semaphore, #tpu.memory_space<semaphore_mem>>)
      %mul3A_216 = arith.constant 1600 : i32
      %mul3A_217 = arith.muli %add3A_204, %mul3A_216 : i32
      %dma_start3A_218 = arith.constant 1 : i32
      %dma_start3A_219 = arith.constant 0 : i32
      %dma_start3A_220 = tpu.memref_slice %arg11[%dma_start3A_218, %dma_start3A_219] : memref<2x1600xi32, #tpu.memory_space<vmem>> -> memref<1x1600xi32, #tpu.memory_space<vmem>>
      %dma_start3A_221 = tpu.memref_squeeze %dma_start3A_220 : memref<1x1600xi32, #tpu.memory_space<vmem>> -> memref<1600xi32, #tpu.memory_space<vmem>>
      %dma_start3A_222 = tpu.memref_slice %arg4[%mul3A_217] : memref<160000xi32, #tpu.memory_space<hbm>> -> memref<1600xi32, #tpu.memory_space<hbm>>
      %dma_start3A_223 = arith.constant 0 : i32
      %dma_start3A_224 = tpu.memref_slice %arg11[%dma_start3A_218, %dma_start3A_223] : memref<2x1600xi32, #tpu.memory_space<vmem>> -> memref<1x1600xi32, #tpu.memory_space<vmem>>
      %dma_start3A_225 = tpu.memref_squeeze %dma_start3A_224 : memref<1x1600xi32, #tpu.memory_space<vmem>> -> memref<1600xi32, #tpu.memory_space<vmem>>
      %dma_start3A_226 = tpu.memref_slice %arg4[%mul3A_217] : memref<160000xi32, #tpu.memory_space<hbm>> -> memref<1600xi32, #tpu.memory_space<hbm>>
      tpu.enqueue_dma source(%dma_start3A_226 : memref<1600xi32, #tpu.memory_space<hbm>>) target(%dma_start3A_225 : memref<1600xi32, #tpu.memory_space<vmem>>) target_semaphore(%arg15 : memref<!tpu.dma_semaphore, #tpu.memory_space<semaphore_mem>>)
      %mul3A_227 = arith.constant 1600 : i32
      %mul3A_228 = arith.muli %add3A_204, %mul3A_227 : i32
      %dma_start3A_229 = arith.constant 1 : i32
      %dma_start3A_230 = arith.constant 0 : i32
      %dma_start3A_231 = arith.constant 0 : i32
      %dma_start3A_232 = tpu.memref_slice %arg12[%dma_start3A_229, %dma_start3A_230, %dma_start3A_231] : memref<2x8x1600xf32, #tpu.memory_space<vmem>> -> memref<1x8x1600xf32, #tpu.memory_space<vmem>>
      %dma_start3A_233 = tpu.memref_squeeze %dma_start3A_232 : memref<1x8x1600xf32, #tpu.memory_space<vmem>> -> memref<8x1600xf32, #tpu.memory_space<vmem>>
      %dma_start3A_234 = tpu.memref_slice %arg5[%mul3A_0, %mul3A_228] : memref<16x160000xf32, #tpu.memory_space<hbm>> -> memref<8x1600xf32, #tpu.memory_space<hbm>>
      %dma_start3A_235 = arith.constant 0 : i32
      %dma_start3A_236 = arith.constant 0 : i32
      %dma_start3A_237 = tpu.memref_slice %arg12[%dma_start3A_229, %dma_start3A_235, %dma_start3A_236] : memref<2x8x1600xf32, #tpu.memory_space<vmem>> -> memref<1x8x1600xf32, #tpu.memory_space<vmem>>
      %dma_start3A_238 = tpu.memref_squeeze %dma_start3A_237 : memref<1x8x1600xf32, #tpu.memory_space<vmem>> -> memref<8x1600xf32, #tpu.memory_space<vmem>>
      %dma_start3A_239 = tpu.memref_slice %arg5[%mul3A_0, %mul3A_228] : memref<16x160000xf32, #tpu.memory_space<hbm>> -> memref<8x1600xf32, #tpu.memory_space<hbm>>
      tpu.enqueue_dma source(%dma_start3A_239 : memref<8x1600xf32, #tpu.memory_space<hbm>>) target(%dma_start3A_238 : memref<8x1600xf32, #tpu.memory_space<vmem>>) target_semaphore(%arg15 : memref<!tpu.dma_semaphore, #tpu.memory_space<semaphore_mem>>)
      %mul3A_240 = arith.constant 1600 : i32
      %mul3A_241 = arith.muli %add3A_202, %mul3A_240 : i32
      %dma_wait3A = arith.constant 0 : i32
      %dma_wait3A_242 = arith.constant 0 : i32
      %dma_wait3A_243 = tpu.memref_slice %arg10[%dma_wait3A, %dma_wait3A_242] : memref<2x1600xi32, #tpu.memory_space<vmem>> -> memref<1x1600xi32, #tpu.memory_space<vmem>>
      %dma_wait3A_244 = tpu.memref_squeeze %dma_wait3A_243 : memref<1x1600xi32, #tpu.memory_space<vmem>> -> memref<1600xi32, #tpu.memory_space<vmem>>
      %dma_wait3A_245 = tpu.memref_slice %arg3[%mul3A_241] : memref<160000xi32, #tpu.memory_space<hbm>> -> memref<1600xi32, #tpu.memory_space<hbm>>
      %dma_wait3A_246 = arith.constant 0 : i32
      %dma_wait3A_247 = tpu.memref_slice %arg10[%dma_wait3A, %dma_wait3A_246] : memref<2x1600xi32, #tpu.memory_space<vmem>> -> memref<1x1600xi32, #tpu.memory_space<vmem>>
      %dma_wait3A_248 = tpu.memref_squeeze %dma_wait3A_247 : memref<1x1600xi32, #tpu.memory_space<vmem>> -> memref<1600xi32, #tpu.memory_space<vmem>>
      %dma_wait3A_249 = tpu.memref_slice %arg3[%mul3A_241] : memref<160000xi32, #tpu.memory_space<hbm>> -> memref<1600xi32, #tpu.memory_space<hbm>>
      tpu.wait_dma2 semaphore(%arg14 : memref<!tpu.dma_semaphore, #tpu.memory_space<semaphore_mem>>) src(%dma_wait3A_249 : memref<1600xi32, #tpu.memory_space<hbm>>) dst(%dma_wait3A_248 : memref<1600xi32, #tpu.memory_space<vmem>>)
      %mul3A_250 = arith.constant 1600 : i32
      %mul3A_251 = arith.muli %add3A_202, %mul3A_250 : i32
      %dma_wait3A_252 = arith.constant 0 : i32
      %dma_wait3A_253 = arith.constant 0 : i32
      %dma_wait3A_254 = tpu.memref_slice %arg11[%dma_wait3A_252, %dma_wait3A_253] : memref<2x1600xi32, #tpu.memory_space<vmem>> -> memref<1x1600xi32, #tpu.memory_space<vmem>>
      %dma_wait3A_255 = tpu.memref_squeeze %dma_wait3A_254 : memref<1x1600xi32, #tpu.memory_space<vmem>> -> memref<1600xi32, #tpu.memory_space<vmem>>
      %dma_wait3A_256 = tpu.memref_slice %arg4[%mul3A_251] : memref<160000xi32, #tpu.memory_space<hbm>> -> memref<1600xi32, #tpu.memory_space<hbm>>
      %dma_wait3A_257 = arith.constant 0 : i32
      %dma_wait3A_258 = tpu.memref_slice %arg11[%dma_wait3A_252, %dma_wait3A_257] : memref<2x1600xi32, #tpu.memory_space<vmem>> -> memref<1x1600xi32, #tpu.memory_space<vmem>>
      %dma_wait3A_259 = tpu.memref_squeeze %dma_wait3A_258 : memref<1x1600xi32, #tpu.memory_space<vmem>> -> memref<1600xi32, #tpu.memory_space<vmem>>
      %dma_wait3A_260 = tpu.memref_slice %arg4[%mul3A_251] : memref<160000xi32, #tpu.memory_space<hbm>> -> memref<1600xi32, #tpu.memory_space<hbm>>
      tpu.wait_dma2 semaphore(%arg14 : memref<!tpu.dma_semaphore, #tpu.memory_space<semaphore_mem>>) src(%dma_wait3A_260 : memref<1600xi32, #tpu.memory_space<hbm>>) dst(%dma_wait3A_259 : memref<1600xi32, #tpu.memory_space<vmem>>)
      %mul3A_261 = arith.constant 1600 : i32
      %mul3A_262 = arith.muli %add3A_202, %mul3A_261 : i32
      %dma_wait3A_263 = arith.constant 0 : i32
      %dma_wait3A_264 = arith.constant 0 : i32
      %dma_wait3A_265 = arith.constant 0 : i32
      %dma_wait3A_266 = tpu.memref_slice %arg12[%dma_wait3A_263, %dma_wait3A_264, %dma_wait3A_265] : memref<2x8x1600xf32, #tpu.memory_space<vmem>> -> memref<1x8x1600xf32, #tpu.memory_space<vmem>>
      %dma_wait3A_267 = tpu.memref_squeeze %dma_wait3A_266 : memref<1x8x1600xf32, #tpu.memory_space<vmem>> -> memref<8x1600xf32, #tpu.memory_space<vmem>>
      %dma_wait3A_268 = tpu.memref_slice %arg5[%mul3A_0, %mul3A_262] : memref<16x160000xf32, #tpu.memory_space<hbm>> -> memref<8x1600xf32, #tpu.memory_space<hbm>>
      %dma_wait3A_269 = arith.constant 0 : i32
      %dma_wait3A_270 = arith.constant 0 : i32
      %dma_wait3A_271 = tpu.memref_slice %arg12[%dma_wait3A_263, %dma_wait3A_269, %dma_wait3A_270] : memref<2x8x1600xf32, #tpu.memory_space<vmem>> -> memref<1x8x1600xf32, #tpu.memory_space<vmem>>
      %dma_wait3A_272 = tpu.memref_squeeze %dma_wait3A_271 : memref<1x8x1600xf32, #tpu.memory_space<vmem>> -> memref<8x1600xf32, #tpu.memory_space<vmem>>
      %dma_wait3A_273 = tpu.memref_slice %arg5[%mul3A_0, %mul3A_262] : memref<16x160000xf32, #tpu.memory_space<hbm>> -> memref<8x1600xf32, #tpu.memory_space<hbm>>
      tpu.wait_dma2 semaphore(%arg14 : memref<!tpu.dma_semaphore, #tpu.memory_space<semaphore_mem>>) src(%dma_wait3A_273 : memref<8x1600xf32, #tpu.memory_space<hbm>>) dst(%dma_wait3A_272 : memref<8x1600xf32, #tpu.memory_space<vmem>>)
      %parallel_loop3A_274 = arith.constant 0 : i32
      %parallel_loop3A_275 = arith.constant 100 : i32
      %parallel_loop3A_276 = arith.constant 1 : i32
      scf.for %parallel_loop3A_321 = %parallel_loop3A_274 to %parallel_loop3A_275 step %parallel_loop3A_276  : i32 {
        %parallel_loop3A_322 = arith.constant 16 : i32
        %parallel_loop3A_323 = arith.muli %parallel_loop3A_321, %parallel_loop3A_322 : i32
        %parallel_loop3A_324 = arith.constant 0 : i32
        %parallel_loop3A_325 = arith.index_cast %parallel_loop3A_324 : i32 to index
        %parallel_loop3A_326 = arith.index_cast %parallel_loop3A_323 : i32 to index
        %parallel_loop3A_327 = tpu.vector_load %arg10[%parallel_loop3A_325, %parallel_loop3A_326] {strides = array<i32>} : memref<2x1600xi32, #tpu.memory_space<vmem>>, vector<16xi32>,
        %parallel_loop3A_328 = arith.constant 16 : i32
        %parallel_loop3A_329 = arith.muli %parallel_loop3A_321, %parallel_loop3A_328 : i32
        %parallel_loop3A_330 = arith.constant 0 : i32
        %parallel_loop3A_331 = arith.index_cast %parallel_loop3A_330 : i32 to index
        %parallel_loop3A_332 = arith.index_cast %parallel_loop3A_329 : i32 to index
        %parallel_loop3A_333 = tpu.vector_load %arg11[%parallel_loop3A_331, %parallel_loop3A_332] {strides = array<i32>} : memref<2x1600xi32, #tpu.memory_space<vmem>>, vector<16xi32>,
        %parallel_loop3A_334 = tpu.vector_load_idx %arg9[%parallel_loop3A_327] : memref<10000xf32, #tpu.memory_space<vmem>>[vector<16xi32>], vector<16xf32>,
        %parallel_loop3A_335 = arith.constant 16 : i32
        %parallel_loop3A_336 = arith.muli %parallel_loop3A_321, %parallel_loop3A_335 : i32
        %parallel_loop3A_337 = arith.constant 0 : i32
        %parallel_loop3A_338 = arith.constant 0 : i32
        %parallel_loop3A_339 = arith.index_cast %parallel_loop3A_337 : i32 to index
        %parallel_loop3A_340 = arith.index_cast %parallel_loop3A_338 : i32 to index
        %parallel_loop3A_341 = arith.index_cast %parallel_loop3A_336 : i32 to index
        %parallel_loop3A_342 = tpu.vector_load %arg12[%parallel_loop3A_339, %parallel_loop3A_340, %parallel_loop3A_341] {strides = array<i32>} : memref<2x8x1600xf32, #tpu.memory_space<vmem>>, vector<16xf32>,
        %parallel_loop3A_343 = arith.mulf %parallel_loop3A_334, %parallel_loop3A_342 : vector<16xf32>
        tpu.vector_store_idx %arg13[%parallel_loop3A_333], %parallel_loop3A_343 {add = true} : memref<80000xf32, #tpu.memory_space<vmem>>[vector<16xi32>], vector<16xf32>,
        %parallel_loop3A_344 = arith.constant 16 : i32
        %parallel_loop3A_345 = arith.muli %parallel_loop3A_321, %parallel_loop3A_344 : i32
        %parallel_loop3A_346 = arith.constant 0 : i32
        %parallel_loop3A_347 = arith.constant 1 : i32
        %parallel_loop3A_348 = arith.index_cast %parallel_loop3A_346 : i32 to index
        %parallel_loop3A_349 = arith.index_cast %parallel_loop3A_347 : i32 to index
        %parallel_loop3A_350 = arith.index_cast %parallel_loop3A_345 : i32 to index
        %parallel_loop3A_351 = tpu.vector_load %arg12[%parallel_loop3A_348, %parallel_loop3A_349, %parallel_loop3A_350] {strides = array<i32>} : memref<2x8x1600xf32, #tpu.memory_space<vmem>>, vector<16xf32>,
        %parallel_loop3A_352 = arith.constant 10000 : i32
        %parallel_loop3A_353 = vector.broadcast %parallel_loop3A_352 : i32 to vector<16xi32>
        %parallel_loop3A_354 = arith.addi %parallel_loop3A_333, %parallel_loop3A_353 : vector<16xi32>
        %parallel_loop3A_355 = arith.mulf %parallel_loop3A_334, %parallel_loop3A_351 : vector<16xf32>
        tpu.vector_store_idx %arg13[%parallel_loop3A_354], %parallel_loop3A_355 {add = true} : memref<80000xf32, #tpu.memory_space<vmem>>[vector<16xi32>], vector<16xf32>,
        %parallel_loop3A_356 = arith.constant 16 : i32
        %parallel_loop3A_357 = arith.muli %parallel_loop3A_321, %parallel_loop3A_356 : i32
        %parallel_loop3A_358 = arith.constant 0 : i32
        %parallel_loop3A_359 = arith.constant 2 : i32
        %parallel_loop3A_360 = arith.index_cast %parallel_loop3A_358 : i32 to index
        %parallel_loop3A_361 = arith.index_cast %parallel_loop3A_359 : i32 to index
        %parallel_loop3A_362 = arith.index_cast %parallel_loop3A_357 : i32 to index
        %parallel_loop3A_363 = tpu.vector_load %arg12[%parallel_loop3A_360, %parallel_loop3A_361, %parallel_loop3A_362] {strides = array<i32>} : memref<2x8x1600xf32, #tpu.memory_space<vmem>>, vector<16xf32>,
        %parallel_loop3A_364 = arith.constant 20000 : i32
        %parallel_loop3A_365 = vector.broadcast %parallel_loop3A_364 : i32 to vector<16xi32>
        %parallel_loop3A_366 = arith.addi %parallel_loop3A_333, %parallel_loop3A_365 : vector<16xi32>
        %parallel_loop3A_367 = arith.mulf %parallel_loop3A_334, %parallel_loop3A_363 : vector<16xf32>
        tpu.vector_store_idx %arg13[%parallel_loop3A_366], %parallel_loop3A_367 {add = true} : memref<80000xf32, #tpu.memory_space<vmem>>[vector<16xi32>], vector<16xf32>,
        %parallel_loop3A_368 = arith.constant 16 : i32
        %parallel_loop3A_369 = arith.muli %parallel_loop3A_321, %parallel_loop3A_368 : i32
        %parallel_loop3A_370 = arith.constant 0 : i32
        %parallel_loop3A_371 = arith.constant 3 : i32
        %parallel_loop3A_372 = arith.index_cast %parallel_loop3A_370 : i32 to index
        %parallel_loop3A_373 = arith.index_cast %parallel_loop3A_371 : i32 to index
        %parallel_loop3A_374 = arith.index_cast %parallel_loop3A_369 : i32 to index
        %parallel_loop3A_375 = tpu.vector_load %arg12[%parallel_loop3A_372, %parallel_loop3A_373, %parallel_loop3A_374] {strides = array<i32>} : memref<2x8x1600xf32, #tpu.memory_space<vmem>>, vector<16xf32>,
        %parallel_loop3A_376 = arith.constant 30000 : i32
        %parallel_loop3A_377 = vector.broadcast %parallel_loop3A_376 : i32 to vector<16xi32>
        %parallel_loop3A_378 = arith.addi %parallel_loop3A_333, %parallel_loop3A_377 : vector<16xi32>
        %parallel_loop3A_379 = arith.mulf %parallel_loop3A_334, %parallel_loop3A_375 : vector<16xf32>
        tpu.vector_store_idx %arg13[%parallel_loop3A_378], %parallel_loop3A_379 {add = true} : memref<80000xf32, #tpu.memory_space<vmem>>[vector<16xi32>], vector<16xf32>,
        %parallel_loop3A_380 = arith.constant 16 : i32
        %parallel_loop3A_381 = arith.muli %parallel_loop3A_321, %parallel_loop3A_380 : i32
        %parallel_loop3A_382 = arith.constant 0 : i32
        %parallel_loop3A_383 = arith.constant 4 : i32
        %parallel_loop3A_384 = arith.index_cast %parallel_loop3A_382 : i32 to index
        %parallel_loop3A_385 = arith.index_cast %parallel_loop3A_383 : i32 to index
        %parallel_loop3A_386 = arith.index_cast %parallel_loop3A_381 : i32 to index
        %parallel_loop3A_387 = tpu.vector_load %arg12[%parallel_loop3A_384, %parallel_loop3A_385, %parallel_loop3A_386] {strides = array<i32>} : memref<2x8x1600xf32, #tpu.memory_space<vmem>>, vector<16xf32>,
        %parallel_loop3A_388 = arith.constant 40000 : i32
        %parallel_loop3A_389 = vector.broadcast %parallel_loop3A_388 : i32 to vector<16xi32>
        %parallel_loop3A_390 = arith.addi %parallel_loop3A_333, %parallel_loop3A_389 : vector<16xi32>
        %parallel_loop3A_391 = arith.mulf %parallel_loop3A_334, %parallel_loop3A_387 : vector<16xf32>
        tpu.vector_store_idx %arg13[%parallel_loop3A_390], %parallel_loop3A_391 {add = true} : memref<80000xf32, #tpu.memory_space<vmem>>[vector<16xi32>], vector<16xf32>,
        %parallel_loop3A_392 = arith.constant 16 : i32
        %parallel_loop3A_393 = arith.muli %parallel_loop3A_321, %parallel_loop3A_392 : i32
        %parallel_loop3A_394 = arith.constant 0 : i32
        %parallel_loop3A_395 = arith.constant 5 : i32
        %parallel_loop3A_396 = arith.index_cast %parallel_loop3A_394 : i32 to index
        %parallel_loop3A_397 = arith.index_cast %parallel_loop3A_395 : i32 to index
        %parallel_loop3A_398 = arith.index_cast %parallel_loop3A_393 : i32 to index
        %parallel_loop3A_399 = tpu.vector_load %arg12[%parallel_loop3A_396, %parallel_loop3A_397, %parallel_loop3A_398] {strides = array<i32>} : memref<2x8x1600xf32, #tpu.memory_space<vmem>>, vector<16xf32>,
        %parallel_loop3A_400 = arith.constant 50000 : i32
        %parallel_loop3A_401 = vector.broadcast %parallel_loop3A_400 : i32 to vector<16xi32>
        %parallel_loop3A_402 = arith.addi %parallel_loop3A_333, %parallel_loop3A_401 : vector<16xi32>
        %parallel_loop3A_403 = arith.mulf %parallel_loop3A_334, %parallel_loop3A_399 : vector<16xf32>
        tpu.vector_store_idx %arg13[%parallel_loop3A_402], %parallel_loop3A_403 {add = true} : memref<80000xf32, #tpu.memory_space<vmem>>[vector<16xi32>], vector<16xf32>,
        %parallel_loop3A_404 = arith.constant 16 : i32
        %parallel_loop3A_405 = arith.muli %parallel_loop3A_321, %parallel_loop3A_404 : i32
        %parallel_loop3A_406 = arith.constant 0 : i32
        %parallel_loop3A_407 = arith.constant 6 : i32
        %parallel_loop3A_408 = arith.index_cast %parallel_loop3A_406 : i32 to index
        %parallel_loop3A_409 = arith.index_cast %parallel_loop3A_407 : i32 to index
        %parallel_loop3A_410 = arith.index_cast %parallel_loop3A_405 : i32 to index
        %parallel_loop3A_411 = tpu.vector_load %arg12[%parallel_loop3A_408, %parallel_loop3A_409, %parallel_loop3A_410] {strides = array<i32>} : memref<2x8x1600xf32, #tpu.memory_space<vmem>>, vector<16xf32>,
        %parallel_loop3A_412 = arith.constant 60000 : i32
        %parallel_loop3A_413 = vector.broadcast %parallel_loop3A_412 : i32 to vector<16xi32>
        %parallel_loop3A_414 = arith.addi %parallel_loop3A_333, %parallel_loop3A_413 : vector<16xi32>
        %parallel_loop3A_415 = arith.mulf %parallel_loop3A_334, %parallel_loop3A_411 : vector<16xf32>
        tpu.vector_store_idx %arg13[%parallel_loop3A_414], %parallel_loop3A_415 {add = true} : memref<80000xf32, #tpu.memory_space<vmem>>[vector<16xi32>], vector<16xf32>,
        %parallel_loop3A_416 = arith.constant 16 : i32
        %parallel_loop3A_417 = arith.muli %parallel_loop3A_321, %parallel_loop3A_416 : i32
        %parallel_loop3A_418 = arith.constant 0 : i32
        %parallel_loop3A_419 = arith.constant 7 : i32
        %parallel_loop3A_420 = arith.index_cast %parallel_loop3A_418 : i32 to index
        %parallel_loop3A_421 = arith.index_cast %parallel_loop3A_419 : i32 to index
        %parallel_loop3A_422 = arith.index_cast %parallel_loop3A_417 : i32 to index
        %parallel_loop3A_423 = tpu.vector_load %arg12[%parallel_loop3A_420, %parallel_loop3A_421, %parallel_loop3A_422] {strides = array<i32>} : memref<2x8x1600xf32, #tpu.memory_space<vmem>>, vector<16xf32>,
        %parallel_loop3A_424 = arith.constant 70000 : i32
        %parallel_loop3A_425 = vector.broadcast %parallel_loop3A_424 : i32 to vector<16xi32>
        %parallel_loop3A_426 = arith.addi %parallel_loop3A_333, %parallel_loop3A_425 : vector<16xi32>
        %parallel_loop3A_427 = arith.mulf %parallel_loop3A_334, %parallel_loop3A_423 : vector<16xf32>
        tpu.vector_store_idx %arg13[%parallel_loop3A_426], %parallel_loop3A_427 {add = true} : memref<80000xf32, #tpu.memory_space<vmem>>[vector<16xi32>], vector<16xf32>,
      } {sc.loop_unroll_factor = 4 : i64, sc.parallel_access}
      %add3A_277 = arith.constant 2 : i32
      %add3A_278 = arith.addi %add3A_202, %add3A_277 : i32
      %lt3A = arith.constant 100 : i32
      %lt3A_279 = arith.cmpi slt, %add3A_278, %lt3A : i32
      %convert_element_type3A = arith.extui %lt3A_279 : i1 to i32
      %cond3A = arith.constant 0 : i32
      %cond3A_280 = arith.cmpi ne, %convert_element_type3A, %cond3A : i32
      scf.if %cond3A_280 {
        %add3A_321 = arith.constant 2 : i32
        %add3A_322 = arith.addi %add3A_202, %add3A_321 : i32
        %mul3A_323 = arith.constant 1600 : i32
        %mul3A_324 = arith.muli %add3A_322, %mul3A_323 : i32
        %dma_start3A_325 = arith.constant 0 : i32
        %dma_start3A_326 = arith.constant 0 : i32
        %dma_start3A_327 = tpu.memref_slice %arg10[%dma_start3A_325, %dma_start3A_326] : memref<2x1600xi32, #tpu.memory_space<vmem>> -> memref<1x1600xi32, #tpu.memory_space<vmem>>
        %dma_start3A_328 = tpu.memref_squeeze %dma_start3A_327 : memref<1x1600xi32, #tpu.memory_space<vmem>> -> memref<1600xi32, #tpu.memory_space<vmem>>
        %dma_start3A_329 = tpu.memref_slice %arg3[%mul3A_324] : memref<160000xi32, #tpu.memory_space<hbm>> -> memref<1600xi32, #tpu.memory_space<hbm>>
        %dma_start3A_330 = arith.constant 0 : i32
        %dma_start3A_331 = tpu.memref_slice %arg10[%dma_start3A_325, %dma_start3A_330] : memref<2x1600xi32, #tpu.memory_space<vmem>> -> memref<1x1600xi32, #tpu.memory_space<vmem>>
        %dma_start3A_332 = tpu.memref_squeeze %dma_start3A_331 : memref<1x1600xi32, #tpu.memory_space<vmem>> -> memref<1600xi32, #tpu.memory_space<vmem>>
        %dma_start3A_333 = tpu.memref_slice %arg3[%mul3A_324] : memref<160000xi32, #tpu.memory_space<hbm>> -> memref<1600xi32, #tpu.memory_space<hbm>>
        tpu.enqueue_dma source(%dma_start3A_333 : memref<1600xi32, #tpu.memory_space<hbm>>) target(%dma_start3A_332 : memref<1600xi32, #tpu.memory_space<vmem>>) target_semaphore(%arg14 : memref<!tpu.dma_semaphore, #tpu.memory_space<semaphore_mem>>)
        %mul3A_334 = arith.constant 1600 : i32
        %mul3A_335 = arith.muli %add3A_322, %mul3A_334 : i32
        %dma_start3A_336 = arith.constant 0 : i32
        %dma_start3A_337 = arith.constant 0 : i32
        %dma_start3A_338 = tpu.memref_slice %arg11[%dma_start3A_336, %dma_start3A_337] : memref<2x1600xi32, #tpu.memory_space<vmem>> -> memref<1x1600xi32, #tpu.memory_space<vmem>>
        %dma_start3A_339 = tpu.memref_squeeze %dma_start3A_338 : memref<1x1600xi32, #tpu.memory_space<vmem>> -> memref<1600xi32, #tpu.memory_space<vmem>>
        %dma_start3A_340 = tpu.memref_slice %arg4[%mul3A_335] : memref<160000xi32, #tpu.memory_space<hbm>> -> memref<1600xi32, #tpu.memory_space<hbm>>
        %dma_start3A_341 = arith.constant 0 : i32
        %dma_start3A_342 = tpu.memref_slice %arg11[%dma_start3A_336, %dma_start3A_341] : memref<2x1600xi32, #tpu.memory_space<vmem>> -> memref<1x1600xi32, #tpu.memory_space<vmem>>
        %dma_start3A_343 = tpu.memref_squeeze %dma_start3A_342 : memref<1x1600xi32, #tpu.memory_space<vmem>> -> memref<1600xi32, #tpu.memory_space<vmem>>
        %dma_start3A_344 = tpu.memref_slice %arg4[%mul3A_335] : memref<160000xi32, #tpu.memory_space<hbm>> -> memref<1600xi32, #tpu.memory_space<hbm>>
        tpu.enqueue_dma source(%dma_start3A_344 : memref<1600xi32, #tpu.memory_space<hbm>>) target(%dma_start3A_343 : memref<1600xi32, #tpu.memory_space<vmem>>) target_semaphore(%arg14 : memref<!tpu.dma_semaphore, #tpu.memory_space<semaphore_mem>>)
        %mul3A_345 = arith.constant 1600 : i32
        %mul3A_346 = arith.muli %add3A_322, %mul3A_345 : i32
        %dma_start3A_347 = arith.constant 0 : i32
        %dma_start3A_348 = arith.constant 0 : i32
        %dma_start3A_349 = arith.constant 0 : i32
        %dma_start3A_350 = tpu.memref_slice %arg12[%dma_start3A_347, %dma_start3A_348, %dma_start3A_349] : memref<2x8x1600xf32, #tpu.memory_space<vmem>> -> memref<1x8x1600xf32, #tpu.memory_space<vmem>>
        %dma_start3A_351 = tpu.memref_squeeze %dma_start3A_350 : memref<1x8x1600xf32, #tpu.memory_space<vmem>> -> memref<8x1600xf32, #tpu.memory_space<vmem>>
        %dma_start3A_352 = tpu.memref_slice %arg5[%mul3A_0, %mul3A_346] : memref<16x160000xf32, #tpu.memory_space<hbm>> -> memref<8x1600xf32, #tpu.memory_space<hbm>>
        %dma_start3A_353 = arith.constant 0 : i32
        %dma_start3A_354 = arith.constant 0 : i32
        %dma_start3A_355 = tpu.memref_slice %arg12[%dma_start3A_347, %dma_start3A_353, %dma_start3A_354] : memref<2x8x1600xf32, #tpu.memory_space<vmem>> -> memref<1x8x1600xf32, #tpu.memory_space<vmem>>
        %dma_start3A_356 = tpu.memref_squeeze %dma_start3A_355 : memref<1x8x1600xf32, #tpu.memory_space<vmem>> -> memref<8x1600xf32, #tpu.memory_space<vmem>>
        %dma_start3A_357 = tpu.memref_slice %arg5[%mul3A_0, %mul3A_346] : memref<16x160000xf32, #tpu.memory_space<hbm>> -> memref<8x1600xf32, #tpu.memory_space<hbm>>
        tpu.enqueue_dma source(%dma_start3A_357 : memref<8x1600xf32, #tpu.memory_space<hbm>>) target(%dma_start3A_356 : memref<8x1600xf32, #tpu.memory_space<vmem>>) target_semaphore(%arg14 : memref<!tpu.dma_semaphore, #tpu.memory_space<semaphore_mem>>)
      } else {
      }
      %add3A_281 = arith.constant 1 : i32
      %add3A_282 = arith.addi %add3A_202, %add3A_281 : i32
      %mul3A_283 = arith.constant 1600 : i32
      %mul3A_284 = arith.muli %add3A_282, %mul3A_283 : i32
      %dma_wait3A_285 = arith.constant 1 : i32
      %dma_wait3A_286 = arith.constant 0 : i32
      %dma_wait3A_287 = tpu.memref_slice %arg10[%dma_wait3A_285, %dma_wait3A_286] : memref<2x1600xi32, #tpu.memory_space<vmem>> -> memref<1x1600xi32, #tpu.memory_space<vmem>>
      %dma_wait3A_288 = tpu.memref_squeeze %dma_wait3A_287 : memref<1x1600xi32, #tpu.memory_space<vmem>> -> memref<1600xi32, #tpu.memory_space<vmem>>
      %dma_wait3A_289 = tpu.memref_slice %arg3[%mul3A_284] : memref<160000xi32, #tpu.memory_space<hbm>> -> memref<1600xi32, #tpu.memory_space<hbm>>
      %dma_wait3A_290 = arith.constant 0 : i32
      %dma_wait3A_291 = tpu.memref_slice %arg10[%dma_wait3A_285, %dma_wait3A_290] : memref<2x1600xi32, #tpu.memory_space<vmem>> -> memref<1x1600xi32, #tpu.memory_space<vmem>>
      %dma_wait3A_292 = tpu.memref_squeeze %dma_wait3A_291 : memref<1x1600xi32, #tpu.memory_space<vmem>> -> memref<1600xi32, #tpu.memory_space<vmem>>
      %dma_wait3A_293 = tpu.memref_slice %arg3[%mul3A_284] : memref<160000xi32, #tpu.memory_space<hbm>> -> memref<1600xi32, #tpu.memory_space<hbm>>
      tpu.wait_dma2 semaphore(%arg15 : memref<!tpu.dma_semaphore, #tpu.memory_space<semaphore_mem>>) src(%dma_wait3A_293 : memref<1600xi32, #tpu.memory_space<hbm>>) dst(%dma_wait3A_292 : memref<1600xi32, #tpu.memory_space<vmem>>)
      %mul3A_294 = arith.constant 1600 : i32
      %mul3A_295 = arith.muli %add3A_282, %mul3A_294 : i32
      %dma_wait3A_296 = arith.constant 1 : i32
      %dma_wait3A_297 = arith.constant 0 : i32
      %dma_wait3A_298 = tpu.memref_slice %arg11[%dma_wait3A_296, %dma_wait3A_297] : memref<2x1600xi32, #tpu.memory_space<vmem>> -> memref<1x1600xi32, #tpu.memory_space<vmem>>
      %dma_wait3A_299 = tpu.memref_squeeze %dma_wait3A_298 : memref<1x1600xi32, #tpu.memory_space<vmem>> -> memref<1600xi32, #tpu.memory_space<vmem>>
      %dma_wait3A_300 = tpu.memref_slice %arg4[%mul3A_295] : memref<160000xi32, #tpu.memory_space<hbm>> -> memref<1600xi32, #tpu.memory_space<hbm>>
      %dma_wait3A_301 = arith.constant 0 : i32
      %dma_wait3A_302 = tpu.memref_slice %arg11[%dma_wait3A_296, %dma_wait3A_301] : memref<2x1600xi32, #tpu.memory_space<vmem>> -> memref<1x1600xi32, #tpu.memory_space<vmem>>
      %dma_wait3A_303 = tpu.memref_squeeze %dma_wait3A_302 : memref<1x1600xi32, #tpu.memory_space<vmem>> -> memref<1600xi32, #tpu.memory_space<vmem>>
      %dma_wait3A_304 = tpu.memref_slice %arg4[%mul3A_295] : memref<160000xi32, #tpu.memory_space<hbm>> -> memref<1600xi32, #tpu.memory_space<hbm>>
      tpu.wait_dma2 semaphore(%arg15 : memref<!tpu.dma_semaphore, #tpu.memory_space<semaphore_mem>>) src(%dma_wait3A_304 : memref<1600xi32, #tpu.memory_space<hbm>>) dst(%dma_wait3A_303 : memref<1600xi32, #tpu.memory_space<vmem>>)
      %mul3A_305 = arith.constant 1600 : i32
      %mul3A_306 = arith.muli %add3A_282, %mul3A_305 : i32
      %dma_wait3A_307 = arith.constant 1 : i32
      %dma_wait3A_308 = arith.constant 0 : i32
      %dma_wait3A_309 = arith.constant 0 : i32
      %dma_wait3A_310 = tpu.memref_slice %arg12[%dma_wait3A_307, %dma_wait3A_308, %dma_wait3A_309] : memref<2x8x1600xf32, #tpu.memory_space<vmem>> -> memref<1x8x1600xf32, #tpu.memory_space<vmem>>
      %dma_wait3A_311 = tpu.memref_squeeze %dma_wait3A_310 : memref<1x8x1600xf32, #tpu.memory_space<vmem>> -> memref<8x1600xf32, #tpu.memory_space<vmem>>
      %dma_wait3A_312 = tpu.memref_slice %arg5[%mul3A_0, %mul3A_306] : memref<16x160000xf32, #tpu.memory_space<hbm>> -> memref<8x1600xf32, #tpu.memory_space<hbm>>
      %dma_wait3A_313 = arith.constant 0 : i32
      %dma_wait3A_314 = arith.constant 0 : i32
      %dma_wait3A_315 = tpu.memref_slice %arg12[%dma_wait3A_307, %dma_wait3A_313, %dma_wait3A_314] : memref<2x8x1600xf32, #tpu.memory_space<vmem>> -> memref<1x8x1600xf32, #tpu.memory_space<vmem>>
      %dma_wait3A_316 = tpu.memref_squeeze %dma_wait3A_315 : memref<1x8x1600xf32, #tpu.memory_space<vmem>> -> memref<8x1600xf32, #tpu.memory_space<vmem>>
      %dma_wait3A_317 = tpu.memref_slice %arg5[%mul3A_0, %mul3A_306] : memref<16x160000xf32, #tpu.memory_space<hbm>> -> memref<8x1600xf32, #tpu.memory_space<hbm>>
      tpu.wait_dma2 semaphore(%arg15 : memref<!tpu.dma_semaphore, #tpu.memory_space<semaphore_mem>>) src(%dma_wait3A_317 : memref<8x1600xf32, #tpu.memory_space<hbm>>) dst(%dma_wait3A_316 : memref<8x1600xf32, #tpu.memory_space<vmem>>)
      %parallel_loop3A_318 = arith.constant 0 : i32
      %parallel_loop3A_319 = arith.constant 100 : i32
      %parallel_loop3A_320 = arith.constant 1 : i32
      scf.for %parallel_loop3A_321 = %parallel_loop3A_318 to %parallel_loop3A_319 step %parallel_loop3A_320  : i32 {
        %parallel_loop3A_322 = arith.constant 16 : i32
        %parallel_loop3A_323 = arith.muli %parallel_loop3A_321, %parallel_loop3A_322 : i32
        %parallel_loop3A_324 = arith.constant 1 : i32
        %parallel_loop3A_325 = arith.index_cast %parallel_loop3A_324 : i32 to index
        %parallel_loop3A_326 = arith.index_cast %parallel_loop3A_323 : i32 to index
        %parallel_loop3A_327 = tpu.vector_load %arg10[%parallel_loop3A_325, %parallel_loop3A_326] {strides = array<i32>} : memref<2x1600xi32, #tpu.memory_space<vmem>>, vector<16xi32>,
        %parallel_loop3A_328 = arith.constant 16 : i32
        %parallel_loop3A_329 = arith.muli %parallel_loop3A_321, %parallel_loop3A_328 : i32
        %parallel_loop3A_330 = arith.constant 1 : i32
        %parallel_loop3A_331 = arith.index_cast %parallel_loop3A_330 : i32 to index
        %parallel_loop3A_332 = arith.index_cast %parallel_loop3A_329 : i32 to index
        %parallel_loop3A_333 = tpu.vector_load %arg11[%parallel_loop3A_331, %parallel_loop3A_332] {strides = array<i32>} : memref<2x1600xi32, #tpu.memory_space<vmem>>, vector<16xi32>,
        %parallel_loop3A_334 = tpu.vector_load_idx %arg9[%parallel_loop3A_327] : memref<10000xf32, #tpu.memory_space<vmem>>[vector<16xi32>], vector<16xf32>,
        %parallel_loop3A_335 = arith.constant 16 : i32
        %parallel_loop3A_336 = arith.muli %parallel_loop3A_321, %parallel_loop3A_335 : i32
        %parallel_loop3A_337 = arith.constant 1 : i32
        %parallel_loop3A_338 = arith.constant 0 : i32
        %parallel_loop3A_339 = arith.index_cast %parallel_loop3A_337 : i32 to index
        %parallel_loop3A_340 = arith.index_cast %parallel_loop3A_338 : i32 to index
        %parallel_loop3A_341 = arith.index_cast %parallel_loop3A_336 : i32 to index
        %parallel_loop3A_342 = tpu.vector_load %arg12[%parallel_loop3A_339, %parallel_loop3A_340, %parallel_loop3A_341] {strides = array<i32>} : memref<2x8x1600xf32, #tpu.memory_space<vmem>>, vector<16xf32>,
        %parallel_loop3A_343 = arith.mulf %parallel_loop3A_334, %parallel_loop3A_342 : vector<16xf32>
        tpu.vector_store_idx %arg13[%parallel_loop3A_333], %parallel_loop3A_343 {add = true} : memref<80000xf32, #tpu.memory_space<vmem>>[vector<16xi32>], vector<16xf32>,
        %parallel_loop3A_344 = arith.constant 16 : i32
        %parallel_loop3A_345 = arith.muli %parallel_loop3A_321, %parallel_loop3A_344 : i32
        %parallel_loop3A_346 = arith.constant 1 : i32
        %parallel_loop3A_347 = arith.constant 1 : i32
        %parallel_loop3A_348 = arith.index_cast %parallel_loop3A_346 : i32 to index
        %parallel_loop3A_349 = arith.index_cast %parallel_loop3A_347 : i32 to index
        %parallel_loop3A_350 = arith.index_cast %parallel_loop3A_345 : i32 to index
        %parallel_loop3A_351 = tpu.vector_load %arg12[%parallel_loop3A_348, %parallel_loop3A_349, %parallel_loop3A_350] {strides = array<i32>} : memref<2x8x1600xf32, #tpu.memory_space<vmem>>, vector<16xf32>,
        %parallel_loop3A_352 = arith.constant 10000 : i32
        %parallel_loop3A_353 = vector.broadcast %parallel_loop3A_352 : i32 to vector<16xi32>
        %parallel_loop3A_354 = arith.addi %parallel_loop3A_333, %parallel_loop3A_353 : vector<16xi32>
        %parallel_loop3A_355 = arith.mulf %parallel_loop3A_334, %parallel_loop3A_351 : vector<16xf32>
        tpu.vector_store_idx %arg13[%parallel_loop3A_354], %parallel_loop3A_355 {add = true} : memref<80000xf32, #tpu.memory_space<vmem>>[vector<16xi32>], vector<16xf32>,
        %parallel_loop3A_356 = arith.constant 16 : i32
        %parallel_loop3A_357 = arith.muli %parallel_loop3A_321, %parallel_loop3A_356 : i32
        %parallel_loop3A_358 = arith.constant 1 : i32
        %parallel_loop3A_359 = arith.constant 2 : i32
        %parallel_loop3A_360 = arith.index_cast %parallel_loop3A_358 : i32 to index
        %parallel_loop3A_361 = arith.index_cast %parallel_loop3A_359 : i32 to index
        %parallel_loop3A_362 = arith.index_cast %parallel_loop3A_357 : i32 to index
        %parallel_loop3A_363 = tpu.vector_load %arg12[%parallel_loop3A_360, %parallel_loop3A_361, %parallel_loop3A_362] {strides = array<i32>} : memref<2x8x1600xf32, #tpu.memory_space<vmem>>, vector<16xf32>,
        %parallel_loop3A_364 = arith.constant 20000 : i32
        %parallel_loop3A_365 = vector.broadcast %parallel_loop3A_364 : i32 to vector<16xi32>
        %parallel_loop3A_366 = arith.addi %parallel_loop3A_333, %parallel_loop3A_365 : vector<16xi32>
        %parallel_loop3A_367 = arith.mulf %parallel_loop3A_334, %parallel_loop3A_363 : vector<16xf32>
        tpu.vector_store_idx %arg13[%parallel_loop3A_366], %parallel_loop3A_367 {add = true} : memref<80000xf32, #tpu.memory_space<vmem>>[vector<16xi32>], vector<16xf32>,
        %parallel_loop3A_368 = arith.constant 16 : i32
        %parallel_loop3A_369 = arith.muli %parallel_loop3A_321, %parallel_loop3A_368 : i32
        %parallel_loop3A_370 = arith.constant 1 : i32
        %parallel_loop3A_371 = arith.constant 3 : i32
        %parallel_loop3A_372 = arith.index_cast %parallel_loop3A_370 : i32 to index
        %parallel_loop3A_373 = arith.index_cast %parallel_loop3A_371 : i32 to index
        %parallel_loop3A_374 = arith.index_cast %parallel_loop3A_369 : i32 to index
        %parallel_loop3A_375 = tpu.vector_load %arg12[%parallel_loop3A_372, %parallel_loop3A_373, %parallel_loop3A_374] {strides = array<i32>} : memref<2x8x1600xf32, #tpu.memory_space<vmem>>, vector<16xf32>,
        %parallel_loop3A_376 = arith.constant 30000 : i32
        %parallel_loop3A_377 = vector.broadcast %parallel_loop3A_376 : i32 to vector<16xi32>
        %parallel_loop3A_378 = arith.addi %parallel_loop3A_333, %parallel_loop3A_377 : vector<16xi32>
        %parallel_loop3A_379 = arith.mulf %parallel_loop3A_334, %parallel_loop3A_375 : vector<16xf32>
        tpu.vector_store_idx %arg13[%parallel_loop3A_378], %parallel_loop3A_379 {add = true} : memref<80000xf32, #tpu.memory_space<vmem>>[vector<16xi32>], vector<16xf32>,
        %parallel_loop3A_380 = arith.constant 16 : i32
        %parallel_loop3A_381 = arith.muli %parallel_loop3A_321, %parallel_loop3A_380 : i32
        %parallel_loop3A_382 = arith.constant 1 : i32
        %parallel_loop3A_383 = arith.constant 4 : i32
        %parallel_loop3A_384 = arith.index_cast %parallel_loop3A_382 : i32 to index
        %parallel_loop3A_385 = arith.index_cast %parallel_loop3A_383 : i32 to index
        %parallel_loop3A_386 = arith.index_cast %parallel_loop3A_381 : i32 to index
        %parallel_loop3A_387 = tpu.vector_load %arg12[%parallel_loop3A_384, %parallel_loop3A_385, %parallel_loop3A_386] {strides = array<i32>} : memref<2x8x1600xf32, #tpu.memory_space<vmem>>, vector<16xf32>,
        %parallel_loop3A_388 = arith.constant 40000 : i32
        %parallel_loop3A_389 = vector.broadcast %parallel_loop3A_388 : i32 to vector<16xi32>
        %parallel_loop3A_390 = arith.addi %parallel_loop3A_333, %parallel_loop3A_389 : vector<16xi32>
        %parallel_loop3A_391 = arith.mulf %parallel_loop3A_334, %parallel_loop3A_387 : vector<16xf32>
        tpu.vector_store_idx %arg13[%parallel_loop3A_390], %parallel_loop3A_391 {add = true} : memref<80000xf32, #tpu.memory_space<vmem>>[vector<16xi32>], vector<16xf32>,
        %parallel_loop3A_392 = arith.constant 16 : i32
        %parallel_loop3A_393 = arith.muli %parallel_loop3A_321, %parallel_loop3A_392 : i32
        %parallel_loop3A_394 = arith.constant 1 : i32
        %parallel_loop3A_395 = arith.constant 5 : i32
        %parallel_loop3A_396 = arith.index_cast %parallel_loop3A_394 : i32 to index
        %parallel_loop3A_397 = arith.index_cast %parallel_loop3A_395 : i32 to index
        %parallel_loop3A_398 = arith.index_cast %parallel_loop3A_393 : i32 to index
        %parallel_loop3A_399 = tpu.vector_load %arg12[%parallel_loop3A_396, %parallel_loop3A_397, %parallel_loop3A_398] {strides = array<i32>} : memref<2x8x1600xf32, #tpu.memory_space<vmem>>, vector<16xf32>,
        %parallel_loop3A_400 = arith.constant 50000 : i32
        %parallel_loop3A_401 = vector.broadcast %parallel_loop3A_400 : i32 to vector<16xi32>
        %parallel_loop3A_402 = arith.addi %parallel_loop3A_333, %parallel_loop3A_401 : vector<16xi32>
        %parallel_loop3A_403 = arith.mulf %parallel_loop3A_334, %parallel_loop3A_399 : vector<16xf32>
        tpu.vector_store_idx %arg13[%parallel_loop3A_402], %parallel_loop3A_403 {add = true} : memref<80000xf32, #tpu.memory_space<vmem>>[vector<16xi32>], vector<16xf32>,
        %parallel_loop3A_404 = arith.constant 16 : i32
        %parallel_loop3A_405 = arith.muli %parallel_loop3A_321, %parallel_loop3A_404 : i32
        %parallel_loop3A_406 = arith.constant 1 : i32
        %parallel_loop3A_407 = arith.constant 6 : i32
        %parallel_loop3A_408 = arith.index_cast %parallel_loop3A_406 : i32 to index
        %parallel_loop3A_409 = arith.index_cast %parallel_loop3A_407 : i32 to index
        %parallel_loop3A_410 = arith.index_cast %parallel_loop3A_405 : i32 to index
        %parallel_loop3A_411 = tpu.vector_load %arg12[%parallel_loop3A_408, %parallel_loop3A_409, %parallel_loop3A_410] {strides = array<i32>} : memref<2x8x1600xf32, #tpu.memory_space<vmem>>, vector<16xf32>,
        %parallel_loop3A_412 = arith.constant 60000 : i32
        %parallel_loop3A_413 = vector.broadcast %parallel_loop3A_412 : i32 to vector<16xi32>
        %parallel_loop3A_414 = arith.addi %parallel_loop3A_333, %parallel_loop3A_413 : vector<16xi32>
        %parallel_loop3A_415 = arith.mulf %parallel_loop3A_334, %parallel_loop3A_411 : vector<16xf32>
        tpu.vector_store_idx %arg13[%parallel_loop3A_414], %parallel_loop3A_415 {add = true} : memref<80000xf32, #tpu.memory_space<vmem>>[vector<16xi32>], vector<16xf32>,
        %parallel_loop3A_416 = arith.constant 16 : i32
        %parallel_loop3A_417 = arith.muli %parallel_loop3A_321, %parallel_loop3A_416 : i32
        %parallel_loop3A_418 = arith.constant 1 : i32
        %parallel_loop3A_419 = arith.constant 7 : i32
        %parallel_loop3A_420 = arith.index_cast %parallel_loop3A_418 : i32 to index
        %parallel_loop3A_421 = arith.index_cast %parallel_loop3A_419 : i32 to index
        %parallel_loop3A_422 = arith.index_cast %parallel_loop3A_417 : i32 to index
        %parallel_loop3A_423 = tpu.vector_load %arg12[%parallel_loop3A_420, %parallel_loop3A_421, %parallel_loop3A_422] {strides = array<i32>} : memref<2x8x1600xf32, #tpu.memory_space<vmem>>, vector<16xf32>,
        %parallel_loop3A_424 = arith.constant 70000 : i32
        %parallel_loop3A_425 = vector.broadcast %parallel_loop3A_424 : i32 to vector<16xi32>
        %parallel_loop3A_426 = arith.addi %parallel_loop3A_333, %parallel_loop3A_425 : vector<16xi32>
        %parallel_loop3A_427 = arith.mulf %parallel_loop3A_334, %parallel_loop3A_423 : vector<16xf32>
        tpu.vector_store_idx %arg13[%parallel_loop3A_426], %parallel_loop3A_427 {add = true} : memref<80000xf32, #tpu.memory_space<vmem>>[vector<16xi32>], vector<16xf32>,
      } {sc.loop_unroll_factor = 4 : i64, sc.parallel_access}
    }
    %scan3A_41 = arith.constant 50 : i32
    %add3A = arith.constant 0 : i32
    %add3A_42 = arith.addi %mul3A_0, %add3A : i32
    %run_scoped3A = arith.constant 0 : i32
    "tpu.region"() ({
      %run_scoped3A_198 = tpu.sem_alloc : memref<!tpu.dma_semaphore, #tpu.memory_space<semaphore_mem>>
      %dma_start3A_199 = arith.constant 0 : i32
      %dma_start3A_200 = tpu.memref_slice %arg13[%dma_start3A_199] : memref<80000xf32, #tpu.memory_space<vmem>> -> memref<10000xf32, #tpu.memory_space<vmem>>
      %dma_start3A_201 = arith.constant 0 : i32
      %dma_start3A_202 = tpu.memref_slice %arg8[%run_scoped3A, %add3A_42, %arg1, %dma_start3A_201] : memref<3x16x16x10000xf32, #tpu.memory_space<hbm>> -> memref<1x1x1x10000xf32, #tpu.memory_space<hbm>>
      %dma_start3A_203 = tpu.memref_squeeze %dma_start3A_202 : memref<1x1x1x10000xf32, #tpu.memory_space<hbm>> -> memref<10000xf32, #tpu.memory_space<hbm>>
      %dma_start3A_204 = arith.constant 0 : i32
      %dma_start3A_205 = tpu.memref_slice %arg8[%run_scoped3A, %add3A_42, %arg1, %dma_start3A_204] : memref<3x16x16x10000xf32, #tpu.memory_space<hbm>> -> memref<1x1x1x10000xf32, #tpu.memory_space<hbm>>
      %dma_start3A_206 = tpu.memref_squeeze %dma_start3A_205 : memref<1x1x1x10000xf32, #tpu.memory_space<hbm>> -> memref<10000xf32, #tpu.memory_space<hbm>>
      %dma_start3A_207 = arith.constant 0 : i32
      %dma_start3A_208 = tpu.memref_slice %arg13[%dma_start3A_207] : memref<80000xf32, #tpu.memory_space<vmem>> -> memref<10000xf32, #tpu.memory_space<vmem>>
      tpu.enqueue_dma source(%dma_start3A_208 : memref<10000xf32, #tpu.memory_space<vmem>>) target(%dma_start3A_206 : memref<10000xf32, #tpu.memory_space<hbm>>) target_semaphore(%run_scoped3A_198 : memref<!tpu.dma_semaphore, #tpu.memory_space<semaphore_mem>>)
      %dma_wait3A = arith.constant 0 : i32
      %dma_wait3A_209 = tpu.memref_slice %arg13[%dma_wait3A] : memref<80000xf32, #tpu.memory_space<vmem>> -> memref<10000xf32, #tpu.memory_space<vmem>>
      %dma_wait3A_210 = arith.constant 0 : i32
      %dma_wait3A_211 = tpu.memref_slice %arg8[%run_scoped3A, %add3A_42, %arg1, %dma_wait3A_210] : memref<3x16x16x10000xf32, #tpu.memory_space<hbm>> -> memref<1x1x1x10000xf32, #tpu.memory_space<hbm>>
      %dma_wait3A_212 = tpu.memref_squeeze %dma_wait3A_211 : memref<1x1x1x10000xf32, #tpu.memory_space<hbm>> -> memref<10000xf32, #tpu.memory_space<hbm>>
      %dma_wait3A_213 = arith.constant 0 : i32
      %dma_wait3A_214 = tpu.memref_slice %arg8[%run_scoped3A, %add3A_42, %arg1, %dma_wait3A_213] : memref<3x16x16x10000xf32, #tpu.memory_space<hbm>> -> memref<1x1x1x10000xf32, #tpu.memory_space<hbm>>
      %dma_wait3A_215 = tpu.memref_squeeze %dma_wait3A_214 : memref<1x1x1x10000xf32, #tpu.memory_space<hbm>> -> memref<10000xf32, #tpu.memory_space<hbm>>
      %dma_wait3A_216 = arith.constant 0 : i32
      %dma_wait3A_217 = tpu.memref_slice %arg13[%dma_wait3A_216] : memref<80000xf32, #tpu.memory_space<vmem>> -> memref<10000xf32, #tpu.memory_space<vmem>>
      tpu.wait_dma2 semaphore(%run_scoped3A_198 : memref<!tpu.dma_semaphore, #tpu.memory_space<semaphore_mem>>) src(%dma_wait3A_217 : memref<10000xf32, #tpu.memory_space<vmem>>) dst(%dma_wait3A_215 : memref<10000xf32, #tpu.memory_space<hbm>>)
      tpu.yield
    }) : () -> ()
    %add3A_43 = arith.constant 1 : i32
    %add3A_44 = arith.addi %mul3A_0, %add3A_43 : i32
    %run_scoped3A_45 = arith.constant 0 : i32
    "tpu.region"() ({
      %run_scoped3A_198 = tpu.sem_alloc : memref<!tpu.dma_semaphore, #tpu.memory_space<semaphore_mem>>
      %dma_start3A_199 = arith.constant 10000 : i32
      %dma_start3A_200 = tpu.memref_slice %arg13[%dma_start3A_199] : memref<80000xf32, #tpu.memory_space<vmem>> -> memref<10000xf32, #tpu.memory_space<vmem>>
      %dma_start3A_201 = arith.constant 0 : i32
      %dma_start3A_202 = tpu.memref_slice %arg8[%run_scoped3A_45, %add3A_44, %arg1, %dma_start3A_201] : memref<3x16x16x10000xf32, #tpu.memory_space<hbm>> -> memref<1x1x1x10000xf32, #tpu.memory_space<hbm>>
      %dma_start3A_203 = tpu.memref_squeeze %dma_start3A_202 : memref<1x1x1x10000xf32, #tpu.memory_space<hbm>> -> memref<10000xf32, #tpu.memory_space<hbm>>
      %dma_start3A_204 = arith.constant 0 : i32
      %dma_start3A_205 = tpu.memref_slice %arg8[%run_scoped3A_45, %add3A_44, %arg1, %dma_start3A_204] : memref<3x16x16x10000xf32, #tpu.memory_space<hbm>> -> memref<1x1x1x10000xf32, #tpu.memory_space<hbm>>
      %dma_start3A_206 = tpu.memref_squeeze %dma_start3A_205 : memref<1x1x1x10000xf32, #tpu.memory_space<hbm>> -> memref<10000xf32, #tpu.memory_space<hbm>>
      %dma_start3A_207 = arith.constant 10000 : i32
      %dma_start3A_208 = tpu.memref_slice %arg13[%dma_start3A_207] : memref<80000xf32, #tpu.memory_space<vmem>> -> memref<10000xf32, #tpu.memory_space<vmem>>
      tpu.enqueue_dma source(%dma_start3A_208 : memref<10000xf32, #tpu.memory_space<vmem>>) target(%dma_start3A_206 : memref<10000xf32, #tpu.memory_space<hbm>>) target_semaphore(%run_scoped3A_198 : memref<!tpu.dma_semaphore, #tpu.memory_space<semaphore_mem>>)
      %dma_wait3A = arith.constant 10000 : i32
      %dma_wait3A_209 = tpu.memref_slice %arg13[%dma_wait3A] : memref<80000xf32, #tpu.memory_space<vmem>> -> memref<10000xf32, #tpu.memory_space<vmem>>
      %dma_wait3A_210 = arith.constant 0 : i32
      %dma_wait3A_211 = tpu.memref_slice %arg8[%run_scoped3A_45, %add3A_44, %arg1, %dma_wait3A_210] : memref<3x16x16x10000xf32, #tpu.memory_space<hbm>> -> memref<1x1x1x10000xf32, #tpu.memory_space<hbm>>
      %dma_wait3A_212 = tpu.memref_squeeze %dma_wait3A_211 : memref<1x1x1x10000xf32, #tpu.memory_space<hbm>> -> memref<10000xf32, #tpu.memory_space<hbm>>
      %dma_wait3A_213 = arith.constant 0 : i32
      %dma_wait3A_214 = tpu.memref_slice %arg8[%run_scoped3A_45, %add3A_44, %arg1, %dma_wait3A_213] : memref<3x16x16x10000xf32, #tpu.memory_space<hbm>> -> memref<1x1x1x10000xf32, #tpu.memory_space<hbm>>
      %dma_wait3A_215 = tpu.memref_squeeze %dma_wait3A_214 : memref<1x1x1x10000xf32, #tpu.memory_space<hbm>> -> memref<10000xf32, #tpu.memory_space<hbm>>
      %dma_wait3A_216 = arith.constant 10000 : i32
      %dma_wait3A_217 = tpu.memref_slice %arg13[%dma_wait3A_216] : memref<80000xf32, #tpu.memory_space<vmem>> -> memref<10000xf32, #tpu.memory_space<vmem>>
      tpu.wait_dma2 semaphore(%run_scoped3A_198 : memref<!tpu.dma_semaphore, #tpu.memory_space<semaphore_mem>>) src(%dma_wait3A_217 : memref<10000xf32, #tpu.memory_space<vmem>>) dst(%dma_wait3A_215 : memref<10000xf32, #tpu.memory_space<hbm>>)
      tpu.yield
    }) : () -> ()
    %add3A_46 = arith.constant 2 : i32
    %add3A_47 = arith.addi %mul3A_0, %add3A_46 : i32
    %run_scoped3A_48 = arith.constant 0 : i32
    "tpu.region"() ({
      %run_scoped3A_198 = tpu.sem_alloc : memref<!tpu.dma_semaphore, #tpu.memory_space<semaphore_mem>>
      %dma_start3A_199 = arith.constant 20000 : i32
      %dma_start3A_200 = tpu.memref_slice %arg13[%dma_start3A_199] : memref<80000xf32, #tpu.memory_space<vmem>> -> memref<10000xf32, #tpu.memory_space<vmem>>
      %dma_start3A_201 = arith.constant 0 : i32
      %dma_start3A_202 = tpu.memref_slice %arg8[%run_scoped3A_48, %add3A_47, %arg1, %dma_start3A_201] : memref<3x16x16x10000xf32, #tpu.memory_space<hbm>> -> memref<1x1x1x10000xf32, #tpu.memory_space<hbm>>
      %dma_start3A_203 = tpu.memref_squeeze %dma_start3A_202 : memref<1x1x1x10000xf32, #tpu.memory_space<hbm>> -> memref<10000xf32, #tpu.memory_space<hbm>>
      %dma_start3A_204 = arith.constant 0 : i32
      %dma_start3A_205 = tpu.memref_slice %arg8[%run_scoped3A_48, %add3A_47, %arg1, %dma_start3A_204] : memref<3x16x16x10000xf32, #tpu.memory_space<hbm>> -> memref<1x1x1x10000xf32, #tpu.memory_space<hbm>>
      %dma_start3A_206 = tpu.memref_squeeze %dma_start3A_205 : memref<1x1x1x10000xf32, #tpu.memory_space<hbm>> -> memref<10000xf32, #tpu.memory_space<hbm>>
      %dma_start3A_207 = arith.constant 20000 : i32
      %dma_start3A_208 = tpu.memref_slice %arg13[%dma_start3A_207] : memref<80000xf32, #tpu.memory_space<vmem>> -> memref<10000xf32, #tpu.memory_space<vmem>>
      tpu.enqueue_dma source(%dma_start3A_208 : memref<10000xf32, #tpu.memory_space<vmem>>) target(%dma_start3A_206 : memref<10000xf32, #tpu.memory_space<hbm>>) target_semaphore(%run_scoped3A_198 : memref<!tpu.dma_semaphore, #tpu.memory_space<semaphore_mem>>)
      %dma_wait3A = arith.constant 20000 : i32
      %dma_wait3A_209 = tpu.memref_slice %arg13[%dma_wait3A] : memref<80000xf32, #tpu.memory_space<vmem>> -> memref<10000xf32, #tpu.memory_space<vmem>>
      %dma_wait3A_210 = arith.constant 0 : i32
      %dma_wait3A_211 = tpu.memref_slice %arg8[%run_scoped3A_48, %add3A_47, %arg1, %dma_wait3A_210] : memref<3x16x16x10000xf32, #tpu.memory_space<hbm>> -> memref<1x1x1x10000xf32, #tpu.memory_space<hbm>>
      %dma_wait3A_212 = tpu.memref_squeeze %dma_wait3A_211 : memref<1x1x1x10000xf32, #tpu.memory_space<hbm>> -> memref<10000xf32, #tpu.memory_space<hbm>>
      %dma_wait3A_213 = arith.constant 0 : i32
      %dma_wait3A_214 = tpu.memref_slice %arg8[%run_scoped3A_48, %add3A_47, %arg1, %dma_wait3A_213] : memref<3x16x16x10000xf32, #tpu.memory_space<hbm>> -> memref<1x1x1x10000xf32, #tpu.memory_space<hbm>>
      %dma_wait3A_215 = tpu.memref_squeeze %dma_wait3A_214 : memref<1x1x1x10000xf32, #tpu.memory_space<hbm>> -> memref<10000xf32, #tpu.memory_space<hbm>>
      %dma_wait3A_216 = arith.constant 20000 : i32
      %dma_wait3A_217 = tpu.memref_slice %arg13[%dma_wait3A_216] : memref<80000xf32, #tpu.memory_space<vmem>> -> memref<10000xf32, #tpu.memory_space<vmem>>
      tpu.wait_dma2 semaphore(%run_scoped3A_198 : memref<!tpu.dma_semaphore, #tpu.memory_space<semaphore_mem>>) src(%dma_wait3A_217 : memref<10000xf32, #tpu.memory_space<vmem>>) dst(%dma_wait3A_215 : memref<10000xf32, #tpu.memory_space<hbm>>)
      tpu.yield
    }) : () -> ()
    %add3A_49 = arith.constant 3 : i32
    %add3A_50 = arith.addi %mul3A_0, %add3A_49 : i32
    %run_scoped3A_51 = arith.constant 0 : i32
    "tpu.region"() ({
      %run_scoped3A_198 = tpu.sem_alloc : memref<!tpu.dma_semaphore, #tpu.memory_space<semaphore_mem>>
      %dma_start3A_199 = arith.constant 30000 : i32
      %dma_start3A_200 = tpu.memref_slice %arg13[%dma_start3A_199] : memref<80000xf32, #tpu.memory_space<vmem>> -> memref<10000xf32, #tpu.memory_space<vmem>>
      %dma_start3A_201 = arith.constant 0 : i32
      %dma_start3A_202 = tpu.memref_slice %arg8[%run_scoped3A_51, %add3A_50, %arg1, %dma_start3A_201] : memref<3x16x16x10000xf32, #tpu.memory_space<hbm>> -> memref<1x1x1x10000xf32, #tpu.memory_space<hbm>>
      %dma_start3A_203 = tpu.memref_squeeze %dma_start3A_202 : memref<1x1x1x10000xf32, #tpu.memory_space<hbm>> -> memref<10000xf32, #tpu.memory_space<hbm>>
      %dma_start3A_204 = arith.constant 0 : i32
      %dma_start3A_205 = tpu.memref_slice %arg8[%run_scoped3A_51, %add3A_50, %arg1, %dma_start3A_204] : memref<3x16x16x10000xf32, #tpu.memory_space<hbm>> -> memref<1x1x1x10000xf32, #tpu.memory_space<hbm>>
      %dma_start3A_206 = tpu.memref_squeeze %dma_start3A_205 : memref<1x1x1x10000xf32, #tpu.memory_space<hbm>> -> memref<10000xf32, #tpu.memory_space<hbm>>
      %dma_start3A_207 = arith.constant 30000 : i32
      %dma_start3A_208 = tpu.memref_slice %arg13[%dma_start3A_207] : memref<80000xf32, #tpu.memory_space<vmem>> -> memref<10000xf32, #tpu.memory_space<vmem>>
      tpu.enqueue_dma source(%dma_start3A_208 : memref<10000xf32, #tpu.memory_space<vmem>>) target(%dma_start3A_206 : memref<10000xf32, #tpu.memory_space<hbm>>) target_semaphore(%run_scoped3A_198 : memref<!tpu.dma_semaphore, #tpu.memory_space<semaphore_mem>>)
      %dma_wait3A = arith.constant 30000 : i32
      %dma_wait3A_209 = tpu.memref_slice %arg13[%dma_wait3A] : memref<80000xf32, #tpu.memory_space<vmem>> -> memref<10000xf32, #tpu.memory_space<vmem>>
      %dma_wait3A_210 = arith.constant 0 : i32
      %dma_wait3A_211 = tpu.memref_slice %arg8[%run_scoped3A_51, %add3A_50, %arg1, %dma_wait3A_210] : memref<3x16x16x10000xf32, #tpu.memory_space<hbm>> -> memref<1x1x1x10000xf32, #tpu.memory_space<hbm>>
      %dma_wait3A_212 = tpu.memref_squeeze %dma_wait3A_211 : memref<1x1x1x10000xf32, #tpu.memory_space<hbm>> -> memref<10000xf32, #tpu.memory_space<hbm>>
      %dma_wait3A_213 = arith.constant 0 : i32
      %dma_wait3A_214 = tpu.memref_slice %arg8[%run_scoped3A_51, %add3A_50, %arg1, %dma_wait3A_213] : memref<3x16x16x10000xf32, #tpu.memory_space<hbm>> -> memref<1x1x1x10000xf32, #tpu.memory_space<hbm>>
      %dma_wait3A_215 = tpu.memref_squeeze %dma_wait3A_214 : memref<1x1x1x10000xf32, #tpu.memory_space<hbm>> -> memref<10000xf32, #tpu.memory_space<hbm>>
      %dma_wait3A_216 = arith.constant 30000 : i32
      %dma_wait3A_217 = tpu.memref_slice %arg13[%dma_wait3A_216] : memref<80000xf32, #tpu.memory_space<vmem>> -> memref<10000xf32, #tpu.memory_space<vmem>>
      tpu.wait_dma2 semaphore(%run_scoped3A_198 : memref<!tpu.dma_semaphore, #tpu.memory_space<semaphore_mem>>) src(%dma_wait3A_217 : memref<10000xf32, #tpu.memory_space<vmem>>) dst(%dma_wait3A_215 : memref<10000xf32, #tpu.memory_space<hbm>>)
      tpu.yield
    }) : () -> ()
    %add3A_52 = arith.constant 4 : i32
    %add3A_53 = arith.addi %mul3A_0, %add3A_52 : i32
    %run_scoped3A_54 = arith.constant 0 : i32
    "tpu.region"() ({
      %run_scoped3A_198 = tpu.sem_alloc : memref<!tpu.dma_semaphore, #tpu.memory_space<semaphore_mem>>
      %dma_start3A_199 = arith.constant 40000 : i32
      %dma_start3A_200 = tpu.memref_slice %arg13[%dma_start3A_199] : memref<80000xf32, #tpu.memory_space<vmem>> -> memref<10000xf32, #tpu.memory_space<vmem>>
      %dma_start3A_201 = arith.constant 0 : i32
      %dma_start3A_202 = tpu.memref_slice %arg8[%run_scoped3A_54, %add3A_53, %arg1, %dma_start3A_201] : memref<3x16x16x10000xf32, #tpu.memory_space<hbm>> -> memref<1x1x1x10000xf32, #tpu.memory_space<hbm>>
      %dma_start3A_203 = tpu.memref_squeeze %dma_start3A_202 : memref<1x1x1x10000xf32, #tpu.memory_space<hbm>> -> memref<10000xf32, #tpu.memory_space<hbm>>
      %dma_start3A_204 = arith.constant 0 : i32
      %dma_start3A_205 = tpu.memref_slice %arg8[%run_scoped3A_54, %add3A_53, %arg1, %dma_start3A_204] : memref<3x16x16x10000xf32, #tpu.memory_space<hbm>> -> memref<1x1x1x10000xf32, #tpu.memory_space<hbm>>
      %dma_start3A_206 = tpu.memref_squeeze %dma_start3A_205 : memref<1x1x1x10000xf32, #tpu.memory_space<hbm>> -> memref<10000xf32, #tpu.memory_space<hbm>>
      %dma_start3A_207 = arith.constant 40000 : i32
      %dma_start3A_208 = tpu.memref_slice %arg13[%dma_start3A_207] : memref<80000xf32, #tpu.memory_space<vmem>> -> memref<10000xf32, #tpu.memory_space<vmem>>
      tpu.enqueue_dma source(%dma_start3A_208 : memref<10000xf32, #tpu.memory_space<vmem>>) target(%dma_start3A_206 : memref<10000xf32, #tpu.memory_space<hbm>>) target_semaphore(%run_scoped3A_198 : memref<!tpu.dma_semaphore, #tpu.memory_space<semaphore_mem>>)
      %dma_wait3A = arith.constant 40000 : i32
      %dma_wait3A_209 = tpu.memref_slice %arg13[%dma_wait3A] : memref<80000xf32, #tpu.memory_space<vmem>> -> memref<10000xf32, #tpu.memory_space<vmem>>
      %dma_wait3A_210 = arith.constant 0 : i32
      %dma_wait3A_211 = tpu.memref_slice %arg8[%run_scoped3A_54, %add3A_53, %arg1, %dma_wait3A_210] : memref<3x16x16x10000xf32, #tpu.memory_space<hbm>> -> memref<1x1x1x10000xf32, #tpu.memory_space<hbm>>
      %dma_wait3A_212 = tpu.memref_squeeze %dma_wait3A_211 : memref<1x1x1x10000xf32, #tpu.memory_space<hbm>> -> memref<10000xf32, #tpu.memory_space<hbm>>
      %dma_wait3A_213 = arith.constant 0 : i32
      %dma_wait3A_214 = tpu.memref_slice %arg8[%run_scoped3A_54, %add3A_53, %arg1, %dma_wait3A_213] : memref<3x16x16x10000xf32, #tpu.memory_space<hbm>> -> memref<1x1x1x10000xf32, #tpu.memory_space<hbm>>
      %dma_wait3A_215 = tpu.memref_squeeze %dma_wait3A_214 : memref<1x1x1x10000xf32, #tpu.memory_space<hbm>> -> memref<10000xf32, #tpu.memory_space<hbm>>
      %dma_wait3A_216 = arith.constant 40000 : i32
      %dma_wait3A_217 = tpu.memref_slice %arg13[%dma_wait3A_216] : memref<80000xf32, #tpu.memory_space<vmem>> -> memref<10000xf32, #tpu.memory_space<vmem>>
      tpu.wait_dma2 semaphore(%run_scoped3A_198 : memref<!tpu.dma_semaphore, #tpu.memory_space<semaphore_mem>>) src(%dma_wait3A_217 : memref<10000xf32, #tpu.memory_space<vmem>>) dst(%dma_wait3A_215 : memref<10000xf32, #tpu.memory_space<hbm>>)
      tpu.yield
    }) : () -> ()
    %add3A_55 = arith.constant 5 : i32
    %add3A_56 = arith.addi %mul3A_0, %add3A_55 : i32
    %run_scoped3A_57 = arith.constant 0 : i32
    "tpu.region"() ({
      %run_scoped3A_198 = tpu.sem_alloc : memref<!tpu.dma_semaphore, #tpu.memory_space<semaphore_mem>>
      %dma_start3A_199 = arith.constant 50000 : i32
      %dma_start3A_200 = tpu.memref_slice %arg13[%dma_start3A_199] : memref<80000xf32, #tpu.memory_space<vmem>> -> memref<10000xf32, #tpu.memory_space<vmem>>
      %dma_start3A_201 = arith.constant 0 : i32
      %dma_start3A_202 = tpu.memref_slice %arg8[%run_scoped3A_57, %add3A_56, %arg1, %dma_start3A_201] : memref<3x16x16x10000xf32, #tpu.memory_space<hbm>> -> memref<1x1x1x10000xf32, #tpu.memory_space<hbm>>
      %dma_start3A_203 = tpu.memref_squeeze %dma_start3A_202 : memref<1x1x1x10000xf32, #tpu.memory_space<hbm>> -> memref<10000xf32, #tpu.memory_space<hbm>>
      %dma_start3A_204 = arith.constant 0 : i32
      %dma_start3A_205 = tpu.memref_slice %arg8[%run_scoped3A_57, %add3A_56, %arg1, %dma_start3A_204] : memref<3x16x16x10000xf32, #tpu.memory_space<hbm>> -> memref<1x1x1x10000xf32, #tpu.memory_space<hbm>>
      %dma_start3A_206 = tpu.memref_squeeze %dma_start3A_205 : memref<1x1x1x10000xf32, #tpu.memory_space<hbm>> -> memref<10000xf32, #tpu.memory_space<hbm>>
      %dma_start3A_207 = arith.constant 50000 : i32
      %dma_start3A_208 = tpu.memref_slice %arg13[%dma_start3A_207] : memref<80000xf32, #tpu.memory_space<vmem>> -> memref<10000xf32, #tpu.memory_space<vmem>>
      tpu.enqueue_dma source(%dma_start3A_208 : memref<10000xf32, #tpu.memory_space<vmem>>) target(%dma_start3A_206 : memref<10000xf32, #tpu.memory_space<hbm>>) target_semaphore(%run_scoped3A_198 : memref<!tpu.dma_semaphore, #tpu.memory_space<semaphore_mem>>)
      %dma_wait3A = arith.constant 50000 : i32
      %dma_wait3A_209 = tpu.memref_slice %arg13[%dma_wait3A] : memref<80000xf32, #tpu.memory_space<vmem>> -> memref<10000xf32, #tpu.memory_space<vmem>>
      %dma_wait3A_210 = arith.constant 0 : i32
      %dma_wait3A_211 = tpu.memref_slice %arg8[%run_scoped3A_57, %add3A_56, %arg1, %dma_wait3A_210] : memref<3x16x16x10000xf32, #tpu.memory_space<hbm>> -> memref<1x1x1x10000xf32, #tpu.memory_space<hbm>>
      %dma_wait3A_212 = tpu.memref_squeeze %dma_wait3A_211 : memref<1x1x1x10000xf32, #tpu.memory_space<hbm>> -> memref<10000xf32, #tpu.memory_space<hbm>>
      %dma_wait3A_213 = arith.constant 0 : i32
      %dma_wait3A_214 = tpu.memref_slice %arg8[%run_scoped3A_57, %add3A_56, %arg1, %dma_wait3A_213] : memref<3x16x16x10000xf32, #tpu.memory_space<hbm>> -> memref<1x1x1x10000xf32, #tpu.memory_space<hbm>>
      %dma_wait3A_215 = tpu.memref_squeeze %dma_wait3A_214 : memref<1x1x1x10000xf32, #tpu.memory_space<hbm>> -> memref<10000xf32, #tpu.memory_space<hbm>>
      %dma_wait3A_216 = arith.constant 50000 : i32
      %dma_wait3A_217 = tpu.memref_slice %arg13[%dma_wait3A_216] : memref<80000xf32, #tpu.memory_space<vmem>> -> memref<10000xf32, #tpu.memory_space<vmem>>
      tpu.wait_dma2 semaphore(%run_scoped3A_198 : memref<!tpu.dma_semaphore, #tpu.memory_space<semaphore_mem>>) src(%dma_wait3A_217 : memref<10000xf32, #tpu.memory_space<vmem>>) dst(%dma_wait3A_215 : memref<10000xf32, #tpu.memory_space<hbm>>)
      tpu.yield
    }) : () -> ()
    %add3A_58 = arith.constant 6 : i32
    %add3A_59 = arith.addi %mul3A_0, %add3A_58 : i32
    %run_scoped3A_60 = arith.constant 0 : i32
    "tpu.region"() ({
      %run_scoped3A_198 = tpu.sem_alloc : memref<!tpu.dma_semaphore, #tpu.memory_space<semaphore_mem>>
      %dma_start3A_199 = arith.constant 60000 : i32
      %dma_start3A_200 = tpu.memref_slice %arg13[%dma_start3A_199] : memref<80000xf32, #tpu.memory_space<vmem>> -> memref<10000xf32, #tpu.memory_space<vmem>>
      %dma_start3A_201 = arith.constant 0 : i32
      %dma_start3A_202 = tpu.memref_slice %arg8[%run_scoped3A_60, %add3A_59, %arg1, %dma_start3A_201] : memref<3x16x16x10000xf32, #tpu.memory_space<hbm>> -> memref<1x1x1x10000xf32, #tpu.memory_space<hbm>>
      %dma_start3A_203 = tpu.memref_squeeze %dma_start3A_202 : memref<1x1x1x10000xf32, #tpu.memory_space<hbm>> -> memref<10000xf32, #tpu.memory_space<hbm>>
      %dma_start3A_204 = arith.constant 0 : i32
      %dma_start3A_205 = tpu.memref_slice %arg8[%run_scoped3A_60, %add3A_59, %arg1, %dma_start3A_204] : memref<3x16x16x10000xf32, #tpu.memory_space<hbm>> -> memref<1x1x1x10000xf32, #tpu.memory_space<hbm>>
      %dma_start3A_206 = tpu.memref_squeeze %dma_start3A_205 : memref<1x1x1x10000xf32, #tpu.memory_space<hbm>> -> memref<10000xf32, #tpu.memory_space<hbm>>
      %dma_start3A_207 = arith.constant 60000 : i32
      %dma_start3A_208 = tpu.memref_slice %arg13[%dma_start3A_207] : memref<80000xf32, #tpu.memory_space<vmem>> -> memref<10000xf32, #tpu.memory_space<vmem>>
      tpu.enqueue_dma source(%dma_start3A_208 : memref<10000xf32, #tpu.memory_space<vmem>>) target(%dma_start3A_206 : memref<10000xf32, #tpu.memory_space<hbm>>) target_semaphore(%run_scoped3A_198 : memref<!tpu.dma_semaphore, #tpu.memory_space<semaphore_mem>>)
      %dma_wait3A = arith.constant 60000 : i32
      %dma_wait3A_209 = tpu.memref_slice %arg13[%dma_wait3A] : memref<80000xf32, #tpu.memory_space<vmem>> -> memref<10000xf32, #tpu.memory_space<vmem>>
      %dma_wait3A_210 = arith.constant 0 : i32
      %dma_wait3A_211 = tpu.memref_slice %arg8[%run_scoped3A_60, %add3A_59, %arg1, %dma_wait3A_210] : memref<3x16x16x10000xf32, #tpu.memory_space<hbm>> -> memref<1x1x1x10000xf32, #tpu.memory_space<hbm>>
      %dma_wait3A_212 = tpu.memref_squeeze %dma_wait3A_211 : memref<1x1x1x10000xf32, #tpu.memory_space<hbm>> -> memref<10000xf32, #tpu.memory_space<hbm>>
      %dma_wait3A_213 = arith.constant 0 : i32
      %dma_wait3A_214 = tpu.memref_slice %arg8[%run_scoped3A_60, %add3A_59, %arg1, %dma_wait3A_213] : memref<3x16x16x10000xf32, #tpu.memory_space<hbm>> -> memref<1x1x1x10000xf32, #tpu.memory_space<hbm>>
      %dma_wait3A_215 = tpu.memref_squeeze %dma_wait3A_214 : memref<1x1x1x10000xf32, #tpu.memory_space<hbm>> -> memref<10000xf32, #tpu.memory_space<hbm>>
      %dma_wait3A_216 = arith.constant 60000 : i32
      %dma_wait3A_217 = tpu.memref_slice %arg13[%dma_wait3A_216] : memref<80000xf32, #tpu.memory_space<vmem>> -> memref<10000xf32, #tpu.memory_space<vmem>>
      tpu.wait_dma2 semaphore(%run_scoped3A_198 : memref<!tpu.dma_semaphore, #tpu.memory_space<semaphore_mem>>) src(%dma_wait3A_217 : memref<10000xf32, #tpu.memory_space<vmem>>) dst(%dma_wait3A_215 : memref<10000xf32, #tpu.memory_space<hbm>>)
      tpu.yield
    }) : () -> ()
    %add3A_61 = arith.constant 7 : i32
    %add3A_62 = arith.addi %mul3A_0, %add3A_61 : i32
    %run_scoped3A_63 = arith.constant 0 : i32
    "tpu.region"() ({
      %run_scoped3A_198 = tpu.sem_alloc : memref<!tpu.dma_semaphore, #tpu.memory_space<semaphore_mem>>
      %dma_start3A_199 = arith.constant 70000 : i32
      %dma_start3A_200 = tpu.memref_slice %arg13[%dma_start3A_199] : memref<80000xf32, #tpu.memory_space<vmem>> -> memref<10000xf32, #tpu.memory_space<vmem>>
      %dma_start3A_201 = arith.constant 0 : i32
      %dma_start3A_202 = tpu.memref_slice %arg8[%run_scoped3A_63, %add3A_62, %arg1, %dma_start3A_201] : memref<3x16x16x10000xf32, #tpu.memory_space<hbm>> -> memref<1x1x1x10000xf32, #tpu.memory_space<hbm>>
      %dma_start3A_203 = tpu.memref_squeeze %dma_start3A_202 : memref<1x1x1x10000xf32, #tpu.memory_space<hbm>> -> memref<10000xf32, #tpu.memory_space<hbm>>
      %dma_start3A_204 = arith.constant 0 : i32
      %dma_start3A_205 = tpu.memref_slice %arg8[%run_scoped3A_63, %add3A_62, %arg1, %dma_start3A_204] : memref<3x16x16x10000xf32, #tpu.memory_space<hbm>> -> memref<1x1x1x10000xf32, #tpu.memory_space<hbm>>
      %dma_start3A_206 = tpu.memref_squeeze %dma_start3A_205 : memref<1x1x1x10000xf32, #tpu.memory_space<hbm>> -> memref<10000xf32, #tpu.memory_space<hbm>>
      %dma_start3A_207 = arith.constant 70000 : i32
      %dma_start3A_208 = tpu.memref_slice %arg13[%dma_start3A_207] : memref<80000xf32, #tpu.memory_space<vmem>> -> memref<10000xf32, #tpu.memory_space<vmem>>
      tpu.enqueue_dma source(%dma_start3A_208 : memref<10000xf32, #tpu.memory_space<vmem>>) target(%dma_start3A_206 : memref<10000xf32, #tpu.memory_space<hbm>>) target_semaphore(%run_scoped3A_198 : memref<!tpu.dma_semaphore, #tpu.memory_space<semaphore_mem>>)
      %dma_wait3A = arith.constant 70000 : i32
      %dma_wait3A_209 = tpu.memref_slice %arg13[%dma_wait3A] : memref<80000xf32, #tpu.memory_space<vmem>> -> memref<10000xf32, #tpu.memory_space<vmem>>
      %dma_wait3A_210 = arith.constant 0 : i32
      %dma_wait3A_211 = tpu.memref_slice %arg8[%run_scoped3A_63, %add3A_62, %arg1, %dma_wait3A_210] : memref<3x16x16x10000xf32, #tpu.memory_space<hbm>> -> memref<1x1x1x10000xf32, #tpu.memory_space<hbm>>
      %dma_wait3A_212 = tpu.memref_squeeze %dma_wait3A_211 : memref<1x1x1x10000xf32, #tpu.memory_space<hbm>> -> memref<10000xf32, #tpu.memory_space<hbm>>
      %dma_wait3A_213 = arith.constant 0 : i32
      %dma_wait3A_214 = tpu.memref_slice %arg8[%run_scoped3A_63, %add3A_62, %arg1, %dma_wait3A_213] : memref<3x16x16x10000xf32, #tpu.memory_space<hbm>> -> memref<1x1x1x10000xf32, #tpu.memory_space<hbm>>
      %dma_wait3A_215 = tpu.memref_squeeze %dma_wait3A_214 : memref<1x1x1x10000xf32, #tpu.memory_space<hbm>> -> memref<10000xf32, #tpu.memory_space<hbm>>
      %dma_wait3A_216 = arith.constant 70000 : i32
      %dma_wait3A_217 = tpu.memref_slice %arg13[%dma_wait3A_216] : memref<80000xf32, #tpu.memory_space<vmem>> -> memref<10000xf32, #tpu.memory_space<vmem>>
      tpu.wait_dma2 semaphore(%run_scoped3A_198 : memref<!tpu.dma_semaphore, #tpu.memory_space<semaphore_mem>>) src(%dma_wait3A_217 : memref<10000xf32, #tpu.memory_space<vmem>>) dst(%dma_wait3A_215 : memref<10000xf32, #tpu.memory_space<hbm>>)
      tpu.yield
    }) : () -> ()
    %dma_start3A_64 = arith.constant 0 : i32
    %dma_start3A_65 = arith.constant 0 : i32
    %dma_start3A_66 = tpu.memref_slice %arg10[%dma_start3A_64, %dma_start3A_65] : memref<2x1600xi32, #tpu.memory_space<vmem>> -> memref<1x1600xi32, #tpu.memory_space<vmem>>
    %dma_start3A_67 = tpu.memref_squeeze %dma_start3A_66 : memref<1x1600xi32, #tpu.memory_space<vmem>> -> memref<1600xi32, #tpu.memory_space<vmem>>
    %dma_start3A_68 = arith.constant 0 : i32
    %dma_start3A_69 = tpu.memref_slice %arg3[%dma_start3A_68] : memref<160000xi32, #tpu.memory_space<hbm>> -> memref<1600xi32, #tpu.memory_space<hbm>>
    %dma_start3A_70 = arith.constant 0 : i32
    %dma_start3A_71 = tpu.memref_slice %arg10[%dma_start3A_64, %dma_start3A_70] : memref<2x1600xi32, #tpu.memory_space<vmem>> -> memref<1x1600xi32, #tpu.memory_space<vmem>>
    %dma_start3A_72 = tpu.memref_squeeze %dma_start3A_71 : memref<1x1600xi32, #tpu.memory_space<vmem>> -> memref<1600xi32, #tpu.memory_space<vmem>>
    %dma_start3A_73 = arith.constant 0 : i32
    %dma_start3A_74 = tpu.memref_slice %arg3[%dma_start3A_73] : memref<160000xi32, #tpu.memory_space<hbm>> -> memref<1600xi32, #tpu.memory_space<hbm>>
    tpu.enqueue_dma source(%dma_start3A_74 : memref<1600xi32, #tpu.memory_space<hbm>>) target(%dma_start3A_72 : memref<1600xi32, #tpu.memory_space<vmem>>) target_semaphore(%arg14 : memref<!tpu.dma_semaphore, #tpu.memory_space<semaphore_mem>>)
    %dma_start3A_75 = arith.constant 0 : i32
    %dma_start3A_76 = arith.constant 0 : i32
    %dma_start3A_77 = tpu.memref_slice %arg11[%dma_start3A_75, %dma_start3A_76] : memref<2x1600xi32, #tpu.memory_space<vmem>> -> memref<1x1600xi32, #tpu.memory_space<vmem>>
    %dma_start3A_78 = tpu.memref_squeeze %dma_start3A_77 : memref<1x1600xi32, #tpu.memory_space<vmem>> -> memref<1600xi32, #tpu.memory_space<vmem>>
    %dma_start3A_79 = arith.constant 0 : i32
    %dma_start3A_80 = tpu.memref_slice %arg4[%dma_start3A_79] : memref<160000xi32, #tpu.memory_space<hbm>> -> memref<1600xi32, #tpu.memory_space<hbm>>
    %dma_start3A_81 = arith.constant 0 : i32
    %dma_start3A_82 = tpu.memref_slice %arg11[%dma_start3A_75, %dma_start3A_81] : memref<2x1600xi32, #tpu.memory_space<vmem>> -> memref<1x1600xi32, #tpu.memory_space<vmem>>
    %dma_start3A_83 = tpu.memref_squeeze %dma_start3A_82 : memref<1x1600xi32, #tpu.memory_space<vmem>> -> memref<1600xi32, #tpu.memory_space<vmem>>
    %dma_start3A_84 = arith.constant 0 : i32
    %dma_start3A_85 = tpu.memref_slice %arg4[%dma_start3A_84] : memref<160000xi32, #tpu.memory_space<hbm>> -> memref<1600xi32, #tpu.memory_space<hbm>>
    tpu.enqueue_dma source(%dma_start3A_85 : memref<1600xi32, #tpu.memory_space<hbm>>) target(%dma_start3A_83 : memref<1600xi32, #tpu.memory_space<vmem>>) target_semaphore(%arg14 : memref<!tpu.dma_semaphore, #tpu.memory_space<semaphore_mem>>)
    %dma_start3A_86 = arith.constant 0 : i32
    %dma_start3A_87 = arith.constant 0 : i32
    %dma_start3A_88 = arith.constant 0 : i32
    %dma_start3A_89 = tpu.memref_slice %arg12[%dma_start3A_86, %dma_start3A_87, %dma_start3A_88] : memref<2x8x1600xf32, #tpu.memory_space<vmem>> -> memref<1x8x1600xf32, #tpu.memory_space<vmem>>
    %dma_start3A_90 = tpu.memref_squeeze %dma_start3A_89 : memref<1x8x1600xf32, #tpu.memory_space<vmem>> -> memref<8x1600xf32, #tpu.memory_space<vmem>>
    %dma_start3A_91 = arith.constant 0 : i32
    %dma_start3A_92 = tpu.memref_slice %arg6[%mul3A_0, %dma_start3A_91] : memref<16x160000xf32, #tpu.memory_space<hbm>> -> memref<8x1600xf32, #tpu.memory_space<hbm>>
    %dma_start3A_93 = arith.constant 0 : i32
    %dma_start3A_94 = arith.constant 0 : i32
    %dma_start3A_95 = tpu.memref_slice %arg12[%dma_start3A_86, %dma_start3A_93, %dma_start3A_94] : memref<2x8x1600xf32, #tpu.memory_space<vmem>> -> memref<1x8x1600xf32, #tpu.memory_space<vmem>>
    %dma_start3A_96 = tpu.memref_squeeze %dma_start3A_95 : memref<1x8x1600xf32, #tpu.memory_space<vmem>> -> memref<8x1600xf32, #tpu.memory_space<vmem>>
    %dma_start3A_97 = arith.constant 0 : i32
    %dma_start3A_98 = tpu.memref_slice %arg6[%mul3A_0, %dma_start3A_97] : memref<16x160000xf32, #tpu.memory_space<hbm>> -> memref<8x1600xf32, #tpu.memory_space<hbm>>
    tpu.enqueue_dma source(%dma_start3A_98 : memref<8x1600xf32, #tpu.memory_space<hbm>>) target(%dma_start3A_96 : memref<8x1600xf32, #tpu.memory_space<vmem>>) target_semaphore(%arg14 : memref<!tpu.dma_semaphore, #tpu.memory_space<semaphore_mem>>)
    %parallel_loop3A_99 = arith.constant 0 : i32
    %parallel_loop3A_100 = arith.constant 5000 : i32
    %parallel_loop3A_101 = arith.constant 1 : i32
    scf.for %parallel_loop3A_198 = %parallel_loop3A_99 to %parallel_loop3A_100 step %parallel_loop3A_101  : i32 {
      %parallel_loop3A_199 = arith.constant 16 : i32
      %parallel_loop3A_200 = arith.muli %parallel_loop3A_198, %parallel_loop3A_199 : i32
      %parallel_loop3A_201 = arith.index_cast %parallel_loop3A_200 : i32 to index
      %parallel_loop3A_202 = tpu.vector_load %arg13[%parallel_loop3A_201] {strides = array<i32>} : memref<80000xf32, #tpu.memory_space<vmem>>, vector<16xf32>,
      tpu.vector_store %arg13[%parallel_loop3A_201], %broadcast_in_dim3A_1 {strides = array<i32>} : memref<80000xf32, #tpu.memory_space<vmem>>, vector<16xf32>,
    } {sc.loop_unroll_factor = 8 : i64, sc.parallel_access}
    %scan3A_102 = arith.constant 0 : i32
    %scan3A_103 = arith.constant 50 : i32
    %scan3A_104 = arith.addi %scan3A_102, %scan3A_103 : i32
    %scan3A_105 = arith.constant 1 : i32
    scf.for %scan3A_198 = %scan3A_102 to %scan3A_104 step %scan3A_105  : i32 {
      %mul3A_199 = arith.constant 2 : i32
      %mul3A_200 = arith.muli %scan3A_198, %mul3A_199 : i32
      %add3A_201 = arith.constant 0 : i32
      %add3A_202 = arith.addi %add3A_201, %mul3A_200 : i32
      %add3A_203 = arith.constant 1 : i32
      %add3A_204 = arith.addi %add3A_202, %add3A_203 : i32
      %mul3A_205 = arith.constant 1600 : i32
      %mul3A_206 = arith.muli %add3A_204, %mul3A_205 : i32
      %dma_start3A_207 = arith.constant 1 : i32
      %dma_start3A_208 = arith.constant 0 : i32
      %dma_start3A_209 = tpu.memref_slice %arg10[%dma_start3A_207, %dma_start3A_208] : memref<2x1600xi32, #tpu.memory_space<vmem>> -> memref<1x1600xi32, #tpu.memory_space<vmem>>
      %dma_start3A_210 = tpu.memref_squeeze %dma_start3A_209 : memref<1x1600xi32, #tpu.memory_space<vmem>> -> memref<1600xi32, #tpu.memory_space<vmem>>
      %dma_start3A_211 = tpu.memref_slice %arg3[%mul3A_206] : memref<160000xi32, #tpu.memory_space<hbm>> -> memref<1600xi32, #tpu.memory_space<hbm>>
      %dma_start3A_212 = arith.constant 0 : i32
      %dma_start3A_213 = tpu.memref_slice %arg10[%dma_start3A_207, %dma_start3A_212] : memref<2x1600xi32, #tpu.memory_space<vmem>> -> memref<1x1600xi32, #tpu.memory_space<vmem>>
      %dma_start3A_214 = tpu.memref_squeeze %dma_start3A_213 : memref<1x1600xi32, #tpu.memory_space<vmem>> -> memref<1600xi32, #tpu.memory_space<vmem>>
      %dma_start3A_215 = tpu.memref_slice %arg3[%mul3A_206] : memref<160000xi32, #tpu.memory_space<hbm>> -> memref<1600xi32, #tpu.memory_space<hbm>>
      tpu.enqueue_dma source(%dma_start3A_215 : memref<1600xi32, #tpu.memory_space<hbm>>) target(%dma_start3A_214 : memref<1600xi32, #tpu.memory_space<vmem>>) target_semaphore(%arg15 : memref<!tpu.dma_semaphore, #tpu.memory_space<semaphore_mem>>)
      %mul3A_216 = arith.constant 1600 : i32
      %mul3A_217 = arith.muli %add3A_204, %mul3A_216 : i32
      %dma_start3A_218 = arith.constant 1 : i32
      %dma_start3A_219 = arith.constant 0 : i32
      %dma_start3A_220 = tpu.memref_slice %arg11[%dma_start3A_218, %dma_start3A_219] : memref<2x1600xi32, #tpu.memory_space<vmem>> -> memref<1x1600xi32, #tpu.memory_space<vmem>>
      %dma_start3A_221 = tpu.memref_squeeze %dma_start3A_220 : memref<1x1600xi32, #tpu.memory_space<vmem>> -> memref<1600xi32, #tpu.memory_space<vmem>>
      %dma_start3A_222 = tpu.memref_slice %arg4[%mul3A_217] : memref<160000xi32, #tpu.memory_space<hbm>> -> memref<1600xi32, #tpu.memory_space<hbm>>
      %dma_start3A_223 = arith.constant 0 : i32
      %dma_start3A_224 = tpu.memref_slice %arg11[%dma_start3A_218, %dma_start3A_223] : memref<2x1600xi32, #tpu.memory_space<vmem>> -> memref<1x1600xi32, #tpu.memory_space<vmem>>
      %dma_start3A_225 = tpu.memref_squeeze %dma_start3A_224 : memref<1x1600xi32, #tpu.memory_space<vmem>> -> memref<1600xi32, #tpu.memory_space<vmem>>
      %dma_start3A_226 = tpu.memref_slice %arg4[%mul3A_217] : memref<160000xi32, #tpu.memory_space<hbm>> -> memref<1600xi32, #tpu.memory_space<hbm>>
      tpu.enqueue_dma source(%dma_start3A_226 : memref<1600xi32, #tpu.memory_space<hbm>>) target(%dma_start3A_225 : memref<1600xi32, #tpu.memory_space<vmem>>) target_semaphore(%arg15 : memref<!tpu.dma_semaphore, #tpu.memory_space<semaphore_mem>>)
      %mul3A_227 = arith.constant 1600 : i32
      %mul3A_228 = arith.muli %add3A_204, %mul3A_227 : i32
      %dma_start3A_229 = arith.constant 1 : i32
      %dma_start3A_230 = arith.constant 0 : i32
      %dma_start3A_231 = arith.constant 0 : i32
      %dma_start3A_232 = tpu.memref_slice %arg12[%dma_start3A_229, %dma_start3A_230, %dma_start3A_231] : memref<2x8x1600xf32, #tpu.memory_space<vmem>> -> memref<1x8x1600xf32, #tpu.memory_space<vmem>>
      %dma_start3A_233 = tpu.memref_squeeze %dma_start3A_232 : memref<1x8x1600xf32, #tpu.memory_space<vmem>> -> memref<8x1600xf32, #tpu.memory_space<vmem>>
      %dma_start3A_234 = tpu.memref_slice %arg6[%mul3A_0, %mul3A_228] : memref<16x160000xf32, #tpu.memory_space<hbm>> -> memref<8x1600xf32, #tpu.memory_space<hbm>>
      %dma_start3A_235 = arith.constant 0 : i32
      %dma_start3A_236 = arith.constant 0 : i32
      %dma_start3A_237 = tpu.memref_slice %arg12[%dma_start3A_229, %dma_start3A_235, %dma_start3A_236] : memref<2x8x1600xf32, #tpu.memory_space<vmem>> -> memref<1x8x1600xf32, #tpu.memory_space<vmem>>
      %dma_start3A_238 = tpu.memref_squeeze %dma_start3A_237 : memref<1x8x1600xf32, #tpu.memory_space<vmem>> -> memref<8x1600xf32, #tpu.memory_space<vmem>>
      %dma_start3A_239 = tpu.memref_slice %arg6[%mul3A_0, %mul3A_228] : memref<16x160000xf32, #tpu.memory_space<hbm>> -> memref<8x1600xf32, #tpu.memory_space<hbm>>
      tpu.enqueue_dma source(%dma_start3A_239 : memref<8x1600xf32, #tpu.memory_space<hbm>>) target(%dma_start3A_238 : memref<8x1600xf32, #tpu.memory_space<vmem>>) target_semaphore(%arg15 : memref<!tpu.dma_semaphore, #tpu.memory_space<semaphore_mem>>)
      %mul3A_240 = arith.constant 1600 : i32
      %mul3A_241 = arith.muli %add3A_202, %mul3A_240 : i32
      %dma_wait3A = arith.constant 0 : i32
      %dma_wait3A_242 = arith.constant 0 : i32
      %dma_wait3A_243 = tpu.memref_slice %arg10[%dma_wait3A, %dma_wait3A_242] : memref<2x1600xi32, #tpu.memory_space<vmem>> -> memref<1x1600xi32, #tpu.memory_space<vmem>>
      %dma_wait3A_244 = tpu.memref_squeeze %dma_wait3A_243 : memref<1x1600xi32, #tpu.memory_space<vmem>> -> memref<1600xi32, #tpu.memory_space<vmem>>
      %dma_wait3A_245 = tpu.memref_slice %arg3[%mul3A_241] : memref<160000xi32, #tpu.memory_space<hbm>> -> memref<1600xi32, #tpu.memory_space<hbm>>
      %dma_wait3A_246 = arith.constant 0 : i32
      %dma_wait3A_247 = tpu.memref_slice %arg10[%dma_wait3A, %dma_wait3A_246] : memref<2x1600xi32, #tpu.memory_space<vmem>> -> memref<1x1600xi32, #tpu.memory_space<vmem>>
      %dma_wait3A_248 = tpu.memref_squeeze %dma_wait3A_247 : memref<1x1600xi32, #tpu.memory_space<vmem>> -> memref<1600xi32, #tpu.memory_space<vmem>>
      %dma_wait3A_249 = tpu.memref_slice %arg3[%mul3A_241] : memref<160000xi32, #tpu.memory_space<hbm>> -> memref<1600xi32, #tpu.memory_space<hbm>>
      tpu.wait_dma2 semaphore(%arg14 : memref<!tpu.dma_semaphore, #tpu.memory_space<semaphore_mem>>) src(%dma_wait3A_249 : memref<1600xi32, #tpu.memory_space<hbm>>) dst(%dma_wait3A_248 : memref<1600xi32, #tpu.memory_space<vmem>>)
      %mul3A_250 = arith.constant 1600 : i32
      %mul3A_251 = arith.muli %add3A_202, %mul3A_250 : i32
      %dma_wait3A_252 = arith.constant 0 : i32
      %dma_wait3A_253 = arith.constant 0 : i32
      %dma_wait3A_254 = tpu.memref_slice %arg11[%dma_wait3A_252, %dma_wait3A_253] : memref<2x1600xi32, #tpu.memory_space<vmem>> -> memref<1x1600xi32, #tpu.memory_space<vmem>>
      %dma_wait3A_255 = tpu.memref_squeeze %dma_wait3A_254 : memref<1x1600xi32, #tpu.memory_space<vmem>> -> memref<1600xi32, #tpu.memory_space<vmem>>
      %dma_wait3A_256 = tpu.memref_slice %arg4[%mul3A_251] : memref<160000xi32, #tpu.memory_space<hbm>> -> memref<1600xi32, #tpu.memory_space<hbm>>
      %dma_wait3A_257 = arith.constant 0 : i32
      %dma_wait3A_258 = tpu.memref_slice %arg11[%dma_wait3A_252, %dma_wait3A_257] : memref<2x1600xi32, #tpu.memory_space<vmem>> -> memref<1x1600xi32, #tpu.memory_space<vmem>>
      %dma_wait3A_259 = tpu.memref_squeeze %dma_wait3A_258 : memref<1x1600xi32, #tpu.memory_space<vmem>> -> memref<1600xi32, #tpu.memory_space<vmem>>
      %dma_wait3A_260 = tpu.memref_slice %arg4[%mul3A_251] : memref<160000xi32, #tpu.memory_space<hbm>> -> memref<1600xi32, #tpu.memory_space<hbm>>
      tpu.wait_dma2 semaphore(%arg14 : memref<!tpu.dma_semaphore, #tpu.memory_space<semaphore_mem>>) src(%dma_wait3A_260 : memref<1600xi32, #tpu.memory_space<hbm>>) dst(%dma_wait3A_259 : memref<1600xi32, #tpu.memory_space<vmem>>)
      %mul3A_261 = arith.constant 1600 : i32
      %mul3A_262 = arith.muli %add3A_202, %mul3A_261 : i32
      %dma_wait3A_263 = arith.constant 0 : i32
      %dma_wait3A_264 = arith.constant 0 : i32
      %dma_wait3A_265 = arith.constant 0 : i32
      %dma_wait3A_266 = tpu.memref_slice %arg12[%dma_wait3A_263, %dma_wait3A_264, %dma_wait3A_265] : memref<2x8x1600xf32, #tpu.memory_space<vmem>> -> memref<1x8x1600xf32, #tpu.memory_space<vmem>>
      %dma_wait3A_267 = tpu.memref_squeeze %dma_wait3A_266 : memref<1x8x1600xf32, #tpu.memory_space<vmem>> -> memref<8x1600xf32, #tpu.memory_space<vmem>>
      %dma_wait3A_268 = tpu.memref_slice %arg6[%mul3A_0, %mul3A_262] : memref<16x160000xf32, #tpu.memory_space<hbm>> -> memref<8x1600xf32, #tpu.memory_space<hbm>>
      %dma_wait3A_269 = arith.constant 0 : i32
      %dma_wait3A_270 = arith.constant 0 : i32
      %dma_wait3A_271 = tpu.memref_slice %arg12[%dma_wait3A_263, %dma_wait3A_269, %dma_wait3A_270] : memref<2x8x1600xf32, #tpu.memory_space<vmem>> -> memref<1x8x1600xf32, #tpu.memory_space<vmem>>
      %dma_wait3A_272 = tpu.memref_squeeze %dma_wait3A_271 : memref<1x8x1600xf32, #tpu.memory_space<vmem>> -> memref<8x1600xf32, #tpu.memory_space<vmem>>
      %dma_wait3A_273 = tpu.memref_slice %arg6[%mul3A_0, %mul3A_262] : memref<16x160000xf32, #tpu.memory_space<hbm>> -> memref<8x1600xf32, #tpu.memory_space<hbm>>
      tpu.wait_dma2 semaphore(%arg14 : memref<!tpu.dma_semaphore, #tpu.memory_space<semaphore_mem>>) src(%dma_wait3A_273 : memref<8x1600xf32, #tpu.memory_space<hbm>>) dst(%dma_wait3A_272 : memref<8x1600xf32, #tpu.memory_space<vmem>>)
      %parallel_loop3A_274 = arith.constant 0 : i32
      %parallel_loop3A_275 = arith.constant 100 : i32
      %parallel_loop3A_276 = arith.constant 1 : i32
      scf.for %parallel_loop3A_321 = %parallel_loop3A_274 to %parallel_loop3A_275 step %parallel_loop3A_276  : i32 {
        %parallel_loop3A_322 = arith.constant 16 : i32
        %parallel_loop3A_323 = arith.muli %parallel_loop3A_321, %parallel_loop3A_322 : i32
        %parallel_loop3A_324 = arith.constant 0 : i32
        %parallel_loop3A_325 = arith.index_cast %parallel_loop3A_324 : i32 to index
        %parallel_loop3A_326 = arith.index_cast %parallel_loop3A_323 : i32 to index
        %parallel_loop3A_327 = tpu.vector_load %arg10[%parallel_loop3A_325, %parallel_loop3A_326] {strides = array<i32>} : memref<2x1600xi32, #tpu.memory_space<vmem>>, vector<16xi32>,
        %parallel_loop3A_328 = arith.constant 16 : i32
        %parallel_loop3A_329 = arith.muli %parallel_loop3A_321, %parallel_loop3A_328 : i32
        %parallel_loop3A_330 = arith.constant 0 : i32
        %parallel_loop3A_331 = arith.index_cast %parallel_loop3A_330 : i32 to index
        %parallel_loop3A_332 = arith.index_cast %parallel_loop3A_329 : i32 to index
        %parallel_loop3A_333 = tpu.vector_load %arg11[%parallel_loop3A_331, %parallel_loop3A_332] {strides = array<i32>} : memref<2x1600xi32, #tpu.memory_space<vmem>>, vector<16xi32>,
        %parallel_loop3A_334 = tpu.vector_load_idx %arg9[%parallel_loop3A_327] : memref<10000xf32, #tpu.memory_space<vmem>>[vector<16xi32>], vector<16xf32>,
        %parallel_loop3A_335 = arith.constant 16 : i32
        %parallel_loop3A_336 = arith.muli %parallel_loop3A_321, %parallel_loop3A_335 : i32
        %parallel_loop3A_337 = arith.constant 0 : i32
        %parallel_loop3A_338 = arith.constant 0 : i32
        %parallel_loop3A_339 = arith.index_cast %parallel_loop3A_337 : i32 to index
        %parallel_loop3A_340 = arith.index_cast %parallel_loop3A_338 : i32 to index
        %parallel_loop3A_341 = arith.index_cast %parallel_loop3A_336 : i32 to index
        %parallel_loop3A_342 = tpu.vector_load %arg12[%parallel_loop3A_339, %parallel_loop3A_340, %parallel_loop3A_341] {strides = array<i32>} : memref<2x8x1600xf32, #tpu.memory_space<vmem>>, vector<16xf32>,
        %parallel_loop3A_343 = arith.mulf %parallel_loop3A_334, %parallel_loop3A_342 : vector<16xf32>
        tpu.vector_store_idx %arg13[%parallel_loop3A_333], %parallel_loop3A_343 {add = true} : memref<80000xf32, #tpu.memory_space<vmem>>[vector<16xi32>], vector<16xf32>,
        %parallel_loop3A_344 = arith.constant 16 : i32
        %parallel_loop3A_345 = arith.muli %parallel_loop3A_321, %parallel_loop3A_344 : i32
        %parallel_loop3A_346 = arith.constant 0 : i32
        %parallel_loop3A_347 = arith.constant 1 : i32
        %parallel_loop3A_348 = arith.index_cast %parallel_loop3A_346 : i32 to index
        %parallel_loop3A_349 = arith.index_cast %parallel_loop3A_347 : i32 to index
        %parallel_loop3A_350 = arith.index_cast %parallel_loop3A_345 : i32 to index
        %parallel_loop3A_351 = tpu.vector_load %arg12[%parallel_loop3A_348, %parallel_loop3A_349, %parallel_loop3A_350] {strides = array<i32>} : memref<2x8x1600xf32, #tpu.memory_space<vmem>>, vector<16xf32>,
        %parallel_loop3A_352 = arith.constant 10000 : i32
        %parallel_loop3A_353 = vector.broadcast %parallel_loop3A_352 : i32 to vector<16xi32>
        %parallel_loop3A_354 = arith.addi %parallel_loop3A_333, %parallel_loop3A_353 : vector<16xi32>
        %parallel_loop3A_355 = arith.mulf %parallel_loop3A_334, %parallel_loop3A_351 : vector<16xf32>
        tpu.vector_store_idx %arg13[%parallel_loop3A_354], %parallel_loop3A_355 {add = true} : memref<80000xf32, #tpu.memory_space<vmem>>[vector<16xi32>], vector<16xf32>,
        %parallel_loop3A_356 = arith.constant 16 : i32
        %parallel_loop3A_357 = arith.muli %parallel_loop3A_321, %parallel_loop3A_356 : i32
        %parallel_loop3A_358 = arith.constant 0 : i32
        %parallel_loop3A_359 = arith.constant 2 : i32
        %parallel_loop3A_360 = arith.index_cast %parallel_loop3A_358 : i32 to index
        %parallel_loop3A_361 = arith.index_cast %parallel_loop3A_359 : i32 to index
        %parallel_loop3A_362 = arith.index_cast %parallel_loop3A_357 : i32 to index
        %parallel_loop3A_363 = tpu.vector_load %arg12[%parallel_loop3A_360, %parallel_loop3A_361, %parallel_loop3A_362] {strides = array<i32>} : memref<2x8x1600xf32, #tpu.memory_space<vmem>>, vector<16xf32>,
        %parallel_loop3A_364 = arith.constant 20000 : i32
        %parallel_loop3A_365 = vector.broadcast %parallel_loop3A_364 : i32 to vector<16xi32>
        %parallel_loop3A_366 = arith.addi %parallel_loop3A_333, %parallel_loop3A_365 : vector<16xi32>
        %parallel_loop3A_367 = arith.mulf %parallel_loop3A_334, %parallel_loop3A_363 : vector<16xf32>
        tpu.vector_store_idx %arg13[%parallel_loop3A_366], %parallel_loop3A_367 {add = true} : memref<80000xf32, #tpu.memory_space<vmem>>[vector<16xi32>], vector<16xf32>,
        %parallel_loop3A_368 = arith.constant 16 : i32
        %parallel_loop3A_369 = arith.muli %parallel_loop3A_321, %parallel_loop3A_368 : i32
        %parallel_loop3A_370 = arith.constant 0 : i32
        %parallel_loop3A_371 = arith.constant 3 : i32
        %parallel_loop3A_372 = arith.index_cast %parallel_loop3A_370 : i32 to index
        %parallel_loop3A_373 = arith.index_cast %parallel_loop3A_371 : i32 to index
        %parallel_loop3A_374 = arith.index_cast %parallel_loop3A_369 : i32 to index
        %parallel_loop3A_375 = tpu.vector_load %arg12[%parallel_loop3A_372, %parallel_loop3A_373, %parallel_loop3A_374] {strides = array<i32>} : memref<2x8x1600xf32, #tpu.memory_space<vmem>>, vector<16xf32>,
        %parallel_loop3A_376 = arith.constant 30000 : i32
        %parallel_loop3A_377 = vector.broadcast %parallel_loop3A_376 : i32 to vector<16xi32>
        %parallel_loop3A_378 = arith.addi %parallel_loop3A_333, %parallel_loop3A_377 : vector<16xi32>
        %parallel_loop3A_379 = arith.mulf %parallel_loop3A_334, %parallel_loop3A_375 : vector<16xf32>
        tpu.vector_store_idx %arg13[%parallel_loop3A_378], %parallel_loop3A_379 {add = true} : memref<80000xf32, #tpu.memory_space<vmem>>[vector<16xi32>], vector<16xf32>,
        %parallel_loop3A_380 = arith.constant 16 : i32
        %parallel_loop3A_381 = arith.muli %parallel_loop3A_321, %parallel_loop3A_380 : i32
        %parallel_loop3A_382 = arith.constant 0 : i32
        %parallel_loop3A_383 = arith.constant 4 : i32
        %parallel_loop3A_384 = arith.index_cast %parallel_loop3A_382 : i32 to index
        %parallel_loop3A_385 = arith.index_cast %parallel_loop3A_383 : i32 to index
        %parallel_loop3A_386 = arith.index_cast %parallel_loop3A_381 : i32 to index
        %parallel_loop3A_387 = tpu.vector_load %arg12[%parallel_loop3A_384, %parallel_loop3A_385, %parallel_loop3A_386] {strides = array<i32>} : memref<2x8x1600xf32, #tpu.memory_space<vmem>>, vector<16xf32>,
        %parallel_loop3A_388 = arith.constant 40000 : i32
        %parallel_loop3A_389 = vector.broadcast %parallel_loop3A_388 : i32 to vector<16xi32>
        %parallel_loop3A_390 = arith.addi %parallel_loop3A_333, %parallel_loop3A_389 : vector<16xi32>
        %parallel_loop3A_391 = arith.mulf %parallel_loop3A_334, %parallel_loop3A_387 : vector<16xf32>
        tpu.vector_store_idx %arg13[%parallel_loop3A_390], %parallel_loop3A_391 {add = true} : memref<80000xf32, #tpu.memory_space<vmem>>[vector<16xi32>], vector<16xf32>,
        %parallel_loop3A_392 = arith.constant 16 : i32
        %parallel_loop3A_393 = arith.muli %parallel_loop3A_321, %parallel_loop3A_392 : i32
        %parallel_loop3A_394 = arith.constant 0 : i32
        %parallel_loop3A_395 = arith.constant 5 : i32
        %parallel_loop3A_396 = arith.index_cast %parallel_loop3A_394 : i32 to index
        %parallel_loop3A_397 = arith.index_cast %parallel_loop3A_395 : i32 to index
        %parallel_loop3A_398 = arith.index_cast %parallel_loop3A_393 : i32 to index
        %parallel_loop3A_399 = tpu.vector_load %arg12[%parallel_loop3A_396, %parallel_loop3A_397, %parallel_loop3A_398] {strides = array<i32>} : memref<2x8x1600xf32, #tpu.memory_space<vmem>>, vector<16xf32>,
        %parallel_loop3A_400 = arith.constant 50000 : i32
        %parallel_loop3A_401 = vector.broadcast %parallel_loop3A_400 : i32 to vector<16xi32>
        %parallel_loop3A_402 = arith.addi %parallel_loop3A_333, %parallel_loop3A_401 : vector<16xi32>
        %parallel_loop3A_403 = arith.mulf %parallel_loop3A_334, %parallel_loop3A_399 : vector<16xf32>
        tpu.vector_store_idx %arg13[%parallel_loop3A_402], %parallel_loop3A_403 {add = true} : memref<80000xf32, #tpu.memory_space<vmem>>[vector<16xi32>], vector<16xf32>,
        %parallel_loop3A_404 = arith.constant 16 : i32
        %parallel_loop3A_405 = arith.muli %parallel_loop3A_321, %parallel_loop3A_404 : i32
        %parallel_loop3A_406 = arith.constant 0 : i32
        %parallel_loop3A_407 = arith.constant 6 : i32
        %parallel_loop3A_408 = arith.index_cast %parallel_loop3A_406 : i32 to index
        %parallel_loop3A_409 = arith.index_cast %parallel_loop3A_407 : i32 to index
        %parallel_loop3A_410 = arith.index_cast %parallel_loop3A_405 : i32 to index
        %parallel_loop3A_411 = tpu.vector_load %arg12[%parallel_loop3A_408, %parallel_loop3A_409, %parallel_loop3A_410] {strides = array<i32>} : memref<2x8x1600xf32, #tpu.memory_space<vmem>>, vector<16xf32>,
        %parallel_loop3A_412 = arith.constant 60000 : i32
        %parallel_loop3A_413 = vector.broadcast %parallel_loop3A_412 : i32 to vector<16xi32>
        %parallel_loop3A_414 = arith.addi %parallel_loop3A_333, %parallel_loop3A_413 : vector<16xi32>
        %parallel_loop3A_415 = arith.mulf %parallel_loop3A_334, %parallel_loop3A_411 : vector<16xf32>
        tpu.vector_store_idx %arg13[%parallel_loop3A_414], %parallel_loop3A_415 {add = true} : memref<80000xf32, #tpu.memory_space<vmem>>[vector<16xi32>], vector<16xf32>,
        %parallel_loop3A_416 = arith.constant 16 : i32
        %parallel_loop3A_417 = arith.muli %parallel_loop3A_321, %parallel_loop3A_416 : i32
        %parallel_loop3A_418 = arith.constant 0 : i32
        %parallel_loop3A_419 = arith.constant 7 : i32
        %parallel_loop3A_420 = arith.index_cast %parallel_loop3A_418 : i32 to index
        %parallel_loop3A_421 = arith.index_cast %parallel_loop3A_419 : i32 to index
        %parallel_loop3A_422 = arith.index_cast %parallel_loop3A_417 : i32 to index
        %parallel_loop3A_423 = tpu.vector_load %arg12[%parallel_loop3A_420, %parallel_loop3A_421, %parallel_loop3A_422] {strides = array<i32>} : memref<2x8x1600xf32, #tpu.memory_space<vmem>>, vector<16xf32>,
        %parallel_loop3A_424 = arith.constant 70000 : i32
        %parallel_loop3A_425 = vector.broadcast %parallel_loop3A_424 : i32 to vector<16xi32>
        %parallel_loop3A_426 = arith.addi %parallel_loop3A_333, %parallel_loop3A_425 : vector<16xi32>
        %parallel_loop3A_427 = arith.mulf %parallel_loop3A_334, %parallel_loop3A_423 : vector<16xf32>
        tpu.vector_store_idx %arg13[%parallel_loop3A_426], %parallel_loop3A_427 {add = true} : memref<80000xf32, #tpu.memory_space<vmem>>[vector<16xi32>], vector<16xf32>,
      } {sc.loop_unroll_factor = 4 : i64, sc.parallel_access}
      %add3A_277 = arith.constant 2 : i32
      %add3A_278 = arith.addi %add3A_202, %add3A_277 : i32
      %lt3A = arith.constant 100 : i32
      %lt3A_279 = arith.cmpi slt, %add3A_278, %lt3A : i32
      %convert_element_type3A = arith.extui %lt3A_279 : i1 to i32
      %cond3A = arith.constant 0 : i32
      %cond3A_280 = arith.cmpi ne, %convert_element_type3A, %cond3A : i32
      scf.if %cond3A_280 {
        %add3A_321 = arith.constant 2 : i32
        %add3A_322 = arith.addi %add3A_202, %add3A_321 : i32
        %mul3A_323 = arith.constant 1600 : i32
        %mul3A_324 = arith.muli %add3A_322, %mul3A_323 : i32
        %dma_start3A_325 = arith.constant 0 : i32
        %dma_start3A_326 = arith.constant 0 : i32
        %dma_start3A_327 = tpu.memref_slice %arg10[%dma_start3A_325, %dma_start3A_326] : memref<2x1600xi32, #tpu.memory_space<vmem>> -> memref<1x1600xi32, #tpu.memory_space<vmem>>
        %dma_start3A_328 = tpu.memref_squeeze %dma_start3A_327 : memref<1x1600xi32, #tpu.memory_space<vmem>> -> memref<1600xi32, #tpu.memory_space<vmem>>
        %dma_start3A_329 = tpu.memref_slice %arg3[%mul3A_324] : memref<160000xi32, #tpu.memory_space<hbm>> -> memref<1600xi32, #tpu.memory_space<hbm>>
        %dma_start3A_330 = arith.constant 0 : i32
        %dma_start3A_331 = tpu.memref_slice %arg10[%dma_start3A_325, %dma_start3A_330] : memref<2x1600xi32, #tpu.memory_space<vmem>> -> memref<1x1600xi32, #tpu.memory_space<vmem>>
        %dma_start3A_332 = tpu.memref_squeeze %dma_start3A_331 : memref<1x1600xi32, #tpu.memory_space<vmem>> -> memref<1600xi32, #tpu.memory_space<vmem>>
        %dma_start3A_333 = tpu.memref_slice %arg3[%mul3A_324] : memref<160000xi32, #tpu.memory_space<hbm>> -> memref<1600xi32, #tpu.memory_space<hbm>>
        tpu.enqueue_dma source(%dma_start3A_333 : memref<1600xi32, #tpu.memory_space<hbm>>) target(%dma_start3A_332 : memref<1600xi32, #tpu.memory_space<vmem>>) target_semaphore(%arg14 : memref<!tpu.dma_semaphore, #tpu.memory_space<semaphore_mem>>)
        %mul3A_334 = arith.constant 1600 : i32
        %mul3A_335 = arith.muli %add3A_322, %mul3A_334 : i32
        %dma_start3A_336 = arith.constant 0 : i32
        %dma_start3A_337 = arith.constant 0 : i32
        %dma_start3A_338 = tpu.memref_slice %arg11[%dma_start3A_336, %dma_start3A_337] : memref<2x1600xi32, #tpu.memory_space<vmem>> -> memref<1x1600xi32, #tpu.memory_space<vmem>>
        %dma_start3A_339 = tpu.memref_squeeze %dma_start3A_338 : memref<1x1600xi32, #tpu.memory_space<vmem>> -> memref<1600xi32, #tpu.memory_space<vmem>>
        %dma_start3A_340 = tpu.memref_slice %arg4[%mul3A_335] : memref<160000xi32, #tpu.memory_space<hbm>> -> memref<1600xi32, #tpu.memory_space<hbm>>
        %dma_start3A_341 = arith.constant 0 : i32
        %dma_start3A_342 = tpu.memref_slice %arg11[%dma_start3A_336, %dma_start3A_341] : memref<2x1600xi32, #tpu.memory_space<vmem>> -> memref<1x1600xi32, #tpu.memory_space<vmem>>
        %dma_start3A_343 = tpu.memref_squeeze %dma_start3A_342 : memref<1x1600xi32, #tpu.memory_space<vmem>> -> memref<1600xi32, #tpu.memory_space<vmem>>
        %dma_start3A_344 = tpu.memref_slice %arg4[%mul3A_335] : memref<160000xi32, #tpu.memory_space<hbm>> -> memref<1600xi32, #tpu.memory_space<hbm>>
        tpu.enqueue_dma source(%dma_start3A_344 : memref<1600xi32, #tpu.memory_space<hbm>>) target(%dma_start3A_343 : memref<1600xi32, #tpu.memory_space<vmem>>) target_semaphore(%arg14 : memref<!tpu.dma_semaphore, #tpu.memory_space<semaphore_mem>>)
        %mul3A_345 = arith.constant 1600 : i32
        %mul3A_346 = arith.muli %add3A_322, %mul3A_345 : i32
        %dma_start3A_347 = arith.constant 0 : i32
        %dma_start3A_348 = arith.constant 0 : i32
        %dma_start3A_349 = arith.constant 0 : i32
        %dma_start3A_350 = tpu.memref_slice %arg12[%dma_start3A_347, %dma_start3A_348, %dma_start3A_349] : memref<2x8x1600xf32, #tpu.memory_space<vmem>> -> memref<1x8x1600xf32, #tpu.memory_space<vmem>>
        %dma_start3A_351 = tpu.memref_squeeze %dma_start3A_350 : memref<1x8x1600xf32, #tpu.memory_space<vmem>> -> memref<8x1600xf32, #tpu.memory_space<vmem>>
        %dma_start3A_352 = tpu.memref_slice %arg6[%mul3A_0, %mul3A_346] : memref<16x160000xf32, #tpu.memory_space<hbm>> -> memref<8x1600xf32, #tpu.memory_space<hbm>>
        %dma_start3A_353 = arith.constant 0 : i32
        %dma_start3A_354 = arith.constant 0 : i32
        %dma_start3A_355 = tpu.memref_slice %arg12[%dma_start3A_347, %dma_start3A_353, %dma_start3A_354] : memref<2x8x1600xf32, #tpu.memory_space<vmem>> -> memref<1x8x1600xf32, #tpu.memory_space<vmem>>
        %dma_start3A_356 = tpu.memref_squeeze %dma_start3A_355 : memref<1x8x1600xf32, #tpu.memory_space<vmem>> -> memref<8x1600xf32, #tpu.memory_space<vmem>>
        %dma_start3A_357 = tpu.memref_slice %arg6[%mul3A_0, %mul3A_346] : memref<16x160000xf32, #tpu.memory_space<hbm>> -> memref<8x1600xf32, #tpu.memory_space<hbm>>
        tpu.enqueue_dma source(%dma_start3A_357 : memref<8x1600xf32, #tpu.memory_space<hbm>>) target(%dma_start3A_356 : memref<8x1600xf32, #tpu.memory_space<vmem>>) target_semaphore(%arg14 : memref<!tpu.dma_semaphore, #tpu.memory_space<semaphore_mem>>)
      } else {
      }
      %add3A_281 = arith.constant 1 : i32
      %add3A_282 = arith.addi %add3A_202, %add3A_281 : i32
      %mul3A_283 = arith.constant 1600 : i32
      %mul3A_284 = arith.muli %add3A_282, %mul3A_283 : i32
      %dma_wait3A_285 = arith.constant 1 : i32
      %dma_wait3A_286 = arith.constant 0 : i32
      %dma_wait3A_287 = tpu.memref_slice %arg10[%dma_wait3A_285, %dma_wait3A_286] : memref<2x1600xi32, #tpu.memory_space<vmem>> -> memref<1x1600xi32, #tpu.memory_space<vmem>>
      %dma_wait3A_288 = tpu.memref_squeeze %dma_wait3A_287 : memref<1x1600xi32, #tpu.memory_space<vmem>> -> memref<1600xi32, #tpu.memory_space<vmem>>
      %dma_wait3A_289 = tpu.memref_slice %arg3[%mul3A_284] : memref<160000xi32, #tpu.memory_space<hbm>> -> memref<1600xi32, #tpu.memory_space<hbm>>
      %dma_wait3A_290 = arith.constant 0 : i32
      %dma_wait3A_291 = tpu.memref_slice %arg10[%dma_wait3A_285, %dma_wait3A_290] : memref<2x1600xi32, #tpu.memory_space<vmem>> -> memref<1x1600xi32, #tpu.memory_space<vmem>>
      %dma_wait3A_292 = tpu.memref_squeeze %dma_wait3A_291 : memref<1x1600xi32, #tpu.memory_space<vmem>> -> memref<1600xi32, #tpu.memory_space<vmem>>
      %dma_wait3A_293 = tpu.memref_slice %arg3[%mul3A_284] : memref<160000xi32, #tpu.memory_space<hbm>> -> memref<1600xi32, #tpu.memory_space<hbm>>
      tpu.wait_dma2 semaphore(%arg15 : memref<!tpu.dma_semaphore, #tpu.memory_space<semaphore_mem>>) src(%dma_wait3A_293 : memref<1600xi32, #tpu.memory_space<hbm>>) dst(%dma_wait3A_292 : memref<1600xi32, #tpu.memory_space<vmem>>)
      %mul3A_294 = arith.constant 1600 : i32
      %mul3A_295 = arith.muli %add3A_282, %mul3A_294 : i32
      %dma_wait3A_296 = arith.constant 1 : i32
      %dma_wait3A_297 = arith.constant 0 : i32
      %dma_wait3A_298 = tpu.memref_slice %arg11[%dma_wait3A_296, %dma_wait3A_297] : memref<2x1600xi32, #tpu.memory_space<vmem>> -> memref<1x1600xi32, #tpu.memory_space<vmem>>
      %dma_wait3A_299 = tpu.memref_squeeze %dma_wait3A_298 : memref<1x1600xi32, #tpu.memory_space<vmem>> -> memref<1600xi32, #tpu.memory_space<vmem>>
      %dma_wait3A_300 = tpu.memref_slice %arg4[%mul3A_295] : memref<160000xi32, #tpu.memory_space<hbm>> -> memref<1600xi32, #tpu.memory_space<hbm>>
      %dma_wait3A_301 = arith.constant 0 : i32
      %dma_wait3A_302 = tpu.memref_slice %arg11[%dma_wait3A_296, %dma_wait3A_301] : memref<2x1600xi32, #tpu.memory_space<vmem>> -> memref<1x1600xi32, #tpu.memory_space<vmem>>
      %dma_wait3A_303 = tpu.memref_squeeze %dma_wait3A_302 : memref<1x1600xi32, #tpu.memory_space<vmem>> -> memref<1600xi32, #tpu.memory_space<vmem>>
      %dma_wait3A_304 = tpu.memref_slice %arg4[%mul3A_295] : memref<160000xi32, #tpu.memory_space<hbm>> -> memref<1600xi32, #tpu.memory_space<hbm>>
      tpu.wait_dma2 semaphore(%arg15 : memref<!tpu.dma_semaphore, #tpu.memory_space<semaphore_mem>>) src(%dma_wait3A_304 : memref<1600xi32, #tpu.memory_space<hbm>>) dst(%dma_wait3A_303 : memref<1600xi32, #tpu.memory_space<vmem>>)
      %mul3A_305 = arith.constant 1600 : i32
      %mul3A_306 = arith.muli %add3A_282, %mul3A_305 : i32
      %dma_wait3A_307 = arith.constant 1 : i32
      %dma_wait3A_308 = arith.constant 0 : i32
      %dma_wait3A_309 = arith.constant 0 : i32
      %dma_wait3A_310 = tpu.memref_slice %arg12[%dma_wait3A_307, %dma_wait3A_308, %dma_wait3A_309] : memref<2x8x1600xf32, #tpu.memory_space<vmem>> -> memref<1x8x1600xf32, #tpu.memory_space<vmem>>
      %dma_wait3A_311 = tpu.memref_squeeze %dma_wait3A_310 : memref<1x8x1600xf32, #tpu.memory_space<vmem>> -> memref<8x1600xf32, #tpu.memory_space<vmem>>
      %dma_wait3A_312 = tpu.memref_slice %arg6[%mul3A_0, %mul3A_306] : memref<16x160000xf32, #tpu.memory_space<hbm>> -> memref<8x1600xf32, #tpu.memory_space<hbm>>
      %dma_wait3A_313 = arith.constant 0 : i32
      %dma_wait3A_314 = arith.constant 0 : i32
      %dma_wait3A_315 = tpu.memref_slice %arg12[%dma_wait3A_307, %dma_wait3A_313, %dma_wait3A_314] : memref<2x8x1600xf32, #tpu.memory_space<vmem>> -> memref<1x8x1600xf32, #tpu.memory_space<vmem>>
      %dma_wait3A_316 = tpu.memref_squeeze %dma_wait3A_315 : memref<1x8x1600xf32, #tpu.memory_space<vmem>> -> memref<8x1600xf32, #tpu.memory_space<vmem>>
      %dma_wait3A_317 = tpu.memref_slice %arg6[%mul3A_0, %mul3A_306] : memref<16x160000xf32, #tpu.memory_space<hbm>> -> memref<8x1600xf32, #tpu.memory_space<hbm>>
      tpu.wait_dma2 semaphore(%arg15 : memref<!tpu.dma_semaphore, #tpu.memory_space<semaphore_mem>>) src(%dma_wait3A_317 : memref<8x1600xf32, #tpu.memory_space<hbm>>) dst(%dma_wait3A_316 : memref<8x1600xf32, #tpu.memory_space<vmem>>)
      %parallel_loop3A_318 = arith.constant 0 : i32
      %parallel_loop3A_319 = arith.constant 100 : i32
      %parallel_loop3A_320 = arith.constant 1 : i32
      scf.for %parallel_loop3A_321 = %parallel_loop3A_318 to %parallel_loop3A_319 step %parallel_loop3A_320  : i32 {
        %parallel_loop3A_322 = arith.constant 16 : i32
        %parallel_loop3A_323 = arith.muli %parallel_loop3A_321, %parallel_loop3A_322 : i32
        %parallel_loop3A_324 = arith.constant 1 : i32
        %parallel_loop3A_325 = arith.index_cast %parallel_loop3A_324 : i32 to index
        %parallel_loop3A_326 = arith.index_cast %parallel_loop3A_323 : i32 to index
        %parallel_loop3A_327 = tpu.vector_load %arg10[%parallel_loop3A_325, %parallel_loop3A_326] {strides = array<i32>} : memref<2x1600xi32, #tpu.memory_space<vmem>>, vector<16xi32>,
        %parallel_loop3A_328 = arith.constant 16 : i32
        %parallel_loop3A_329 = arith.muli %parallel_loop3A_321, %parallel_loop3A_328 : i32
        %parallel_loop3A_330 = arith.constant 1 : i32
        %parallel_loop3A_331 = arith.index_cast %parallel_loop3A_330 : i32 to index
        %parallel_loop3A_332 = arith.index_cast %parallel_loop3A_329 : i32 to index
        %parallel_loop3A_333 = tpu.vector_load %arg11[%parallel_loop3A_331, %parallel_loop3A_332] {strides = array<i32>} : memref<2x1600xi32, #tpu.memory_space<vmem>>, vector<16xi32>,
        %parallel_loop3A_334 = tpu.vector_load_idx %arg9[%parallel_loop3A_327] : memref<10000xf32, #tpu.memory_space<vmem>>[vector<16xi32>], vector<16xf32>,
        %parallel_loop3A_335 = arith.constant 16 : i32
        %parallel_loop3A_336 = arith.muli %parallel_loop3A_321, %parallel_loop3A_335 : i32
        %parallel_loop3A_337 = arith.constant 1 : i32
        %parallel_loop3A_338 = arith.constant 0 : i32
        %parallel_loop3A_339 = arith.index_cast %parallel_loop3A_337 : i32 to index
        %parallel_loop3A_340 = arith.index_cast %parallel_loop3A_338 : i32 to index
        %parallel_loop3A_341 = arith.index_cast %parallel_loop3A_336 : i32 to index
        %parallel_loop3A_342 = tpu.vector_load %arg12[%parallel_loop3A_339, %parallel_loop3A_340, %parallel_loop3A_341] {strides = array<i32>} : memref<2x8x1600xf32, #tpu.memory_space<vmem>>, vector<16xf32>,
        %parallel_loop3A_343 = arith.mulf %parallel_loop3A_334, %parallel_loop3A_342 : vector<16xf32>
        tpu.vector_store_idx %arg13[%parallel_loop3A_333], %parallel_loop3A_343 {add = true} : memref<80000xf32, #tpu.memory_space<vmem>>[vector<16xi32>], vector<16xf32>,
        %parallel_loop3A_344 = arith.constant 16 : i32
        %parallel_loop3A_345 = arith.muli %parallel_loop3A_321, %parallel_loop3A_344 : i32
        %parallel_loop3A_346 = arith.constant 1 : i32
        %parallel_loop3A_347 = arith.constant 1 : i32
        %parallel_loop3A_348 = arith.index_cast %parallel_loop3A_346 : i32 to index
        %parallel_loop3A_349 = arith.index_cast %parallel_loop3A_347 : i32 to index
        %parallel_loop3A_350 = arith.index_cast %parallel_loop3A_345 : i32 to index
        %parallel_loop3A_351 = tpu.vector_load %arg12[%parallel_loop3A_348, %parallel_loop3A_349, %parallel_loop3A_350] {strides = array<i32>} : memref<2x8x1600xf32, #tpu.memory_space<vmem>>, vector<16xf32>,
        %parallel_loop3A_352 = arith.constant 10000 : i32
        %parallel_loop3A_353 = vector.broadcast %parallel_loop3A_352 : i32 to vector<16xi32>
        %parallel_loop3A_354 = arith.addi %parallel_loop3A_333, %parallel_loop3A_353 : vector<16xi32>
        %parallel_loop3A_355 = arith.mulf %parallel_loop3A_334, %parallel_loop3A_351 : vector<16xf32>
        tpu.vector_store_idx %arg13[%parallel_loop3A_354], %parallel_loop3A_355 {add = true} : memref<80000xf32, #tpu.memory_space<vmem>>[vector<16xi32>], vector<16xf32>,
        %parallel_loop3A_356 = arith.constant 16 : i32
        %parallel_loop3A_357 = arith.muli %parallel_loop3A_321, %parallel_loop3A_356 : i32
        %parallel_loop3A_358 = arith.constant 1 : i32
        %parallel_loop3A_359 = arith.constant 2 : i32
        %parallel_loop3A_360 = arith.index_cast %parallel_loop3A_358 : i32 to index
        %parallel_loop3A_361 = arith.index_cast %parallel_loop3A_359 : i32 to index
        %parallel_loop3A_362 = arith.index_cast %parallel_loop3A_357 : i32 to index
        %parallel_loop3A_363 = tpu.vector_load %arg12[%parallel_loop3A_360, %parallel_loop3A_361, %parallel_loop3A_362] {strides = array<i32>} : memref<2x8x1600xf32, #tpu.memory_space<vmem>>, vector<16xf32>,
        %parallel_loop3A_364 = arith.constant 20000 : i32
        %parallel_loop3A_365 = vector.broadcast %parallel_loop3A_364 : i32 to vector<16xi32>
        %parallel_loop3A_366 = arith.addi %parallel_loop3A_333, %parallel_loop3A_365 : vector<16xi32>
        %parallel_loop3A_367 = arith.mulf %parallel_loop3A_334, %parallel_loop3A_363 : vector<16xf32>
        tpu.vector_store_idx %arg13[%parallel_loop3A_366], %parallel_loop3A_367 {add = true} : memref<80000xf32, #tpu.memory_space<vmem>>[vector<16xi32>], vector<16xf32>,
        %parallel_loop3A_368 = arith.constant 16 : i32
        %parallel_loop3A_369 = arith.muli %parallel_loop3A_321, %parallel_loop3A_368 : i32
        %parallel_loop3A_370 = arith.constant 1 : i32
        %parallel_loop3A_371 = arith.constant 3 : i32
        %parallel_loop3A_372 = arith.index_cast %parallel_loop3A_370 : i32 to index
        %parallel_loop3A_373 = arith.index_cast %parallel_loop3A_371 : i32 to index
        %parallel_loop3A_374 = arith.index_cast %parallel_loop3A_369 : i32 to index
        %parallel_loop3A_375 = tpu.vector_load %arg12[%parallel_loop3A_372, %parallel_loop3A_373, %parallel_loop3A_374] {strides = array<i32>} : memref<2x8x1600xf32, #tpu.memory_space<vmem>>, vector<16xf32>,
        %parallel_loop3A_376 = arith.constant 30000 : i32
        %parallel_loop3A_377 = vector.broadcast %parallel_loop3A_376 : i32 to vector<16xi32>
        %parallel_loop3A_378 = arith.addi %parallel_loop3A_333, %parallel_loop3A_377 : vector<16xi32>
        %parallel_loop3A_379 = arith.mulf %parallel_loop3A_334, %parallel_loop3A_375 : vector<16xf32>
        tpu.vector_store_idx %arg13[%parallel_loop3A_378], %parallel_loop3A_379 {add = true} : memref<80000xf32, #tpu.memory_space<vmem>>[vector<16xi32>], vector<16xf32>,
        %parallel_loop3A_380 = arith.constant 16 : i32
        %parallel_loop3A_381 = arith.muli %parallel_loop3A_321, %parallel_loop3A_380 : i32
        %parallel_loop3A_382 = arith.constant 1 : i32
        %parallel_loop3A_383 = arith.constant 4 : i32
        %parallel_loop3A_384 = arith.index_cast %parallel_loop3A_382 : i32 to index
        %parallel_loop3A_385 = arith.index_cast %parallel_loop3A_383 : i32 to index
        %parallel_loop3A_386 = arith.index_cast %parallel_loop3A_381 : i32 to index
        %parallel_loop3A_387 = tpu.vector_load %arg12[%parallel_loop3A_384, %parallel_loop3A_385, %parallel_loop3A_386] {strides = array<i32>} : memref<2x8x1600xf32, #tpu.memory_space<vmem>>, vector<16xf32>,
        %parallel_loop3A_388 = arith.constant 40000 : i32
        %parallel_loop3A_389 = vector.broadcast %parallel_loop3A_388 : i32 to vector<16xi32>
        %parallel_loop3A_390 = arith.addi %parallel_loop3A_333, %parallel_loop3A_389 : vector<16xi32>
        %parallel_loop3A_391 = arith.mulf %parallel_loop3A_334, %parallel_loop3A_387 : vector<16xf32>
        tpu.vector_store_idx %arg13[%parallel_loop3A_390], %parallel_loop3A_391 {add = true} : memref<80000xf32, #tpu.memory_space<vmem>>[vector<16xi32>], vector<16xf32>,
        %parallel_loop3A_392 = arith.constant 16 : i32
        %parallel_loop3A_393 = arith.muli %parallel_loop3A_321, %parallel_loop3A_392 : i32
        %parallel_loop3A_394 = arith.constant 1 : i32
        %parallel_loop3A_395 = arith.constant 5 : i32
        %parallel_loop3A_396 = arith.index_cast %parallel_loop3A_394 : i32 to index
        %parallel_loop3A_397 = arith.index_cast %parallel_loop3A_395 : i32 to index
        %parallel_loop3A_398 = arith.index_cast %parallel_loop3A_393 : i32 to index
        %parallel_loop3A_399 = tpu.vector_load %arg12[%parallel_loop3A_396, %parallel_loop3A_397, %parallel_loop3A_398] {strides = array<i32>} : memref<2x8x1600xf32, #tpu.memory_space<vmem>>, vector<16xf32>,
        %parallel_loop3A_400 = arith.constant 50000 : i32
        %parallel_loop3A_401 = vector.broadcast %parallel_loop3A_400 : i32 to vector<16xi32>
        %parallel_loop3A_402 = arith.addi %parallel_loop3A_333, %parallel_loop3A_401 : vector<16xi32>
        %parallel_loop3A_403 = arith.mulf %parallel_loop3A_334, %parallel_loop3A_399 : vector<16xf32>
        tpu.vector_store_idx %arg13[%parallel_loop3A_402], %parallel_loop3A_403 {add = true} : memref<80000xf32, #tpu.memory_space<vmem>>[vector<16xi32>], vector<16xf32>,
        %parallel_loop3A_404 = arith.constant 16 : i32
        %parallel_loop3A_405 = arith.muli %parallel_loop3A_321, %parallel_loop3A_404 : i32
        %parallel_loop3A_406 = arith.constant 1 : i32
        %parallel_loop3A_407 = arith.constant 6 : i32
        %parallel_loop3A_408 = arith.index_cast %parallel_loop3A_406 : i32 to index
        %parallel_loop3A_409 = arith.index_cast %parallel_loop3A_407 : i32 to index
        %parallel_loop3A_410 = arith.index_cast %parallel_loop3A_405 : i32 to index
        %parallel_loop3A_411 = tpu.vector_load %arg12[%parallel_loop3A_408, %parallel_loop3A_409, %parallel_loop3A_410] {strides = array<i32>} : memref<2x8x1600xf32, #tpu.memory_space<vmem>>, vector<16xf32>,
        %parallel_loop3A_412 = arith.constant 60000 : i32
        %parallel_loop3A_413 = vector.broadcast %parallel_loop3A_412 : i32 to vector<16xi32>
        %parallel_loop3A_414 = arith.addi %parallel_loop3A_333, %parallel_loop3A_413 : vector<16xi32>
        %parallel_loop3A_415 = arith.mulf %parallel_loop3A_334, %parallel_loop3A_411 : vector<16xf32>
        tpu.vector_store_idx %arg13[%parallel_loop3A_414], %parallel_loop3A_415 {add = true} : memref<80000xf32, #tpu.memory_space<vmem>>[vector<16xi32>], vector<16xf32>,
        %parallel_loop3A_416 = arith.constant 16 : i32
        %parallel_loop3A_417 = arith.muli %parallel_loop3A_321, %parallel_loop3A_416 : i32
        %parallel_loop3A_418 = arith.constant 1 : i32
        %parallel_loop3A_419 = arith.constant 7 : i32
        %parallel_loop3A_420 = arith.index_cast %parallel_loop3A_418 : i32 to index
        %parallel_loop3A_421 = arith.index_cast %parallel_loop3A_419 : i32 to index
        %parallel_loop3A_422 = arith.index_cast %parallel_loop3A_417 : i32 to index
        %parallel_loop3A_423 = tpu.vector_load %arg12[%parallel_loop3A_420, %parallel_loop3A_421, %parallel_loop3A_422] {strides = array<i32>} : memref<2x8x1600xf32, #tpu.memory_space<vmem>>, vector<16xf32>,
        %parallel_loop3A_424 = arith.constant 70000 : i32
        %parallel_loop3A_425 = vector.broadcast %parallel_loop3A_424 : i32 to vector<16xi32>
        %parallel_loop3A_426 = arith.addi %parallel_loop3A_333, %parallel_loop3A_425 : vector<16xi32>
        %parallel_loop3A_427 = arith.mulf %parallel_loop3A_334, %parallel_loop3A_423 : vector<16xf32>
        tpu.vector_store_idx %arg13[%parallel_loop3A_426], %parallel_loop3A_427 {add = true} : memref<80000xf32, #tpu.memory_space<vmem>>[vector<16xi32>], vector<16xf32>,
      } {sc.loop_unroll_factor = 4 : i64, sc.parallel_access}
    }
    %scan3A_106 = arith.constant 50 : i32
    %add3A_107 = arith.constant 0 : i32
    %add3A_108 = arith.addi %mul3A_0, %add3A_107 : i32
    %run_scoped3A_109 = arith.constant 1 : i32
    "tpu.region"() ({
      %run_scoped3A_198 = tpu.sem_alloc : memref<!tpu.dma_semaphore, #tpu.memory_space<semaphore_mem>>
      %dma_start3A_199 = arith.constant 0 : i32
      %dma_start3A_200 = tpu.memref_slice %arg13[%dma_start3A_199] : memref<80000xf32, #tpu.memory_space<vmem>> -> memref<10000xf32, #tpu.memory_space<vmem>>
      %dma_start3A_201 = arith.constant 0 : i32
      %dma_start3A_202 = tpu.memref_slice %arg8[%run_scoped3A_109, %add3A_108, %arg1, %dma_start3A_201] : memref<3x16x16x10000xf32, #tpu.memory_space<hbm>> -> memref<1x1x1x10000xf32, #tpu.memory_space<hbm>>
      %dma_start3A_203 = tpu.memref_squeeze %dma_start3A_202 : memref<1x1x1x10000xf32, #tpu.memory_space<hbm>> -> memref<10000xf32, #tpu.memory_space<hbm>>
      %dma_start3A_204 = arith.constant 0 : i32
      %dma_start3A_205 = tpu.memref_slice %arg8[%run_scoped3A_109, %add3A_108, %arg1, %dma_start3A_204] : memref<3x16x16x10000xf32, #tpu.memory_space<hbm>> -> memref<1x1x1x10000xf32, #tpu.memory_space<hbm>>
      %dma_start3A_206 = tpu.memref_squeeze %dma_start3A_205 : memref<1x1x1x10000xf32, #tpu.memory_space<hbm>> -> memref<10000xf32, #tpu.memory_space<hbm>>
      %dma_start3A_207 = arith.constant 0 : i32
      %dma_start3A_208 = tpu.memref_slice %arg13[%dma_start3A_207] : memref<80000xf32, #tpu.memory_space<vmem>> -> memref<10000xf32, #tpu.memory_space<vmem>>
      tpu.enqueue_dma source(%dma_start3A_208 : memref<10000xf32, #tpu.memory_space<vmem>>) target(%dma_start3A_206 : memref<10000xf32, #tpu.memory_space<hbm>>) target_semaphore(%run_scoped3A_198 : memref<!tpu.dma_semaphore, #tpu.memory_space<semaphore_mem>>)
      %dma_wait3A = arith.constant 0 : i32
      %dma_wait3A_209 = tpu.memref_slice %arg13[%dma_wait3A] : memref<80000xf32, #tpu.memory_space<vmem>> -> memref<10000xf32, #tpu.memory_space<vmem>>
      %dma_wait3A_210 = arith.constant 0 : i32
      %dma_wait3A_211 = tpu.memref_slice %arg8[%run_scoped3A_109, %add3A_108, %arg1, %dma_wait3A_210] : memref<3x16x16x10000xf32, #tpu.memory_space<hbm>> -> memref<1x1x1x10000xf32, #tpu.memory_space<hbm>>
      %dma_wait3A_212 = tpu.memref_squeeze %dma_wait3A_211 : memref<1x1x1x10000xf32, #tpu.memory_space<hbm>> -> memref<10000xf32, #tpu.memory_space<hbm>>
      %dma_wait3A_213 = arith.constant 0 : i32
      %dma_wait3A_214 = tpu.memref_slice %arg8[%run_scoped3A_109, %add3A_108, %arg1, %dma_wait3A_213] : memref<3x16x16x10000xf32, #tpu.memory_space<hbm>> -> memref<1x1x1x10000xf32, #tpu.memory_space<hbm>>
      %dma_wait3A_215 = tpu.memref_squeeze %dma_wait3A_214 : memref<1x1x1x10000xf32, #tpu.memory_space<hbm>> -> memref<10000xf32, #tpu.memory_space<hbm>>
      %dma_wait3A_216 = arith.constant 0 : i32
      %dma_wait3A_217 = tpu.memref_slice %arg13[%dma_wait3A_216] : memref<80000xf32, #tpu.memory_space<vmem>> -> memref<10000xf32, #tpu.memory_space<vmem>>
      tpu.wait_dma2 semaphore(%run_scoped3A_198 : memref<!tpu.dma_semaphore, #tpu.memory_space<semaphore_mem>>) src(%dma_wait3A_217 : memref<10000xf32, #tpu.memory_space<vmem>>) dst(%dma_wait3A_215 : memref<10000xf32, #tpu.memory_space<hbm>>)
      tpu.yield
    }) : () -> ()
    %add3A_110 = arith.constant 1 : i32
    %add3A_111 = arith.addi %mul3A_0, %add3A_110 : i32
    %run_scoped3A_112 = arith.constant 1 : i32
    "tpu.region"() ({
      %run_scoped3A_198 = tpu.sem_alloc : memref<!tpu.dma_semaphore, #tpu.memory_space<semaphore_mem>>
      %dma_start3A_199 = arith.constant 10000 : i32
      %dma_start3A_200 = tpu.memref_slice %arg13[%dma_start3A_199] : memref<80000xf32, #tpu.memory_space<vmem>> -> memref<10000xf32, #tpu.memory_space<vmem>>
      %dma_start3A_201 = arith.constant 0 : i32
      %dma_start3A_202 = tpu.memref_slice %arg8[%run_scoped3A_112, %add3A_111, %arg1, %dma_start3A_201] : memref<3x16x16x10000xf32, #tpu.memory_space<hbm>> -> memref<1x1x1x10000xf32, #tpu.memory_space<hbm>>
      %dma_start3A_203 = tpu.memref_squeeze %dma_start3A_202 : memref<1x1x1x10000xf32, #tpu.memory_space<hbm>> -> memref<10000xf32, #tpu.memory_space<hbm>>
      %dma_start3A_204 = arith.constant 0 : i32
      %dma_start3A_205 = tpu.memref_slice %arg8[%run_scoped3A_112, %add3A_111, %arg1, %dma_start3A_204] : memref<3x16x16x10000xf32, #tpu.memory_space<hbm>> -> memref<1x1x1x10000xf32, #tpu.memory_space<hbm>>
      %dma_start3A_206 = tpu.memref_squeeze %dma_start3A_205 : memref<1x1x1x10000xf32, #tpu.memory_space<hbm>> -> memref<10000xf32, #tpu.memory_space<hbm>>
      %dma_start3A_207 = arith.constant 10000 : i32
      %dma_start3A_208 = tpu.memref_slice %arg13[%dma_start3A_207] : memref<80000xf32, #tpu.memory_space<vmem>> -> memref<10000xf32, #tpu.memory_space<vmem>>
      tpu.enqueue_dma source(%dma_start3A_208 : memref<10000xf32, #tpu.memory_space<vmem>>) target(%dma_start3A_206 : memref<10000xf32, #tpu.memory_space<hbm>>) target_semaphore(%run_scoped3A_198 : memref<!tpu.dma_semaphore, #tpu.memory_space<semaphore_mem>>)
      %dma_wait3A = arith.constant 10000 : i32
      %dma_wait3A_209 = tpu.memref_slice %arg13[%dma_wait3A] : memref<80000xf32, #tpu.memory_space<vmem>> -> memref<10000xf32, #tpu.memory_space<vmem>>
      %dma_wait3A_210 = arith.constant 0 : i32
      %dma_wait3A_211 = tpu.memref_slice %arg8[%run_scoped3A_112, %add3A_111, %arg1, %dma_wait3A_210] : memref<3x16x16x10000xf32, #tpu.memory_space<hbm>> -> memref<1x1x1x10000xf32, #tpu.memory_space<hbm>>
      %dma_wait3A_212 = tpu.memref_squeeze %dma_wait3A_211 : memref<1x1x1x10000xf32, #tpu.memory_space<hbm>> -> memref<10000xf32, #tpu.memory_space<hbm>>
      %dma_wait3A_213 = arith.constant 0 : i32
      %dma_wait3A_214 = tpu.memref_slice %arg8[%run_scoped3A_112, %add3A_111, %arg1, %dma_wait3A_213] : memref<3x16x16x10000xf32, #tpu.memory_space<hbm>> -> memref<1x1x1x10000xf32, #tpu.memory_space<hbm>>
      %dma_wait3A_215 = tpu.memref_squeeze %dma_wait3A_214 : memref<1x1x1x10000xf32, #tpu.memory_space<hbm>> -> memref<10000xf32, #tpu.memory_space<hbm>>
      %dma_wait3A_216 = arith.constant 10000 : i32
      %dma_wait3A_217 = tpu.memref_slice %arg13[%dma_wait3A_216] : memref<80000xf32, #tpu.memory_space<vmem>> -> memref<10000xf32, #tpu.memory_space<vmem>>
      tpu.wait_dma2 semaphore(%run_scoped3A_198 : memref<!tpu.dma_semaphore, #tpu.memory_space<semaphore_mem>>) src(%dma_wait3A_217 : memref<10000xf32, #tpu.memory_space<vmem>>) dst(%dma_wait3A_215 : memref<10000xf32, #tpu.memory_space<hbm>>)
      tpu.yield
    }) : () -> ()
    %add3A_113 = arith.constant 2 : i32
    %add3A_114 = arith.addi %mul3A_0, %add3A_113 : i32
    %run_scoped3A_115 = arith.constant 1 : i32
    "tpu.region"() ({
      %run_scoped3A_198 = tpu.sem_alloc : memref<!tpu.dma_semaphore, #tpu.memory_space<semaphore_mem>>
      %dma_start3A_199 = arith.constant 20000 : i32
      %dma_start3A_200 = tpu.memref_slice %arg13[%dma_start3A_199] : memref<80000xf32, #tpu.memory_space<vmem>> -> memref<10000xf32, #tpu.memory_space<vmem>>
      %dma_start3A_201 = arith.constant 0 : i32
      %dma_start3A_202 = tpu.memref_slice %arg8[%run_scoped3A_115, %add3A_114, %arg1, %dma_start3A_201] : memref<3x16x16x10000xf32, #tpu.memory_space<hbm>> -> memref<1x1x1x10000xf32, #tpu.memory_space<hbm>>
      %dma_start3A_203 = tpu.memref_squeeze %dma_start3A_202 : memref<1x1x1x10000xf32, #tpu.memory_space<hbm>> -> memref<10000xf32, #tpu.memory_space<hbm>>
      %dma_start3A_204 = arith.constant 0 : i32
      %dma_start3A_205 = tpu.memref_slice %arg8[%run_scoped3A_115, %add3A_114, %arg1, %dma_start3A_204] : memref<3x16x16x10000xf32, #tpu.memory_space<hbm>> -> memref<1x1x1x10000xf32, #tpu.memory_space<hbm>>
      %dma_start3A_206 = tpu.memref_squeeze %dma_start3A_205 : memref<1x1x1x10000xf32, #tpu.memory_space<hbm>> -> memref<10000xf32, #tpu.memory_space<hbm>>
      %dma_start3A_207 = arith.constant 20000 : i32
      %dma_start3A_208 = tpu.memref_slice %arg13[%dma_start3A_207] : memref<80000xf32, #tpu.memory_space<vmem>> -> memref<10000xf32, #tpu.memory_space<vmem>>
      tpu.enqueue_dma source(%dma_start3A_208 : memref<10000xf32, #tpu.memory_space<vmem>>) target(%dma_start3A_206 : memref<10000xf32, #tpu.memory_space<hbm>>) target_semaphore(%run_scoped3A_198 : memref<!tpu.dma_semaphore, #tpu.memory_space<semaphore_mem>>)
      %dma_wait3A = arith.constant 20000 : i32
      %dma_wait3A_209 = tpu.memref_slice %arg13[%dma_wait3A] : memref<80000xf32, #tpu.memory_space<vmem>> -> memref<10000xf32, #tpu.memory_space<vmem>>
      %dma_wait3A_210 = arith.constant 0 : i32
      %dma_wait3A_211 = tpu.memref_slice %arg8[%run_scoped3A_115, %add3A_114, %arg1, %dma_wait3A_210] : memref<3x16x16x10000xf32, #tpu.memory_space<hbm>> -> memref<1x1x1x10000xf32, #tpu.memory_space<hbm>>
      %dma_wait3A_212 = tpu.memref_squeeze %dma_wait3A_211 : memref<1x1x1x10000xf32, #tpu.memory_space<hbm>> -> memref<10000xf32, #tpu.memory_space<hbm>>
      %dma_wait3A_213 = arith.constant 0 : i32
      %dma_wait3A_214 = tpu.memref_slice %arg8[%run_scoped3A_115, %add3A_114, %arg1, %dma_wait3A_213] : memref<3x16x16x10000xf32, #tpu.memory_space<hbm>> -> memref<1x1x1x10000xf32, #tpu.memory_space<hbm>>
      %dma_wait3A_215 = tpu.memref_squeeze %dma_wait3A_214 : memref<1x1x1x10000xf32, #tpu.memory_space<hbm>> -> memref<10000xf32, #tpu.memory_space<hbm>>
      %dma_wait3A_216 = arith.constant 20000 : i32
      %dma_wait3A_217 = tpu.memref_slice %arg13[%dma_wait3A_216] : memref<80000xf32, #tpu.memory_space<vmem>> -> memref<10000xf32, #tpu.memory_space<vmem>>
      tpu.wait_dma2 semaphore(%run_scoped3A_198 : memref<!tpu.dma_semaphore, #tpu.memory_space<semaphore_mem>>) src(%dma_wait3A_217 : memref<10000xf32, #tpu.memory_space<vmem>>) dst(%dma_wait3A_215 : memref<10000xf32, #tpu.memory_space<hbm>>)
      tpu.yield
    }) : () -> ()
    %add3A_116 = arith.constant 3 : i32
    %add3A_117 = arith.addi %mul3A_0, %add3A_116 : i32
    %run_scoped3A_118 = arith.constant 1 : i32
    "tpu.region"() ({
      %run_scoped3A_198 = tpu.sem_alloc : memref<!tpu.dma_semaphore, #tpu.memory_space<semaphore_mem>>
      %dma_start3A_199 = arith.constant 30000 : i32
      %dma_start3A_200 = tpu.memref_slice %arg13[%dma_start3A_199] : memref<80000xf32, #tpu.memory_space<vmem>> -> memref<10000xf32, #tpu.memory_space<vmem>>
      %dma_start3A_201 = arith.constant 0 : i32
      %dma_start3A_202 = tpu.memref_slice %arg8[%run_scoped3A_118, %add3A_117, %arg1, %dma_start3A_201] : memref<3x16x16x10000xf32, #tpu.memory_space<hbm>> -> memref<1x1x1x10000xf32, #tpu.memory_space<hbm>>
      %dma_start3A_203 = tpu.memref_squeeze %dma_start3A_202 : memref<1x1x1x10000xf32, #tpu.memory_space<hbm>> -> memref<10000xf32, #tpu.memory_space<hbm>>
      %dma_start3A_204 = arith.constant 0 : i32
      %dma_start3A_205 = tpu.memref_slice %arg8[%run_scoped3A_118, %add3A_117, %arg1, %dma_start3A_204] : memref<3x16x16x10000xf32, #tpu.memory_space<hbm>> -> memref<1x1x1x10000xf32, #tpu.memory_space<hbm>>
      %dma_start3A_206 = tpu.memref_squeeze %dma_start3A_205 : memref<1x1x1x10000xf32, #tpu.memory_space<hbm>> -> memref<10000xf32, #tpu.memory_space<hbm>>
      %dma_start3A_207 = arith.constant 30000 : i32
      %dma_start3A_208 = tpu.memref_slice %arg13[%dma_start3A_207] : memref<80000xf32, #tpu.memory_space<vmem>> -> memref<10000xf32, #tpu.memory_space<vmem>>
      tpu.enqueue_dma source(%dma_start3A_208 : memref<10000xf32, #tpu.memory_space<vmem>>) target(%dma_start3A_206 : memref<10000xf32, #tpu.memory_space<hbm>>) target_semaphore(%run_scoped3A_198 : memref<!tpu.dma_semaphore, #tpu.memory_space<semaphore_mem>>)
      %dma_wait3A = arith.constant 30000 : i32
      %dma_wait3A_209 = tpu.memref_slice %arg13[%dma_wait3A] : memref<80000xf32, #tpu.memory_space<vmem>> -> memref<10000xf32, #tpu.memory_space<vmem>>
      %dma_wait3A_210 = arith.constant 0 : i32
      %dma_wait3A_211 = tpu.memref_slice %arg8[%run_scoped3A_118, %add3A_117, %arg1, %dma_wait3A_210] : memref<3x16x16x10000xf32, #tpu.memory_space<hbm>> -> memref<1x1x1x10000xf32, #tpu.memory_space<hbm>>
      %dma_wait3A_212 = tpu.memref_squeeze %dma_wait3A_211 : memref<1x1x1x10000xf32, #tpu.memory_space<hbm>> -> memref<10000xf32, #tpu.memory_space<hbm>>
      %dma_wait3A_213 = arith.constant 0 : i32
      %dma_wait3A_214 = tpu.memref_slice %arg8[%run_scoped3A_118, %add3A_117, %arg1, %dma_wait3A_213] : memref<3x16x16x10000xf32, #tpu.memory_space<hbm>> -> memref<1x1x1x10000xf32, #tpu.memory_space<hbm>>
      %dma_wait3A_215 = tpu.memref_squeeze %dma_wait3A_214 : memref<1x1x1x10000xf32, #tpu.memory_space<hbm>> -> memref<10000xf32, #tpu.memory_space<hbm>>
      %dma_wait3A_216 = arith.constant 30000 : i32
      %dma_wait3A_217 = tpu.memref_slice %arg13[%dma_wait3A_216] : memref<80000xf32, #tpu.memory_space<vmem>> -> memref<10000xf32, #tpu.memory_space<vmem>>
      tpu.wait_dma2 semaphore(%run_scoped3A_198 : memref<!tpu.dma_semaphore, #tpu.memory_space<semaphore_mem>>) src(%dma_wait3A_217 : memref<10000xf32, #tpu.memory_space<vmem>>) dst(%dma_wait3A_215 : memref<10000xf32, #tpu.memory_space<hbm>>)
      tpu.yield
    }) : () -> ()
    %add3A_119 = arith.constant 4 : i32
    %add3A_120 = arith.addi %mul3A_0, %add3A_119 : i32
    %run_scoped3A_121 = arith.constant 1 : i32
    "tpu.region"() ({
      %run_scoped3A_198 = tpu.sem_alloc : memref<!tpu.dma_semaphore, #tpu.memory_space<semaphore_mem>>
      %dma_start3A_199 = arith.constant 40000 : i32
      %dma_start3A_200 = tpu.memref_slice %arg13[%dma_start3A_199] : memref<80000xf32, #tpu.memory_space<vmem>> -> memref<10000xf32, #tpu.memory_space<vmem>>
      %dma_start3A_201 = arith.constant 0 : i32
      %dma_start3A_202 = tpu.memref_slice %arg8[%run_scoped3A_121, %add3A_120, %arg1, %dma_start3A_201] : memref<3x16x16x10000xf32, #tpu.memory_space<hbm>> -> memref<1x1x1x10000xf32, #tpu.memory_space<hbm>>
      %dma_start3A_203 = tpu.memref_squeeze %dma_start3A_202 : memref<1x1x1x10000xf32, #tpu.memory_space<hbm>> -> memref<10000xf32, #tpu.memory_space<hbm>>
      %dma_start3A_204 = arith.constant 0 : i32
      %dma_start3A_205 = tpu.memref_slice %arg8[%run_scoped3A_121, %add3A_120, %arg1, %dma_start3A_204] : memref<3x16x16x10000xf32, #tpu.memory_space<hbm>> -> memref<1x1x1x10000xf32, #tpu.memory_space<hbm>>
      %dma_start3A_206 = tpu.memref_squeeze %dma_start3A_205 : memref<1x1x1x10000xf32, #tpu.memory_space<hbm>> -> memref<10000xf32, #tpu.memory_space<hbm>>
      %dma_start3A_207 = arith.constant 40000 : i32
      %dma_start3A_208 = tpu.memref_slice %arg13[%dma_start3A_207] : memref<80000xf32, #tpu.memory_space<vmem>> -> memref<10000xf32, #tpu.memory_space<vmem>>
      tpu.enqueue_dma source(%dma_start3A_208 : memref<10000xf32, #tpu.memory_space<vmem>>) target(%dma_start3A_206 : memref<10000xf32, #tpu.memory_space<hbm>>) target_semaphore(%run_scoped3A_198 : memref<!tpu.dma_semaphore, #tpu.memory_space<semaphore_mem>>)
      %dma_wait3A = arith.constant 40000 : i32
      %dma_wait3A_209 = tpu.memref_slice %arg13[%dma_wait3A] : memref<80000xf32, #tpu.memory_space<vmem>> -> memref<10000xf32, #tpu.memory_space<vmem>>
      %dma_wait3A_210 = arith.constant 0 : i32
      %dma_wait3A_211 = tpu.memref_slice %arg8[%run_scoped3A_121, %add3A_120, %arg1, %dma_wait3A_210] : memref<3x16x16x10000xf32, #tpu.memory_space<hbm>> -> memref<1x1x1x10000xf32, #tpu.memory_space<hbm>>
      %dma_wait3A_212 = tpu.memref_squeeze %dma_wait3A_211 : memref<1x1x1x10000xf32, #tpu.memory_space<hbm>> -> memref<10000xf32, #tpu.memory_space<hbm>>
      %dma_wait3A_213 = arith.constant 0 : i32
      %dma_wait3A_214 = tpu.memref_slice %arg8[%run_scoped3A_121, %add3A_120, %arg1, %dma_wait3A_213] : memref<3x16x16x10000xf32, #tpu.memory_space<hbm>> -> memref<1x1x1x10000xf32, #tpu.memory_space<hbm>>
      %dma_wait3A_215 = tpu.memref_squeeze %dma_wait3A_214 : memref<1x1x1x10000xf32, #tpu.memory_space<hbm>> -> memref<10000xf32, #tpu.memory_space<hbm>>
      %dma_wait3A_216 = arith.constant 40000 : i32
      %dma_wait3A_217 = tpu.memref_slice %arg13[%dma_wait3A_216] : memref<80000xf32, #tpu.memory_space<vmem>> -> memref<10000xf32, #tpu.memory_space<vmem>>
      tpu.wait_dma2 semaphore(%run_scoped3A_198 : memref<!tpu.dma_semaphore, #tpu.memory_space<semaphore_mem>>) src(%dma_wait3A_217 : memref<10000xf32, #tpu.memory_space<vmem>>) dst(%dma_wait3A_215 : memref<10000xf32, #tpu.memory_space<hbm>>)
      tpu.yield
    }) : () -> ()
    %add3A_122 = arith.constant 5 : i32
    %add3A_123 = arith.addi %mul3A_0, %add3A_122 : i32
    %run_scoped3A_124 = arith.constant 1 : i32
    "tpu.region"() ({
      %run_scoped3A_198 = tpu.sem_alloc : memref<!tpu.dma_semaphore, #tpu.memory_space<semaphore_mem>>
      %dma_start3A_199 = arith.constant 50000 : i32
      %dma_start3A_200 = tpu.memref_slice %arg13[%dma_start3A_199] : memref<80000xf32, #tpu.memory_space<vmem>> -> memref<10000xf32, #tpu.memory_space<vmem>>
      %dma_start3A_201 = arith.constant 0 : i32
      %dma_start3A_202 = tpu.memref_slice %arg8[%run_scoped3A_124, %add3A_123, %arg1, %dma_start3A_201] : memref<3x16x16x10000xf32, #tpu.memory_space<hbm>> -> memref<1x1x1x10000xf32, #tpu.memory_space<hbm>>
      %dma_start3A_203 = tpu.memref_squeeze %dma_start3A_202 : memref<1x1x1x10000xf32, #tpu.memory_space<hbm>> -> memref<10000xf32, #tpu.memory_space<hbm>>
      %dma_start3A_204 = arith.constant 0 : i32
      %dma_start3A_205 = tpu.memref_slice %arg8[%run_scoped3A_124, %add3A_123, %arg1, %dma_start3A_204] : memref<3x16x16x10000xf32, #tpu.memory_space<hbm>> -> memref<1x1x1x10000xf32, #tpu.memory_space<hbm>>
      %dma_start3A_206 = tpu.memref_squeeze %dma_start3A_205 : memref<1x1x1x10000xf32, #tpu.memory_space<hbm>> -> memref<10000xf32, #tpu.memory_space<hbm>>
      %dma_start3A_207 = arith.constant 50000 : i32
      %dma_start3A_208 = tpu.memref_slice %arg13[%dma_start3A_207] : memref<80000xf32, #tpu.memory_space<vmem>> -> memref<10000xf32, #tpu.memory_space<vmem>>
      tpu.enqueue_dma source(%dma_start3A_208 : memref<10000xf32, #tpu.memory_space<vmem>>) target(%dma_start3A_206 : memref<10000xf32, #tpu.memory_space<hbm>>) target_semaphore(%run_scoped3A_198 : memref<!tpu.dma_semaphore, #tpu.memory_space<semaphore_mem>>)
      %dma_wait3A = arith.constant 50000 : i32
      %dma_wait3A_209 = tpu.memref_slice %arg13[%dma_wait3A] : memref<80000xf32, #tpu.memory_space<vmem>> -> memref<10000xf32, #tpu.memory_space<vmem>>
      %dma_wait3A_210 = arith.constant 0 : i32
      %dma_wait3A_211 = tpu.memref_slice %arg8[%run_scoped3A_124, %add3A_123, %arg1, %dma_wait3A_210] : memref<3x16x16x10000xf32, #tpu.memory_space<hbm>> -> memref<1x1x1x10000xf32, #tpu.memory_space<hbm>>
      %dma_wait3A_212 = tpu.memref_squeeze %dma_wait3A_211 : memref<1x1x1x10000xf32, #tpu.memory_space<hbm>> -> memref<10000xf32, #tpu.memory_space<hbm>>
      %dma_wait3A_213 = arith.constant 0 : i32
      %dma_wait3A_214 = tpu.memref_slice %arg8[%run_scoped3A_124, %add3A_123, %arg1, %dma_wait3A_213] : memref<3x16x16x10000xf32, #tpu.memory_space<hbm>> -> memref<1x1x1x10000xf32, #tpu.memory_space<hbm>>
      %dma_wait3A_215 = tpu.memref_squeeze %dma_wait3A_214 : memref<1x1x1x10000xf32, #tpu.memory_space<hbm>> -> memref<10000xf32, #tpu.memory_space<hbm>>
      %dma_wait3A_216 = arith.constant 50000 : i32
      %dma_wait3A_217 = tpu.memref_slice %arg13[%dma_wait3A_216] : memref<80000xf32, #tpu.memory_space<vmem>> -> memref<10000xf32, #tpu.memory_space<vmem>>
      tpu.wait_dma2 semaphore(%run_scoped3A_198 : memref<!tpu.dma_semaphore, #tpu.memory_space<semaphore_mem>>) src(%dma_wait3A_217 : memref<10000xf32, #tpu.memory_space<vmem>>) dst(%dma_wait3A_215 : memref<10000xf32, #tpu.memory_space<hbm>>)
      tpu.yield
    }) : () -> ()
    %add3A_125 = arith.constant 6 : i32
    %add3A_126 = arith.addi %mul3A_0, %add3A_125 : i32
    %run_scoped3A_127 = arith.constant 1 : i32
    "tpu.region"() ({
      %run_scoped3A_198 = tpu.sem_alloc : memref<!tpu.dma_semaphore, #tpu.memory_space<semaphore_mem>>
      %dma_start3A_199 = arith.constant 60000 : i32
      %dma_start3A_200 = tpu.memref_slice %arg13[%dma_start3A_199] : memref<80000xf32, #tpu.memory_space<vmem>> -> memref<10000xf32, #tpu.memory_space<vmem>>
      %dma_start3A_201 = arith.constant 0 : i32
      %dma_start3A_202 = tpu.memref_slice %arg8[%run_scoped3A_127, %add3A_126, %arg1, %dma_start3A_201] : memref<3x16x16x10000xf32, #tpu.memory_space<hbm>> -> memref<1x1x1x10000xf32, #tpu.memory_space<hbm>>
      %dma_start3A_203 = tpu.memref_squeeze %dma_start3A_202 : memref<1x1x1x10000xf32, #tpu.memory_space<hbm>> -> memref<10000xf32, #tpu.memory_space<hbm>>
      %dma_start3A_204 = arith.constant 0 : i32
      %dma_start3A_205 = tpu.memref_slice %arg8[%run_scoped3A_127, %add3A_126, %arg1, %dma_start3A_204] : memref<3x16x16x10000xf32, #tpu.memory_space<hbm>> -> memref<1x1x1x10000xf32, #tpu.memory_space<hbm>>
      %dma_start3A_206 = tpu.memref_squeeze %dma_start3A_205 : memref<1x1x1x10000xf32, #tpu.memory_space<hbm>> -> memref<10000xf32, #tpu.memory_space<hbm>>
      %dma_start3A_207 = arith.constant 60000 : i32
      %dma_start3A_208 = tpu.memref_slice %arg13[%dma_start3A_207] : memref<80000xf32, #tpu.memory_space<vmem>> -> memref<10000xf32, #tpu.memory_space<vmem>>
      tpu.enqueue_dma source(%dma_start3A_208 : memref<10000xf32, #tpu.memory_space<vmem>>) target(%dma_start3A_206 : memref<10000xf32, #tpu.memory_space<hbm>>) target_semaphore(%run_scoped3A_198 : memref<!tpu.dma_semaphore, #tpu.memory_space<semaphore_mem>>)
      %dma_wait3A = arith.constant 60000 : i32
      %dma_wait3A_209 = tpu.memref_slice %arg13[%dma_wait3A] : memref<80000xf32, #tpu.memory_space<vmem>> -> memref<10000xf32, #tpu.memory_space<vmem>>
      %dma_wait3A_210 = arith.constant 0 : i32
      %dma_wait3A_211 = tpu.memref_slice %arg8[%run_scoped3A_127, %add3A_126, %arg1, %dma_wait3A_210] : memref<3x16x16x10000xf32, #tpu.memory_space<hbm>> -> memref<1x1x1x10000xf32, #tpu.memory_space<hbm>>
      %dma_wait3A_212 = tpu.memref_squeeze %dma_wait3A_211 : memref<1x1x1x10000xf32, #tpu.memory_space<hbm>> -> memref<10000xf32, #tpu.memory_space<hbm>>
      %dma_wait3A_213 = arith.constant 0 : i32
      %dma_wait3A_214 = tpu.memref_slice %arg8[%run_scoped3A_127, %add3A_126, %arg1, %dma_wait3A_213] : memref<3x16x16x10000xf32, #tpu.memory_space<hbm>> -> memref<1x1x1x10000xf32, #tpu.memory_space<hbm>>
      %dma_wait3A_215 = tpu.memref_squeeze %dma_wait3A_214 : memref<1x1x1x10000xf32, #tpu.memory_space<hbm>> -> memref<10000xf32, #tpu.memory_space<hbm>>
      %dma_wait3A_216 = arith.constant 60000 : i32
      %dma_wait3A_217 = tpu.memref_slice %arg13[%dma_wait3A_216] : memref<80000xf32, #tpu.memory_space<vmem>> -> memref<10000xf32, #tpu.memory_space<vmem>>
      tpu.wait_dma2 semaphore(%run_scoped3A_198 : memref<!tpu.dma_semaphore, #tpu.memory_space<semaphore_mem>>) src(%dma_wait3A_217 : memref<10000xf32, #tpu.memory_space<vmem>>) dst(%dma_wait3A_215 : memref<10000xf32, #tpu.memory_space<hbm>>)
      tpu.yield
    }) : () -> ()
    %add3A_128 = arith.constant 7 : i32
    %add3A_129 = arith.addi %mul3A_0, %add3A_128 : i32
    %run_scoped3A_130 = arith.constant 1 : i32
    "tpu.region"() ({
      %run_scoped3A_198 = tpu.sem_alloc : memref<!tpu.dma_semaphore, #tpu.memory_space<semaphore_mem>>
      %dma_start3A_199 = arith.constant 70000 : i32
      %dma_start3A_200 = tpu.memref_slice %arg13[%dma_start3A_199] : memref<80000xf32, #tpu.memory_space<vmem>> -> memref<10000xf32, #tpu.memory_space<vmem>>
      %dma_start3A_201 = arith.constant 0 : i32
      %dma_start3A_202 = tpu.memref_slice %arg8[%run_scoped3A_130, %add3A_129, %arg1, %dma_start3A_201] : memref<3x16x16x10000xf32, #tpu.memory_space<hbm>> -> memref<1x1x1x10000xf32, #tpu.memory_space<hbm>>
      %dma_start3A_203 = tpu.memref_squeeze %dma_start3A_202 : memref<1x1x1x10000xf32, #tpu.memory_space<hbm>> -> memref<10000xf32, #tpu.memory_space<hbm>>
      %dma_start3A_204 = arith.constant 0 : i32
      %dma_start3A_205 = tpu.memref_slice %arg8[%run_scoped3A_130, %add3A_129, %arg1, %dma_start3A_204] : memref<3x16x16x10000xf32, #tpu.memory_space<hbm>> -> memref<1x1x1x10000xf32, #tpu.memory_space<hbm>>
      %dma_start3A_206 = tpu.memref_squeeze %dma_start3A_205 : memref<1x1x1x10000xf32, #tpu.memory_space<hbm>> -> memref<10000xf32, #tpu.memory_space<hbm>>
      %dma_start3A_207 = arith.constant 70000 : i32
      %dma_start3A_208 = tpu.memref_slice %arg13[%dma_start3A_207] : memref<80000xf32, #tpu.memory_space<vmem>> -> memref<10000xf32, #tpu.memory_space<vmem>>
      tpu.enqueue_dma source(%dma_start3A_208 : memref<10000xf32, #tpu.memory_space<vmem>>) target(%dma_start3A_206 : memref<10000xf32, #tpu.memory_space<hbm>>) target_semaphore(%run_scoped3A_198 : memref<!tpu.dma_semaphore, #tpu.memory_space<semaphore_mem>>)
      %dma_wait3A = arith.constant 70000 : i32
      %dma_wait3A_209 = tpu.memref_slice %arg13[%dma_wait3A] : memref<80000xf32, #tpu.memory_space<vmem>> -> memref<10000xf32, #tpu.memory_space<vmem>>
      %dma_wait3A_210 = arith.constant 0 : i32
      %dma_wait3A_211 = tpu.memref_slice %arg8[%run_scoped3A_130, %add3A_129, %arg1, %dma_wait3A_210] : memref<3x16x16x10000xf32, #tpu.memory_space<hbm>> -> memref<1x1x1x10000xf32, #tpu.memory_space<hbm>>
      %dma_wait3A_212 = tpu.memref_squeeze %dma_wait3A_211 : memref<1x1x1x10000xf32, #tpu.memory_space<hbm>> -> memref<10000xf32, #tpu.memory_space<hbm>>
      %dma_wait3A_213 = arith.constant 0 : i32
      %dma_wait3A_214 = tpu.memref_slice %arg8[%run_scoped3A_130, %add3A_129, %arg1, %dma_wait3A_213] : memref<3x16x16x10000xf32, #tpu.memory_space<hbm>> -> memref<1x1x1x10000xf32, #tpu.memory_space<hbm>>
      %dma_wait3A_215 = tpu.memref_squeeze %dma_wait3A_214 : memref<1x1x1x10000xf32, #tpu.memory_space<hbm>> -> memref<10000xf32, #tpu.memory_space<hbm>>
      %dma_wait3A_216 = arith.constant 70000 : i32
      %dma_wait3A_217 = tpu.memref_slice %arg13[%dma_wait3A_216] : memref<80000xf32, #tpu.memory_space<vmem>> -> memref<10000xf32, #tpu.memory_space<vmem>>
      tpu.wait_dma2 semaphore(%run_scoped3A_198 : memref<!tpu.dma_semaphore, #tpu.memory_space<semaphore_mem>>) src(%dma_wait3A_217 : memref<10000xf32, #tpu.memory_space<vmem>>) dst(%dma_wait3A_215 : memref<10000xf32, #tpu.memory_space<hbm>>)
      tpu.yield
    }) : () -> ()
    %dma_start3A_131 = arith.constant 0 : i32
    %dma_start3A_132 = arith.constant 0 : i32
    %dma_start3A_133 = tpu.memref_slice %arg10[%dma_start3A_131, %dma_start3A_132] : memref<2x1600xi32, #tpu.memory_space<vmem>> -> memref<1x1600xi32, #tpu.memory_space<vmem>>
    %dma_start3A_134 = tpu.memref_squeeze %dma_start3A_133 : memref<1x1600xi32, #tpu.memory_space<vmem>> -> memref<1600xi32, #tpu.memory_space<vmem>>
    %dma_start3A_135 = arith.constant 0 : i32
    %dma_start3A_136 = tpu.memref_slice %arg3[%dma_start3A_135] : memref<160000xi32, #tpu.memory_space<hbm>> -> memref<1600xi32, #tpu.memory_space<hbm>>
    %dma_start3A_137 = arith.constant 0 : i32
    %dma_start3A_138 = tpu.memref_slice %arg10[%dma_start3A_131, %dma_start3A_137] : memref<2x1600xi32, #tpu.memory_space<vmem>> -> memref<1x1600xi32, #tpu.memory_space<vmem>>
    %dma_start3A_139 = tpu.memref_squeeze %dma_start3A_138 : memref<1x1600xi32, #tpu.memory_space<vmem>> -> memref<1600xi32, #tpu.memory_space<vmem>>
    %dma_start3A_140 = arith.constant 0 : i32
    %dma_start3A_141 = tpu.memref_slice %arg3[%dma_start3A_140] : memref<160000xi32, #tpu.memory_space<hbm>> -> memref<1600xi32, #tpu.memory_space<hbm>>
    tpu.enqueue_dma source(%dma_start3A_141 : memref<1600xi32, #tpu.memory_space<hbm>>) target(%dma_start3A_139 : memref<1600xi32, #tpu.memory_space<vmem>>) target_semaphore(%arg14 : memref<!tpu.dma_semaphore, #tpu.memory_space<semaphore_mem>>)
    %dma_start3A_142 = arith.constant 0 : i32
    %dma_start3A_143 = arith.constant 0 : i32
    %dma_start3A_144 = tpu.memref_slice %arg11[%dma_start3A_142, %dma_start3A_143] : memref<2x1600xi32, #tpu.memory_space<vmem>> -> memref<1x1600xi32, #tpu.memory_space<vmem>>
    %dma_start3A_145 = tpu.memref_squeeze %dma_start3A_144 : memref<1x1600xi32, #tpu.memory_space<vmem>> -> memref<1600xi32, #tpu.memory_space<vmem>>
    %dma_start3A_146 = arith.constant 0 : i32
    %dma_start3A_147 = tpu.memref_slice %arg4[%dma_start3A_146] : memref<160000xi32, #tpu.memory_space<hbm>> -> memref<1600xi32, #tpu.memory_space<hbm>>
    %dma_start3A_148 = arith.constant 0 : i32
    %dma_start3A_149 = tpu.memref_slice %arg11[%dma_start3A_142, %dma_start3A_148] : memref<2x1600xi32, #tpu.memory_space<vmem>> -> memref<1x1600xi32, #tpu.memory_space<vmem>>
    %dma_start3A_150 = tpu.memref_squeeze %dma_start3A_149 : memref<1x1600xi32, #tpu.memory_space<vmem>> -> memref<1600xi32, #tpu.memory_space<vmem>>
    %dma_start3A_151 = arith.constant 0 : i32
    %dma_start3A_152 = tpu.memref_slice %arg4[%dma_start3A_151] : memref<160000xi32, #tpu.memory_space<hbm>> -> memref<1600xi32, #tpu.memory_space<hbm>>
    tpu.enqueue_dma source(%dma_start3A_152 : memref<1600xi32, #tpu.memory_space<hbm>>) target(%dma_start3A_150 : memref<1600xi32, #tpu.memory_space<vmem>>) target_semaphore(%arg14 : memref<!tpu.dma_semaphore, #tpu.memory_space<semaphore_mem>>)
    %dma_start3A_153 = arith.constant 0 : i32
    %dma_start3A_154 = arith.constant 0 : i32
    %dma_start3A_155 = arith.constant 0 : i32
    %dma_start3A_156 = tpu.memref_slice %arg12[%dma_start3A_153, %dma_start3A_154, %dma_start3A_155] : memref<2x8x1600xf32, #tpu.memory_space<vmem>> -> memref<1x8x1600xf32, #tpu.memory_space<vmem>>
    %dma_start3A_157 = tpu.memref_squeeze %dma_start3A_156 : memref<1x8x1600xf32, #tpu.memory_space<vmem>> -> memref<8x1600xf32, #tpu.memory_space<vmem>>
    %dma_start3A_158 = arith.constant 0 : i32
    %dma_start3A_159 = tpu.memref_slice %arg7[%mul3A_0, %dma_start3A_158] : memref<16x160000xf32, #tpu.memory_space<hbm>> -> memref<8x1600xf32, #tpu.memory_space<hbm>>
    %dma_start3A_160 = arith.constant 0 : i32
    %dma_start3A_161 = arith.constant 0 : i32
    %dma_start3A_162 = tpu.memref_slice %arg12[%dma_start3A_153, %dma_start3A_160, %dma_start3A_161] : memref<2x8x1600xf32, #tpu.memory_space<vmem>> -> memref<1x8x1600xf32, #tpu.memory_space<vmem>>
    %dma_start3A_163 = tpu.memref_squeeze %dma_start3A_162 : memref<1x8x1600xf32, #tpu.memory_space<vmem>> -> memref<8x1600xf32, #tpu.memory_space<vmem>>
    %dma_start3A_164 = arith.constant 0 : i32
    %dma_start3A_165 = tpu.memref_slice %arg7[%mul3A_0, %dma_start3A_164] : memref<16x160000xf32, #tpu.memory_space<hbm>> -> memref<8x1600xf32, #tpu.memory_space<hbm>>
    tpu.enqueue_dma source(%dma_start3A_165 : memref<8x1600xf32, #tpu.memory_space<hbm>>) target(%dma_start3A_163 : memref<8x1600xf32, #tpu.memory_space<vmem>>) target_semaphore(%arg14 : memref<!tpu.dma_semaphore, #tpu.memory_space<semaphore_mem>>)
    %parallel_loop3A_166 = arith.constant 0 : i32
    %parallel_loop3A_167 = arith.constant 5000 : i32
    %parallel_loop3A_168 = arith.constant 1 : i32
    scf.for %parallel_loop3A_198 = %parallel_loop3A_166 to %parallel_loop3A_167 step %parallel_loop3A_168  : i32 {
      %parallel_loop3A_199 = arith.constant 16 : i32
      %parallel_loop3A_200 = arith.muli %parallel_loop3A_198, %parallel_loop3A_199 : i32
      %parallel_loop3A_201 = arith.index_cast %parallel_loop3A_200 : i32 to index
      %parallel_loop3A_202 = tpu.vector_load %arg13[%parallel_loop3A_201] {strides = array<i32>} : memref<80000xf32, #tpu.memory_space<vmem>>, vector<16xf32>,
      tpu.vector_store %arg13[%parallel_loop3A_201], %broadcast_in_dim3A_1 {strides = array<i32>} : memref<80000xf32, #tpu.memory_space<vmem>>, vector<16xf32>,
    } {sc.loop_unroll_factor = 8 : i64, sc.parallel_access}
    %scan3A_169 = arith.constant 0 : i32
    %scan3A_170 = arith.constant 50 : i32
    %scan3A_171 = arith.addi %scan3A_169, %scan3A_170 : i32
    %scan3A_172 = arith.constant 1 : i32
    scf.for %scan3A_198 = %scan3A_169 to %scan3A_171 step %scan3A_172  : i32 {
      %mul3A_199 = arith.constant 2 : i32
      %mul3A_200 = arith.muli %scan3A_198, %mul3A_199 : i32
      %add3A_201 = arith.constant 0 : i32
      %add3A_202 = arith.addi %add3A_201, %mul3A_200 : i32
      %add3A_203 = arith.constant 1 : i32
      %add3A_204 = arith.addi %add3A_202, %add3A_203 : i32
      %mul3A_205 = arith.constant 1600 : i32
      %mul3A_206 = arith.muli %add3A_204, %mul3A_205 : i32
      %dma_start3A_207 = arith.constant 1 : i32
      %dma_start3A_208 = arith.constant 0 : i32
      %dma_start3A_209 = tpu.memref_slice %arg10[%dma_start3A_207, %dma_start3A_208] : memref<2x1600xi32, #tpu.memory_space<vmem>> -> memref<1x1600xi32, #tpu.memory_space<vmem>>
      %dma_start3A_210 = tpu.memref_squeeze %dma_start3A_209 : memref<1x1600xi32, #tpu.memory_space<vmem>> -> memref<1600xi32, #tpu.memory_space<vmem>>
      %dma_start3A_211 = tpu.memref_slice %arg3[%mul3A_206] : memref<160000xi32, #tpu.memory_space<hbm>> -> memref<1600xi32, #tpu.memory_space<hbm>>
      %dma_start3A_212 = arith.constant 0 : i32
      %dma_start3A_213 = tpu.memref_slice %arg10[%dma_start3A_207, %dma_start3A_212] : memref<2x1600xi32, #tpu.memory_space<vmem>> -> memref<1x1600xi32, #tpu.memory_space<vmem>>
      %dma_start3A_214 = tpu.memref_squeeze %dma_start3A_213 : memref<1x1600xi32, #tpu.memory_space<vmem>> -> memref<1600xi32, #tpu.memory_space<vmem>>
      %dma_start3A_215 = tpu.memref_slice %arg3[%mul3A_206] : memref<160000xi32, #tpu.memory_space<hbm>> -> memref<1600xi32, #tpu.memory_space<hbm>>
      tpu.enqueue_dma source(%dma_start3A_215 : memref<1600xi32, #tpu.memory_space<hbm>>) target(%dma_start3A_214 : memref<1600xi32, #tpu.memory_space<vmem>>) target_semaphore(%arg15 : memref<!tpu.dma_semaphore, #tpu.memory_space<semaphore_mem>>)
      %mul3A_216 = arith.constant 1600 : i32
      %mul3A_217 = arith.muli %add3A_204, %mul3A_216 : i32
      %dma_start3A_218 = arith.constant 1 : i32
      %dma_start3A_219 = arith.constant 0 : i32
      %dma_start3A_220 = tpu.memref_slice %arg11[%dma_start3A_218, %dma_start3A_219] : memref<2x1600xi32, #tpu.memory_space<vmem>> -> memref<1x1600xi32, #tpu.memory_space<vmem>>
      %dma_start3A_221 = tpu.memref_squeeze %dma_start3A_220 : memref<1x1600xi32, #tpu.memory_space<vmem>> -> memref<1600xi32, #tpu.memory_space<vmem>>
      %dma_start3A_222 = tpu.memref_slice %arg4[%mul3A_217] : memref<160000xi32, #tpu.memory_space<hbm>> -> memref<1600xi32, #tpu.memory_space<hbm>>
      %dma_start3A_223 = arith.constant 0 : i32
      %dma_start3A_224 = tpu.memref_slice %arg11[%dma_start3A_218, %dma_start3A_223] : memref<2x1600xi32, #tpu.memory_space<vmem>> -> memref<1x1600xi32, #tpu.memory_space<vmem>>
      %dma_start3A_225 = tpu.memref_squeeze %dma_start3A_224 : memref<1x1600xi32, #tpu.memory_space<vmem>> -> memref<1600xi32, #tpu.memory_space<vmem>>
      %dma_start3A_226 = tpu.memref_slice %arg4[%mul3A_217] : memref<160000xi32, #tpu.memory_space<hbm>> -> memref<1600xi32, #tpu.memory_space<hbm>>
      tpu.enqueue_dma source(%dma_start3A_226 : memref<1600xi32, #tpu.memory_space<hbm>>) target(%dma_start3A_225 : memref<1600xi32, #tpu.memory_space<vmem>>) target_semaphore(%arg15 : memref<!tpu.dma_semaphore, #tpu.memory_space<semaphore_mem>>)
      %mul3A_227 = arith.constant 1600 : i32
      %mul3A_228 = arith.muli %add3A_204, %mul3A_227 : i32
      %dma_start3A_229 = arith.constant 1 : i32
      %dma_start3A_230 = arith.constant 0 : i32
      %dma_start3A_231 = arith.constant 0 : i32
      %dma_start3A_232 = tpu.memref_slice %arg12[%dma_start3A_229, %dma_start3A_230, %dma_start3A_231] : memref<2x8x1600xf32, #tpu.memory_space<vmem>> -> memref<1x8x1600xf32, #tpu.memory_space<vmem>>
      %dma_start3A_233 = tpu.memref_squeeze %dma_start3A_232 : memref<1x8x1600xf32, #tpu.memory_space<vmem>> -> memref<8x1600xf32, #tpu.memory_space<vmem>>
      %dma_start3A_234 = tpu.memref_slice %arg7[%mul3A_0, %mul3A_228] : memref<16x160000xf32, #tpu.memory_space<hbm>> -> memref<8x1600xf32, #tpu.memory_space<hbm>>
      %dma_start3A_235 = arith.constant 0 : i32
      %dma_start3A_236 = arith.constant 0 : i32
      %dma_start3A_237 = tpu.memref_slice %arg12[%dma_start3A_229, %dma_start3A_235, %dma_start3A_236] : memref<2x8x1600xf32, #tpu.memory_space<vmem>> -> memref<1x8x1600xf32, #tpu.memory_space<vmem>>
      %dma_start3A_238 = tpu.memref_squeeze %dma_start3A_237 : memref<1x8x1600xf32, #tpu.memory_space<vmem>> -> memref<8x1600xf32, #tpu.memory_space<vmem>>
      %dma_start3A_239 = tpu.memref_slice %arg7[%mul3A_0, %mul3A_228] : memref<16x160000xf32, #tpu.memory_space<hbm>> -> memref<8x1600xf32, #tpu.memory_space<hbm>>
      tpu.enqueue_dma source(%dma_start3A_239 : memref<8x1600xf32, #tpu.memory_space<hbm>>) target(%dma_start3A_238 : memref<8x1600xf32, #tpu.memory_space<vmem>>) target_semaphore(%arg15 : memref<!tpu.dma_semaphore, #tpu.memory_space<semaphore_mem>>)
      %mul3A_240 = arith.constant 1600 : i32
      %mul3A_241 = arith.muli %add3A_202, %mul3A_240 : i32
      %dma_wait3A = arith.constant 0 : i32
      %dma_wait3A_242 = arith.constant 0 : i32
      %dma_wait3A_243 = tpu.memref_slice %arg10[%dma_wait3A, %dma_wait3A_242] : memref<2x1600xi32, #tpu.memory_space<vmem>> -> memref<1x1600xi32, #tpu.memory_space<vmem>>
      %dma_wait3A_244 = tpu.memref_squeeze %dma_wait3A_243 : memref<1x1600xi32, #tpu.memory_space<vmem>> -> memref<1600xi32, #tpu.memory_space<vmem>>
      %dma_wait3A_245 = tpu.memref_slice %arg3[%mul3A_241] : memref<160000xi32, #tpu.memory_space<hbm>> -> memref<1600xi32, #tpu.memory_space<hbm>>
      %dma_wait3A_246 = arith.constant 0 : i32
      %dma_wait3A_247 = tpu.memref_slice %arg10[%dma_wait3A, %dma_wait3A_246] : memref<2x1600xi32, #tpu.memory_space<vmem>> -> memref<1x1600xi32, #tpu.memory_space<vmem>>
      %dma_wait3A_248 = tpu.memref_squeeze %dma_wait3A_247 : memref<1x1600xi32, #tpu.memory_space<vmem>> -> memref<1600xi32, #tpu.memory_space<vmem>>
      %dma_wait3A_249 = tpu.memref_slice %arg3[%mul3A_241] : memref<160000xi32, #tpu.memory_space<hbm>> -> memref<1600xi32, #tpu.memory_space<hbm>>
      tpu.wait_dma2 semaphore(%arg14 : memref<!tpu.dma_semaphore, #tpu.memory_space<semaphore_mem>>) src(%dma_wait3A_249 : memref<1600xi32, #tpu.memory_space<hbm>>) dst(%dma_wait3A_248 : memref<1600xi32, #tpu.memory_space<vmem>>)
      %mul3A_250 = arith.constant 1600 : i32
      %mul3A_251 = arith.muli %add3A_202, %mul3A_250 : i32
      %dma_wait3A_252 = arith.constant 0 : i32
      %dma_wait3A_253 = arith.constant 0 : i32
      %dma_wait3A_254 = tpu.memref_slice %arg11[%dma_wait3A_252, %dma_wait3A_253] : memref<2x1600xi32, #tpu.memory_space<vmem>> -> memref<1x1600xi32, #tpu.memory_space<vmem>>
      %dma_wait3A_255 = tpu.memref_squeeze %dma_wait3A_254 : memref<1x1600xi32, #tpu.memory_space<vmem>> -> memref<1600xi32, #tpu.memory_space<vmem>>
      %dma_wait3A_256 = tpu.memref_slice %arg4[%mul3A_251] : memref<160000xi32, #tpu.memory_space<hbm>> -> memref<1600xi32, #tpu.memory_space<hbm>>
      %dma_wait3A_257 = arith.constant 0 : i32
      %dma_wait3A_258 = tpu.memref_slice %arg11[%dma_wait3A_252, %dma_wait3A_257] : memref<2x1600xi32, #tpu.memory_space<vmem>> -> memref<1x1600xi32, #tpu.memory_space<vmem>>
      %dma_wait3A_259 = tpu.memref_squeeze %dma_wait3A_258 : memref<1x1600xi32, #tpu.memory_space<vmem>> -> memref<1600xi32, #tpu.memory_space<vmem>>
      %dma_wait3A_260 = tpu.memref_slice %arg4[%mul3A_251] : memref<160000xi32, #tpu.memory_space<hbm>> -> memref<1600xi32, #tpu.memory_space<hbm>>
      tpu.wait_dma2 semaphore(%arg14 : memref<!tpu.dma_semaphore, #tpu.memory_space<semaphore_mem>>) src(%dma_wait3A_260 : memref<1600xi32, #tpu.memory_space<hbm>>) dst(%dma_wait3A_259 : memref<1600xi32, #tpu.memory_space<vmem>>)
      %mul3A_261 = arith.constant 1600 : i32
      %mul3A_262 = arith.muli %add3A_202, %mul3A_261 : i32
      %dma_wait3A_263 = arith.constant 0 : i32
      %dma_wait3A_264 = arith.constant 0 : i32
      %dma_wait3A_265 = arith.constant 0 : i32
      %dma_wait3A_266 = tpu.memref_slice %arg12[%dma_wait3A_263, %dma_wait3A_264, %dma_wait3A_265] : memref<2x8x1600xf32, #tpu.memory_space<vmem>> -> memref<1x8x1600xf32, #tpu.memory_space<vmem>>
      %dma_wait3A_267 = tpu.memref_squeeze %dma_wait3A_266 : memref<1x8x1600xf32, #tpu.memory_space<vmem>> -> memref<8x1600xf32, #tpu.memory_space<vmem>>
      %dma_wait3A_268 = tpu.memref_slice %arg7[%mul3A_0, %mul3A_262] : memref<16x160000xf32, #tpu.memory_space<hbm>> -> memref<8x1600xf32, #tpu.memory_space<hbm>>
      %dma_wait3A_269 = arith.constant 0 : i32
      %dma_wait3A_270 = arith.constant 0 : i32
      %dma_wait3A_271 = tpu.memref_slice %arg12[%dma_wait3A_263, %dma_wait3A_269, %dma_wait3A_270] : memref<2x8x1600xf32, #tpu.memory_space<vmem>> -> memref<1x8x1600xf32, #tpu.memory_space<vmem>>
      %dma_wait3A_272 = tpu.memref_squeeze %dma_wait3A_271 : memref<1x8x1600xf32, #tpu.memory_space<vmem>> -> memref<8x1600xf32, #tpu.memory_space<vmem>>
      %dma_wait3A_273 = tpu.memref_slice %arg7[%mul3A_0, %mul3A_262] : memref<16x160000xf32, #tpu.memory_space<hbm>> -> memref<8x1600xf32, #tpu.memory_space<hbm>>
      tpu.wait_dma2 semaphore(%arg14 : memref<!tpu.dma_semaphore, #tpu.memory_space<semaphore_mem>>) src(%dma_wait3A_273 : memref<8x1600xf32, #tpu.memory_space<hbm>>) dst(%dma_wait3A_272 : memref<8x1600xf32, #tpu.memory_space<vmem>>)
      %parallel_loop3A_274 = arith.constant 0 : i32
      %parallel_loop3A_275 = arith.constant 100 : i32
      %parallel_loop3A_276 = arith.constant 1 : i32
      scf.for %parallel_loop3A_321 = %parallel_loop3A_274 to %parallel_loop3A_275 step %parallel_loop3A_276  : i32 {
        %parallel_loop3A_322 = arith.constant 16 : i32
        %parallel_loop3A_323 = arith.muli %parallel_loop3A_321, %parallel_loop3A_322 : i32
        %parallel_loop3A_324 = arith.constant 0 : i32
        %parallel_loop3A_325 = arith.index_cast %parallel_loop3A_324 : i32 to index
        %parallel_loop3A_326 = arith.index_cast %parallel_loop3A_323 : i32 to index
        %parallel_loop3A_327 = tpu.vector_load %arg10[%parallel_loop3A_325, %parallel_loop3A_326] {strides = array<i32>} : memref<2x1600xi32, #tpu.memory_space<vmem>>, vector<16xi32>,
        %parallel_loop3A_328 = arith.constant 16 : i32
        %parallel_loop3A_329 = arith.muli %parallel_loop3A_321, %parallel_loop3A_328 : i32
        %parallel_loop3A_330 = arith.constant 0 : i32
        %parallel_loop3A_331 = arith.index_cast %parallel_loop3A_330 : i32 to index
        %parallel_loop3A_332 = arith.index_cast %parallel_loop3A_329 : i32 to index
        %parallel_loop3A_333 = tpu.vector_load %arg11[%parallel_loop3A_331, %parallel_loop3A_332] {strides = array<i32>} : memref<2x1600xi32, #tpu.memory_space<vmem>>, vector<16xi32>,
        %parallel_loop3A_334 = tpu.vector_load_idx %arg9[%parallel_loop3A_327] : memref<10000xf32, #tpu.memory_space<vmem>>[vector<16xi32>], vector<16xf32>,
        %parallel_loop3A_335 = arith.constant 16 : i32
        %parallel_loop3A_336 = arith.muli %parallel_loop3A_321, %parallel_loop3A_335 : i32
        %parallel_loop3A_337 = arith.constant 0 : i32
        %parallel_loop3A_338 = arith.constant 0 : i32
        %parallel_loop3A_339 = arith.index_cast %parallel_loop3A_337 : i32 to index
        %parallel_loop3A_340 = arith.index_cast %parallel_loop3A_338 : i32 to index
        %parallel_loop3A_341 = arith.index_cast %parallel_loop3A_336 : i32 to index
        %parallel_loop3A_342 = tpu.vector_load %arg12[%parallel_loop3A_339, %parallel_loop3A_340, %parallel_loop3A_341] {strides = array<i32>} : memref<2x8x1600xf32, #tpu.memory_space<vmem>>, vector<16xf32>,
        %parallel_loop3A_343 = arith.mulf %parallel_loop3A_334, %parallel_loop3A_342 : vector<16xf32>
        tpu.vector_store_idx %arg13[%parallel_loop3A_333], %parallel_loop3A_343 {add = true} : memref<80000xf32, #tpu.memory_space<vmem>>[vector<16xi32>], vector<16xf32>,
        %parallel_loop3A_344 = arith.constant 16 : i32
        %parallel_loop3A_345 = arith.muli %parallel_loop3A_321, %parallel_loop3A_344 : i32
        %parallel_loop3A_346 = arith.constant 0 : i32
        %parallel_loop3A_347 = arith.constant 1 : i32
        %parallel_loop3A_348 = arith.index_cast %parallel_loop3A_346 : i32 to index
        %parallel_loop3A_349 = arith.index_cast %parallel_loop3A_347 : i32 to index
        %parallel_loop3A_350 = arith.index_cast %parallel_loop3A_345 : i32 to index
        %parallel_loop3A_351 = tpu.vector_load %arg12[%parallel_loop3A_348, %parallel_loop3A_349, %parallel_loop3A_350] {strides = array<i32>} : memref<2x8x1600xf32, #tpu.memory_space<vmem>>, vector<16xf32>,
        %parallel_loop3A_352 = arith.constant 10000 : i32
        %parallel_loop3A_353 = vector.broadcast %parallel_loop3A_352 : i32 to vector<16xi32>
        %parallel_loop3A_354 = arith.addi %parallel_loop3A_333, %parallel_loop3A_353 : vector<16xi32>
        %parallel_loop3A_355 = arith.mulf %parallel_loop3A_334, %parallel_loop3A_351 : vector<16xf32>
        tpu.vector_store_idx %arg13[%parallel_loop3A_354], %parallel_loop3A_355 {add = true} : memref<80000xf32, #tpu.memory_space<vmem>>[vector<16xi32>], vector<16xf32>,
        %parallel_loop3A_356 = arith.constant 16 : i32
        %parallel_loop3A_357 = arith.muli %parallel_loop3A_321, %parallel_loop3A_356 : i32
        %parallel_loop3A_358 = arith.constant 0 : i32
        %parallel_loop3A_359 = arith.constant 2 : i32
        %parallel_loop3A_360 = arith.index_cast %parallel_loop3A_358 : i32 to index
        %parallel_loop3A_361 = arith.index_cast %parallel_loop3A_359 : i32 to index
        %parallel_loop3A_362 = arith.index_cast %parallel_loop3A_357 : i32 to index
        %parallel_loop3A_363 = tpu.vector_load %arg12[%parallel_loop3A_360, %parallel_loop3A_361, %parallel_loop3A_362] {strides = array<i32>} : memref<2x8x1600xf32, #tpu.memory_space<vmem>>, vector<16xf32>,
        %parallel_loop3A_364 = arith.constant 20000 : i32
        %parallel_loop3A_365 = vector.broadcast %parallel_loop3A_364 : i32 to vector<16xi32>
        %parallel_loop3A_366 = arith.addi %parallel_loop3A_333, %parallel_loop3A_365 : vector<16xi32>
        %parallel_loop3A_367 = arith.mulf %parallel_loop3A_334, %parallel_loop3A_363 : vector<16xf32>
        tpu.vector_store_idx %arg13[%parallel_loop3A_366], %parallel_loop3A_367 {add = true} : memref<80000xf32, #tpu.memory_space<vmem>>[vector<16xi32>], vector<16xf32>,
        %parallel_loop3A_368 = arith.constant 16 : i32
        %parallel_loop3A_369 = arith.muli %parallel_loop3A_321, %parallel_loop3A_368 : i32
        %parallel_loop3A_370 = arith.constant 0 : i32
        %parallel_loop3A_371 = arith.constant 3 : i32
        %parallel_loop3A_372 = arith.index_cast %parallel_loop3A_370 : i32 to index
        %parallel_loop3A_373 = arith.index_cast %parallel_loop3A_371 : i32 to index
        %parallel_loop3A_374 = arith.index_cast %parallel_loop3A_369 : i32 to index
        %parallel_loop3A_375 = tpu.vector_load %arg12[%parallel_loop3A_372, %parallel_loop3A_373, %parallel_loop3A_374] {strides = array<i32>} : memref<2x8x1600xf32, #tpu.memory_space<vmem>>, vector<16xf32>,
        %parallel_loop3A_376 = arith.constant 30000 : i32
        %parallel_loop3A_377 = vector.broadcast %parallel_loop3A_376 : i32 to vector<16xi32>
        %parallel_loop3A_378 = arith.addi %parallel_loop3A_333, %parallel_loop3A_377 : vector<16xi32>
        %parallel_loop3A_379 = arith.mulf %parallel_loop3A_334, %parallel_loop3A_375 : vector<16xf32>
        tpu.vector_store_idx %arg13[%parallel_loop3A_378], %parallel_loop3A_379 {add = true} : memref<80000xf32, #tpu.memory_space<vmem>>[vector<16xi32>], vector<16xf32>,
        %parallel_loop3A_380 = arith.constant 16 : i32
        %parallel_loop3A_381 = arith.muli %parallel_loop3A_321, %parallel_loop3A_380 : i32
        %parallel_loop3A_382 = arith.constant 0 : i32
        %parallel_loop3A_383 = arith.constant 4 : i32
        %parallel_loop3A_384 = arith.index_cast %parallel_loop3A_382 : i32 to index
        %parallel_loop3A_385 = arith.index_cast %parallel_loop3A_383 : i32 to index
        %parallel_loop3A_386 = arith.index_cast %parallel_loop3A_381 : i32 to index
        %parallel_loop3A_387 = tpu.vector_load %arg12[%parallel_loop3A_384, %parallel_loop3A_385, %parallel_loop3A_386] {strides = array<i32>} : memref<2x8x1600xf32, #tpu.memory_space<vmem>>, vector<16xf32>,
        %parallel_loop3A_388 = arith.constant 40000 : i32
        %parallel_loop3A_389 = vector.broadcast %parallel_loop3A_388 : i32 to vector<16xi32>
        %parallel_loop3A_390 = arith.addi %parallel_loop3A_333, %parallel_loop3A_389 : vector<16xi32>
        %parallel_loop3A_391 = arith.mulf %parallel_loop3A_334, %parallel_loop3A_387 : vector<16xf32>
        tpu.vector_store_idx %arg13[%parallel_loop3A_390], %parallel_loop3A_391 {add = true} : memref<80000xf32, #tpu.memory_space<vmem>>[vector<16xi32>], vector<16xf32>,
        %parallel_loop3A_392 = arith.constant 16 : i32
        %parallel_loop3A_393 = arith.muli %parallel_loop3A_321, %parallel_loop3A_392 : i32
        %parallel_loop3A_394 = arith.constant 0 : i32
        %parallel_loop3A_395 = arith.constant 5 : i32
        %parallel_loop3A_396 = arith.index_cast %parallel_loop3A_394 : i32 to index
        %parallel_loop3A_397 = arith.index_cast %parallel_loop3A_395 : i32 to index
        %parallel_loop3A_398 = arith.index_cast %parallel_loop3A_393 : i32 to index
        %parallel_loop3A_399 = tpu.vector_load %arg12[%parallel_loop3A_396, %parallel_loop3A_397, %parallel_loop3A_398] {strides = array<i32>} : memref<2x8x1600xf32, #tpu.memory_space<vmem>>, vector<16xf32>,
        %parallel_loop3A_400 = arith.constant 50000 : i32
        %parallel_loop3A_401 = vector.broadcast %parallel_loop3A_400 : i32 to vector<16xi32>
        %parallel_loop3A_402 = arith.addi %parallel_loop3A_333, %parallel_loop3A_401 : vector<16xi32>
        %parallel_loop3A_403 = arith.mulf %parallel_loop3A_334, %parallel_loop3A_399 : vector<16xf32>
        tpu.vector_store_idx %arg13[%parallel_loop3A_402], %parallel_loop3A_403 {add = true} : memref<80000xf32, #tpu.memory_space<vmem>>[vector<16xi32>], vector<16xf32>,
        %parallel_loop3A_404 = arith.constant 16 : i32
        %parallel_loop3A_405 = arith.muli %parallel_loop3A_321, %parallel_loop3A_404 : i32
        %parallel_loop3A_406 = arith.constant 0 : i32
        %parallel_loop3A_407 = arith.constant 6 : i32
        %parallel_loop3A_408 = arith.index_cast %parallel_loop3A_406 : i32 to index
        %parallel_loop3A_409 = arith.index_cast %parallel_loop3A_407 : i32 to index
        %parallel_loop3A_410 = arith.index_cast %parallel_loop3A_405 : i32 to index
        %parallel_loop3A_411 = tpu.vector_load %arg12[%parallel_loop3A_408, %parallel_loop3A_409, %parallel_loop3A_410] {strides = array<i32>} : memref<2x8x1600xf32, #tpu.memory_space<vmem>>, vector<16xf32>,
        %parallel_loop3A_412 = arith.constant 60000 : i32
        %parallel_loop3A_413 = vector.broadcast %parallel_loop3A_412 : i32 to vector<16xi32>
        %parallel_loop3A_414 = arith.addi %parallel_loop3A_333, %parallel_loop3A_413 : vector<16xi32>
        %parallel_loop3A_415 = arith.mulf %parallel_loop3A_334, %parallel_loop3A_411 : vector<16xf32>
        tpu.vector_store_idx %arg13[%parallel_loop3A_414], %parallel_loop3A_415 {add = true} : memref<80000xf32, #tpu.memory_space<vmem>>[vector<16xi32>], vector<16xf32>,
        %parallel_loop3A_416 = arith.constant 16 : i32
        %parallel_loop3A_417 = arith.muli %parallel_loop3A_321, %parallel_loop3A_416 : i32
        %parallel_loop3A_418 = arith.constant 0 : i32
        %parallel_loop3A_419 = arith.constant 7 : i32
        %parallel_loop3A_420 = arith.index_cast %parallel_loop3A_418 : i32 to index
        %parallel_loop3A_421 = arith.index_cast %parallel_loop3A_419 : i32 to index
        %parallel_loop3A_422 = arith.index_cast %parallel_loop3A_417 : i32 to index
        %parallel_loop3A_423 = tpu.vector_load %arg12[%parallel_loop3A_420, %parallel_loop3A_421, %parallel_loop3A_422] {strides = array<i32>} : memref<2x8x1600xf32, #tpu.memory_space<vmem>>, vector<16xf32>,
        %parallel_loop3A_424 = arith.constant 70000 : i32
        %parallel_loop3A_425 = vector.broadcast %parallel_loop3A_424 : i32 to vector<16xi32>
        %parallel_loop3A_426 = arith.addi %parallel_loop3A_333, %parallel_loop3A_425 : vector<16xi32>
        %parallel_loop3A_427 = arith.mulf %parallel_loop3A_334, %parallel_loop3A_423 : vector<16xf32>
        tpu.vector_store_idx %arg13[%parallel_loop3A_426], %parallel_loop3A_427 {add = true} : memref<80000xf32, #tpu.memory_space<vmem>>[vector<16xi32>], vector<16xf32>,
      } {sc.loop_unroll_factor = 4 : i64, sc.parallel_access}
      %add3A_277 = arith.constant 2 : i32
      %add3A_278 = arith.addi %add3A_202, %add3A_277 : i32
      %lt3A = arith.constant 100 : i32
      %lt3A_279 = arith.cmpi slt, %add3A_278, %lt3A : i32
      %convert_element_type3A = arith.extui %lt3A_279 : i1 to i32
      %cond3A = arith.constant 0 : i32
      %cond3A_280 = arith.cmpi ne, %convert_element_type3A, %cond3A : i32
      scf.if %cond3A_280 {
        %add3A_321 = arith.constant 2 : i32
        %add3A_322 = arith.addi %add3A_202, %add3A_321 : i32
        %mul3A_323 = arith.constant 1600 : i32
        %mul3A_324 = arith.muli %add3A_322, %mul3A_323 : i32
        %dma_start3A_325 = arith.constant 0 : i32
        %dma_start3A_326 = arith.constant 0 : i32
        %dma_start3A_327 = tpu.memref_slice %arg10[%dma_start3A_325, %dma_start3A_326] : memref<2x1600xi32, #tpu.memory_space<vmem>> -> memref<1x1600xi32, #tpu.memory_space<vmem>>
        %dma_start3A_328 = tpu.memref_squeeze %dma_start3A_327 : memref<1x1600xi32, #tpu.memory_space<vmem>> -> memref<1600xi32, #tpu.memory_space<vmem>>
        %dma_start3A_329 = tpu.memref_slice %arg3[%mul3A_324] : memref<160000xi32, #tpu.memory_space<hbm>> -> memref<1600xi32, #tpu.memory_space<hbm>>
        %dma_start3A_330 = arith.constant 0 : i32
        %dma_start3A_331 = tpu.memref_slice %arg10[%dma_start3A_325, %dma_start3A_330] : memref<2x1600xi32, #tpu.memory_space<vmem>> -> memref<1x1600xi32, #tpu.memory_space<vmem>>
        %dma_start3A_332 = tpu.memref_squeeze %dma_start3A_331 : memref<1x1600xi32, #tpu.memory_space<vmem>> -> memref<1600xi32, #tpu.memory_space<vmem>>
        %dma_start3A_333 = tpu.memref_slice %arg3[%mul3A_324] : memref<160000xi32, #tpu.memory_space<hbm>> -> memref<1600xi32, #tpu.memory_space<hbm>>
        tpu.enqueue_dma source(%dma_start3A_333 : memref<1600xi32, #tpu.memory_space<hbm>>) target(%dma_start3A_332 : memref<1600xi32, #tpu.memory_space<vmem>>) target_semaphore(%arg14 : memref<!tpu.dma_semaphore, #tpu.memory_space<semaphore_mem>>)
        %mul3A_334 = arith.constant 1600 : i32
        %mul3A_335 = arith.muli %add3A_322, %mul3A_334 : i32
        %dma_start3A_336 = arith.constant 0 : i32
        %dma_start3A_337 = arith.constant 0 : i32
        %dma_start3A_338 = tpu.memref_slice %arg11[%dma_start3A_336, %dma_start3A_337] : memref<2x1600xi32, #tpu.memory_space<vmem>> -> memref<1x1600xi32, #tpu.memory_space<vmem>>
        %dma_start3A_339 = tpu.memref_squeeze %dma_start3A_338 : memref<1x1600xi32, #tpu.memory_space<vmem>> -> memref<1600xi32, #tpu.memory_space<vmem>>
        %dma_start3A_340 = tpu.memref_slice %arg4[%mul3A_335] : memref<160000xi32, #tpu.memory_space<hbm>> -> memref<1600xi32, #tpu.memory_space<hbm>>
        %dma_start3A_341 = arith.constant 0 : i32
        %dma_start3A_342 = tpu.memref_slice %arg11[%dma_start3A_336, %dma_start3A_341] : memref<2x1600xi32, #tpu.memory_space<vmem>> -> memref<1x1600xi32, #tpu.memory_space<vmem>>
        %dma_start3A_343 = tpu.memref_squeeze %dma_start3A_342 : memref<1x1600xi32, #tpu.memory_space<vmem>> -> memref<1600xi32, #tpu.memory_space<vmem>>
        %dma_start3A_344 = tpu.memref_slice %arg4[%mul3A_335] : memref<160000xi32, #tpu.memory_space<hbm>> -> memref<1600xi32, #tpu.memory_space<hbm>>
        tpu.enqueue_dma source(%dma_start3A_344 : memref<1600xi32, #tpu.memory_space<hbm>>) target(%dma_start3A_343 : memref<1600xi32, #tpu.memory_space<vmem>>) target_semaphore(%arg14 : memref<!tpu.dma_semaphore, #tpu.memory_space<semaphore_mem>>)
        %mul3A_345 = arith.constant 1600 : i32
        %mul3A_346 = arith.muli %add3A_322, %mul3A_345 : i32
        %dma_start3A_347 = arith.constant 0 : i32
        %dma_start3A_348 = arith.constant 0 : i32
        %dma_start3A_349 = arith.constant 0 : i32
        %dma_start3A_350 = tpu.memref_slice %arg12[%dma_start3A_347, %dma_start3A_348, %dma_start3A_349] : memref<2x8x1600xf32, #tpu.memory_space<vmem>> -> memref<1x8x1600xf32, #tpu.memory_space<vmem>>
        %dma_start3A_351 = tpu.memref_squeeze %dma_start3A_350 : memref<1x8x1600xf32, #tpu.memory_space<vmem>> -> memref<8x1600xf32, #tpu.memory_space<vmem>>
        %dma_start3A_352 = tpu.memref_slice %arg7[%mul3A_0, %mul3A_346] : memref<16x160000xf32, #tpu.memory_space<hbm>> -> memref<8x1600xf32, #tpu.memory_space<hbm>>
        %dma_start3A_353 = arith.constant 0 : i32
        %dma_start3A_354 = arith.constant 0 : i32
        %dma_start3A_355 = tpu.memref_slice %arg12[%dma_start3A_347, %dma_start3A_353, %dma_start3A_354] : memref<2x8x1600xf32, #tpu.memory_space<vmem>> -> memref<1x8x1600xf32, #tpu.memory_space<vmem>>
        %dma_start3A_356 = tpu.memref_squeeze %dma_start3A_355 : memref<1x8x1600xf32, #tpu.memory_space<vmem>> -> memref<8x1600xf32, #tpu.memory_space<vmem>>
        %dma_start3A_357 = tpu.memref_slice %arg7[%mul3A_0, %mul3A_346] : memref<16x160000xf32, #tpu.memory_space<hbm>> -> memref<8x1600xf32, #tpu.memory_space<hbm>>
        tpu.enqueue_dma source(%dma_start3A_357 : memref<8x1600xf32, #tpu.memory_space<hbm>>) target(%dma_start3A_356 : memref<8x1600xf32, #tpu.memory_space<vmem>>) target_semaphore(%arg14 : memref<!tpu.dma_semaphore, #tpu.memory_space<semaphore_mem>>)
      } else {
      }
      %add3A_281 = arith.constant 1 : i32
      %add3A_282 = arith.addi %add3A_202, %add3A_281 : i32
      %mul3A_283 = arith.constant 1600 : i32
      %mul3A_284 = arith.muli %add3A_282, %mul3A_283 : i32
      %dma_wait3A_285 = arith.constant 1 : i32
      %dma_wait3A_286 = arith.constant 0 : i32
      %dma_wait3A_287 = tpu.memref_slice %arg10[%dma_wait3A_285, %dma_wait3A_286] : memref<2x1600xi32, #tpu.memory_space<vmem>> -> memref<1x1600xi32, #tpu.memory_space<vmem>>
      %dma_wait3A_288 = tpu.memref_squeeze %dma_wait3A_287 : memref<1x1600xi32, #tpu.memory_space<vmem>> -> memref<1600xi32, #tpu.memory_space<vmem>>
      %dma_wait3A_289 = tpu.memref_slice %arg3[%mul3A_284] : memref<160000xi32, #tpu.memory_space<hbm>> -> memref<1600xi32, #tpu.memory_space<hbm>>
      %dma_wait3A_290 = arith.constant 0 : i32
      %dma_wait3A_291 = tpu.memref_slice %arg10[%dma_wait3A_285, %dma_wait3A_290] : memref<2x1600xi32, #tpu.memory_space<vmem>> -> memref<1x1600xi32, #tpu.memory_space<vmem>>
      %dma_wait3A_292 = tpu.memref_squeeze %dma_wait3A_291 : memref<1x1600xi32, #tpu.memory_space<vmem>> -> memref<1600xi32, #tpu.memory_space<vmem>>
      %dma_wait3A_293 = tpu.memref_slice %arg3[%mul3A_284] : memref<160000xi32, #tpu.memory_space<hbm>> -> memref<1600xi32, #tpu.memory_space<hbm>>
      tpu.wait_dma2 semaphore(%arg15 : memref<!tpu.dma_semaphore, #tpu.memory_space<semaphore_mem>>) src(%dma_wait3A_293 : memref<1600xi32, #tpu.memory_space<hbm>>) dst(%dma_wait3A_292 : memref<1600xi32, #tpu.memory_space<vmem>>)
      %mul3A_294 = arith.constant 1600 : i32
      %mul3A_295 = arith.muli %add3A_282, %mul3A_294 : i32
      %dma_wait3A_296 = arith.constant 1 : i32
      %dma_wait3A_297 = arith.constant 0 : i32
      %dma_wait3A_298 = tpu.memref_slice %arg11[%dma_wait3A_296, %dma_wait3A_297] : memref<2x1600xi32, #tpu.memory_space<vmem>> -> memref<1x1600xi32, #tpu.memory_space<vmem>>
      %dma_wait3A_299 = tpu.memref_squeeze %dma_wait3A_298 : memref<1x1600xi32, #tpu.memory_space<vmem>> -> memref<1600xi32, #tpu.memory_space<vmem>>
      %dma_wait3A_300 = tpu.memref_slice %arg4[%mul3A_295] : memref<160000xi32, #tpu.memory_space<hbm>> -> memref<1600xi32, #tpu.memory_space<hbm>>
      %dma_wait3A_301 = arith.constant 0 : i32
      %dma_wait3A_302 = tpu.memref_slice %arg11[%dma_wait3A_296, %dma_wait3A_301] : memref<2x1600xi32, #tpu.memory_space<vmem>> -> memref<1x1600xi32, #tpu.memory_space<vmem>>
      %dma_wait3A_303 = tpu.memref_squeeze %dma_wait3A_302 : memref<1x1600xi32, #tpu.memory_space<vmem>> -> memref<1600xi32, #tpu.memory_space<vmem>>
      %dma_wait3A_304 = tpu.memref_slice %arg4[%mul3A_295] : memref<160000xi32, #tpu.memory_space<hbm>> -> memref<1600xi32, #tpu.memory_space<hbm>>
      tpu.wait_dma2 semaphore(%arg15 : memref<!tpu.dma_semaphore, #tpu.memory_space<semaphore_mem>>) src(%dma_wait3A_304 : memref<1600xi32, #tpu.memory_space<hbm>>) dst(%dma_wait3A_303 : memref<1600xi32, #tpu.memory_space<vmem>>)
      %mul3A_305 = arith.constant 1600 : i32
      %mul3A_306 = arith.muli %add3A_282, %mul3A_305 : i32
      %dma_wait3A_307 = arith.constant 1 : i32
      %dma_wait3A_308 = arith.constant 0 : i32
      %dma_wait3A_309 = arith.constant 0 : i32
      %dma_wait3A_310 = tpu.memref_slice %arg12[%dma_wait3A_307, %dma_wait3A_308, %dma_wait3A_309] : memref<2x8x1600xf32, #tpu.memory_space<vmem>> -> memref<1x8x1600xf32, #tpu.memory_space<vmem>>
      %dma_wait3A_311 = tpu.memref_squeeze %dma_wait3A_310 : memref<1x8x1600xf32, #tpu.memory_space<vmem>> -> memref<8x1600xf32, #tpu.memory_space<vmem>>
      %dma_wait3A_312 = tpu.memref_slice %arg7[%mul3A_0, %mul3A_306] : memref<16x160000xf32, #tpu.memory_space<hbm>> -> memref<8x1600xf32, #tpu.memory_space<hbm>>
      %dma_wait3A_313 = arith.constant 0 : i32
      %dma_wait3A_314 = arith.constant 0 : i32
      %dma_wait3A_315 = tpu.memref_slice %arg12[%dma_wait3A_307, %dma_wait3A_313, %dma_wait3A_314] : memref<2x8x1600xf32, #tpu.memory_space<vmem>> -> memref<1x8x1600xf32, #tpu.memory_space<vmem>>
      %dma_wait3A_316 = tpu.memref_squeeze %dma_wait3A_315 : memref<1x8x1600xf32, #tpu.memory_space<vmem>> -> memref<8x1600xf32, #tpu.memory_space<vmem>>
      %dma_wait3A_317 = tpu.memref_slice %arg7[%mul3A_0, %mul3A_306] : memref<16x160000xf32, #tpu.memory_space<hbm>> -> memref<8x1600xf32, #tpu.memory_space<hbm>>
      tpu.wait_dma2 semaphore(%arg15 : memref<!tpu.dma_semaphore, #tpu.memory_space<semaphore_mem>>) src(%dma_wait3A_317 : memref<8x1600xf32, #tpu.memory_space<hbm>>) dst(%dma_wait3A_316 : memref<8x1600xf32, #tpu.memory_space<vmem>>)
      %parallel_loop3A_318 = arith.constant 0 : i32
      %parallel_loop3A_319 = arith.constant 100 : i32
      %parallel_loop3A_320 = arith.constant 1 : i32
      scf.for %parallel_loop3A_321 = %parallel_loop3A_318 to %parallel_loop3A_319 step %parallel_loop3A_320  : i32 {
        %parallel_loop3A_322 = arith.constant 16 : i32
        %parallel_loop3A_323 = arith.muli %parallel_loop3A_321, %parallel_loop3A_322 : i32
        %parallel_loop3A_324 = arith.constant 1 : i32
        %parallel_loop3A_325 = arith.index_cast %parallel_loop3A_324 : i32 to index
        %parallel_loop3A_326 = arith.index_cast %parallel_loop3A_323 : i32 to index
        %parallel_loop3A_327 = tpu.vector_load %arg10[%parallel_loop3A_325, %parallel_loop3A_326] {strides = array<i32>} : memref<2x1600xi32, #tpu.memory_space<vmem>>, vector<16xi32>,
        %parallel_loop3A_328 = arith.constant 16 : i32
        %parallel_loop3A_329 = arith.muli %parallel_loop3A_321, %parallel_loop3A_328 : i32
        %parallel_loop3A_330 = arith.constant 1 : i32
        %parallel_loop3A_331 = arith.index_cast %parallel_loop3A_330 : i32 to index
        %parallel_loop3A_332 = arith.index_cast %parallel_loop3A_329 : i32 to index
        %parallel_loop3A_333 = tpu.vector_load %arg11[%parallel_loop3A_331, %parallel_loop3A_332] {strides = array<i32>} : memref<2x1600xi32, #tpu.memory_space<vmem>>, vector<16xi32>,
        %parallel_loop3A_334 = tpu.vector_load_idx %arg9[%parallel_loop3A_327] : memref<10000xf32, #tpu.memory_space<vmem>>[vector<16xi32>], vector<16xf32>,
        %parallel_loop3A_335 = arith.constant 16 : i32
        %parallel_loop3A_336 = arith.muli %parallel_loop3A_321, %parallel_loop3A_335 : i32
        %parallel_loop3A_337 = arith.constant 1 : i32
        %parallel_loop3A_338 = arith.constant 0 : i32
        %parallel_loop3A_339 = arith.index_cast %parallel_loop3A_337 : i32 to index
        %parallel_loop3A_340 = arith.index_cast %parallel_loop3A_338 : i32 to index
        %parallel_loop3A_341 = arith.index_cast %parallel_loop3A_336 : i32 to index
        %parallel_loop3A_342 = tpu.vector_load %arg12[%parallel_loop3A_339, %parallel_loop3A_340, %parallel_loop3A_341] {strides = array<i32>} : memref<2x8x1600xf32, #tpu.memory_space<vmem>>, vector<16xf32>,
        %parallel_loop3A_343 = arith.mulf %parallel_loop3A_334, %parallel_loop3A_342 : vector<16xf32>
        tpu.vector_store_idx %arg13[%parallel_loop3A_333], %parallel_loop3A_343 {add = true} : memref<80000xf32, #tpu.memory_space<vmem>>[vector<16xi32>], vector<16xf32>,
        %parallel_loop3A_344 = arith.constant 16 : i32
        %parallel_loop3A_345 = arith.muli %parallel_loop3A_321, %parallel_loop3A_344 : i32
        %parallel_loop3A_346 = arith.constant 1 : i32
        %parallel_loop3A_347 = arith.constant 1 : i32
        %parallel_loop3A_348 = arith.index_cast %parallel_loop3A_346 : i32 to index
        %parallel_loop3A_349 = arith.index_cast %parallel_loop3A_347 : i32 to index
        %parallel_loop3A_350 = arith.index_cast %parallel_loop3A_345 : i32 to index
        %parallel_loop3A_351 = tpu.vector_load %arg12[%parallel_loop3A_348, %parallel_loop3A_349, %parallel_loop3A_350] {strides = array<i32>} : memref<2x8x1600xf32, #tpu.memory_space<vmem>>, vector<16xf32>,
        %parallel_loop3A_352 = arith.constant 10000 : i32
        %parallel_loop3A_353 = vector.broadcast %parallel_loop3A_352 : i32 to vector<16xi32>
        %parallel_loop3A_354 = arith.addi %parallel_loop3A_333, %parallel_loop3A_353 : vector<16xi32>
        %parallel_loop3A_355 = arith.mulf %parallel_loop3A_334, %parallel_loop3A_351 : vector<16xf32>
        tpu.vector_store_idx %arg13[%parallel_loop3A_354], %parallel_loop3A_355 {add = true} : memref<80000xf32, #tpu.memory_space<vmem>>[vector<16xi32>], vector<16xf32>,
        %parallel_loop3A_356 = arith.constant 16 : i32
        %parallel_loop3A_357 = arith.muli %parallel_loop3A_321, %parallel_loop3A_356 : i32
        %parallel_loop3A_358 = arith.constant 1 : i32
        %parallel_loop3A_359 = arith.constant 2 : i32
        %parallel_loop3A_360 = arith.index_cast %parallel_loop3A_358 : i32 to index
        %parallel_loop3A_361 = arith.index_cast %parallel_loop3A_359 : i32 to index
        %parallel_loop3A_362 = arith.index_cast %parallel_loop3A_357 : i32 to index
        %parallel_loop3A_363 = tpu.vector_load %arg12[%parallel_loop3A_360, %parallel_loop3A_361, %parallel_loop3A_362] {strides = array<i32>} : memref<2x8x1600xf32, #tpu.memory_space<vmem>>, vector<16xf32>,
        %parallel_loop3A_364 = arith.constant 20000 : i32
        %parallel_loop3A_365 = vector.broadcast %parallel_loop3A_364 : i32 to vector<16xi32>
        %parallel_loop3A_366 = arith.addi %parallel_loop3A_333, %parallel_loop3A_365 : vector<16xi32>
        %parallel_loop3A_367 = arith.mulf %parallel_loop3A_334, %parallel_loop3A_363 : vector<16xf32>
        tpu.vector_store_idx %arg13[%parallel_loop3A_366], %parallel_loop3A_367 {add = true} : memref<80000xf32, #tpu.memory_space<vmem>>[vector<16xi32>], vector<16xf32>,
        %parallel_loop3A_368 = arith.constant 16 : i32
        %parallel_loop3A_369 = arith.muli %parallel_loop3A_321, %parallel_loop3A_368 : i32
        %parallel_loop3A_370 = arith.constant 1 : i32
        %parallel_loop3A_371 = arith.constant 3 : i32
        %parallel_loop3A_372 = arith.index_cast %parallel_loop3A_370 : i32 to index
        %parallel_loop3A_373 = arith.index_cast %parallel_loop3A_371 : i32 to index
        %parallel_loop3A_374 = arith.index_cast %parallel_loop3A_369 : i32 to index
        %parallel_loop3A_375 = tpu.vector_load %arg12[%parallel_loop3A_372, %parallel_loop3A_373, %parallel_loop3A_374] {strides = array<i32>} : memref<2x8x1600xf32, #tpu.memory_space<vmem>>, vector<16xf32>,
        %parallel_loop3A_376 = arith.constant 30000 : i32
        %parallel_loop3A_377 = vector.broadcast %parallel_loop3A_376 : i32 to vector<16xi32>
        %parallel_loop3A_378 = arith.addi %parallel_loop3A_333, %parallel_loop3A_377 : vector<16xi32>
        %parallel_loop3A_379 = arith.mulf %parallel_loop3A_334, %parallel_loop3A_375 : vector<16xf32>
        tpu.vector_store_idx %arg13[%parallel_loop3A_378], %parallel_loop3A_379 {add = true} : memref<80000xf32, #tpu.memory_space<vmem>>[vector<16xi32>], vector<16xf32>,
        %parallel_loop3A_380 = arith.constant 16 : i32
        %parallel_loop3A_381 = arith.muli %parallel_loop3A_321, %parallel_loop3A_380 : i32
        %parallel_loop3A_382 = arith.constant 1 : i32
        %parallel_loop3A_383 = arith.constant 4 : i32
        %parallel_loop3A_384 = arith.index_cast %parallel_loop3A_382 : i32 to index
        %parallel_loop3A_385 = arith.index_cast %parallel_loop3A_383 : i32 to index
        %parallel_loop3A_386 = arith.index_cast %parallel_loop3A_381 : i32 to index
        %parallel_loop3A_387 = tpu.vector_load %arg12[%parallel_loop3A_384, %parallel_loop3A_385, %parallel_loop3A_386] {strides = array<i32>} : memref<2x8x1600xf32, #tpu.memory_space<vmem>>, vector<16xf32>,
        %parallel_loop3A_388 = arith.constant 40000 : i32
        %parallel_loop3A_389 = vector.broadcast %parallel_loop3A_388 : i32 to vector<16xi32>
        %parallel_loop3A_390 = arith.addi %parallel_loop3A_333, %parallel_loop3A_389 : vector<16xi32>
        %parallel_loop3A_391 = arith.mulf %parallel_loop3A_334, %parallel_loop3A_387 : vector<16xf32>
        tpu.vector_store_idx %arg13[%parallel_loop3A_390], %parallel_loop3A_391 {add = true} : memref<80000xf32, #tpu.memory_space<vmem>>[vector<16xi32>], vector<16xf32>,
        %parallel_loop3A_392 = arith.constant 16 : i32
        %parallel_loop3A_393 = arith.muli %parallel_loop3A_321, %parallel_loop3A_392 : i32
        %parallel_loop3A_394 = arith.constant 1 : i32
        %parallel_loop3A_395 = arith.constant 5 : i32
        %parallel_loop3A_396 = arith.index_cast %parallel_loop3A_394 : i32 to index
        %parallel_loop3A_397 = arith.index_cast %parallel_loop3A_395 : i32 to index
        %parallel_loop3A_398 = arith.index_cast %parallel_loop3A_393 : i32 to index
        %parallel_loop3A_399 = tpu.vector_load %arg12[%parallel_loop3A_396, %parallel_loop3A_397, %parallel_loop3A_398] {strides = array<i32>} : memref<2x8x1600xf32, #tpu.memory_space<vmem>>, vector<16xf32>,
        %parallel_loop3A_400 = arith.constant 50000 : i32
        %parallel_loop3A_401 = vector.broadcast %parallel_loop3A_400 : i32 to vector<16xi32>
        %parallel_loop3A_402 = arith.addi %parallel_loop3A_333, %parallel_loop3A_401 : vector<16xi32>
        %parallel_loop3A_403 = arith.mulf %parallel_loop3A_334, %parallel_loop3A_399 : vector<16xf32>
        tpu.vector_store_idx %arg13[%parallel_loop3A_402], %parallel_loop3A_403 {add = true} : memref<80000xf32, #tpu.memory_space<vmem>>[vector<16xi32>], vector<16xf32>,
        %parallel_loop3A_404 = arith.constant 16 : i32
        %parallel_loop3A_405 = arith.muli %parallel_loop3A_321, %parallel_loop3A_404 : i32
        %parallel_loop3A_406 = arith.constant 1 : i32
        %parallel_loop3A_407 = arith.constant 6 : i32
        %parallel_loop3A_408 = arith.index_cast %parallel_loop3A_406 : i32 to index
        %parallel_loop3A_409 = arith.index_cast %parallel_loop3A_407 : i32 to index
        %parallel_loop3A_410 = arith.index_cast %parallel_loop3A_405 : i32 to index
        %parallel_loop3A_411 = tpu.vector_load %arg12[%parallel_loop3A_408, %parallel_loop3A_409, %parallel_loop3A_410] {strides = array<i32>} : memref<2x8x1600xf32, #tpu.memory_space<vmem>>, vector<16xf32>,
        %parallel_loop3A_412 = arith.constant 60000 : i32
        %parallel_loop3A_413 = vector.broadcast %parallel_loop3A_412 : i32 to vector<16xi32>
        %parallel_loop3A_414 = arith.addi %parallel_loop3A_333, %parallel_loop3A_413 : vector<16xi32>
        %parallel_loop3A_415 = arith.mulf %parallel_loop3A_334, %parallel_loop3A_411 : vector<16xf32>
        tpu.vector_store_idx %arg13[%parallel_loop3A_414], %parallel_loop3A_415 {add = true} : memref<80000xf32, #tpu.memory_space<vmem>>[vector<16xi32>], vector<16xf32>,
        %parallel_loop3A_416 = arith.constant 16 : i32
        %parallel_loop3A_417 = arith.muli %parallel_loop3A_321, %parallel_loop3A_416 : i32
        %parallel_loop3A_418 = arith.constant 1 : i32
        %parallel_loop3A_419 = arith.constant 7 : i32
        %parallel_loop3A_420 = arith.index_cast %parallel_loop3A_418 : i32 to index
        %parallel_loop3A_421 = arith.index_cast %parallel_loop3A_419 : i32 to index
        %parallel_loop3A_422 = arith.index_cast %parallel_loop3A_417 : i32 to index
        %parallel_loop3A_423 = tpu.vector_load %arg12[%parallel_loop3A_420, %parallel_loop3A_421, %parallel_loop3A_422] {strides = array<i32>} : memref<2x8x1600xf32, #tpu.memory_space<vmem>>, vector<16xf32>,
        %parallel_loop3A_424 = arith.constant 70000 : i32
        %parallel_loop3A_425 = vector.broadcast %parallel_loop3A_424 : i32 to vector<16xi32>
        %parallel_loop3A_426 = arith.addi %parallel_loop3A_333, %parallel_loop3A_425 : vector<16xi32>
        %parallel_loop3A_427 = arith.mulf %parallel_loop3A_334, %parallel_loop3A_423 : vector<16xf32>
        tpu.vector_store_idx %arg13[%parallel_loop3A_426], %parallel_loop3A_427 {add = true} : memref<80000xf32, #tpu.memory_space<vmem>>[vector<16xi32>], vector<16xf32>,
      } {sc.loop_unroll_factor = 4 : i64, sc.parallel_access}
    }
    %scan3A_173 = arith.constant 50 : i32
    %add3A_174 = arith.constant 0 : i32
    %add3A_175 = arith.addi %mul3A_0, %add3A_174 : i32
    %run_scoped3A_176 = arith.constant 2 : i32
    "tpu.region"() ({
      %run_scoped3A_198 = tpu.sem_alloc : memref<!tpu.dma_semaphore, #tpu.memory_space<semaphore_mem>>
      %dma_start3A_199 = arith.constant 0 : i32
      %dma_start3A_200 = tpu.memref_slice %arg13[%dma_start3A_199] : memref<80000xf32, #tpu.memory_space<vmem>> -> memref<10000xf32, #tpu.memory_space<vmem>>
      %dma_start3A_201 = arith.constant 0 : i32
      %dma_start3A_202 = tpu.memref_slice %arg8[%run_scoped3A_176, %add3A_175, %arg1, %dma_start3A_201] : memref<3x16x16x10000xf32, #tpu.memory_space<hbm>> -> memref<1x1x1x10000xf32, #tpu.memory_space<hbm>>
      %dma_start3A_203 = tpu.memref_squeeze %dma_start3A_202 : memref<1x1x1x10000xf32, #tpu.memory_space<hbm>> -> memref<10000xf32, #tpu.memory_space<hbm>>
      %dma_start3A_204 = arith.constant 0 : i32
      %dma_start3A_205 = tpu.memref_slice %arg8[%run_scoped3A_176, %add3A_175, %arg1, %dma_start3A_204] : memref<3x16x16x10000xf32, #tpu.memory_space<hbm>> -> memref<1x1x1x10000xf32, #tpu.memory_space<hbm>>
      %dma_start3A_206 = tpu.memref_squeeze %dma_start3A_205 : memref<1x1x1x10000xf32, #tpu.memory_space<hbm>> -> memref<10000xf32, #tpu.memory_space<hbm>>
      %dma_start3A_207 = arith.constant 0 : i32
      %dma_start3A_208 = tpu.memref_slice %arg13[%dma_start3A_207] : memref<80000xf32, #tpu.memory_space<vmem>> -> memref<10000xf32, #tpu.memory_space<vmem>>
      tpu.enqueue_dma source(%dma_start3A_208 : memref<10000xf32, #tpu.memory_space<vmem>>) target(%dma_start3A_206 : memref<10000xf32, #tpu.memory_space<hbm>>) target_semaphore(%run_scoped3A_198 : memref<!tpu.dma_semaphore, #tpu.memory_space<semaphore_mem>>)
      %dma_wait3A = arith.constant 0 : i32
      %dma_wait3A_209 = tpu.memref_slice %arg13[%dma_wait3A] : memref<80000xf32, #tpu.memory_space<vmem>> -> memref<10000xf32, #tpu.memory_space<vmem>>
      %dma_wait3A_210 = arith.constant 0 : i32
      %dma_wait3A_211 = tpu.memref_slice %arg8[%run_scoped3A_176, %add3A_175, %arg1, %dma_wait3A_210] : memref<3x16x16x10000xf32, #tpu.memory_space<hbm>> -> memref<1x1x1x10000xf32, #tpu.memory_space<hbm>>
      %dma_wait3A_212 = tpu.memref_squeeze %dma_wait3A_211 : memref<1x1x1x10000xf32, #tpu.memory_space<hbm>> -> memref<10000xf32, #tpu.memory_space<hbm>>
      %dma_wait3A_213 = arith.constant 0 : i32
      %dma_wait3A_214 = tpu.memref_slice %arg8[%run_scoped3A_176, %add3A_175, %arg1, %dma_wait3A_213] : memref<3x16x16x10000xf32, #tpu.memory_space<hbm>> -> memref<1x1x1x10000xf32, #tpu.memory_space<hbm>>
      %dma_wait3A_215 = tpu.memref_squeeze %dma_wait3A_214 : memref<1x1x1x10000xf32, #tpu.memory_space<hbm>> -> memref<10000xf32, #tpu.memory_space<hbm>>
      %dma_wait3A_216 = arith.constant 0 : i32
      %dma_wait3A_217 = tpu.memref_slice %arg13[%dma_wait3A_216] : memref<80000xf32, #tpu.memory_space<vmem>> -> memref<10000xf32, #tpu.memory_space<vmem>>
      tpu.wait_dma2 semaphore(%run_scoped3A_198 : memref<!tpu.dma_semaphore, #tpu.memory_space<semaphore_mem>>) src(%dma_wait3A_217 : memref<10000xf32, #tpu.memory_space<vmem>>) dst(%dma_wait3A_215 : memref<10000xf32, #tpu.memory_space<hbm>>)
      tpu.yield
    }) : () -> ()
    %add3A_177 = arith.constant 1 : i32
    %add3A_178 = arith.addi %mul3A_0, %add3A_177 : i32
    %run_scoped3A_179 = arith.constant 2 : i32
    "tpu.region"() ({
      %run_scoped3A_198 = tpu.sem_alloc : memref<!tpu.dma_semaphore, #tpu.memory_space<semaphore_mem>>
      %dma_start3A_199 = arith.constant 10000 : i32
      %dma_start3A_200 = tpu.memref_slice %arg13[%dma_start3A_199] : memref<80000xf32, #tpu.memory_space<vmem>> -> memref<10000xf32, #tpu.memory_space<vmem>>
      %dma_start3A_201 = arith.constant 0 : i32
      %dma_start3A_202 = tpu.memref_slice %arg8[%run_scoped3A_179, %add3A_178, %arg1, %dma_start3A_201] : memref<3x16x16x10000xf32, #tpu.memory_space<hbm>> -> memref<1x1x1x10000xf32, #tpu.memory_space<hbm>>
      %dma_start3A_203 = tpu.memref_squeeze %dma_start3A_202 : memref<1x1x1x10000xf32, #tpu.memory_space<hbm>> -> memref<10000xf32, #tpu.memory_space<hbm>>
      %dma_start3A_204 = arith.constant 0 : i32
      %dma_start3A_205 = tpu.memref_slice %arg8[%run_scoped3A_179, %add3A_178, %arg1, %dma_start3A_204] : memref<3x16x16x10000xf32, #tpu.memory_space<hbm>> -> memref<1x1x1x10000xf32, #tpu.memory_space<hbm>>
      %dma_start3A_206 = tpu.memref_squeeze %dma_start3A_205 : memref<1x1x1x10000xf32, #tpu.memory_space<hbm>> -> memref<10000xf32, #tpu.memory_space<hbm>>
      %dma_start3A_207 = arith.constant 10000 : i32
      %dma_start3A_208 = tpu.memref_slice %arg13[%dma_start3A_207] : memref<80000xf32, #tpu.memory_space<vmem>> -> memref<10000xf32, #tpu.memory_space<vmem>>
      tpu.enqueue_dma source(%dma_start3A_208 : memref<10000xf32, #tpu.memory_space<vmem>>) target(%dma_start3A_206 : memref<10000xf32, #tpu.memory_space<hbm>>) target_semaphore(%run_scoped3A_198 : memref<!tpu.dma_semaphore, #tpu.memory_space<semaphore_mem>>)
      %dma_wait3A = arith.constant 10000 : i32
      %dma_wait3A_209 = tpu.memref_slice %arg13[%dma_wait3A] : memref<80000xf32, #tpu.memory_space<vmem>> -> memref<10000xf32, #tpu.memory_space<vmem>>
      %dma_wait3A_210 = arith.constant 0 : i32
      %dma_wait3A_211 = tpu.memref_slice %arg8[%run_scoped3A_179, %add3A_178, %arg1, %dma_wait3A_210] : memref<3x16x16x10000xf32, #tpu.memory_space<hbm>> -> memref<1x1x1x10000xf32, #tpu.memory_space<hbm>>
      %dma_wait3A_212 = tpu.memref_squeeze %dma_wait3A_211 : memref<1x1x1x10000xf32, #tpu.memory_space<hbm>> -> memref<10000xf32, #tpu.memory_space<hbm>>
      %dma_wait3A_213 = arith.constant 0 : i32
      %dma_wait3A_214 = tpu.memref_slice %arg8[%run_scoped3A_179, %add3A_178, %arg1, %dma_wait3A_213] : memref<3x16x16x10000xf32, #tpu.memory_space<hbm>> -> memref<1x1x1x10000xf32, #tpu.memory_space<hbm>>
      %dma_wait3A_215 = tpu.memref_squeeze %dma_wait3A_214 : memref<1x1x1x10000xf32, #tpu.memory_space<hbm>> -> memref<10000xf32, #tpu.memory_space<hbm>>
      %dma_wait3A_216 = arith.constant 10000 : i32
      %dma_wait3A_217 = tpu.memref_slice %arg13[%dma_wait3A_216] : memref<80000xf32, #tpu.memory_space<vmem>> -> memref<10000xf32, #tpu.memory_space<vmem>>
      tpu.wait_dma2 semaphore(%run_scoped3A_198 : memref<!tpu.dma_semaphore, #tpu.memory_space<semaphore_mem>>) src(%dma_wait3A_217 : memref<10000xf32, #tpu.memory_space<vmem>>) dst(%dma_wait3A_215 : memref<10000xf32, #tpu.memory_space<hbm>>)
      tpu.yield
    }) : () -> ()
    %add3A_180 = arith.constant 2 : i32
    %add3A_181 = arith.addi %mul3A_0, %add3A_180 : i32
    %run_scoped3A_182 = arith.constant 2 : i32
    "tpu.region"() ({
      %run_scoped3A_198 = tpu.sem_alloc : memref<!tpu.dma_semaphore, #tpu.memory_space<semaphore_mem>>
      %dma_start3A_199 = arith.constant 20000 : i32
      %dma_start3A_200 = tpu.memref_slice %arg13[%dma_start3A_199] : memref<80000xf32, #tpu.memory_space<vmem>> -> memref<10000xf32, #tpu.memory_space<vmem>>
      %dma_start3A_201 = arith.constant 0 : i32
      %dma_start3A_202 = tpu.memref_slice %arg8[%run_scoped3A_182, %add3A_181, %arg1, %dma_start3A_201] : memref<3x16x16x10000xf32, #tpu.memory_space<hbm>> -> memref<1x1x1x10000xf32, #tpu.memory_space<hbm>>
      %dma_start3A_203 = tpu.memref_squeeze %dma_start3A_202 : memref<1x1x1x10000xf32, #tpu.memory_space<hbm>> -> memref<10000xf32, #tpu.memory_space<hbm>>
      %dma_start3A_204 = arith.constant 0 : i32
      %dma_start3A_205 = tpu.memref_slice %arg8[%run_scoped3A_182, %add3A_181, %arg1, %dma_start3A_204] : memref<3x16x16x10000xf32, #tpu.memory_space<hbm>> -> memref<1x1x1x10000xf32, #tpu.memory_space<hbm>>
      %dma_start3A_206 = tpu.memref_squeeze %dma_start3A_205 : memref<1x1x1x10000xf32, #tpu.memory_space<hbm>> -> memref<10000xf32, #tpu.memory_space<hbm>>
      %dma_start3A_207 = arith.constant 20000 : i32
      %dma_start3A_208 = tpu.memref_slice %arg13[%dma_start3A_207] : memref<80000xf32, #tpu.memory_space<vmem>> -> memref<10000xf32, #tpu.memory_space<vmem>>
      tpu.enqueue_dma source(%dma_start3A_208 : memref<10000xf32, #tpu.memory_space<vmem>>) target(%dma_start3A_206 : memref<10000xf32, #tpu.memory_space<hbm>>) target_semaphore(%run_scoped3A_198 : memref<!tpu.dma_semaphore, #tpu.memory_space<semaphore_mem>>)
      %dma_wait3A = arith.constant 20000 : i32
      %dma_wait3A_209 = tpu.memref_slice %arg13[%dma_wait3A] : memref<80000xf32, #tpu.memory_space<vmem>> -> memref<10000xf32, #tpu.memory_space<vmem>>
      %dma_wait3A_210 = arith.constant 0 : i32
      %dma_wait3A_211 = tpu.memref_slice %arg8[%run_scoped3A_182, %add3A_181, %arg1, %dma_wait3A_210] : memref<3x16x16x10000xf32, #tpu.memory_space<hbm>> -> memref<1x1x1x10000xf32, #tpu.memory_space<hbm>>
      %dma_wait3A_212 = tpu.memref_squeeze %dma_wait3A_211 : memref<1x1x1x10000xf32, #tpu.memory_space<hbm>> -> memref<10000xf32, #tpu.memory_space<hbm>>
      %dma_wait3A_213 = arith.constant 0 : i32
      %dma_wait3A_214 = tpu.memref_slice %arg8[%run_scoped3A_182, %add3A_181, %arg1, %dma_wait3A_213] : memref<3x16x16x10000xf32, #tpu.memory_space<hbm>> -> memref<1x1x1x10000xf32, #tpu.memory_space<hbm>>
      %dma_wait3A_215 = tpu.memref_squeeze %dma_wait3A_214 : memref<1x1x1x10000xf32, #tpu.memory_space<hbm>> -> memref<10000xf32, #tpu.memory_space<hbm>>
      %dma_wait3A_216 = arith.constant 20000 : i32
      %dma_wait3A_217 = tpu.memref_slice %arg13[%dma_wait3A_216] : memref<80000xf32, #tpu.memory_space<vmem>> -> memref<10000xf32, #tpu.memory_space<vmem>>
      tpu.wait_dma2 semaphore(%run_scoped3A_198 : memref<!tpu.dma_semaphore, #tpu.memory_space<semaphore_mem>>) src(%dma_wait3A_217 : memref<10000xf32, #tpu.memory_space<vmem>>) dst(%dma_wait3A_215 : memref<10000xf32, #tpu.memory_space<hbm>>)
      tpu.yield
    }) : () -> ()
    %add3A_183 = arith.constant 3 : i32
    %add3A_184 = arith.addi %mul3A_0, %add3A_183 : i32
    %run_scoped3A_185 = arith.constant 2 : i32
    "tpu.region"() ({
      %run_scoped3A_198 = tpu.sem_alloc : memref<!tpu.dma_semaphore, #tpu.memory_space<semaphore_mem>>
      %dma_start3A_199 = arith.constant 30000 : i32
      %dma_start3A_200 = tpu.memref_slice %arg13[%dma_start3A_199] : memref<80000xf32, #tpu.memory_space<vmem>> -> memref<10000xf32, #tpu.memory_space<vmem>>
      %dma_start3A_201 = arith.constant 0 : i32
      %dma_start3A_202 = tpu.memref_slice %arg8[%run_scoped3A_185, %add3A_184, %arg1, %dma_start3A_201] : memref<3x16x16x10000xf32, #tpu.memory_space<hbm>> -> memref<1x1x1x10000xf32, #tpu.memory_space<hbm>>
      %dma_start3A_203 = tpu.memref_squeeze %dma_start3A_202 : memref<1x1x1x10000xf32, #tpu.memory_space<hbm>> -> memref<10000xf32, #tpu.memory_space<hbm>>
      %dma_start3A_204 = arith.constant 0 : i32
      %dma_start3A_205 = tpu.memref_slice %arg8[%run_scoped3A_185, %add3A_184, %arg1, %dma_start3A_204] : memref<3x16x16x10000xf32, #tpu.memory_space<hbm>> -> memref<1x1x1x10000xf32, #tpu.memory_space<hbm>>
      %dma_start3A_206 = tpu.memref_squeeze %dma_start3A_205 : memref<1x1x1x10000xf32, #tpu.memory_space<hbm>> -> memref<10000xf32, #tpu.memory_space<hbm>>
      %dma_start3A_207 = arith.constant 30000 : i32
      %dma_start3A_208 = tpu.memref_slice %arg13[%dma_start3A_207] : memref<80000xf32, #tpu.memory_space<vmem>> -> memref<10000xf32, #tpu.memory_space<vmem>>
      tpu.enqueue_dma source(%dma_start3A_208 : memref<10000xf32, #tpu.memory_space<vmem>>) target(%dma_start3A_206 : memref<10000xf32, #tpu.memory_space<hbm>>) target_semaphore(%run_scoped3A_198 : memref<!tpu.dma_semaphore, #tpu.memory_space<semaphore_mem>>)
      %dma_wait3A = arith.constant 30000 : i32
      %dma_wait3A_209 = tpu.memref_slice %arg13[%dma_wait3A] : memref<80000xf32, #tpu.memory_space<vmem>> -> memref<10000xf32, #tpu.memory_space<vmem>>
      %dma_wait3A_210 = arith.constant 0 : i32
      %dma_wait3A_211 = tpu.memref_slice %arg8[%run_scoped3A_185, %add3A_184, %arg1, %dma_wait3A_210] : memref<3x16x16x10000xf32, #tpu.memory_space<hbm>> -> memref<1x1x1x10000xf32, #tpu.memory_space<hbm>>
      %dma_wait3A_212 = tpu.memref_squeeze %dma_wait3A_211 : memref<1x1x1x10000xf32, #tpu.memory_space<hbm>> -> memref<10000xf32, #tpu.memory_space<hbm>>
      %dma_wait3A_213 = arith.constant 0 : i32
      %dma_wait3A_214 = tpu.memref_slice %arg8[%run_scoped3A_185, %add3A_184, %arg1, %dma_wait3A_213] : memref<3x16x16x10000xf32, #tpu.memory_space<hbm>> -> memref<1x1x1x10000xf32, #tpu.memory_space<hbm>>
      %dma_wait3A_215 = tpu.memref_squeeze %dma_wait3A_214 : memref<1x1x1x10000xf32, #tpu.memory_space<hbm>> -> memref<10000xf32, #tpu.memory_space<hbm>>
      %dma_wait3A_216 = arith.constant 30000 : i32
      %dma_wait3A_217 = tpu.memref_slice %arg13[%dma_wait3A_216] : memref<80000xf32, #tpu.memory_space<vmem>> -> memref<10000xf32, #tpu.memory_space<vmem>>
      tpu.wait_dma2 semaphore(%run_scoped3A_198 : memref<!tpu.dma_semaphore, #tpu.memory_space<semaphore_mem>>) src(%dma_wait3A_217 : memref<10000xf32, #tpu.memory_space<vmem>>) dst(%dma_wait3A_215 : memref<10000xf32, #tpu.memory_space<hbm>>)
      tpu.yield
    }) : () -> ()
    %add3A_186 = arith.constant 4 : i32
    %add3A_187 = arith.addi %mul3A_0, %add3A_186 : i32
    %run_scoped3A_188 = arith.constant 2 : i32
    "tpu.region"() ({
      %run_scoped3A_198 = tpu.sem_alloc : memref<!tpu.dma_semaphore, #tpu.memory_space<semaphore_mem>>
      %dma_start3A_199 = arith.constant 40000 : i32
      %dma_start3A_200 = tpu.memref_slice %arg13[%dma_start3A_199] : memref<80000xf32, #tpu.memory_space<vmem>> -> memref<10000xf32, #tpu.memory_space<vmem>>
      %dma_start3A_201 = arith.constant 0 : i32
      %dma_start3A_202 = tpu.memref_slice %arg8[%run_scoped3A_188, %add3A_187, %arg1, %dma_start3A_201] : memref<3x16x16x10000xf32, #tpu.memory_space<hbm>> -> memref<1x1x1x10000xf32, #tpu.memory_space<hbm>>
      %dma_start3A_203 = tpu.memref_squeeze %dma_start3A_202 : memref<1x1x1x10000xf32, #tpu.memory_space<hbm>> -> memref<10000xf32, #tpu.memory_space<hbm>>
      %dma_start3A_204 = arith.constant 0 : i32
      %dma_start3A_205 = tpu.memref_slice %arg8[%run_scoped3A_188, %add3A_187, %arg1, %dma_start3A_204] : memref<3x16x16x10000xf32, #tpu.memory_space<hbm>> -> memref<1x1x1x10000xf32, #tpu.memory_space<hbm>>
      %dma_start3A_206 = tpu.memref_squeeze %dma_start3A_205 : memref<1x1x1x10000xf32, #tpu.memory_space<hbm>> -> memref<10000xf32, #tpu.memory_space<hbm>>
      %dma_start3A_207 = arith.constant 40000 : i32
      %dma_start3A_208 = tpu.memref_slice %arg13[%dma_start3A_207] : memref<80000xf32, #tpu.memory_space<vmem>> -> memref<10000xf32, #tpu.memory_space<vmem>>
      tpu.enqueue_dma source(%dma_start3A_208 : memref<10000xf32, #tpu.memory_space<vmem>>) target(%dma_start3A_206 : memref<10000xf32, #tpu.memory_space<hbm>>) target_semaphore(%run_scoped3A_198 : memref<!tpu.dma_semaphore, #tpu.memory_space<semaphore_mem>>)
      %dma_wait3A = arith.constant 40000 : i32
      %dma_wait3A_209 = tpu.memref_slice %arg13[%dma_wait3A] : memref<80000xf32, #tpu.memory_space<vmem>> -> memref<10000xf32, #tpu.memory_space<vmem>>
      %dma_wait3A_210 = arith.constant 0 : i32
      %dma_wait3A_211 = tpu.memref_slice %arg8[%run_scoped3A_188, %add3A_187, %arg1, %dma_wait3A_210] : memref<3x16x16x10000xf32, #tpu.memory_space<hbm>> -> memref<1x1x1x10000xf32, #tpu.memory_space<hbm>>
      %dma_wait3A_212 = tpu.memref_squeeze %dma_wait3A_211 : memref<1x1x1x10000xf32, #tpu.memory_space<hbm>> -> memref<10000xf32, #tpu.memory_space<hbm>>
      %dma_wait3A_213 = arith.constant 0 : i32
      %dma_wait3A_214 = tpu.memref_slice %arg8[%run_scoped3A_188, %add3A_187, %arg1, %dma_wait3A_213] : memref<3x16x16x10000xf32, #tpu.memory_space<hbm>> -> memref<1x1x1x10000xf32, #tpu.memory_space<hbm>>
      %dma_wait3A_215 = tpu.memref_squeeze %dma_wait3A_214 : memref<1x1x1x10000xf32, #tpu.memory_space<hbm>> -> memref<10000xf32, #tpu.memory_space<hbm>>
      %dma_wait3A_216 = arith.constant 40000 : i32
      %dma_wait3A_217 = tpu.memref_slice %arg13[%dma_wait3A_216] : memref<80000xf32, #tpu.memory_space<vmem>> -> memref<10000xf32, #tpu.memory_space<vmem>>
      tpu.wait_dma2 semaphore(%run_scoped3A_198 : memref<!tpu.dma_semaphore, #tpu.memory_space<semaphore_mem>>) src(%dma_wait3A_217 : memref<10000xf32, #tpu.memory_space<vmem>>) dst(%dma_wait3A_215 : memref<10000xf32, #tpu.memory_space<hbm>>)
      tpu.yield
    }) : () -> ()
    %add3A_189 = arith.constant 5 : i32
    %add3A_190 = arith.addi %mul3A_0, %add3A_189 : i32
    %run_scoped3A_191 = arith.constant 2 : i32
    "tpu.region"() ({
      %run_scoped3A_198 = tpu.sem_alloc : memref<!tpu.dma_semaphore, #tpu.memory_space<semaphore_mem>>
      %dma_start3A_199 = arith.constant 50000 : i32
      %dma_start3A_200 = tpu.memref_slice %arg13[%dma_start3A_199] : memref<80000xf32, #tpu.memory_space<vmem>> -> memref<10000xf32, #tpu.memory_space<vmem>>
      %dma_start3A_201 = arith.constant 0 : i32
      %dma_start3A_202 = tpu.memref_slice %arg8[%run_scoped3A_191, %add3A_190, %arg1, %dma_start3A_201] : memref<3x16x16x10000xf32, #tpu.memory_space<hbm>> -> memref<1x1x1x10000xf32, #tpu.memory_space<hbm>>
      %dma_start3A_203 = tpu.memref_squeeze %dma_start3A_202 : memref<1x1x1x10000xf32, #tpu.memory_space<hbm>> -> memref<10000xf32, #tpu.memory_space<hbm>>
      %dma_start3A_204 = arith.constant 0 : i32
      %dma_start3A_205 = tpu.memref_slice %arg8[%run_scoped3A_191, %add3A_190, %arg1, %dma_start3A_204] : memref<3x16x16x10000xf32, #tpu.memory_space<hbm>> -> memref<1x1x1x10000xf32, #tpu.memory_space<hbm>>
      %dma_start3A_206 = tpu.memref_squeeze %dma_start3A_205 : memref<1x1x1x10000xf32, #tpu.memory_space<hbm>> -> memref<10000xf32, #tpu.memory_space<hbm>>
      %dma_start3A_207 = arith.constant 50000 : i32
      %dma_start3A_208 = tpu.memref_slice %arg13[%dma_start3A_207] : memref<80000xf32, #tpu.memory_space<vmem>> -> memref<10000xf32, #tpu.memory_space<vmem>>
      tpu.enqueue_dma source(%dma_start3A_208 : memref<10000xf32, #tpu.memory_space<vmem>>) target(%dma_start3A_206 : memref<10000xf32, #tpu.memory_space<hbm>>) target_semaphore(%run_scoped3A_198 : memref<!tpu.dma_semaphore, #tpu.memory_space<semaphore_mem>>)
      %dma_wait3A = arith.constant 50000 : i32
      %dma_wait3A_209 = tpu.memref_slice %arg13[%dma_wait3A] : memref<80000xf32, #tpu.memory_space<vmem>> -> memref<10000xf32, #tpu.memory_space<vmem>>
      %dma_wait3A_210 = arith.constant 0 : i32
      %dma_wait3A_211 = tpu.memref_slice %arg8[%run_scoped3A_191, %add3A_190, %arg1, %dma_wait3A_210] : memref<3x16x16x10000xf32, #tpu.memory_space<hbm>> -> memref<1x1x1x10000xf32, #tpu.memory_space<hbm>>
      %dma_wait3A_212 = tpu.memref_squeeze %dma_wait3A_211 : memref<1x1x1x10000xf32, #tpu.memory_space<hbm>> -> memref<10000xf32, #tpu.memory_space<hbm>>
      %dma_wait3A_213 = arith.constant 0 : i32
      %dma_wait3A_214 = tpu.memref_slice %arg8[%run_scoped3A_191, %add3A_190, %arg1, %dma_wait3A_213] : memref<3x16x16x10000xf32, #tpu.memory_space<hbm>> -> memref<1x1x1x10000xf32, #tpu.memory_space<hbm>>
      %dma_wait3A_215 = tpu.memref_squeeze %dma_wait3A_214 : memref<1x1x1x10000xf32, #tpu.memory_space<hbm>> -> memref<10000xf32, #tpu.memory_space<hbm>>
      %dma_wait3A_216 = arith.constant 50000 : i32
      %dma_wait3A_217 = tpu.memref_slice %arg13[%dma_wait3A_216] : memref<80000xf32, #tpu.memory_space<vmem>> -> memref<10000xf32, #tpu.memory_space<vmem>>
      tpu.wait_dma2 semaphore(%run_scoped3A_198 : memref<!tpu.dma_semaphore, #tpu.memory_space<semaphore_mem>>) src(%dma_wait3A_217 : memref<10000xf32, #tpu.memory_space<vmem>>) dst(%dma_wait3A_215 : memref<10000xf32, #tpu.memory_space<hbm>>)
      tpu.yield
    }) : () -> ()
    %add3A_192 = arith.constant 6 : i32
    %add3A_193 = arith.addi %mul3A_0, %add3A_192 : i32
    %run_scoped3A_194 = arith.constant 2 : i32
    "tpu.region"() ({
      %run_scoped3A_198 = tpu.sem_alloc : memref<!tpu.dma_semaphore, #tpu.memory_space<semaphore_mem>>
      %dma_start3A_199 = arith.constant 60000 : i32
      %dma_start3A_200 = tpu.memref_slice %arg13[%dma_start3A_199] : memref<80000xf32, #tpu.memory_space<vmem>> -> memref<10000xf32, #tpu.memory_space<vmem>>
      %dma_start3A_201 = arith.constant 0 : i32
      %dma_start3A_202 = tpu.memref_slice %arg8[%run_scoped3A_194, %add3A_193, %arg1, %dma_start3A_201] : memref<3x16x16x10000xf32, #tpu.memory_space<hbm>> -> memref<1x1x1x10000xf32, #tpu.memory_space<hbm>>
      %dma_start3A_203 = tpu.memref_squeeze %dma_start3A_202 : memref<1x1x1x10000xf32, #tpu.memory_space<hbm>> -> memref<10000xf32, #tpu.memory_space<hbm>>
      %dma_start3A_204 = arith.constant 0 : i32
      %dma_start3A_205 = tpu.memref_slice %arg8[%run_scoped3A_194, %add3A_193, %arg1, %dma_start3A_204] : memref<3x16x16x10000xf32, #tpu.memory_space<hbm>> -> memref<1x1x1x10000xf32, #tpu.memory_space<hbm>>
      %dma_start3A_206 = tpu.memref_squeeze %dma_start3A_205 : memref<1x1x1x10000xf32, #tpu.memory_space<hbm>> -> memref<10000xf32, #tpu.memory_space<hbm>>
      %dma_start3A_207 = arith.constant 60000 : i32
      %dma_start3A_208 = tpu.memref_slice %arg13[%dma_start3A_207] : memref<80000xf32, #tpu.memory_space<vmem>> -> memref<10000xf32, #tpu.memory_space<vmem>>
      tpu.enqueue_dma source(%dma_start3A_208 : memref<10000xf32, #tpu.memory_space<vmem>>) target(%dma_start3A_206 : memref<10000xf32, #tpu.memory_space<hbm>>) target_semaphore(%run_scoped3A_198 : memref<!tpu.dma_semaphore, #tpu.memory_space<semaphore_mem>>)
      %dma_wait3A = arith.constant 60000 : i32
      %dma_wait3A_209 = tpu.memref_slice %arg13[%dma_wait3A] : memref<80000xf32, #tpu.memory_space<vmem>> -> memref<10000xf32, #tpu.memory_space<vmem>>
      %dma_wait3A_210 = arith.constant 0 : i32
      %dma_wait3A_211 = tpu.memref_slice %arg8[%run_scoped3A_194, %add3A_193, %arg1, %dma_wait3A_210] : memref<3x16x16x10000xf32, #tpu.memory_space<hbm>> -> memref<1x1x1x10000xf32, #tpu.memory_space<hbm>>
      %dma_wait3A_212 = tpu.memref_squeeze %dma_wait3A_211 : memref<1x1x1x10000xf32, #tpu.memory_space<hbm>> -> memref<10000xf32, #tpu.memory_space<hbm>>
      %dma_wait3A_213 = arith.constant 0 : i32
      %dma_wait3A_214 = tpu.memref_slice %arg8[%run_scoped3A_194, %add3A_193, %arg1, %dma_wait3A_213] : memref<3x16x16x10000xf32, #tpu.memory_space<hbm>> -> memref<1x1x1x10000xf32, #tpu.memory_space<hbm>>
      %dma_wait3A_215 = tpu.memref_squeeze %dma_wait3A_214 : memref<1x1x1x10000xf32, #tpu.memory_space<hbm>> -> memref<10000xf32, #tpu.memory_space<hbm>>
      %dma_wait3A_216 = arith.constant 60000 : i32
      %dma_wait3A_217 = tpu.memref_slice %arg13[%dma_wait3A_216] : memref<80000xf32, #tpu.memory_space<vmem>> -> memref<10000xf32, #tpu.memory_space<vmem>>
      tpu.wait_dma2 semaphore(%run_scoped3A_198 : memref<!tpu.dma_semaphore, #tpu.memory_space<semaphore_mem>>) src(%dma_wait3A_217 : memref<10000xf32, #tpu.memory_space<vmem>>) dst(%dma_wait3A_215 : memref<10000xf32, #tpu.memory_space<hbm>>)
      tpu.yield
    }) : () -> ()
    %add3A_195 = arith.constant 7 : i32
    %add3A_196 = arith.addi %mul3A_0, %add3A_195 : i32
    %run_scoped3A_197 = arith.constant 2 : i32
    "tpu.region"() ({
      %run_scoped3A_198 = tpu.sem_alloc : memref<!tpu.dma_semaphore, #tpu.memory_space<semaphore_mem>>
      %dma_start3A_199 = arith.constant 70000 : i32
      %dma_start3A_200 = tpu.memref_slice %arg13[%dma_start3A_199] : memref<80000xf32, #tpu.memory_space<vmem>> -> memref<10000xf32, #tpu.memory_space<vmem>>
      %dma_start3A_201 = arith.constant 0 : i32
      %dma_start3A_202 = tpu.memref_slice %arg8[%run_scoped3A_197, %add3A_196, %arg1, %dma_start3A_201] : memref<3x16x16x10000xf32, #tpu.memory_space<hbm>> -> memref<1x1x1x10000xf32, #tpu.memory_space<hbm>>
      %dma_start3A_203 = tpu.memref_squeeze %dma_start3A_202 : memref<1x1x1x10000xf32, #tpu.memory_space<hbm>> -> memref<10000xf32, #tpu.memory_space<hbm>>
      %dma_start3A_204 = arith.constant 0 : i32
      %dma_start3A_205 = tpu.memref_slice %arg8[%run_scoped3A_197, %add3A_196, %arg1, %dma_start3A_204] : memref<3x16x16x10000xf32, #tpu.memory_space<hbm>> -> memref<1x1x1x10000xf32, #tpu.memory_space<hbm>>
      %dma_start3A_206 = tpu.memref_squeeze %dma_start3A_205 : memref<1x1x1x10000xf32, #tpu.memory_space<hbm>> -> memref<10000xf32, #tpu.memory_space<hbm>>
      %dma_start3A_207 = arith.constant 70000 : i32
      %dma_start3A_208 = tpu.memref_slice %arg13[%dma_start3A_207] : memref<80000xf32, #tpu.memory_space<vmem>> -> memref<10000xf32, #tpu.memory_space<vmem>>
      tpu.enqueue_dma source(%dma_start3A_208 : memref<10000xf32, #tpu.memory_space<vmem>>) target(%dma_start3A_206 : memref<10000xf32, #tpu.memory_space<hbm>>) target_semaphore(%run_scoped3A_198 : memref<!tpu.dma_semaphore, #tpu.memory_space<semaphore_mem>>)
      %dma_wait3A = arith.constant 70000 : i32
      %dma_wait3A_209 = tpu.memref_slice %arg13[%dma_wait3A] : memref<80000xf32, #tpu.memory_space<vmem>> -> memref<10000xf32, #tpu.memory_space<vmem>>
      %dma_wait3A_210 = arith.constant 0 : i32
      %dma_wait3A_211 = tpu.memref_slice %arg8[%run_scoped3A_197, %add3A_196, %arg1, %dma_wait3A_210] : memref<3x16x16x10000xf32, #tpu.memory_space<hbm>> -> memref<1x1x1x10000xf32, #tpu.memory_space<hbm>>
      %dma_wait3A_212 = tpu.memref_squeeze %dma_wait3A_211 : memref<1x1x1x10000xf32, #tpu.memory_space<hbm>> -> memref<10000xf32, #tpu.memory_space<hbm>>
      %dma_wait3A_213 = arith.constant 0 : i32
      %dma_wait3A_214 = tpu.memref_slice %arg8[%run_scoped3A_197, %add3A_196, %arg1, %dma_wait3A_213] : memref<3x16x16x10000xf32, #tpu.memory_space<hbm>> -> memref<1x1x1x10000xf32, #tpu.memory_space<hbm>>
      %dma_wait3A_215 = tpu.memref_squeeze %dma_wait3A_214 : memref<1x1x1x10000xf32, #tpu.memory_space<hbm>> -> memref<10000xf32, #tpu.memory_space<hbm>>
      %dma_wait3A_216 = arith.constant 70000 : i32
      %dma_wait3A_217 = tpu.memref_slice %arg13[%dma_wait3A_216] : memref<80000xf32, #tpu.memory_space<vmem>> -> memref<10000xf32, #tpu.memory_space<vmem>>
      tpu.wait_dma2 semaphore(%run_scoped3A_198 : memref<!tpu.dma_semaphore, #tpu.memory_space<semaphore_mem>>) src(%dma_wait3A_217 : memref<10000xf32, #tpu.memory_space<vmem>>) dst(%dma_wait3A_215 : memref<10000xf32, #tpu.memory_space<hbm>>)
      tpu.yield
    }) : () -> ()
    return
  }
}

module attributes {stable_mosaic.version = 14 : i64} {
  func.func @_rec_body(%arg0: i32, %arg1: memref<16x16x512xf32, #tpu.memory_space<vmem>>, %arg2: memref<16x16x512xf32, #tpu.memory_space<vmem>>, %arg3: memref<16x16x512xf32, #tpu.memory_space<vmem>>, %arg4: memref<16x512xf32, #tpu.memory_space<vmem>>, %arg5: memref<16x512xf32, #tpu.memory_space<vmem>>, %arg6: memref<16x16x512xf32, #tpu.memory_space<vmem>>, %arg7: memref<16x16x512xf32, #tpu.memory_space<vmem>>) attributes {dimension_semantics = [#tpu.dimension_semantics<arbitrary>], iteration_bounds = array<i64: 20>, scalar_prefetch = 0 : i64, scratch_operands = 0 : i64, tpu.core_type = #tpu.core_type<tc>, window_params = [{transform_indices = @transform_0, window_bounds = array<i64: 16, 16, 512>}, {transform_indices = @transform_1, window_bounds = array<i64: 16, 16, 512>}, {transform_indices = @transform_2, window_bounds = array<i64: 16, 16, 512>}, {transform_indices = @transform_3, window_bounds = array<i64: 16, 512>}, {transform_indices = @transform_4, window_bounds = array<i64: 16, 512>}, {transform_indices = @transform_5, window_bounds = array<i64: 16, 16, 512>}, {transform_indices = @transform_6, window_bounds = array<i64: 16, 16, 512>}]} {
    %get3A = arith.constant 0 : index
    %get3A_0 = arith.constant 0 : index
    %get3A_1 = arith.constant 0 : index
    %get3A_2 = vector.load %arg1[%get3A, %get3A_0, %get3A_1] : memref<16x16x512xf32, #tpu.memory_space<vmem>>, vector<16x16x512xf32>
    %get3A_3 = arith.constant 0 : index
    %get3A_4 = arith.constant 0 : index
    %get3A_5 = arith.constant 0 : index
    %get3A_6 = vector.load %arg2[%get3A_3, %get3A_4, %get3A_5] : memref<16x16x512xf32, #tpu.memory_space<vmem>>, vector<16x16x512xf32>
    %get3A_7 = arith.constant 0 : index
    %get3A_8 = arith.constant 0 : index
    %get3A_9 = arith.constant 0 : index
    %get3A_10 = vector.load %arg3[%get3A_7, %get3A_8, %get3A_9] : memref<16x16x512xf32, #tpu.memory_space<vmem>>, vector<16x16x512xf32>
    %get3A_11 = arith.constant 0 : index
    %get3A_12 = arith.constant 0 : index
    %get3A_13 = vector.load %arg4[%get3A_11, %get3A_12] : memref<16x512xf32, #tpu.memory_space<vmem>>, vector<16x512xf32>
    %broadcast_in_dim3A = vector.shape_cast %get3A_13 : vector<16x512xf32> to vector<16x1x512xf32>
    %broadcast_in_dim3A_14 = vector.shape_cast %broadcast_in_dim3A : vector<16x1x512xf32> to vector<16x1x512xf32>
    %broadcast_in_dim3A_15 = vector.broadcast %broadcast_in_dim3A_14 : vector<16x1x512xf32> to vector<16x16x512xf32>
    %get3A_16 = arith.constant 0 : index
    %get3A_17 = arith.constant 0 : index
    %get3A_18 = vector.load %arg5[%get3A_16, %get3A_17] : memref<16x512xf32, #tpu.memory_space<vmem>>, vector<16x512xf32>
    %broadcast_in_dim3A_19 = vector.shape_cast %get3A_18 : vector<16x512xf32> to vector<16x1x512xf32>
    %broadcast_in_dim3A_20 = vector.shape_cast %broadcast_in_dim3A_19 : vector<16x1x512xf32> to vector<16x1x512xf32>
    %broadcast_in_dim3A_21 = vector.broadcast %broadcast_in_dim3A_20 : vector<16x1x512xf32> to vector<16x16x512xf32>
    %slice3A = vector.extract_strided_slice %get3A_2 {offsets = [0, 0, 0], sizes = [1, 16, 512], strides = [1, 1, 1]} : vector<16x16x512xf32> to vector<1x16x512xf32>
    %squeeze3A = vector.shape_cast %slice3A : vector<1x16x512xf32> to vector<16x512xf32>
    %broadcast_in_dim3A_22 = vector.shape_cast %squeeze3A : vector<16x512xf32> to vector<1x16x512xf32>
    %slice3A_23 = vector.extract_strided_slice %get3A_6 {offsets = [0, 0, 0], sizes = [1, 16, 512], strides = [1, 1, 1]} : vector<16x16x512xf32> to vector<1x16x512xf32>
    %squeeze3A_24 = vector.shape_cast %slice3A_23 : vector<1x16x512xf32> to vector<16x512xf32>
    %broadcast_in_dim3A_25 = vector.shape_cast %squeeze3A_24 : vector<16x512xf32> to vector<16x1x512xf32>
    %mul3A = vector.broadcast %broadcast_in_dim3A_22 : vector<1x16x512xf32> to vector<16x16x512xf32>
    %mul3A_26 = vector.broadcast %broadcast_in_dim3A_25 : vector<16x1x512xf32> to vector<16x16x512xf32>
    %mul3A_27 = arith.mulf %mul3A, %mul3A_26 : vector<16x16x512xf32>
    %add3A = arith.addf %broadcast_in_dim3A_15, %mul3A_27 : vector<16x16x512xf32>
    %slice3A_28 = vector.extract_strided_slice %get3A_10 {offsets = [0, 0, 0], sizes = [1, 16, 512], strides = [1, 1, 1]} : vector<16x16x512xf32> to vector<1x16x512xf32>
    %squeeze3A_29 = vector.shape_cast %slice3A_28 : vector<1x16x512xf32> to vector<16x512xf32>
    %broadcast_in_dim3A_30 = vector.shape_cast %squeeze3A_29 : vector<16x512xf32> to vector<16x1x512xf32>
    %mul3A_31 = vector.broadcast %broadcast_in_dim3A_22 : vector<1x16x512xf32> to vector<16x16x512xf32>
    %mul3A_32 = vector.broadcast %broadcast_in_dim3A_30 : vector<16x1x512xf32> to vector<16x16x512xf32>
    %mul3A_33 = arith.mulf %mul3A_31, %mul3A_32 : vector<16x16x512xf32>
    %add3A_34 = arith.addf %broadcast_in_dim3A_21, %mul3A_33 : vector<16x16x512xf32>
    %slice3A_35 = vector.extract_strided_slice %get3A_2 {offsets = [1, 0, 0], sizes = [1, 16, 512], strides = [1, 1, 1]} : vector<16x16x512xf32> to vector<1x16x512xf32>
    %squeeze3A_36 = vector.shape_cast %slice3A_35 : vector<1x16x512xf32> to vector<16x512xf32>
    %broadcast_in_dim3A_37 = vector.shape_cast %squeeze3A_36 : vector<16x512xf32> to vector<1x16x512xf32>
    %slice3A_38 = vector.extract_strided_slice %get3A_6 {offsets = [1, 0, 0], sizes = [1, 16, 512], strides = [1, 1, 1]} : vector<16x16x512xf32> to vector<1x16x512xf32>
    %squeeze3A_39 = vector.shape_cast %slice3A_38 : vector<1x16x512xf32> to vector<16x512xf32>
    %broadcast_in_dim3A_40 = vector.shape_cast %squeeze3A_39 : vector<16x512xf32> to vector<16x1x512xf32>
    %mul3A_41 = vector.broadcast %broadcast_in_dim3A_37 : vector<1x16x512xf32> to vector<16x16x512xf32>
    %mul3A_42 = vector.broadcast %broadcast_in_dim3A_40 : vector<16x1x512xf32> to vector<16x16x512xf32>
    %mul3A_43 = arith.mulf %mul3A_41, %mul3A_42 : vector<16x16x512xf32>
    %add3A_44 = arith.addf %add3A, %mul3A_43 : vector<16x16x512xf32>
    %slice3A_45 = vector.extract_strided_slice %get3A_10 {offsets = [1, 0, 0], sizes = [1, 16, 512], strides = [1, 1, 1]} : vector<16x16x512xf32> to vector<1x16x512xf32>
    %squeeze3A_46 = vector.shape_cast %slice3A_45 : vector<1x16x512xf32> to vector<16x512xf32>
    %broadcast_in_dim3A_47 = vector.shape_cast %squeeze3A_46 : vector<16x512xf32> to vector<16x1x512xf32>
    %mul3A_48 = vector.broadcast %broadcast_in_dim3A_37 : vector<1x16x512xf32> to vector<16x16x512xf32>
    %mul3A_49 = vector.broadcast %broadcast_in_dim3A_47 : vector<16x1x512xf32> to vector<16x16x512xf32>
    %mul3A_50 = arith.mulf %mul3A_48, %mul3A_49 : vector<16x16x512xf32>
    %add3A_51 = arith.addf %add3A_34, %mul3A_50 : vector<16x16x512xf32>
    %slice3A_52 = vector.extract_strided_slice %get3A_2 {offsets = [2, 0, 0], sizes = [1, 16, 512], strides = [1, 1, 1]} : vector<16x16x512xf32> to vector<1x16x512xf32>
    %squeeze3A_53 = vector.shape_cast %slice3A_52 : vector<1x16x512xf32> to vector<16x512xf32>
    %broadcast_in_dim3A_54 = vector.shape_cast %squeeze3A_53 : vector<16x512xf32> to vector<1x16x512xf32>
    %slice3A_55 = vector.extract_strided_slice %get3A_6 {offsets = [2, 0, 0], sizes = [1, 16, 512], strides = [1, 1, 1]} : vector<16x16x512xf32> to vector<1x16x512xf32>
    %squeeze3A_56 = vector.shape_cast %slice3A_55 : vector<1x16x512xf32> to vector<16x512xf32>
    %broadcast_in_dim3A_57 = vector.shape_cast %squeeze3A_56 : vector<16x512xf32> to vector<16x1x512xf32>
    %mul3A_58 = vector.broadcast %broadcast_in_dim3A_54 : vector<1x16x512xf32> to vector<16x16x512xf32>
    %mul3A_59 = vector.broadcast %broadcast_in_dim3A_57 : vector<16x1x512xf32> to vector<16x16x512xf32>
    %mul3A_60 = arith.mulf %mul3A_58, %mul3A_59 : vector<16x16x512xf32>
    %add3A_61 = arith.addf %add3A_44, %mul3A_60 : vector<16x16x512xf32>
    %slice3A_62 = vector.extract_strided_slice %get3A_10 {offsets = [2, 0, 0], sizes = [1, 16, 512], strides = [1, 1, 1]} : vector<16x16x512xf32> to vector<1x16x512xf32>
    %squeeze3A_63 = vector.shape_cast %slice3A_62 : vector<1x16x512xf32> to vector<16x512xf32>
    %broadcast_in_dim3A_64 = vector.shape_cast %squeeze3A_63 : vector<16x512xf32> to vector<16x1x512xf32>
    %mul3A_65 = vector.broadcast %broadcast_in_dim3A_54 : vector<1x16x512xf32> to vector<16x16x512xf32>
    %mul3A_66 = vector.broadcast %broadcast_in_dim3A_64 : vector<16x1x512xf32> to vector<16x16x512xf32>
    %mul3A_67 = arith.mulf %mul3A_65, %mul3A_66 : vector<16x16x512xf32>
    %add3A_68 = arith.addf %add3A_51, %mul3A_67 : vector<16x16x512xf32>
    %slice3A_69 = vector.extract_strided_slice %get3A_2 {offsets = [3, 0, 0], sizes = [1, 16, 512], strides = [1, 1, 1]} : vector<16x16x512xf32> to vector<1x16x512xf32>
    %squeeze3A_70 = vector.shape_cast %slice3A_69 : vector<1x16x512xf32> to vector<16x512xf32>
    %broadcast_in_dim3A_71 = vector.shape_cast %squeeze3A_70 : vector<16x512xf32> to vector<1x16x512xf32>
    %slice3A_72 = vector.extract_strided_slice %get3A_6 {offsets = [3, 0, 0], sizes = [1, 16, 512], strides = [1, 1, 1]} : vector<16x16x512xf32> to vector<1x16x512xf32>
    %squeeze3A_73 = vector.shape_cast %slice3A_72 : vector<1x16x512xf32> to vector<16x512xf32>
    %broadcast_in_dim3A_74 = vector.shape_cast %squeeze3A_73 : vector<16x512xf32> to vector<16x1x512xf32>
    %mul3A_75 = vector.broadcast %broadcast_in_dim3A_71 : vector<1x16x512xf32> to vector<16x16x512xf32>
    %mul3A_76 = vector.broadcast %broadcast_in_dim3A_74 : vector<16x1x512xf32> to vector<16x16x512xf32>
    %mul3A_77 = arith.mulf %mul3A_75, %mul3A_76 : vector<16x16x512xf32>
    %add3A_78 = arith.addf %add3A_61, %mul3A_77 : vector<16x16x512xf32>
    %slice3A_79 = vector.extract_strided_slice %get3A_10 {offsets = [3, 0, 0], sizes = [1, 16, 512], strides = [1, 1, 1]} : vector<16x16x512xf32> to vector<1x16x512xf32>
    %squeeze3A_80 = vector.shape_cast %slice3A_79 : vector<1x16x512xf32> to vector<16x512xf32>
    %broadcast_in_dim3A_81 = vector.shape_cast %squeeze3A_80 : vector<16x512xf32> to vector<16x1x512xf32>
    %mul3A_82 = vector.broadcast %broadcast_in_dim3A_71 : vector<1x16x512xf32> to vector<16x16x512xf32>
    %mul3A_83 = vector.broadcast %broadcast_in_dim3A_81 : vector<16x1x512xf32> to vector<16x16x512xf32>
    %mul3A_84 = arith.mulf %mul3A_82, %mul3A_83 : vector<16x16x512xf32>
    %add3A_85 = arith.addf %add3A_68, %mul3A_84 : vector<16x16x512xf32>
    %slice3A_86 = vector.extract_strided_slice %get3A_2 {offsets = [4, 0, 0], sizes = [1, 16, 512], strides = [1, 1, 1]} : vector<16x16x512xf32> to vector<1x16x512xf32>
    %squeeze3A_87 = vector.shape_cast %slice3A_86 : vector<1x16x512xf32> to vector<16x512xf32>
    %broadcast_in_dim3A_88 = vector.shape_cast %squeeze3A_87 : vector<16x512xf32> to vector<1x16x512xf32>
    %slice3A_89 = vector.extract_strided_slice %get3A_6 {offsets = [4, 0, 0], sizes = [1, 16, 512], strides = [1, 1, 1]} : vector<16x16x512xf32> to vector<1x16x512xf32>
    %squeeze3A_90 = vector.shape_cast %slice3A_89 : vector<1x16x512xf32> to vector<16x512xf32>
    %broadcast_in_dim3A_91 = vector.shape_cast %squeeze3A_90 : vector<16x512xf32> to vector<16x1x512xf32>
    %mul3A_92 = vector.broadcast %broadcast_in_dim3A_88 : vector<1x16x512xf32> to vector<16x16x512xf32>
    %mul3A_93 = vector.broadcast %broadcast_in_dim3A_91 : vector<16x1x512xf32> to vector<16x16x512xf32>
    %mul3A_94 = arith.mulf %mul3A_92, %mul3A_93 : vector<16x16x512xf32>
    %add3A_95 = arith.addf %add3A_78, %mul3A_94 : vector<16x16x512xf32>
    %slice3A_96 = vector.extract_strided_slice %get3A_10 {offsets = [4, 0, 0], sizes = [1, 16, 512], strides = [1, 1, 1]} : vector<16x16x512xf32> to vector<1x16x512xf32>
    %squeeze3A_97 = vector.shape_cast %slice3A_96 : vector<1x16x512xf32> to vector<16x512xf32>
    %broadcast_in_dim3A_98 = vector.shape_cast %squeeze3A_97 : vector<16x512xf32> to vector<16x1x512xf32>
    %mul3A_99 = vector.broadcast %broadcast_in_dim3A_88 : vector<1x16x512xf32> to vector<16x16x512xf32>
    %mul3A_100 = vector.broadcast %broadcast_in_dim3A_98 : vector<16x1x512xf32> to vector<16x16x512xf32>
    %mul3A_101 = arith.mulf %mul3A_99, %mul3A_100 : vector<16x16x512xf32>
    %add3A_102 = arith.addf %add3A_85, %mul3A_101 : vector<16x16x512xf32>
    %slice3A_103 = vector.extract_strided_slice %get3A_2 {offsets = [5, 0, 0], sizes = [1, 16, 512], strides = [1, 1, 1]} : vector<16x16x512xf32> to vector<1x16x512xf32>
    %squeeze3A_104 = vector.shape_cast %slice3A_103 : vector<1x16x512xf32> to vector<16x512xf32>
    %broadcast_in_dim3A_105 = vector.shape_cast %squeeze3A_104 : vector<16x512xf32> to vector<1x16x512xf32>
    %slice3A_106 = vector.extract_strided_slice %get3A_6 {offsets = [5, 0, 0], sizes = [1, 16, 512], strides = [1, 1, 1]} : vector<16x16x512xf32> to vector<1x16x512xf32>
    %squeeze3A_107 = vector.shape_cast %slice3A_106 : vector<1x16x512xf32> to vector<16x512xf32>
    %broadcast_in_dim3A_108 = vector.shape_cast %squeeze3A_107 : vector<16x512xf32> to vector<16x1x512xf32>
    %mul3A_109 = vector.broadcast %broadcast_in_dim3A_105 : vector<1x16x512xf32> to vector<16x16x512xf32>
    %mul3A_110 = vector.broadcast %broadcast_in_dim3A_108 : vector<16x1x512xf32> to vector<16x16x512xf32>
    %mul3A_111 = arith.mulf %mul3A_109, %mul3A_110 : vector<16x16x512xf32>
    %add3A_112 = arith.addf %add3A_95, %mul3A_111 : vector<16x16x512xf32>
    %slice3A_113 = vector.extract_strided_slice %get3A_10 {offsets = [5, 0, 0], sizes = [1, 16, 512], strides = [1, 1, 1]} : vector<16x16x512xf32> to vector<1x16x512xf32>
    %squeeze3A_114 = vector.shape_cast %slice3A_113 : vector<1x16x512xf32> to vector<16x512xf32>
    %broadcast_in_dim3A_115 = vector.shape_cast %squeeze3A_114 : vector<16x512xf32> to vector<16x1x512xf32>
    %mul3A_116 = vector.broadcast %broadcast_in_dim3A_105 : vector<1x16x512xf32> to vector<16x16x512xf32>
    %mul3A_117 = vector.broadcast %broadcast_in_dim3A_115 : vector<16x1x512xf32> to vector<16x16x512xf32>
    %mul3A_118 = arith.mulf %mul3A_116, %mul3A_117 : vector<16x16x512xf32>
    %add3A_119 = arith.addf %add3A_102, %mul3A_118 : vector<16x16x512xf32>
    %slice3A_120 = vector.extract_strided_slice %get3A_2 {offsets = [6, 0, 0], sizes = [1, 16, 512], strides = [1, 1, 1]} : vector<16x16x512xf32> to vector<1x16x512xf32>
    %squeeze3A_121 = vector.shape_cast %slice3A_120 : vector<1x16x512xf32> to vector<16x512xf32>
    %broadcast_in_dim3A_122 = vector.shape_cast %squeeze3A_121 : vector<16x512xf32> to vector<1x16x512xf32>
    %slice3A_123 = vector.extract_strided_slice %get3A_6 {offsets = [6, 0, 0], sizes = [1, 16, 512], strides = [1, 1, 1]} : vector<16x16x512xf32> to vector<1x16x512xf32>
    %squeeze3A_124 = vector.shape_cast %slice3A_123 : vector<1x16x512xf32> to vector<16x512xf32>
    %broadcast_in_dim3A_125 = vector.shape_cast %squeeze3A_124 : vector<16x512xf32> to vector<16x1x512xf32>
    %mul3A_126 = vector.broadcast %broadcast_in_dim3A_122 : vector<1x16x512xf32> to vector<16x16x512xf32>
    %mul3A_127 = vector.broadcast %broadcast_in_dim3A_125 : vector<16x1x512xf32> to vector<16x16x512xf32>
    %mul3A_128 = arith.mulf %mul3A_126, %mul3A_127 : vector<16x16x512xf32>
    %add3A_129 = arith.addf %add3A_112, %mul3A_128 : vector<16x16x512xf32>
    %slice3A_130 = vector.extract_strided_slice %get3A_10 {offsets = [6, 0, 0], sizes = [1, 16, 512], strides = [1, 1, 1]} : vector<16x16x512xf32> to vector<1x16x512xf32>
    %squeeze3A_131 = vector.shape_cast %slice3A_130 : vector<1x16x512xf32> to vector<16x512xf32>
    %broadcast_in_dim3A_132 = vector.shape_cast %squeeze3A_131 : vector<16x512xf32> to vector<16x1x512xf32>
    %mul3A_133 = vector.broadcast %broadcast_in_dim3A_122 : vector<1x16x512xf32> to vector<16x16x512xf32>
    %mul3A_134 = vector.broadcast %broadcast_in_dim3A_132 : vector<16x1x512xf32> to vector<16x16x512xf32>
    %mul3A_135 = arith.mulf %mul3A_133, %mul3A_134 : vector<16x16x512xf32>
    %add3A_136 = arith.addf %add3A_119, %mul3A_135 : vector<16x16x512xf32>
    %slice3A_137 = vector.extract_strided_slice %get3A_2 {offsets = [7, 0, 0], sizes = [1, 16, 512], strides = [1, 1, 1]} : vector<16x16x512xf32> to vector<1x16x512xf32>
    %squeeze3A_138 = vector.shape_cast %slice3A_137 : vector<1x16x512xf32> to vector<16x512xf32>
    %broadcast_in_dim3A_139 = vector.shape_cast %squeeze3A_138 : vector<16x512xf32> to vector<1x16x512xf32>
    %slice3A_140 = vector.extract_strided_slice %get3A_6 {offsets = [7, 0, 0], sizes = [1, 16, 512], strides = [1, 1, 1]} : vector<16x16x512xf32> to vector<1x16x512xf32>
    %squeeze3A_141 = vector.shape_cast %slice3A_140 : vector<1x16x512xf32> to vector<16x512xf32>
    %broadcast_in_dim3A_142 = vector.shape_cast %squeeze3A_141 : vector<16x512xf32> to vector<16x1x512xf32>
    %mul3A_143 = vector.broadcast %broadcast_in_dim3A_139 : vector<1x16x512xf32> to vector<16x16x512xf32>
    %mul3A_144 = vector.broadcast %broadcast_in_dim3A_142 : vector<16x1x512xf32> to vector<16x16x512xf32>
    %mul3A_145 = arith.mulf %mul3A_143, %mul3A_144 : vector<16x16x512xf32>
    %add3A_146 = arith.addf %add3A_129, %mul3A_145 : vector<16x16x512xf32>
    %slice3A_147 = vector.extract_strided_slice %get3A_10 {offsets = [7, 0, 0], sizes = [1, 16, 512], strides = [1, 1, 1]} : vector<16x16x512xf32> to vector<1x16x512xf32>
    %squeeze3A_148 = vector.shape_cast %slice3A_147 : vector<1x16x512xf32> to vector<16x512xf32>
    %broadcast_in_dim3A_149 = vector.shape_cast %squeeze3A_148 : vector<16x512xf32> to vector<16x1x512xf32>
    %mul3A_150 = vector.broadcast %broadcast_in_dim3A_139 : vector<1x16x512xf32> to vector<16x16x512xf32>
    %mul3A_151 = vector.broadcast %broadcast_in_dim3A_149 : vector<16x1x512xf32> to vector<16x16x512xf32>
    %mul3A_152 = arith.mulf %mul3A_150, %mul3A_151 : vector<16x16x512xf32>
    %add3A_153 = arith.addf %add3A_136, %mul3A_152 : vector<16x16x512xf32>
    %slice3A_154 = vector.extract_strided_slice %get3A_2 {offsets = [8, 0, 0], sizes = [1, 16, 512], strides = [1, 1, 1]} : vector<16x16x512xf32> to vector<1x16x512xf32>
    %squeeze3A_155 = vector.shape_cast %slice3A_154 : vector<1x16x512xf32> to vector<16x512xf32>
    %broadcast_in_dim3A_156 = vector.shape_cast %squeeze3A_155 : vector<16x512xf32> to vector<1x16x512xf32>
    %slice3A_157 = vector.extract_strided_slice %get3A_6 {offsets = [8, 0, 0], sizes = [1, 16, 512], strides = [1, 1, 1]} : vector<16x16x512xf32> to vector<1x16x512xf32>
    %squeeze3A_158 = vector.shape_cast %slice3A_157 : vector<1x16x512xf32> to vector<16x512xf32>
    %broadcast_in_dim3A_159 = vector.shape_cast %squeeze3A_158 : vector<16x512xf32> to vector<16x1x512xf32>
    %mul3A_160 = vector.broadcast %broadcast_in_dim3A_156 : vector<1x16x512xf32> to vector<16x16x512xf32>
    %mul3A_161 = vector.broadcast %broadcast_in_dim3A_159 : vector<16x1x512xf32> to vector<16x16x512xf32>
    %mul3A_162 = arith.mulf %mul3A_160, %mul3A_161 : vector<16x16x512xf32>
    %add3A_163 = arith.addf %add3A_146, %mul3A_162 : vector<16x16x512xf32>
    %slice3A_164 = vector.extract_strided_slice %get3A_10 {offsets = [8, 0, 0], sizes = [1, 16, 512], strides = [1, 1, 1]} : vector<16x16x512xf32> to vector<1x16x512xf32>
    %squeeze3A_165 = vector.shape_cast %slice3A_164 : vector<1x16x512xf32> to vector<16x512xf32>
    %broadcast_in_dim3A_166 = vector.shape_cast %squeeze3A_165 : vector<16x512xf32> to vector<16x1x512xf32>
    %mul3A_167 = vector.broadcast %broadcast_in_dim3A_156 : vector<1x16x512xf32> to vector<16x16x512xf32>
    %mul3A_168 = vector.broadcast %broadcast_in_dim3A_166 : vector<16x1x512xf32> to vector<16x16x512xf32>
    %mul3A_169 = arith.mulf %mul3A_167, %mul3A_168 : vector<16x16x512xf32>
    %add3A_170 = arith.addf %add3A_153, %mul3A_169 : vector<16x16x512xf32>
    %slice3A_171 = vector.extract_strided_slice %get3A_2 {offsets = [9, 0, 0], sizes = [1, 16, 512], strides = [1, 1, 1]} : vector<16x16x512xf32> to vector<1x16x512xf32>
    %squeeze3A_172 = vector.shape_cast %slice3A_171 : vector<1x16x512xf32> to vector<16x512xf32>
    %broadcast_in_dim3A_173 = vector.shape_cast %squeeze3A_172 : vector<16x512xf32> to vector<1x16x512xf32>
    %slice3A_174 = vector.extract_strided_slice %get3A_6 {offsets = [9, 0, 0], sizes = [1, 16, 512], strides = [1, 1, 1]} : vector<16x16x512xf32> to vector<1x16x512xf32>
    %squeeze3A_175 = vector.shape_cast %slice3A_174 : vector<1x16x512xf32> to vector<16x512xf32>
    %broadcast_in_dim3A_176 = vector.shape_cast %squeeze3A_175 : vector<16x512xf32> to vector<16x1x512xf32>
    %mul3A_177 = vector.broadcast %broadcast_in_dim3A_173 : vector<1x16x512xf32> to vector<16x16x512xf32>
    %mul3A_178 = vector.broadcast %broadcast_in_dim3A_176 : vector<16x1x512xf32> to vector<16x16x512xf32>
    %mul3A_179 = arith.mulf %mul3A_177, %mul3A_178 : vector<16x16x512xf32>
    %add3A_180 = arith.addf %add3A_163, %mul3A_179 : vector<16x16x512xf32>
    %slice3A_181 = vector.extract_strided_slice %get3A_10 {offsets = [9, 0, 0], sizes = [1, 16, 512], strides = [1, 1, 1]} : vector<16x16x512xf32> to vector<1x16x512xf32>
    %squeeze3A_182 = vector.shape_cast %slice3A_181 : vector<1x16x512xf32> to vector<16x512xf32>
    %broadcast_in_dim3A_183 = vector.shape_cast %squeeze3A_182 : vector<16x512xf32> to vector<16x1x512xf32>
    %mul3A_184 = vector.broadcast %broadcast_in_dim3A_173 : vector<1x16x512xf32> to vector<16x16x512xf32>
    %mul3A_185 = vector.broadcast %broadcast_in_dim3A_183 : vector<16x1x512xf32> to vector<16x16x512xf32>
    %mul3A_186 = arith.mulf %mul3A_184, %mul3A_185 : vector<16x16x512xf32>
    %add3A_187 = arith.addf %add3A_170, %mul3A_186 : vector<16x16x512xf32>
    %slice3A_188 = vector.extract_strided_slice %get3A_2 {offsets = [10, 0, 0], sizes = [1, 16, 512], strides = [1, 1, 1]} : vector<16x16x512xf32> to vector<1x16x512xf32>
    %squeeze3A_189 = vector.shape_cast %slice3A_188 : vector<1x16x512xf32> to vector<16x512xf32>
    %broadcast_in_dim3A_190 = vector.shape_cast %squeeze3A_189 : vector<16x512xf32> to vector<1x16x512xf32>
    %slice3A_191 = vector.extract_strided_slice %get3A_6 {offsets = [10, 0, 0], sizes = [1, 16, 512], strides = [1, 1, 1]} : vector<16x16x512xf32> to vector<1x16x512xf32>
    %squeeze3A_192 = vector.shape_cast %slice3A_191 : vector<1x16x512xf32> to vector<16x512xf32>
    %broadcast_in_dim3A_193 = vector.shape_cast %squeeze3A_192 : vector<16x512xf32> to vector<16x1x512xf32>
    %mul3A_194 = vector.broadcast %broadcast_in_dim3A_190 : vector<1x16x512xf32> to vector<16x16x512xf32>
    %mul3A_195 = vector.broadcast %broadcast_in_dim3A_193 : vector<16x1x512xf32> to vector<16x16x512xf32>
    %mul3A_196 = arith.mulf %mul3A_194, %mul3A_195 : vector<16x16x512xf32>
    %add3A_197 = arith.addf %add3A_180, %mul3A_196 : vector<16x16x512xf32>
    %slice3A_198 = vector.extract_strided_slice %get3A_10 {offsets = [10, 0, 0], sizes = [1, 16, 512], strides = [1, 1, 1]} : vector<16x16x512xf32> to vector<1x16x512xf32>
    %squeeze3A_199 = vector.shape_cast %slice3A_198 : vector<1x16x512xf32> to vector<16x512xf32>
    %broadcast_in_dim3A_200 = vector.shape_cast %squeeze3A_199 : vector<16x512xf32> to vector<16x1x512xf32>
    %mul3A_201 = vector.broadcast %broadcast_in_dim3A_190 : vector<1x16x512xf32> to vector<16x16x512xf32>
    %mul3A_202 = vector.broadcast %broadcast_in_dim3A_200 : vector<16x1x512xf32> to vector<16x16x512xf32>
    %mul3A_203 = arith.mulf %mul3A_201, %mul3A_202 : vector<16x16x512xf32>
    %add3A_204 = arith.addf %add3A_187, %mul3A_203 : vector<16x16x512xf32>
    %slice3A_205 = vector.extract_strided_slice %get3A_2 {offsets = [11, 0, 0], sizes = [1, 16, 512], strides = [1, 1, 1]} : vector<16x16x512xf32> to vector<1x16x512xf32>
    %squeeze3A_206 = vector.shape_cast %slice3A_205 : vector<1x16x512xf32> to vector<16x512xf32>
    %broadcast_in_dim3A_207 = vector.shape_cast %squeeze3A_206 : vector<16x512xf32> to vector<1x16x512xf32>
    %slice3A_208 = vector.extract_strided_slice %get3A_6 {offsets = [11, 0, 0], sizes = [1, 16, 512], strides = [1, 1, 1]} : vector<16x16x512xf32> to vector<1x16x512xf32>
    %squeeze3A_209 = vector.shape_cast %slice3A_208 : vector<1x16x512xf32> to vector<16x512xf32>
    %broadcast_in_dim3A_210 = vector.shape_cast %squeeze3A_209 : vector<16x512xf32> to vector<16x1x512xf32>
    %mul3A_211 = vector.broadcast %broadcast_in_dim3A_207 : vector<1x16x512xf32> to vector<16x16x512xf32>
    %mul3A_212 = vector.broadcast %broadcast_in_dim3A_210 : vector<16x1x512xf32> to vector<16x16x512xf32>
    %mul3A_213 = arith.mulf %mul3A_211, %mul3A_212 : vector<16x16x512xf32>
    %add3A_214 = arith.addf %add3A_197, %mul3A_213 : vector<16x16x512xf32>
    %slice3A_215 = vector.extract_strided_slice %get3A_10 {offsets = [11, 0, 0], sizes = [1, 16, 512], strides = [1, 1, 1]} : vector<16x16x512xf32> to vector<1x16x512xf32>
    %squeeze3A_216 = vector.shape_cast %slice3A_215 : vector<1x16x512xf32> to vector<16x512xf32>
    %broadcast_in_dim3A_217 = vector.shape_cast %squeeze3A_216 : vector<16x512xf32> to vector<16x1x512xf32>
    %mul3A_218 = vector.broadcast %broadcast_in_dim3A_207 : vector<1x16x512xf32> to vector<16x16x512xf32>
    %mul3A_219 = vector.broadcast %broadcast_in_dim3A_217 : vector<16x1x512xf32> to vector<16x16x512xf32>
    %mul3A_220 = arith.mulf %mul3A_218, %mul3A_219 : vector<16x16x512xf32>
    %add3A_221 = arith.addf %add3A_204, %mul3A_220 : vector<16x16x512xf32>
    %slice3A_222 = vector.extract_strided_slice %get3A_2 {offsets = [12, 0, 0], sizes = [1, 16, 512], strides = [1, 1, 1]} : vector<16x16x512xf32> to vector<1x16x512xf32>
    %squeeze3A_223 = vector.shape_cast %slice3A_222 : vector<1x16x512xf32> to vector<16x512xf32>
    %broadcast_in_dim3A_224 = vector.shape_cast %squeeze3A_223 : vector<16x512xf32> to vector<1x16x512xf32>
    %slice3A_225 = vector.extract_strided_slice %get3A_6 {offsets = [12, 0, 0], sizes = [1, 16, 512], strides = [1, 1, 1]} : vector<16x16x512xf32> to vector<1x16x512xf32>
    %squeeze3A_226 = vector.shape_cast %slice3A_225 : vector<1x16x512xf32> to vector<16x512xf32>
    %broadcast_in_dim3A_227 = vector.shape_cast %squeeze3A_226 : vector<16x512xf32> to vector<16x1x512xf32>
    %mul3A_228 = vector.broadcast %broadcast_in_dim3A_224 : vector<1x16x512xf32> to vector<16x16x512xf32>
    %mul3A_229 = vector.broadcast %broadcast_in_dim3A_227 : vector<16x1x512xf32> to vector<16x16x512xf32>
    %mul3A_230 = arith.mulf %mul3A_228, %mul3A_229 : vector<16x16x512xf32>
    %add3A_231 = arith.addf %add3A_214, %mul3A_230 : vector<16x16x512xf32>
    %slice3A_232 = vector.extract_strided_slice %get3A_10 {offsets = [12, 0, 0], sizes = [1, 16, 512], strides = [1, 1, 1]} : vector<16x16x512xf32> to vector<1x16x512xf32>
    %squeeze3A_233 = vector.shape_cast %slice3A_232 : vector<1x16x512xf32> to vector<16x512xf32>
    %broadcast_in_dim3A_234 = vector.shape_cast %squeeze3A_233 : vector<16x512xf32> to vector<16x1x512xf32>
    %mul3A_235 = vector.broadcast %broadcast_in_dim3A_224 : vector<1x16x512xf32> to vector<16x16x512xf32>
    %mul3A_236 = vector.broadcast %broadcast_in_dim3A_234 : vector<16x1x512xf32> to vector<16x16x512xf32>
    %mul3A_237 = arith.mulf %mul3A_235, %mul3A_236 : vector<16x16x512xf32>
    %add3A_238 = arith.addf %add3A_221, %mul3A_237 : vector<16x16x512xf32>
    %slice3A_239 = vector.extract_strided_slice %get3A_2 {offsets = [13, 0, 0], sizes = [1, 16, 512], strides = [1, 1, 1]} : vector<16x16x512xf32> to vector<1x16x512xf32>
    %squeeze3A_240 = vector.shape_cast %slice3A_239 : vector<1x16x512xf32> to vector<16x512xf32>
    %broadcast_in_dim3A_241 = vector.shape_cast %squeeze3A_240 : vector<16x512xf32> to vector<1x16x512xf32>
    %slice3A_242 = vector.extract_strided_slice %get3A_6 {offsets = [13, 0, 0], sizes = [1, 16, 512], strides = [1, 1, 1]} : vector<16x16x512xf32> to vector<1x16x512xf32>
    %squeeze3A_243 = vector.shape_cast %slice3A_242 : vector<1x16x512xf32> to vector<16x512xf32>
    %broadcast_in_dim3A_244 = vector.shape_cast %squeeze3A_243 : vector<16x512xf32> to vector<16x1x512xf32>
    %mul3A_245 = vector.broadcast %broadcast_in_dim3A_241 : vector<1x16x512xf32> to vector<16x16x512xf32>
    %mul3A_246 = vector.broadcast %broadcast_in_dim3A_244 : vector<16x1x512xf32> to vector<16x16x512xf32>
    %mul3A_247 = arith.mulf %mul3A_245, %mul3A_246 : vector<16x16x512xf32>
    %add3A_248 = arith.addf %add3A_231, %mul3A_247 : vector<16x16x512xf32>
    %slice3A_249 = vector.extract_strided_slice %get3A_10 {offsets = [13, 0, 0], sizes = [1, 16, 512], strides = [1, 1, 1]} : vector<16x16x512xf32> to vector<1x16x512xf32>
    %squeeze3A_250 = vector.shape_cast %slice3A_249 : vector<1x16x512xf32> to vector<16x512xf32>
    %broadcast_in_dim3A_251 = vector.shape_cast %squeeze3A_250 : vector<16x512xf32> to vector<16x1x512xf32>
    %mul3A_252 = vector.broadcast %broadcast_in_dim3A_241 : vector<1x16x512xf32> to vector<16x16x512xf32>
    %mul3A_253 = vector.broadcast %broadcast_in_dim3A_251 : vector<16x1x512xf32> to vector<16x16x512xf32>
    %mul3A_254 = arith.mulf %mul3A_252, %mul3A_253 : vector<16x16x512xf32>
    %add3A_255 = arith.addf %add3A_238, %mul3A_254 : vector<16x16x512xf32>
    %slice3A_256 = vector.extract_strided_slice %get3A_2 {offsets = [14, 0, 0], sizes = [1, 16, 512], strides = [1, 1, 1]} : vector<16x16x512xf32> to vector<1x16x512xf32>
    %squeeze3A_257 = vector.shape_cast %slice3A_256 : vector<1x16x512xf32> to vector<16x512xf32>
    %broadcast_in_dim3A_258 = vector.shape_cast %squeeze3A_257 : vector<16x512xf32> to vector<1x16x512xf32>
    %slice3A_259 = vector.extract_strided_slice %get3A_6 {offsets = [14, 0, 0], sizes = [1, 16, 512], strides = [1, 1, 1]} : vector<16x16x512xf32> to vector<1x16x512xf32>
    %squeeze3A_260 = vector.shape_cast %slice3A_259 : vector<1x16x512xf32> to vector<16x512xf32>
    %broadcast_in_dim3A_261 = vector.shape_cast %squeeze3A_260 : vector<16x512xf32> to vector<16x1x512xf32>
    %mul3A_262 = vector.broadcast %broadcast_in_dim3A_258 : vector<1x16x512xf32> to vector<16x16x512xf32>
    %mul3A_263 = vector.broadcast %broadcast_in_dim3A_261 : vector<16x1x512xf32> to vector<16x16x512xf32>
    %mul3A_264 = arith.mulf %mul3A_262, %mul3A_263 : vector<16x16x512xf32>
    %add3A_265 = arith.addf %add3A_248, %mul3A_264 : vector<16x16x512xf32>
    %slice3A_266 = vector.extract_strided_slice %get3A_10 {offsets = [14, 0, 0], sizes = [1, 16, 512], strides = [1, 1, 1]} : vector<16x16x512xf32> to vector<1x16x512xf32>
    %squeeze3A_267 = vector.shape_cast %slice3A_266 : vector<1x16x512xf32> to vector<16x512xf32>
    %broadcast_in_dim3A_268 = vector.shape_cast %squeeze3A_267 : vector<16x512xf32> to vector<16x1x512xf32>
    %mul3A_269 = vector.broadcast %broadcast_in_dim3A_258 : vector<1x16x512xf32> to vector<16x16x512xf32>
    %mul3A_270 = vector.broadcast %broadcast_in_dim3A_268 : vector<16x1x512xf32> to vector<16x16x512xf32>
    %mul3A_271 = arith.mulf %mul3A_269, %mul3A_270 : vector<16x16x512xf32>
    %add3A_272 = arith.addf %add3A_255, %mul3A_271 : vector<16x16x512xf32>
    %slice3A_273 = vector.extract_strided_slice %get3A_2 {offsets = [15, 0, 0], sizes = [1, 16, 512], strides = [1, 1, 1]} : vector<16x16x512xf32> to vector<1x16x512xf32>
    %squeeze3A_274 = vector.shape_cast %slice3A_273 : vector<1x16x512xf32> to vector<16x512xf32>
    %broadcast_in_dim3A_275 = vector.shape_cast %squeeze3A_274 : vector<16x512xf32> to vector<1x16x512xf32>
    %slice3A_276 = vector.extract_strided_slice %get3A_6 {offsets = [15, 0, 0], sizes = [1, 16, 512], strides = [1, 1, 1]} : vector<16x16x512xf32> to vector<1x16x512xf32>
    %squeeze3A_277 = vector.shape_cast %slice3A_276 : vector<1x16x512xf32> to vector<16x512xf32>
    %broadcast_in_dim3A_278 = vector.shape_cast %squeeze3A_277 : vector<16x512xf32> to vector<16x1x512xf32>
    %mul3A_279 = vector.broadcast %broadcast_in_dim3A_275 : vector<1x16x512xf32> to vector<16x16x512xf32>
    %mul3A_280 = vector.broadcast %broadcast_in_dim3A_278 : vector<16x1x512xf32> to vector<16x16x512xf32>
    %mul3A_281 = arith.mulf %mul3A_279, %mul3A_280 : vector<16x16x512xf32>
    %add3A_282 = arith.addf %add3A_265, %mul3A_281 : vector<16x16x512xf32>
    %slice3A_283 = vector.extract_strided_slice %get3A_10 {offsets = [15, 0, 0], sizes = [1, 16, 512], strides = [1, 1, 1]} : vector<16x16x512xf32> to vector<1x16x512xf32>
    %squeeze3A_284 = vector.shape_cast %slice3A_283 : vector<1x16x512xf32> to vector<16x512xf32>
    %broadcast_in_dim3A_285 = vector.shape_cast %squeeze3A_284 : vector<16x512xf32> to vector<16x1x512xf32>
    %mul3A_286 = vector.broadcast %broadcast_in_dim3A_275 : vector<1x16x512xf32> to vector<16x16x512xf32>
    %mul3A_287 = vector.broadcast %broadcast_in_dim3A_285 : vector<16x1x512xf32> to vector<16x16x512xf32>
    %mul3A_288 = arith.mulf %mul3A_286, %mul3A_287 : vector<16x16x512xf32>
    %add3A_289 = arith.addf %add3A_272, %mul3A_288 : vector<16x16x512xf32>
    %swap3A = arith.constant 0 : index
    %swap3A_290 = arith.constant 0 : index
    %swap3A_291 = arith.constant 0 : index
    %swap3A_292 = vector.load %arg6[%swap3A, %swap3A_290, %swap3A_291] : memref<16x16x512xf32, #tpu.memory_space<vmem>>, vector<16x16x512xf32>
    tpu.vector_store %arg6[%swap3A, %swap3A_290, %swap3A_291], %add3A_282 {strides = array<i32>} : memref<16x16x512xf32, #tpu.memory_space<vmem>>, vector<16x16x512xf32>,
    %swap3A_293 = arith.constant 0 : index
    %swap3A_294 = arith.constant 0 : index
    %swap3A_295 = arith.constant 0 : index
    %swap3A_296 = vector.load %arg7[%swap3A_293, %swap3A_294, %swap3A_295] : memref<16x16x512xf32, #tpu.memory_space<vmem>>, vector<16x16x512xf32>
    tpu.vector_store %arg7[%swap3A_293, %swap3A_294, %swap3A_295], %add3A_289 {strides = array<i32>} : memref<16x16x512xf32, #tpu.memory_space<vmem>>, vector<16x16x512xf32>,
    return
  }
  func.func @transform_0(%arg0: i32) -> (i32, i32, i32) {
    %c0_i32 = arith.constant 0 : i32
    %c0_i32_0 = arith.constant 0 : i32
    %c0_i32_1 = arith.constant 0 : i32
    return %c0_i32, %c0_i32_0, %arg0 : i32, i32, i32
  }
  func.func @transform_1(%arg0: i32) -> (i32, i32, i32) {
    %c0_i32 = arith.constant 0 : i32
    %c0_i32_0 = arith.constant 0 : i32
    %c0_i32_1 = arith.constant 0 : i32
    return %c0_i32, %c0_i32_0, %arg0 : i32, i32, i32
  }
  func.func @transform_2(%arg0: i32) -> (i32, i32, i32) {
    %c0_i32 = arith.constant 0 : i32
    %c0_i32_0 = arith.constant 0 : i32
    %c0_i32_1 = arith.constant 0 : i32
    return %c0_i32, %c0_i32_0, %arg0 : i32, i32, i32
  }
  func.func @transform_3(%arg0: i32) -> (i32, i32) {
    %c0_i32 = arith.constant 0 : i32
    %c0_i32_0 = arith.constant 0 : i32
    return %c0_i32, %arg0 : i32, i32
  }
  func.func @transform_4(%arg0: i32) -> (i32, i32) {
    %c0_i32 = arith.constant 0 : i32
    %c0_i32_0 = arith.constant 0 : i32
    return %c0_i32, %arg0 : i32, i32
  }
  func.func @transform_5(%arg0: i32) -> (i32, i32, i32) {
    %c0_i32 = arith.constant 0 : i32
    %c0_i32_0 = arith.constant 0 : i32
    %c0_i32_1 = arith.constant 0 : i32
    return %c0_i32, %c0_i32_0, %arg0 : i32, i32, i32
  }
  func.func @transform_6(%arg0: i32) -> (i32, i32, i32) {
    %c0_i32 = arith.constant 0 : i32
    %c0_i32_0 = arith.constant 0 : i32
    %c0_i32_1 = arith.constant 0 : i32
    return %c0_i32, %c0_i32_0, %arg0 : i32, i32, i32
  }
}

module attributes {stable_mosaic.version = 14 : i64} {
  func.func @_gate_body(%arg0: i32, %arg1: memref<16x16x512xf32, #tpu.memory_space<vmem>>, %arg2: memref<16x16x512xf32, #tpu.memory_space<vmem>>, %arg3: memref<16x16x512xf32, #tpu.memory_space<vmem>>, %arg4: memref<16x16x512xf32, #tpu.memory_space<vmem>>, %arg5: memref<16x16x512xf32, #tpu.memory_space<vmem>>, %arg6: memref<16x16x512xf32, #tpu.memory_space<vmem>>, %arg7: memref<16x16x512xf32, #tpu.memory_space<vmem>>, %arg8: memref<16x512xf32, #tpu.memory_space<vmem>>, %arg9: memref<16x128xf32, #tpu.memory_space<vmem>>, %arg10: memref<16x16x512xf32, #tpu.memory_space<vmem>>, %arg11: memref<16x512xf32, #tpu.memory_space<vmem>>) attributes {dimension_semantics = [#tpu.dimension_semantics<arbitrary>], iteration_bounds = array<i64: 20>, scalar_prefetch = 0 : i64, scratch_operands = 0 : i64, tpu.core_type = #tpu.core_type<tc>, window_params = [{transform_indices = @transform_0, window_bounds = array<i64: 16, 16, 512>}, {transform_indices = @transform_1, window_bounds = array<i64: 16, 16, 512>}, {transform_indices = @transform_2, window_bounds = array<i64: 16, 16, 512>}, {transform_indices = @transform_3, window_bounds = array<i64: 16, 16, 512>}, {transform_indices = @transform_4, window_bounds = array<i64: 16, 16, 512>}, {transform_indices = @transform_5, window_bounds = array<i64: 16, 16, 512>}, {transform_indices = @transform_6, window_bounds = array<i64: 16, 16, 512>}, {transform_indices = @transform_7, window_bounds = array<i64: 16, 512>}, {pipeline_mode = #tpu.pipeline_mode<synchronous>, transform_indices = @transform_8, window_bounds = array<i64: 16, 128>}, {transform_indices = @transform_9, window_bounds = array<i64: 16, 16, 512>}, {transform_indices = @transform_10, window_bounds = array<i64: 16, 512>}]} {
    %get3A = arith.constant 0 : index
    %get3A_0 = arith.constant 0 : index
    %get3A_1 = arith.constant 0 : index
    %get3A_2 = vector.load %arg1[%get3A, %get3A_0, %get3A_1] : memref<16x16x512xf32, #tpu.memory_space<vmem>>, vector<16x16x512xf32>
    %get3A_3 = arith.constant 0 : index
    %get3A_4 = arith.constant 0 : index
    %get3A_5 = arith.constant 0 : index
    %get3A_6 = vector.load %arg2[%get3A_3, %get3A_4, %get3A_5] : memref<16x16x512xf32, #tpu.memory_space<vmem>>, vector<16x16x512xf32>
    %get3A_7 = arith.constant 0 : index
    %get3A_8 = arith.constant 0 : index
    %get3A_9 = arith.constant 0 : index
    %get3A_10 = vector.load %arg3[%get3A_7, %get3A_8, %get3A_9] : memref<16x16x512xf32, #tpu.memory_space<vmem>>, vector<16x16x512xf32>
    %get3A_11 = arith.constant 0 : index
    %get3A_12 = arith.constant 0 : index
    %get3A_13 = arith.constant 0 : index
    %get3A_14 = vector.load %arg6[%get3A_11, %get3A_12, %get3A_13] : memref<16x16x512xf32, #tpu.memory_space<vmem>>, vector<16x16x512xf32>
    %add3A = arith.addf %get3A_10, %get3A_14 : vector<16x16x512xf32>
    %logistic3A = arith.negf %add3A : vector<16x16x512xf32>
    %logistic3A_15 = math.exp %logistic3A : vector<16x16x512xf32>
    %logistic3A_16 = arith.constant 1.000000e+00 : f32
    %logistic3A_17 = vector.broadcast %logistic3A_16 : f32 to vector<16x16x512xf32>
    %logistic3A_18 = arith.addf %logistic3A_17, %logistic3A_15 : vector<16x16x512xf32>
    %logistic3A_19 = arith.divf %logistic3A_17, %logistic3A_18 : vector<16x16x512xf32>
    %get3A_20 = arith.constant 0 : index
    %get3A_21 = arith.constant 0 : index
    %get3A_22 = arith.constant 0 : index
    %get3A_23 = vector.load %arg4[%get3A_20, %get3A_21, %get3A_22] : memref<16x16x512xf32, #tpu.memory_space<vmem>>, vector<16x16x512xf32>
    %get3A_24 = arith.constant 0 : index
    %get3A_25 = arith.constant 0 : index
    %get3A_26 = arith.constant 0 : index
    %get3A_27 = vector.load %arg7[%get3A_24, %get3A_25, %get3A_26] : memref<16x16x512xf32, #tpu.memory_space<vmem>>, vector<16x16x512xf32>
    %add3A_28 = arith.addf %get3A_23, %get3A_27 : vector<16x16x512xf32>
    %logistic3A_29 = arith.negf %add3A_28 : vector<16x16x512xf32>
    %logistic3A_30 = math.exp %logistic3A_29 : vector<16x16x512xf32>
    %logistic3A_31 = arith.constant 1.000000e+00 : f32
    %logistic3A_32 = vector.broadcast %logistic3A_31 : f32 to vector<16x16x512xf32>
    %logistic3A_33 = arith.addf %logistic3A_32, %logistic3A_30 : vector<16x16x512xf32>
    %logistic3A_34 = arith.divf %logistic3A_32, %logistic3A_33 : vector<16x16x512xf32>
    %mul3A = arith.mulf %logistic3A_34, %get3A_2 : vector<16x16x512xf32>
    %broadcast_in_dim3A = arith.constant 0.000000e+00 : f32
    %broadcast_in_dim3A_35 = vector.broadcast %broadcast_in_dim3A : f32 to vector<16x16x512xf32>
    %slice3A = vector.extract_strided_slice %mul3A {offsets = [0, 0, 0], sizes = [1, 16, 512], strides = [1, 1, 1]} : vector<16x16x512xf32> to vector<1x16x512xf32>
    %squeeze3A = vector.shape_cast %slice3A : vector<1x16x512xf32> to vector<16x512xf32>
    %broadcast_in_dim3A_36 = vector.shape_cast %squeeze3A : vector<16x512xf32> to vector<1x16x512xf32>
    %slice3A_37 = vector.extract_strided_slice %get3A_6 {offsets = [0, 0, 0], sizes = [1, 16, 512], strides = [1, 1, 1]} : vector<16x16x512xf32> to vector<1x16x512xf32>
    %squeeze3A_38 = vector.shape_cast %slice3A_37 : vector<1x16x512xf32> to vector<16x512xf32>
    %broadcast_in_dim3A_39 = vector.shape_cast %squeeze3A_38 : vector<16x512xf32> to vector<16x1x512xf32>
    %mul3A_40 = vector.broadcast %broadcast_in_dim3A_36 : vector<1x16x512xf32> to vector<16x16x512xf32>
    %mul3A_41 = vector.broadcast %broadcast_in_dim3A_39 : vector<16x1x512xf32> to vector<16x16x512xf32>
    %mul3A_42 = arith.mulf %mul3A_40, %mul3A_41 : vector<16x16x512xf32>
    %add3A_43 = arith.addf %broadcast_in_dim3A_35, %mul3A_42 : vector<16x16x512xf32>
    %slice3A_44 = vector.extract_strided_slice %mul3A {offsets = [1, 0, 0], sizes = [1, 16, 512], strides = [1, 1, 1]} : vector<16x16x512xf32> to vector<1x16x512xf32>
    %squeeze3A_45 = vector.shape_cast %slice3A_44 : vector<1x16x512xf32> to vector<16x512xf32>
    %broadcast_in_dim3A_46 = vector.shape_cast %squeeze3A_45 : vector<16x512xf32> to vector<1x16x512xf32>
    %slice3A_47 = vector.extract_strided_slice %get3A_6 {offsets = [1, 0, 0], sizes = [1, 16, 512], strides = [1, 1, 1]} : vector<16x16x512xf32> to vector<1x16x512xf32>
    %squeeze3A_48 = vector.shape_cast %slice3A_47 : vector<1x16x512xf32> to vector<16x512xf32>
    %broadcast_in_dim3A_49 = vector.shape_cast %squeeze3A_48 : vector<16x512xf32> to vector<16x1x512xf32>
    %mul3A_50 = vector.broadcast %broadcast_in_dim3A_46 : vector<1x16x512xf32> to vector<16x16x512xf32>
    %mul3A_51 = vector.broadcast %broadcast_in_dim3A_49 : vector<16x1x512xf32> to vector<16x16x512xf32>
    %mul3A_52 = arith.mulf %mul3A_50, %mul3A_51 : vector<16x16x512xf32>
    %add3A_53 = arith.addf %add3A_43, %mul3A_52 : vector<16x16x512xf32>
    %slice3A_54 = vector.extract_strided_slice %mul3A {offsets = [2, 0, 0], sizes = [1, 16, 512], strides = [1, 1, 1]} : vector<16x16x512xf32> to vector<1x16x512xf32>
    %squeeze3A_55 = vector.shape_cast %slice3A_54 : vector<1x16x512xf32> to vector<16x512xf32>
    %broadcast_in_dim3A_56 = vector.shape_cast %squeeze3A_55 : vector<16x512xf32> to vector<1x16x512xf32>
    %slice3A_57 = vector.extract_strided_slice %get3A_6 {offsets = [2, 0, 0], sizes = [1, 16, 512], strides = [1, 1, 1]} : vector<16x16x512xf32> to vector<1x16x512xf32>
    %squeeze3A_58 = vector.shape_cast %slice3A_57 : vector<1x16x512xf32> to vector<16x512xf32>
    %broadcast_in_dim3A_59 = vector.shape_cast %squeeze3A_58 : vector<16x512xf32> to vector<16x1x512xf32>
    %mul3A_60 = vector.broadcast %broadcast_in_dim3A_56 : vector<1x16x512xf32> to vector<16x16x512xf32>
    %mul3A_61 = vector.broadcast %broadcast_in_dim3A_59 : vector<16x1x512xf32> to vector<16x16x512xf32>
    %mul3A_62 = arith.mulf %mul3A_60, %mul3A_61 : vector<16x16x512xf32>
    %add3A_63 = arith.addf %add3A_53, %mul3A_62 : vector<16x16x512xf32>
    %slice3A_64 = vector.extract_strided_slice %mul3A {offsets = [3, 0, 0], sizes = [1, 16, 512], strides = [1, 1, 1]} : vector<16x16x512xf32> to vector<1x16x512xf32>
    %squeeze3A_65 = vector.shape_cast %slice3A_64 : vector<1x16x512xf32> to vector<16x512xf32>
    %broadcast_in_dim3A_66 = vector.shape_cast %squeeze3A_65 : vector<16x512xf32> to vector<1x16x512xf32>
    %slice3A_67 = vector.extract_strided_slice %get3A_6 {offsets = [3, 0, 0], sizes = [1, 16, 512], strides = [1, 1, 1]} : vector<16x16x512xf32> to vector<1x16x512xf32>
    %squeeze3A_68 = vector.shape_cast %slice3A_67 : vector<1x16x512xf32> to vector<16x512xf32>
    %broadcast_in_dim3A_69 = vector.shape_cast %squeeze3A_68 : vector<16x512xf32> to vector<16x1x512xf32>
    %mul3A_70 = vector.broadcast %broadcast_in_dim3A_66 : vector<1x16x512xf32> to vector<16x16x512xf32>
    %mul3A_71 = vector.broadcast %broadcast_in_dim3A_69 : vector<16x1x512xf32> to vector<16x16x512xf32>
    %mul3A_72 = arith.mulf %mul3A_70, %mul3A_71 : vector<16x16x512xf32>
    %add3A_73 = arith.addf %add3A_63, %mul3A_72 : vector<16x16x512xf32>
    %slice3A_74 = vector.extract_strided_slice %mul3A {offsets = [4, 0, 0], sizes = [1, 16, 512], strides = [1, 1, 1]} : vector<16x16x512xf32> to vector<1x16x512xf32>
    %squeeze3A_75 = vector.shape_cast %slice3A_74 : vector<1x16x512xf32> to vector<16x512xf32>
    %broadcast_in_dim3A_76 = vector.shape_cast %squeeze3A_75 : vector<16x512xf32> to vector<1x16x512xf32>
    %slice3A_77 = vector.extract_strided_slice %get3A_6 {offsets = [4, 0, 0], sizes = [1, 16, 512], strides = [1, 1, 1]} : vector<16x16x512xf32> to vector<1x16x512xf32>
    %squeeze3A_78 = vector.shape_cast %slice3A_77 : vector<1x16x512xf32> to vector<16x512xf32>
    %broadcast_in_dim3A_79 = vector.shape_cast %squeeze3A_78 : vector<16x512xf32> to vector<16x1x512xf32>
    %mul3A_80 = vector.broadcast %broadcast_in_dim3A_76 : vector<1x16x512xf32> to vector<16x16x512xf32>
    %mul3A_81 = vector.broadcast %broadcast_in_dim3A_79 : vector<16x1x512xf32> to vector<16x16x512xf32>
    %mul3A_82 = arith.mulf %mul3A_80, %mul3A_81 : vector<16x16x512xf32>
    %add3A_83 = arith.addf %add3A_73, %mul3A_82 : vector<16x16x512xf32>
    %slice3A_84 = vector.extract_strided_slice %mul3A {offsets = [5, 0, 0], sizes = [1, 16, 512], strides = [1, 1, 1]} : vector<16x16x512xf32> to vector<1x16x512xf32>
    %squeeze3A_85 = vector.shape_cast %slice3A_84 : vector<1x16x512xf32> to vector<16x512xf32>
    %broadcast_in_dim3A_86 = vector.shape_cast %squeeze3A_85 : vector<16x512xf32> to vector<1x16x512xf32>
    %slice3A_87 = vector.extract_strided_slice %get3A_6 {offsets = [5, 0, 0], sizes = [1, 16, 512], strides = [1, 1, 1]} : vector<16x16x512xf32> to vector<1x16x512xf32>
    %squeeze3A_88 = vector.shape_cast %slice3A_87 : vector<1x16x512xf32> to vector<16x512xf32>
    %broadcast_in_dim3A_89 = vector.shape_cast %squeeze3A_88 : vector<16x512xf32> to vector<16x1x512xf32>
    %mul3A_90 = vector.broadcast %broadcast_in_dim3A_86 : vector<1x16x512xf32> to vector<16x16x512xf32>
    %mul3A_91 = vector.broadcast %broadcast_in_dim3A_89 : vector<16x1x512xf32> to vector<16x16x512xf32>
    %mul3A_92 = arith.mulf %mul3A_90, %mul3A_91 : vector<16x16x512xf32>
    %add3A_93 = arith.addf %add3A_83, %mul3A_92 : vector<16x16x512xf32>
    %slice3A_94 = vector.extract_strided_slice %mul3A {offsets = [6, 0, 0], sizes = [1, 16, 512], strides = [1, 1, 1]} : vector<16x16x512xf32> to vector<1x16x512xf32>
    %squeeze3A_95 = vector.shape_cast %slice3A_94 : vector<1x16x512xf32> to vector<16x512xf32>
    %broadcast_in_dim3A_96 = vector.shape_cast %squeeze3A_95 : vector<16x512xf32> to vector<1x16x512xf32>
    %slice3A_97 = vector.extract_strided_slice %get3A_6 {offsets = [6, 0, 0], sizes = [1, 16, 512], strides = [1, 1, 1]} : vector<16x16x512xf32> to vector<1x16x512xf32>
    %squeeze3A_98 = vector.shape_cast %slice3A_97 : vector<1x16x512xf32> to vector<16x512xf32>
    %broadcast_in_dim3A_99 = vector.shape_cast %squeeze3A_98 : vector<16x512xf32> to vector<16x1x512xf32>
    %mul3A_100 = vector.broadcast %broadcast_in_dim3A_96 : vector<1x16x512xf32> to vector<16x16x512xf32>
    %mul3A_101 = vector.broadcast %broadcast_in_dim3A_99 : vector<16x1x512xf32> to vector<16x16x512xf32>
    %mul3A_102 = arith.mulf %mul3A_100, %mul3A_101 : vector<16x16x512xf32>
    %add3A_103 = arith.addf %add3A_93, %mul3A_102 : vector<16x16x512xf32>
    %slice3A_104 = vector.extract_strided_slice %mul3A {offsets = [7, 0, 0], sizes = [1, 16, 512], strides = [1, 1, 1]} : vector<16x16x512xf32> to vector<1x16x512xf32>
    %squeeze3A_105 = vector.shape_cast %slice3A_104 : vector<1x16x512xf32> to vector<16x512xf32>
    %broadcast_in_dim3A_106 = vector.shape_cast %squeeze3A_105 : vector<16x512xf32> to vector<1x16x512xf32>
    %slice3A_107 = vector.extract_strided_slice %get3A_6 {offsets = [7, 0, 0], sizes = [1, 16, 512], strides = [1, 1, 1]} : vector<16x16x512xf32> to vector<1x16x512xf32>
    %squeeze3A_108 = vector.shape_cast %slice3A_107 : vector<1x16x512xf32> to vector<16x512xf32>
    %broadcast_in_dim3A_109 = vector.shape_cast %squeeze3A_108 : vector<16x512xf32> to vector<16x1x512xf32>
    %mul3A_110 = vector.broadcast %broadcast_in_dim3A_106 : vector<1x16x512xf32> to vector<16x16x512xf32>
    %mul3A_111 = vector.broadcast %broadcast_in_dim3A_109 : vector<16x1x512xf32> to vector<16x16x512xf32>
    %mul3A_112 = arith.mulf %mul3A_110, %mul3A_111 : vector<16x16x512xf32>
    %add3A_113 = arith.addf %add3A_103, %mul3A_112 : vector<16x16x512xf32>
    %slice3A_114 = vector.extract_strided_slice %mul3A {offsets = [8, 0, 0], sizes = [1, 16, 512], strides = [1, 1, 1]} : vector<16x16x512xf32> to vector<1x16x512xf32>
    %squeeze3A_115 = vector.shape_cast %slice3A_114 : vector<1x16x512xf32> to vector<16x512xf32>
    %broadcast_in_dim3A_116 = vector.shape_cast %squeeze3A_115 : vector<16x512xf32> to vector<1x16x512xf32>
    %slice3A_117 = vector.extract_strided_slice %get3A_6 {offsets = [8, 0, 0], sizes = [1, 16, 512], strides = [1, 1, 1]} : vector<16x16x512xf32> to vector<1x16x512xf32>
    %squeeze3A_118 = vector.shape_cast %slice3A_117 : vector<1x16x512xf32> to vector<16x512xf32>
    %broadcast_in_dim3A_119 = vector.shape_cast %squeeze3A_118 : vector<16x512xf32> to vector<16x1x512xf32>
    %mul3A_120 = vector.broadcast %broadcast_in_dim3A_116 : vector<1x16x512xf32> to vector<16x16x512xf32>
    %mul3A_121 = vector.broadcast %broadcast_in_dim3A_119 : vector<16x1x512xf32> to vector<16x16x512xf32>
    %mul3A_122 = arith.mulf %mul3A_120, %mul3A_121 : vector<16x16x512xf32>
    %add3A_123 = arith.addf %add3A_113, %mul3A_122 : vector<16x16x512xf32>
    %slice3A_124 = vector.extract_strided_slice %mul3A {offsets = [9, 0, 0], sizes = [1, 16, 512], strides = [1, 1, 1]} : vector<16x16x512xf32> to vector<1x16x512xf32>
    %squeeze3A_125 = vector.shape_cast %slice3A_124 : vector<1x16x512xf32> to vector<16x512xf32>
    %broadcast_in_dim3A_126 = vector.shape_cast %squeeze3A_125 : vector<16x512xf32> to vector<1x16x512xf32>
    %slice3A_127 = vector.extract_strided_slice %get3A_6 {offsets = [9, 0, 0], sizes = [1, 16, 512], strides = [1, 1, 1]} : vector<16x16x512xf32> to vector<1x16x512xf32>
    %squeeze3A_128 = vector.shape_cast %slice3A_127 : vector<1x16x512xf32> to vector<16x512xf32>
    %broadcast_in_dim3A_129 = vector.shape_cast %squeeze3A_128 : vector<16x512xf32> to vector<16x1x512xf32>
    %mul3A_130 = vector.broadcast %broadcast_in_dim3A_126 : vector<1x16x512xf32> to vector<16x16x512xf32>
    %mul3A_131 = vector.broadcast %broadcast_in_dim3A_129 : vector<16x1x512xf32> to vector<16x16x512xf32>
    %mul3A_132 = arith.mulf %mul3A_130, %mul3A_131 : vector<16x16x512xf32>
    %add3A_133 = arith.addf %add3A_123, %mul3A_132 : vector<16x16x512xf32>
    %slice3A_134 = vector.extract_strided_slice %mul3A {offsets = [10, 0, 0], sizes = [1, 16, 512], strides = [1, 1, 1]} : vector<16x16x512xf32> to vector<1x16x512xf32>
    %squeeze3A_135 = vector.shape_cast %slice3A_134 : vector<1x16x512xf32> to vector<16x512xf32>
    %broadcast_in_dim3A_136 = vector.shape_cast %squeeze3A_135 : vector<16x512xf32> to vector<1x16x512xf32>
    %slice3A_137 = vector.extract_strided_slice %get3A_6 {offsets = [10, 0, 0], sizes = [1, 16, 512], strides = [1, 1, 1]} : vector<16x16x512xf32> to vector<1x16x512xf32>
    %squeeze3A_138 = vector.shape_cast %slice3A_137 : vector<1x16x512xf32> to vector<16x512xf32>
    %broadcast_in_dim3A_139 = vector.shape_cast %squeeze3A_138 : vector<16x512xf32> to vector<16x1x512xf32>
    %mul3A_140 = vector.broadcast %broadcast_in_dim3A_136 : vector<1x16x512xf32> to vector<16x16x512xf32>
    %mul3A_141 = vector.broadcast %broadcast_in_dim3A_139 : vector<16x1x512xf32> to vector<16x16x512xf32>
    %mul3A_142 = arith.mulf %mul3A_140, %mul3A_141 : vector<16x16x512xf32>
    %add3A_143 = arith.addf %add3A_133, %mul3A_142 : vector<16x16x512xf32>
    %slice3A_144 = vector.extract_strided_slice %mul3A {offsets = [11, 0, 0], sizes = [1, 16, 512], strides = [1, 1, 1]} : vector<16x16x512xf32> to vector<1x16x512xf32>
    %squeeze3A_145 = vector.shape_cast %slice3A_144 : vector<1x16x512xf32> to vector<16x512xf32>
    %broadcast_in_dim3A_146 = vector.shape_cast %squeeze3A_145 : vector<16x512xf32> to vector<1x16x512xf32>
    %slice3A_147 = vector.extract_strided_slice %get3A_6 {offsets = [11, 0, 0], sizes = [1, 16, 512], strides = [1, 1, 1]} : vector<16x16x512xf32> to vector<1x16x512xf32>
    %squeeze3A_148 = vector.shape_cast %slice3A_147 : vector<1x16x512xf32> to vector<16x512xf32>
    %broadcast_in_dim3A_149 = vector.shape_cast %squeeze3A_148 : vector<16x512xf32> to vector<16x1x512xf32>
    %mul3A_150 = vector.broadcast %broadcast_in_dim3A_146 : vector<1x16x512xf32> to vector<16x16x512xf32>
    %mul3A_151 = vector.broadcast %broadcast_in_dim3A_149 : vector<16x1x512xf32> to vector<16x16x512xf32>
    %mul3A_152 = arith.mulf %mul3A_150, %mul3A_151 : vector<16x16x512xf32>
    %add3A_153 = arith.addf %add3A_143, %mul3A_152 : vector<16x16x512xf32>
    %slice3A_154 = vector.extract_strided_slice %mul3A {offsets = [12, 0, 0], sizes = [1, 16, 512], strides = [1, 1, 1]} : vector<16x16x512xf32> to vector<1x16x512xf32>
    %squeeze3A_155 = vector.shape_cast %slice3A_154 : vector<1x16x512xf32> to vector<16x512xf32>
    %broadcast_in_dim3A_156 = vector.shape_cast %squeeze3A_155 : vector<16x512xf32> to vector<1x16x512xf32>
    %slice3A_157 = vector.extract_strided_slice %get3A_6 {offsets = [12, 0, 0], sizes = [1, 16, 512], strides = [1, 1, 1]} : vector<16x16x512xf32> to vector<1x16x512xf32>
    %squeeze3A_158 = vector.shape_cast %slice3A_157 : vector<1x16x512xf32> to vector<16x512xf32>
    %broadcast_in_dim3A_159 = vector.shape_cast %squeeze3A_158 : vector<16x512xf32> to vector<16x1x512xf32>
    %mul3A_160 = vector.broadcast %broadcast_in_dim3A_156 : vector<1x16x512xf32> to vector<16x16x512xf32>
    %mul3A_161 = vector.broadcast %broadcast_in_dim3A_159 : vector<16x1x512xf32> to vector<16x16x512xf32>
    %mul3A_162 = arith.mulf %mul3A_160, %mul3A_161 : vector<16x16x512xf32>
    %add3A_163 = arith.addf %add3A_153, %mul3A_162 : vector<16x16x512xf32>
    %slice3A_164 = vector.extract_strided_slice %mul3A {offsets = [13, 0, 0], sizes = [1, 16, 512], strides = [1, 1, 1]} : vector<16x16x512xf32> to vector<1x16x512xf32>
    %squeeze3A_165 = vector.shape_cast %slice3A_164 : vector<1x16x512xf32> to vector<16x512xf32>
    %broadcast_in_dim3A_166 = vector.shape_cast %squeeze3A_165 : vector<16x512xf32> to vector<1x16x512xf32>
    %slice3A_167 = vector.extract_strided_slice %get3A_6 {offsets = [13, 0, 0], sizes = [1, 16, 512], strides = [1, 1, 1]} : vector<16x16x512xf32> to vector<1x16x512xf32>
    %squeeze3A_168 = vector.shape_cast %slice3A_167 : vector<1x16x512xf32> to vector<16x512xf32>
    %broadcast_in_dim3A_169 = vector.shape_cast %squeeze3A_168 : vector<16x512xf32> to vector<16x1x512xf32>
    %mul3A_170 = vector.broadcast %broadcast_in_dim3A_166 : vector<1x16x512xf32> to vector<16x16x512xf32>
    %mul3A_171 = vector.broadcast %broadcast_in_dim3A_169 : vector<16x1x512xf32> to vector<16x16x512xf32>
    %mul3A_172 = arith.mulf %mul3A_170, %mul3A_171 : vector<16x16x512xf32>
    %add3A_173 = arith.addf %add3A_163, %mul3A_172 : vector<16x16x512xf32>
    %slice3A_174 = vector.extract_strided_slice %mul3A {offsets = [14, 0, 0], sizes = [1, 16, 512], strides = [1, 1, 1]} : vector<16x16x512xf32> to vector<1x16x512xf32>
    %squeeze3A_175 = vector.shape_cast %slice3A_174 : vector<1x16x512xf32> to vector<16x512xf32>
    %broadcast_in_dim3A_176 = vector.shape_cast %squeeze3A_175 : vector<16x512xf32> to vector<1x16x512xf32>
    %slice3A_177 = vector.extract_strided_slice %get3A_6 {offsets = [14, 0, 0], sizes = [1, 16, 512], strides = [1, 1, 1]} : vector<16x16x512xf32> to vector<1x16x512xf32>
    %squeeze3A_178 = vector.shape_cast %slice3A_177 : vector<1x16x512xf32> to vector<16x512xf32>
    %broadcast_in_dim3A_179 = vector.shape_cast %squeeze3A_178 : vector<16x512xf32> to vector<16x1x512xf32>
    %mul3A_180 = vector.broadcast %broadcast_in_dim3A_176 : vector<1x16x512xf32> to vector<16x16x512xf32>
    %mul3A_181 = vector.broadcast %broadcast_in_dim3A_179 : vector<16x1x512xf32> to vector<16x16x512xf32>
    %mul3A_182 = arith.mulf %mul3A_180, %mul3A_181 : vector<16x16x512xf32>
    %add3A_183 = arith.addf %add3A_173, %mul3A_182 : vector<16x16x512xf32>
    %slice3A_184 = vector.extract_strided_slice %mul3A {offsets = [15, 0, 0], sizes = [1, 16, 512], strides = [1, 1, 1]} : vector<16x16x512xf32> to vector<1x16x512xf32>
    %squeeze3A_185 = vector.shape_cast %slice3A_184 : vector<1x16x512xf32> to vector<16x512xf32>
    %broadcast_in_dim3A_186 = vector.shape_cast %squeeze3A_185 : vector<16x512xf32> to vector<1x16x512xf32>
    %slice3A_187 = vector.extract_strided_slice %get3A_6 {offsets = [15, 0, 0], sizes = [1, 16, 512], strides = [1, 1, 1]} : vector<16x16x512xf32> to vector<1x16x512xf32>
    %squeeze3A_188 = vector.shape_cast %slice3A_187 : vector<1x16x512xf32> to vector<16x512xf32>
    %broadcast_in_dim3A_189 = vector.shape_cast %squeeze3A_188 : vector<16x512xf32> to vector<16x1x512xf32>
    %mul3A_190 = vector.broadcast %broadcast_in_dim3A_186 : vector<1x16x512xf32> to vector<16x16x512xf32>
    %mul3A_191 = vector.broadcast %broadcast_in_dim3A_189 : vector<16x1x512xf32> to vector<16x16x512xf32>
    %mul3A_192 = arith.mulf %mul3A_190, %mul3A_191 : vector<16x16x512xf32>
    %add3A_193 = arith.addf %add3A_183, %mul3A_192 : vector<16x16x512xf32>
    %get3A_194 = arith.constant 0 : index
    %get3A_195 = arith.constant 0 : index
    %get3A_196 = arith.constant 0 : index
    %get3A_197 = vector.load %arg5[%get3A_194, %get3A_195, %get3A_196] : memref<16x16x512xf32, #tpu.memory_space<vmem>>, vector<16x16x512xf32>
    %add3A_198 = arith.addf %get3A_197, %add3A_193 : vector<16x16x512xf32>
    %get3A_199 = arith.constant 0 : index
    %get3A_200 = arith.constant 0 : index
    %get3A_201 = vector.load %arg8[%get3A_199, %get3A_200] : memref<16x512xf32, #tpu.memory_space<vmem>>, vector<16x512xf32>
    %broadcast_in_dim3A_202 = vector.shape_cast %get3A_201 : vector<16x512xf32> to vector<16x1x512xf32>
    %add3A_203 = vector.broadcast %broadcast_in_dim3A_202 : vector<16x1x512xf32> to vector<16x16x512xf32>
    %add3A_204 = arith.addf %add3A_198, %add3A_203 : vector<16x16x512xf32>
    %tanh3A = math.tanh %add3A_204 : vector<16x16x512xf32>
    %sub3A = arith.constant 1.000000e+00 : f32
    %sub3A_205 = vector.broadcast %sub3A : f32 to vector<16x16x512xf32>
    %sub3A_206 = arith.subf %sub3A_205, %logistic3A_19 : vector<16x16x512xf32>
    %mul3A_207 = arith.mulf %sub3A_206, %get3A_2 : vector<16x16x512xf32>
    %mul3A_208 = arith.mulf %logistic3A_19, %tanh3A : vector<16x16x512xf32>
    %add3A_209 = arith.addf %mul3A_207, %mul3A_208 : vector<16x16x512xf32>
    %swap3A = arith.constant 0 : index
    %swap3A_210 = arith.constant 0 : index
    %swap3A_211 = arith.constant 0 : index
    %swap3A_212 = vector.load %arg10[%swap3A, %swap3A_210, %swap3A_211] : memref<16x16x512xf32, #tpu.memory_space<vmem>>, vector<16x16x512xf32>
    tpu.vector_store %arg10[%swap3A, %swap3A_210, %swap3A_211], %add3A_209 {strides = array<i32>} : memref<16x16x512xf32, #tpu.memory_space<vmem>>, vector<16x16x512xf32>,
    %get3A_213 = arith.constant 0 : index
    %get3A_214 = arith.constant 0 : index
    %get3A_215 = vector.load %arg9[%get3A_213, %get3A_214] : memref<16x128xf32, #tpu.memory_space<vmem>>, vector<16x128xf32>
    %slice3A_216 = vector.extract_strided_slice %get3A_215 {offsets = [0, 0], sizes = [16, 1], strides = [1, 1]} : vector<16x128xf32> to vector<16x1xf32>
    %squeeze3A_217 = vector.shape_cast %slice3A_216 : vector<16x1xf32> to vector<16xf32>
    %broadcast_in_dim3A_218 = vector.shape_cast %squeeze3A_217 : vector<16xf32> to vector<16x1x1xf32>
    %mul3A_219 = vector.broadcast %broadcast_in_dim3A_218 : vector<16x1x1xf32> to vector<16x16x512xf32>
    %mul3A_220 = arith.mulf %add3A_209, %mul3A_219 : vector<16x16x512xf32>
    %reduce_sum3A = arith.constant dense<0.000000e+00> : vector<16x512xf32>
    %reduce_sum3A_221 = vector.multi_reduction <add>, %mul3A_220, %reduce_sum3A [0] : vector<16x16x512xf32> to vector<16x512xf32>
    %max3A = arith.constant 0.000000e+00 : f32
    %max3A_222 = vector.broadcast %max3A : f32 to vector<16x512xf32>
    %max3A_223 = arith.maximumf %reduce_sum3A_221, %max3A_222 : vector<16x512xf32>
    %swap3A_224 = arith.constant 0 : index
    %swap3A_225 = arith.constant 0 : index
    %swap3A_226 = vector.load %arg11[%swap3A_224, %swap3A_225] : memref<16x512xf32, #tpu.memory_space<vmem>>, vector<16x512xf32>
    tpu.vector_store %arg11[%swap3A_224, %swap3A_225], %max3A_223 {strides = array<i32>} : memref<16x512xf32, #tpu.memory_space<vmem>>, vector<16x512xf32>,
    return
  }
  func.func @transform_0(%arg0: i32) -> (i32, i32, i32) {
    %c0_i32 = arith.constant 0 : i32
    %c0_i32_0 = arith.constant 0 : i32
    %c0_i32_1 = arith.constant 0 : i32
    return %c0_i32, %c0_i32_0, %arg0 : i32, i32, i32
  }
  func.func @transform_1(%arg0: i32) -> (i32, i32, i32) {
    %c0_i32 = arith.constant 0 : i32
    %c0_i32_0 = arith.constant 0 : i32
    %c0_i32_1 = arith.constant 0 : i32
    return %c0_i32, %c0_i32_0, %arg0 : i32, i32, i32
  }
  func.func @transform_2(%arg0: i32) -> (i32, i32, i32) {
    %c0_i32 = arith.constant 0 : i32
    %c0_i32_0 = arith.constant 0 : i32
    %c0_i32_1 = arith.constant 0 : i32
    return %c0_i32, %c0_i32_0, %arg0 : i32, i32, i32
  }
  func.func @transform_3(%arg0: i32) -> (i32, i32, i32) {
    %c0_i32 = arith.constant 0 : i32
    %c0_i32_0 = arith.constant 0 : i32
    %c0_i32_1 = arith.constant 0 : i32
    return %c0_i32, %c0_i32_0, %arg0 : i32, i32, i32
  }
  func.func @transform_4(%arg0: i32) -> (i32, i32, i32) {
    %c0_i32 = arith.constant 0 : i32
    %c0_i32_0 = arith.constant 0 : i32
    %c0_i32_1 = arith.constant 0 : i32
    return %c0_i32, %c0_i32_0, %arg0 : i32, i32, i32
  }
  func.func @transform_5(%arg0: i32) -> (i32, i32, i32) {
    %c0_i32 = arith.constant 0 : i32
    %c0_i32_0 = arith.constant 0 : i32
    %c0_i32_1 = arith.constant 0 : i32
    return %c0_i32, %c0_i32_0, %arg0 : i32, i32, i32
  }
  func.func @transform_6(%arg0: i32) -> (i32, i32, i32) {
    %c0_i32 = arith.constant 0 : i32
    %c0_i32_0 = arith.constant 0 : i32
    %c0_i32_1 = arith.constant 0 : i32
    return %c0_i32, %c0_i32_0, %arg0 : i32, i32, i32
  }
  func.func @transform_7(%arg0: i32) -> (i32, i32) {
    %c0_i32 = arith.constant 0 : i32
    %c0_i32_0 = arith.constant 0 : i32
    return %c0_i32, %arg0 : i32, i32
  }
  func.func @transform_8(%arg0: i32) -> (i32, i32) {
    %c0_i32 = arith.constant 0 : i32
    %c0_i32_0 = arith.constant 0 : i32
    %c0_i32_1 = arith.constant 0 : i32
    return %c0_i32, %c0_i32_0 : i32, i32
  }
  func.func @transform_9(%arg0: i32) -> (i32, i32, i32) {
    %c0_i32 = arith.constant 0 : i32
    %c0_i32_0 = arith.constant 0 : i32
    %c0_i32_1 = arith.constant 0 : i32
    return %c0_i32, %c0_i32_0, %arg0 : i32, i32, i32
  }
  func.func @transform_10(%arg0: i32) -> (i32, i32) {
    %c0_i32 = arith.constant 0 : i32
    %c0_i32_0 = arith.constant 0 : i32
    return %c0_i32, %arg0 : i32, i32
  }
}

</mosaic_0001>

<sc_bundles>
// kernel: kernel.5.cloned.1.call-start
scs
__scs_entry_jumppad:
0x0: {  	(pc) =	sbr.rel $0x88, $3  }
0x1: {  	(tag) =	ssettag $0x0;
	lr =	simm.s32 $0x1  }
0x2: {  	[smem:$0x3F93] =	sst lr;
	_ =	strace $0xD0000000  }
0x3: {  	_ = 	snop  }
0x4: {  	_ = 	snop  }
0x5: {  	_ = 	snop  }
0x6: {  	_ = 	snop  }
0x7: {  	_ = 	snop  }
__scs_overlays_trampoline_lowered:
0x8: {  	[smem:$0x3FA2] =	sst s0  }
0x9: {  	[smem:$0x3FA3] =	sst s1  }
0xa: {  	[smem:$0x3FA4] =	sst s2  }
0xb: {  	[smem:$0x3FA5] =	sst s3  }
0xc: {  	[smem:$0x3FA6] =	sst s4  }
0xd: {  	[smem:$0x3FA7] =	sst s5  }
0xe: {  	[smem:$0x3FA8] =	sst s6  }
0xf: {  	[smem:$0x3FA9] =	sst s7  }
0x10: {  	[smem:$0x3FAA] =	sst s8  }
0x11: {  	[smem:$0x3FAB] =	sst s9;
	s0 =	simm.s32 @!p0 $0x0  }
0x12: {  	s1 =	sld [smem:$0x3F91];
	s0 =	simm.s32 @p0 $0x1  }
0x13: {  	[smem:$0x3FAC] =	sst s0;
	s0 =	simm.s32 @!p1 $0x0  }
0x14: {  	s2 =	sld [smem:$0x3F90];
	s0 =	simm.s32 @p1 $0x1  }
0x15: {  	[smem:$0x3FAD] =	sst s0;
	s0 =	simm.s32 @!p2 $0x0  }
0x16: {  	s3 =	sld [smem:$0x3FDB];
	s0 =	simm.s32 @p2 $0x1  }
0x17: {  	s4 =	simm.s32 $0x1BF5;
	[smem:$0x3FAF] =	sst s0  }
0x18: {  	s0 =	sld [smem:$0x3F92];
	_ =	swait.ge [sflag:s4], $0x0  }
0x19: {  	s7 =	sld [smem:$0x3F93]  }
0x1a: {  	s8 =	sadd.s32 $0xFFFFE003, lr  }
0x1b: {  	s9 =	sadd.s32 $0xFFFFFEF7, lr;
	s5 =	simm.s32 $0xFFFFFFFF;
	p2 =	slt.u32 s8, $0xFFFFF086  }
0x1c: {  	p1 =	slt.u32 s9, $0xF7A;
	s5 =	simm.s32 @!p2 $0x0  }
0x1d: {  	s5 =	simm.s32 @p1 $0x1;
	p0 =	seq.s32 s7, s2  }
0x1e: {  	s7 =	smul.u32 @!p0 $0xF7A, s2;
	p2 =	seq.s32 @!p0 s5, $0x0  }
0x1f: {  	s9 =	smul.u32 $0xF7A, s1;
	s8 =	simm.s32 @!p0 $0x1BF5;
	p2 =	por !p2, p0  }
0x20: {  	[sflag:s8] =	ssyncset.s32 @!p0 $0xFFFFF086;
	s6 =	sadd.s32 @!p0 s3, s7;
	s7 =	simm.s32 @!p0 $0x108  }
0x21: {  	s3 =	sadd.s32 s3, s9;
	s6 =	sadd.s32 @!p0 $0x88, s6;
	s7 =	simm.s32 @p2 $0x1082  }
0x22: {  	[simem:s7], [sflag:s8] =	dma.local @!p0 [hbm:s6], $0xF7A  }
0x23: {  	s9 =	sor.u32 $0xD0000000, s2;
	s6 =	simm.s32 $0x108;
	_ =	swait.ge @!p0 [sflag:s8], $0x0  }
0x24: {  	s3 =	sadd.s32 $0x88, s3;
	s6 =	simm.s32 @!p1 $0x1082;
	[sflag:s4] =	ssyncset.s32 $0xFFFFF086  }
0x25: {  	[simem:s6], [sflag:s4] =	dma.local [hbm:s3], $0xF7A  }
0x26: {  	[smem:$0x3F93] =	sst s1;
	(tag) =	ssettag s2;
	_ =	strace s9  }
0x27: {  	s1 =	sld [smem:$0x3FA3]  }
0x28: {  	s2 =	sld [smem:$0x3FA4]  }
0x29: {  	s4 =	sld [smem:$0x3FA6]  }
0x2a: {  	p0 =	seq.s32 s5, $0x0;
	s5 =	sld [smem:$0x3FA7]  }
0x2b: {  	s6 =	sld [smem:$0x3FA8]  }
0x2c: {  	s7 =	sld [smem:$0x3FA9]  }
0x2d: {  	s3 =	simm.s32 $0x108;
	s8 =	sld [smem:$0x3FAA]  }
0x2e: {  	s3 =	simm.s32 @!p0 $0x1082;
	s9 =	sld [smem:$0x3FAB]  }
0x2f: {  	lr =	sadd.s32 s0, s3;
	s0 =	sld [smem:$0x3FA2]  }
0x30: {  	s3 =	sld [smem:$0x3FA5]  }
0x31: {  	[smem:$0x3FAE] =	sst s10  }
0x32: {  	s10 =	sld [smem:$0x3FAC];
	_ =	sdelay $0x3  }
0x33: {  	p0 =	seq.s32 s10, $0x1;
	s10 =	sld [smem:$0x3FAE];
	_ =	sdelay $0x3  }
0x34: {  	[smem:$0x3FAE] =	sst s10  }
0x35: {  	s10 =	sld [smem:$0x3FAD];
	_ =	sdelay $0x3  }
0x36: {  	p1 =	seq.s32 s10, $0x1;
	s10 =	sld [smem:$0x3FAE];
	_ =	sdelay $0x3  }
0x37: {  	[smem:$0x3FAE] =	sst s10  }
0x38: {  	s10 =	sld [smem:$0x3FAF]  }
0x39: {  	_ = 	snop;
	(pc) =	sbr.ind lr, $3  }
0x3a: {  	_ = 	snop  }
0x3b: {  	_ = 	snop  }
0x3c: {  	p2 =	seq.s32 s10, $0x1;
	s10 =	sld [smem:$0x3FAE]  }
0x3d: {  	_ =	shalt  }
0x3e: {  	_ =	shalt  }
0x3f: {  	_ =	shalt  }
0x40: {  	_ =	shalt  }
0x41: {  	_ =	shalt  }
0x42: {  	_ =	shalt  }
0x43: {  	_ =	shalt  }
0x44: {  	_ =	shalt  }
0x45: {  	_ =	shalt  }
0x46: {  	_ =	shalt  }
0x47: {  	_ =	shalt  }
0x48: {  	_ =	shalt  }
0x49: {  	_ =	shalt  }
0x4a: {  	_ =	shalt  }
0x4b: {  	_ =	shalt  }
0x4c: {  	_ =	shalt  }
0x4d: {  	_ =	shalt  }
0x4e: {  	_ =	shalt  }
0x4f: {  	_ =	shalt  }
0x50: {  	_ =	shalt  }
0x51: {  	_ =	shalt  }
0x52: {  	_ =	shalt  }
0x53: {  	_ =	shalt  }
0x54: {  	_ =	shalt  }
0x55: {  	_ =	shalt  }
0x56: {  	_ =	shalt  }
0x57: {  	_ =	shalt  }
0x58: {  	_ =	shalt  }
0x59: {  	_ =	shalt  }
0x5a: {  	_ =	shalt  }
0x5b: {  	_ =	shalt  }
0x5c: {  	_ =	shalt  }
0x5d: {  	_ =	shalt  }
0x5e: {  	_ =	shalt  }
0x5f: {  	_ =	shalt  }
0x60: {  	_ =	shalt  }
0x61: {  	_ =	shalt  }
0x62: {  	_ =	shalt  }
0x63: {  	_ =	shalt  }
0x64: {  	_ =	shalt  }
0x65: {  	_ =	shalt  }
0x66: {  	_ =	shalt  }
0x67: {  	_ =	shalt  }
0x68: {  	_ =	shalt  }
0x69: {  	_ =	shalt  }
0x6a: {  	_ =	shalt  }
0x6b: {  	_ =	shalt  }
0x6c: {  	_ =	shalt  }
0x6d: {  	_ =	shalt  }
0x6e: {  	_ =	shalt  }
0x6f: {  	_ =	shalt  }
0x70: {  	_ =	shalt  }
0x71: {  	_ =	shalt  }
0x72: {  	_ =	shalt  }
0x73: {  	_ =	shalt  }
0x74: {  	_ =	shalt  }
0x75: {  	_ =	shalt  }
0x76: {  	_ =	shalt  }
0x77: {  	_ =	shalt  }
0x78: {  	_ =	shalt  }
0x79: {  	_ =	shalt  }
0x7a: {  	_ =	shalt  }
0x7b: {  	_ =	shalt  }
0x7c: {  	_ =	shalt  }
0x7d: {  	_ =	shalt  }
0x7e: {  	_ =	shalt  }
0x7f: {  	_ =	shalt  }
0x80: {  	_ =	shalt  }
0x81: {  	_ =	shalt  }
0x82: {  	_ =	shalt  }
0x83: {  	_ =	shalt  }
0x84: {  	_ =	shalt  }
0x85: {  	_ =	shalt  }
0x86: {  	_ =	shalt  }
0x87: {  	_ =	shalt  }
.Lfunc_end0:
.L_simem_size_0:
called_computation_lowered:
.L_overlay_start_0:
0x88: {  	s2 =	sld [smem:$0x3FD9]  }
0x89: {  	s3 =	sld [smem:$0x3FFE];
	_ =	sdelay $0x1  }
0x8a: {  	s1 =	srdreg.scid  }
0x8b: {  	s0 =	sand.u32 $0x1, s1  }
0x8c: {  	s14 =	sshll.u32 s0, $0xA;
	s2 =	sadd.s32 s3, s2  }
0x8d: {  	s2 =	sadd.s32 s2, s14  }
0x8e: {  	[smem:$0x3FBA] =	sst s2  }
0x8f: {  	_ = 	snop  }
0x90: {  	s2 =	sld [smem:$0x3FD0];
	_ =	sdelay $0x1  }
0x91: {  	s15 =	sld [smem:$0x3FBD]  }
0x92: {  	s5 =	simm.s32 $0xA;
	s6 =	simm.s32 $0x10;
	s4 =	sld [smem:$0x3FBC]  }
0x93: {  	[smem:s6], [sflag:s5] =	dma.local [hbm:s2], $0x1  }
0x94: {  	_ =	swait.eq [sflag:s5], $0x1  }
0x95: {  	[sflag:s5] =	ssyncset.done $0x0  }
0x96: {  	[sflag:s5] =	ssyncadd.s32 $0xFFFFFFFF  }
0x97: {  	s16 =	sld [smem:$0x10];
	(tm) =	ssettm $0x1  }
0x98: {  	s17 =	sld [smem:$0x3FFB];
	_ =	sdelay $0x3  }
0x99: {  	_ =	strace s17  }
0x9a: {  	s5 =	sld [smem:$0x3FFC];
	_ =	sdelay $0x3  }
0x9b: {  	_ =	strace s5  }
0x9c: {  	s5 =	sld [smem:$0x3FFD];
	_ =	sdelay $0x3  }
0x9d: {  	_ =	strace s5  }
0x9e: {  	_ =	strace $0x8FFFFFFF  }
0x9f: {  	s18 =	sld [smem:$0x3FDB];
	_ =	sdelay $0x1  }
0xa0: {  	s19 =	simm.s32 $_scs_section_size  }
0xa1: {  	s7 =	simm.s32 $_size__tile_overlayer_lowered;
	s8 =	simm.s32 $_tile_overlayer_lowered  }
0xa2: {  	s22 =	simm.s32 $0x1BFF;
	s21 =	sshll.u32 s8, $0x1;
	s5 =	sadd.s32 s19, s18  }
0xa3: {  	s9 =	simm.s32 $0x0;
	s20 =	sshll.u32 s7, $0x1;
	s7 =	sadd.s32 s21, s5  }
0xa4: {  	[timem:s9], [sflag:s22] =	dma.local [hbm:s7], s20  }
0xa5: {  	_ =	swait.ge [sflag:s22], s20  }
0xa6: {  	s6 =	ssub.s32 $0x0, s20;
	[sflag:s22] =	ssyncset.done $0x0  }
0xa7: {  	[sflag:s22] =	ssyncadd.s32 s6;
	_ =	sdelay $0x1  }
0xa8: {  	s23 =	simm.s32 $0x1B8B  }
0xa9: {  	_ =	swait.ge [sflag:s23], $0x1  }
0xaa: {  	[sflag:s23] =	ssyncset.done $0x0  }
0xab: {  	s25 =	simm.s32 $0x1B8E;
	s24 =	sld [smem:$0x3FFE];
	[sflag:s23] =	ssyncadd.s32 $0xFFFFFFFF  }
0xac: {  	s26 =	simm.s32 $execute0_lowered;
	[smem:$0x3FD2] =	sst s25  }
0xad: {  	s7 =	sshll.u32 s26, $0x1;
	_ =	strace $0x80000046;
	[dreg:$0x1] =	wrdreg $0xFFFFFFFF  }
0xae: {  	s28 =	simm.s32 $_size_execute0_lowered;
	s5 =	sadd.s32 s5, s7;
	[dreg:$0x0] =	wrdreg $0x0  }
0xaf: {  	s7 =	sshll.u32 s28, $0x1;
	[dreg:$0x2] =	wrdreg s5  }
0xb0: {  	[dreg:$0x3] =	wrdreg s7  }
0xb1: {  	[dreg:$0x4] =	wrdreg $0xC0  }
0xb2: {  	_ =	task [dreg:s9], $0x5FFFF  }
0xb3: {  	[dreg:$0x1] =	wrdreg $0xFFFFFFFF  }
0xb4: {  	[dreg:$0x0] =	wrdreg $0x60  }
0xb5: {  	[dreg:$0x2] =	wrdreg s16  }
0xb6: {  	[dreg:$0x3] =	wrdreg s15  }
0xb7: {  	[dreg:$0x4] =	wrdreg s4  }
0xb8: {  	[dreg:$0x5] =	wrdreg s24  }
0xb9: {  	[dreg:$0x6] =	wrdreg $0x9  }
0xba: {  	_ =	task.clear_ibuf [dreg:s9], $0x7FFFF;
	_ =	strace $0x90000046  }
0xbb: {  	s29 =	simm.s32 $0x9;
	_ =	strace $0x80000048  }
0xbc: {  	_ =	swait.ge [sflag:s29], $0x1  }
0xbd: {  	[sflag:s29] =	ssyncadd.s32 $0xFFFFFFFF  }
0xbe: {  	_ =	strace $0x90000048  }
0xbf: {  	_ =	sfence  }
0xc0: {  	s30 =	sld [smem:$0x0];
	_ =	sdelay $0x2  }
0xc1: {  	s31 =	sshll.u32 s1, $0xD;
	s1 =	sshrl.u32 s1, $0x2  }
0xc2: {  	s3 =	sand.u32 $0x4000, s31;
	s1 =	sadd.s32 s1, s30  }
0xc3: {  	s0 =	sor.u32 s3, s0;
	s1 =	sshll.u32 s1, $0x11  }
0xc4: {  	s0 =	sor.u32 s1, s0  }
0xc5: {  	s0 =	sadd.s32 $0x8F2B, s0  }
0xc6: {  	[sflag:s0] =	ssyncadd.remote.s32 $0x1  }
0xc7: {  	_ =	sfence.sel $0xFFFF  }
0xc8: {  	[dreg:$0x0] =	wrdreg $0xFFFFFFFF;
	(pc) =	sbr.abs _section_cstart, $3  }
0xc9: {  	[dreg:$0x1] =	wrdreg $0xFFFFFFFF  }
0xca: {  	_ =	task.clear_ibuf [dreg:s9], $0x2FFFF;
	_ =	strace $0x9FFFFFFF  }
0xcb: {  	(tm) =	ssettm $0x7FFFFFFF  }
tec
execute0_lowered:
.L_overlay_start_1:
0x0: {  	(tag) =	ssettag $0x1  }
0x1: {  	s0 =	rddreg [dreg:$0x0]  }
0x2: {  	s2 =	srdreg.scid;
	s4 =	stileid.u32  }
0x3: {  	s1 =	rddreg [dreg:$0x1];
	s2 =	sand.u32 $0x1, s2;
	s9 =	smul.u32 $0x2710, s4  }
0x4: {  	s3 =	rddreg [dreg:$0x2];
	s4 =	smul.u32 $0x138800, s2  }
0x5: {  	s10 =	rddreg [dreg:$0x3];
	s5 =	simm.s32 $0x0  }
0x6: {  	[smem:$0x7FF] =	sst s5;
	s6 =	sadd.s32 $0xA0C00, s10;
	s7 =	sadd.s32 s9, s4  }
0x7: {  	s8 =	sadd.s32 $0x4800, s10;
	s9 =	sshrl.u32 s9, $0x3;
	s11 =	sshrl.u32 s7, $0x3  }
0x8: {  	s7 =	sadd.s32 $0x52A00, s10;
	s0 =	sadd.s32 s0, s9;
	s10 =	sadd.s32 s11, s10  }
0x9: {  	_ =	strace $0x80000047;
	[dreg:$0x13] =	wrdreg s0;
	s11 =	sadd.s32 $0xEEE00, s10  }
0xa: {  	s15 =	sadd.s32 $0xF3C20, s10;
	[dreg:$0x5] =	wrdreg s11  }
0xb: {  	s16 =	sadd.s32 $0xF8A40, s10;
	[dreg:$0x6] =	wrdreg s15  }
0xc: {  	s17 =	sadd.s32 $0x102680, s10;
	[dreg:$0x7] =	wrdreg s16  }
0xd: {  	s18 =	sadd.s32 $0x1074A0, s10;
	[dreg:$0x8] =	wrdreg s17  }
0xe: {  	s12 =	sadd.s32 $0x10C2C0, s10;
	[dreg:$0x9] =	wrdreg s18  }
0xf: {  	s20 =	sadd.s32 $0x1110E0, s10;
	[dreg:$0xa] =	wrdreg s12  }
0x10: {  	s21 =	sadd.s32 $0xFD860, s10;
	[dreg:$0xb] =	wrdreg s20  }
0x11: {  	s22 =	sadd.s32 $0x13D000, s10;
	[dreg:$0xc] =	wrdreg s21  }
0x12: {  	s23 =	sadd.s32 $0x141E20, s10;
	[dreg:$0xd] =	wrdreg s22  }
0x13: {  	s24 =	sadd.s32 $0x146C40, s10;
	[dreg:$0xe] =	wrdreg s23  }
0x14: {  	s25 =	sadd.s32 $0x14BA60, s10;
	[dreg:$0xf] =	wrdreg s24  }
0x15: {  	s28 =	simm.s32 $0xF230;
	s26 =	sadd.s32 $0x150880, s10;
	[dreg:$0x10] =	wrdreg s25  }
0x16: {  	s2 =	ssub.s32 $0x2, s2;
	s13 =	sadd.s32 $0x15A4C0, s10;
	[dreg:$0x11] =	wrdreg s26  }
0x17: {  	s19 =	sshrl.u32 s2, $0x1;
	s14 =	sadd.s32 $0x15F2E0, s10;
	[dreg:$0x14] =	wrdreg s13  }
0x18: {  	s2 =	ssub.s32 s2, s19;
	s19 =	sadd.s32 $0x194E40, s10;
	[dreg:$0x15] =	wrdreg s14  }
0x19: {  	s29 =	simm.s32 $0x11940;
	s12 =	sadd.s32 $0x1556A0, s10;
	[dreg:$0x19] =	wrdreg s19  }
0x1a: {  	s30 =	simm.s32 $0x14050;
	s16 =	sadd.s32 $0x18B200, s10;
	[dreg:$0x12] =	wrdreg s12  }
0x1b: {  	s31 =	simm.s32 $0x16760;
	s17 =	sadd.s32 $0x190020, s10;
	[dreg:$0x16] =	wrdreg s16  }
0x1c: {  	s9 =	simm.s32 $0x0;
	s20 =	sadd.s32 $0x199C60, s10;
	[dreg:$0x17] =	wrdreg s17  }
0x1d: {  	s15 =	sshrl.u32 s4, $0x3;
	s22 =	sadd.s32 $0x19EA80, s10;
	[dreg:$0x1a] =	wrdreg s20  }
0x1e: {  	s23 =	sadd.s32 $0x1A38A0, s10;
	s24 =	sadd.s32 $0x1A86C0, s10;
	[dreg:$0x1c] =	wrdreg s22  }
0x1f: {  	s25 =	sadd.s32 $0x1AD4E0, s10;
	s26 =	smax.u32 s2, $0x1;
	[dreg:$0x1d] =	wrdreg s23  }
0x20: {  	s14 =	simm.s32 $0x3;
	s2 =	simm.s32 $0x18E70;
	[dreg:$0x1f] =	wrdreg s24  }
0x21: {  	s18 =	sadd.s32 s6, s15;
	s21 =	sadd.s32 s7, s15;
	[smem:$0x7FC] =	sst s25  }
0x22: {  	s0 =	sadd.s32 s8, s15;
	[smem:$0x7FD] =	sst s26;
	s17 =	simm.s32 $0x640  }
0x23: {  	s20 =	simm.s32 $0x2D50;
	s22 =	simm.s32 $0x7210;
	[dreg:$0x18] =	wrdreg s18  }
0x24: {  	s23 =	simm.s32 $0x1;
	s24 =	simm.s32 $0xA410;
	[dreg:$0x1b] =	wrdreg s21  }
0x25: {  	s25 =	simm.s32 $0x2;
	s26 =	simm.s32 $0xCB20;
	[dreg:$0x1e] =	wrdreg s0  }
0x26: {  	v0 =	vimm.f32 $0.0e+00;
	s18 =	simm.s32 $0x27100;
	s21 =	simm.s32 $0x39D0;
	s0 =	simm.s32 $0x1B580  }
.LBB2_1:
0x27: {  	s10 =	rddreg [dreg:$0x13]  }
0x28: {  	[tilespmem:s5], [sflag:$0x3] =	stream.linear.gather [hbm4b:s10+s5], $0x2710, $0x38;
	[tilespmem:$0x1DC90] =	vst v63  }
0x29: {  	_ =	swait.ge [sflag:s14], $0x2710  }
0x2a: {  	[sflag:s14] =	ssyncset.done $0x0  }
0x2b: {  	s15 =	simm.s32 $0x2710;
	[sflag:s14] =	ssyncadd.s32 $0xFFFFD8F0  }
0x2c: {  	[tilespmem:s15], [sflag:$0x1] =	stream.linear.gather [hbm4b:s1+s5], $0x640, $0x38;
	[tilespmem:$0x1DC90] =	vst v63  }
0x2d: {  	s16 =	simm.s32 $0x3390  }
0x2e: {  	[tilespmem:s16], [sflag:$0x1] =	stream.linear.gather [hbm4b:s3+s5], $0x640, $0x38;
	[tilespmem:$0x1DC90] =	vst v63  }
0x2f: {  	s11 =	simm.s32 $0x4010;
	s10 =	simm.s32 $0xA450;
	s19 =	rddreg [dreg:$0x18]  }
0x30: {  	[tilespmem:s11], [sflag:$0x1] =	stream.strided.gather [hbm4b:s19+s17], $0x3200, s18, s17, $0x38;
	[tilespmem:$0x1DC90] =	vst v63  }
0x31: {  	[tilespmem:s10+$0xFFFFFFC0] =	vst v0  }
0x32: {  	[tilespmem:s10+$0x30] =	vst v0  }
0x33: {  	[tilespmem:s10+$0x20] =	vst v0  }
0x34: {  	[tilespmem:s10+$0x10] =	vst v0  }
0x35: {  	[tilespmem:s10+$0x0] =	vst v0  }
0x36: {  	[tilespmem:s10+$0xFFFFFFF0] =	vst v0  }
0x37: {  	s11 =	simm.s32 $0x0;
	[tilespmem:s10+$0xFFFFFFE0] =	vst v0  }
.LBB2_2:
0x38: {  	s11 =	sadd.s32 $0x8, s11;
	[tilespmem:s10+$0xFFFFFFD0] =	vst v0;
	s10 =	sadd.s32 $0x80, s10  }
0x39: {  	[tilespmem:s10+$0xFFFFFFC0] =	vst v0;
	p0 =	slt.u32 s11, $0x1380  }
0x3a: {  	[tilespmem:s10+$0x30] =	vst v0  }
.Ltmp0:
0x3b: {  	[tilespmem:s10+$0x20] =	vst v0;
	(pc) =	sbr.rel @p0 .LBB2_2-.Ltmp0, $4  }
0x3c: {  	[tilespmem:s10+$0x10] =	vst v0  }
0x3d: {  	[tilespmem:s10+$0x0] =	vst v0  }
0x3e: {  	[tilespmem:s10+$0xFFFFFFF0] =	vst v0  }
0x3f: {  	[tilespmem:s10+$0xFFFFFFE0] =	vst v0  }
0x40: {  	[tilespmem:s10+$0xFFFFFFD0] =	vst v0;
	s10 =	simm.s32 $0x0  }
.LBB2_4:
0x41: {  	s11 =	smul.u32 $0xC80, s10;
	_ =	sdelay $0x1  }
0x42: {  	s12 =	sadd.s32 $0x640, s11  }
0x43: {  	s13 =	sshrl.u32 s12, $0x3  }
0x44: {  	s12 =	sadd.s32 s4, s12;
	s15 =	sadd.s32 s1, s13  }
0x45: {  	[tilespmem:s20], [sflag:$0x2] =	stream.linear.gather [hbm4b:s15+s5], $0x640, $0x38;
	[tilespmem:$0x1DC90] =	vst v63  }
0x46: {  	s13 =	sadd.s32 s3, s13;
	s12 =	sshrl.u32 s12, $0x3  }
0x47: {  	[tilespmem:s21], [sflag:$0x2] =	stream.linear.gather [hbm4b:s13+s5], $0x640, $0x38;
	[tilespmem:$0x1DC90] =	vst v63  }
0x48: {  	s12 =	sadd.s32 s6, s12  }
0x49: {  	[tilespmem:s22], [sflag:$0x2] =	stream.strided.gather [hbm4b:s12+s17], $0x3200, s18, s17, $0x38;
	[tilespmem:$0x1DC90] =	vst v63  }
0x4a: {  	_ =	swait.ge [sflag:s23], $0x640  }
0x4b: {  	[sflag:s23] =	ssyncset.done $0x0  }
0x4c: {  	[sflag:s23] =	ssyncadd.s32 $0xFFFFF9C0  }
0x4d: {  	_ =	swait.ge [sflag:s23], $0x640  }
0x4e: {  	[sflag:s23] =	ssyncset.done $0x0  }
0x4f: {  	[sflag:s23] =	ssyncadd.s32 $0xFFFFF9C0  }
0x50: {  	_ =	swait.ge [sflag:s23], $0x3200  }
0x51: {  	[sflag:s23] =	ssyncset.done $0x0  }
0x52: {  	s19 =	simm.s32 $0x2730;
	[sflag:s23] =	ssyncadd.s32 $0xFFFFCE00  }
0x53: {  	v1 =	vld [tilespmem:s19+$0x10];
	_ =	sdelay $0x5  }
0x54: {  	s13 =	simm.s32 $0x33B0  }
0x55: {  	v4 =	vld [tilespmem:s13+$0x10]  }
0x56: {  	s12 =	simm.s32 $0x5910;
	v5 =	vld.idx.msk [tilespmem:v1+s5+$0x0], $0xffff  }
0x57: {  	v1 =	vld [tilespmem:s12+$0xFFFFE730];
	_ =	sdelay $0x2  }
0x58: {  	v2 =	vld [tilespmem:s19+$0xFFFFFFF0]  }
0x59: {  	v3 =	vld [tilespmem:s19+$0xFFFFFFE0]  }
0x5a: {  	v6 =	vld [tilespmem:s19+$0x0];
	v7 =	vmul.f32 v1, v5  }
0x5b: {  	v8 =	vld [tilespmem:s12+$0xFFFFE700]  }
0x5c: {  	[tilespmem:v4+s24+$0x0] =	vst.idx.add.f32.msk $0xffff, v7  }
0x5d: {  	v7 =	vld [tilespmem:s12+$0xFFFFED70]  }
0x5e: {  	v11 =	vld [tilespmem:s13+$0xFFFFFFE0]  }
0x5f: {  	v14 =	vld [tilespmem:s13+$0xFFFFFFF0];
	v9 =	vadd.s32 $0x2710, v4  }
0x60: {  	v1 =	vld.idx.msk [tilespmem:v2+s5+$0x0], $0xffff  }
0x61: {  	v2 =	vld.idx.msk [tilespmem:v3+s5+$0x0], $0xffff  }
0x62: {  	v10 =	vld [tilespmem:s12+$0xFFFFE710];
	v7 =	vmul.f32 v7, v5  }
0x63: {  	v3 =	vld.idx.msk [tilespmem:v6+s5+$0x0], $0xffff  }
0x64: {  	[tilespmem:v9+s24+$0x0] =	vst.idx.add.f32.msk $0xffff, v7  }
0x65: {  	v6 =	vld [tilespmem:s12+$0xFFFFF3B0]  }
0x66: {  	v15 =	vld [tilespmem:s13+$0x0];
	v7 =	vmul.f32 v8, v2  }
0x67: {  	v8 =	vld [tilespmem:s12+$0xFFFFE720];
	v9 =	vmul.f32 v10, v1;
	v10 =	vadd.s32 $0x4E20, v4  }
0x68: {  	[tilespmem:v11+s24+$0x0] =	vst.idx.add.f32.msk $0xffff, v7  }
0x69: {  	[tilespmem:v14+s24+$0x0] =	vst.idx.add.f32.msk $0xffff, v9  }
0x6a: {  	v7 =	vld [tilespmem:s12+$0xFFFFED40];
	v6 =	vmul.f32 v6, v5  }
0x6b: {  	v9 =	vld [tilespmem:s12+$0xFFFFED50]  }
0x6c: {  	v12 =	vadd.s32 $0x2710, v11;
	v8 =	vmul.f32 v8, v3;
	[tilespmem:v10+s24+$0x0] =	vst.idx.add.f32.msk $0xffff, v6  }
0x6d: {  	v6 =	vadd.s32 $0x2710, v14;
	v10 =	vld [tilespmem:s12+$0xFFFFF9F0]  }
0x6e: {  	[tilespmem:v15+s24+$0x0] =	vst.idx.add.f32.msk $0xffff, v8  }
0x6f: {  	v13 =	vadd.s32 $0x7530, v4;
	v8 =	vld [tilespmem:s12+$0xFFFFED60];
	v7 =	vmul.f32 v7, v2  }
0x70: {  	v9 =	vmul.f32 v9, v1  }
0x71: {  	v16 =	vadd.s32 $0x2710, v15;
	[tilespmem:v12+s24+$0x0] =	vst.idx.add.f32.msk $0xffff, v7  }
0x72: {  	[tilespmem:v6+s24+$0x0] =	vst.idx.add.f32.msk $0xffff, v9;
	v6 =	vmul.f32 v10, v5  }
0x73: {  	v7 =	vld [tilespmem:s12+$0xFFFFF380]  }
0x74: {  	v8 =	vmul.f32 v8, v3;
	[tilespmem:v13+s24+$0x0] =	vst.idx.add.f32.msk $0xffff, v6  }
0x75: {  	v6 =	vadd.s32 $0x4E20, v11;
	v9 =	vld [tilespmem:s12+$0x30]  }
0x76: {  	[tilespmem:v16+s24+$0x0] =	vst.idx.add.f32.msk $0xffff, v8  }
0x77: {  	v10 =	vadd.s32 $0x9C40, v4;
	v8 =	vld [tilespmem:s12+$0xFFFFF390]  }
0x78: {  	v12 =	vld [tilespmem:s12+$0xFFFFF3A0];
	v7 =	vmul.f32 v7, v2  }
0x79: {  	v13 =	vadd.s32 $0x4E20, v14  }
0x7a: {  	v62 =	vadd.s32 $0x4E20, v15;
	[tilespmem:v6+s24+$0x0] =	vst.idx.add.f32.msk $0xffff, v7;
	v6 =	vmul.f32 v9, v5  }
0x7b: {  	v7 =	vld [tilespmem:s12+$0xFFFFF9C0]  }
0x7c: {  	v8 =	vmul.f32 v8, v1;
	[tilespmem:v10+s24+$0x0] =	vst.idx.add.f32.msk $0xffff, v6  }
0x7d: {  	v9 =	vmul.f32 v12, v3;
	v6 =	vadd.s32 $0x7530, v11;
	v10 =	vld [tilespmem:s12+$0x670]  }
0x7e: {  	[tilespmem:v13+s24+$0x0] =	vst.idx.add.f32.msk $0xffff, v8  }
0x7f: {  	v8 =	vadd.s32 $0xC350, v4;
	[tilespmem:v62+s24+$0x0] =	vst.idx.add.f32.msk $0xffff, v9  }
0x80: {  	v9 =	vld [tilespmem:s12+$0xFFFFF9D0];
	v7 =	vmul.f32 v7, v2  }
0x81: {  	v12 =	vld [tilespmem:s12+$0xFFFFF9E0]  }
0x82: {  	v13 =	vadd.s32 $0x7530, v14;
	[tilespmem:v6+s24+$0x0] =	vst.idx.add.f32.msk $0xffff, v7;
	v6 =	vmul.f32 v10, v5  }
0x83: {  	v7 =	vadd.s32 $0x7530, v15;
	v10 =	vld [tilespmem:s12+$0x0]  }
0x84: {  	[tilespmem:v8+s24+$0x0] =	vst.idx.add.f32.msk $0xffff, v6  }
0x85: {  	v6 =	vmul.f32 v9, v1;
	v8 =	vld [tilespmem:s12+$0xCB0]  }
0x86: {  	v12 =	vmul.f32 v12, v3;
	v9 =	vadd.s32 $0x9C40, v11  }
0x87: {  	[tilespmem:v13+s24+$0x0] =	vst.idx.add.f32.msk $0xffff, v6;
	v6 =	vadd.s32 $0xEA60, v4  }
0x88: {  	[tilespmem:v7+s24+$0x0] =	vst.idx.add.f32.msk $0xffff, v12  }
0x89: {  	v7 =	vmul.f32 v10, v2;
	v10 =	vld [tilespmem:s12+$0x10]  }
0x8a: {  	v12 =	vld [tilespmem:s12+$0x20];
	v8 =	vmul.f32 v8, v5  }
0x8b: {  	v13 =	vadd.s32 $0x9C40, v14;
	[tilespmem:v9+s24+$0x0] =	vst.idx.add.f32.msk $0xffff, v7  }
0x8c: {  	[tilespmem:v6+s24+$0x0] =	vst.idx.add.f32.msk $0xffff, v8  }
0x8d: {  	v6 =	vadd.s32 $0x9C40, v15;
	v8 =	vld [tilespmem:s12+$0x640]  }
0x8e: {  	v9 =	vmul.f32 v10, v1;
	v7 =	vld [tilespmem:s12+$0x12F0]  }
0x8f: {  	v63 =	vadd.s32 $0xC350, v11  }
0x90: {  	v4 =	vadd.s32 $0x11170, v4;
	v10 =	vmul.f32 v12, v3;
	[tilespmem:v13+s24+$0x0] =	vst.idx.add.f32.msk $0xffff, v9  }
0x91: {  	v17 =	vld [tilespmem:s12+$0x650]  }
0x92: {  	[tilespmem:v6+s24+$0x0] =	vst.idx.add.f32.msk $0xffff, v10;
	v6 =	vmul.f32 v8, v2  }
0x93: {  	v5 =	vmul.f32 v7, v5;
	v10 =	vld [tilespmem:s12+$0x660]  }
0x94: {  	[tilespmem:v63+s24+$0x0] =	vst.idx.add.f32.msk $0xffff, v6  }
0x95: {  	v12 =	vadd.s32 $0xC350, v14;
	v13 =	vadd.s32 $0xC350, v15;
	v9 =	vadd.s32 $0xEA60, v14;
	[tilespmem:v4+s24+$0x0] =	vst.idx.add.f32.msk $0xffff, v5  }
0x96: {  	v8 =	vadd.s32 $0xEA60, v11;
	v7 =	vadd.s32 $0xEA60, v15;
	v4 =	vadd.s32 $0x11170, v11;
	v11 =	vld [tilespmem:s12+$0xC80]  }
0x97: {  	s16 =	simm.s32 $0x0;
	s15 =	simm.s32 $0x5910;
	s19 =	simm.s32 $0x2770;
	v6 =	vadd.s32 $0x11170, v14;
	v5 =	vadd.s32 $0x11170, v15;
	v14 =	vmul.f32 v17, v1  }
.LBB2_5:
0x98: {  	v15 =	vld [tilespmem:s19+$0x10];
	s16 =	sadd.s32 $0x4, s16;
	v10 =	vmul.f32 v10, v3  }
0x99: {  	v16 =	vld [tilespmem:s19+$0xFFFFFFF0];
	p0 =	slt.u32 s16, $0x60  }
0x9a: {  	v17 =	vld [tilespmem:s19+$0x0]  }
0x9b: {  	v18 =	vld [tilespmem:s19+$0xFFFFFFE0];
	v19 =	vmul.f32 v11, v2  }
0x9c: {  	[tilespmem:v12+s24+$0x0] =	vst.idx.add.f32.msk $0xffff, v14  }
0x9d: {  	[tilespmem:v13+s24+$0x0] =	vst.idx.add.f32.msk $0xffff, v10  }
0x9e: {  	s13 =	sadd.s32 $0x40, s13;
	v12 =	vld [tilespmem:s12+$0xC90]  }
0x9f: {  	v11 =	vld [tilespmem:s13+$0x10]  }
0xa0: {  	s12 =	sadd.s32 $0x40, s12;
	v10 =	vld.idx.msk [tilespmem:v15+s5+$0x0], $0xffff  }
0xa1: {  	v13 =	vld [tilespmem:s12+$0xFFFFE730]  }
0xa2: {  	v16 =	vld.idx.msk [tilespmem:v16+s5+$0x0], $0xffff  }
0xa3: {  	v18 =	vld.idx.msk [tilespmem:v18+s5+$0x0], $0xffff;
	v12 =	vmul.f32 v12, v1  }
0xa4: {  	v17 =	vld.idx.msk [tilespmem:v17+s5+$0x0], $0xffff  }
0xa5: {  	v14 =	vld [tilespmem:s12+$0xFFFFE700]  }
0xa6: {  	v15 =	vld [tilespmem:s12+$0xFFFFE710];
	v13 =	vmul.f32 v13, v10  }
0xa7: {  	v20 =	vld [tilespmem:s12+$0xFFFFE720]  }
0xa8: {  	[tilespmem:v11+s24+$0x0] =	vst.idx.add.f32.msk $0xffff, v13  }
0xa9: {  	v13 =	vld [tilespmem:s12+$0xFFFFED70]  }
0xaa: {  	v21 =	vld [tilespmem:s13+$0xFFFFFFE0];
	v14 =	vmul.f32 v14, v18  }
0xab: {  	v22 =	vld [tilespmem:s13+$0xFFFFFFF0];
	v23 =	vmul.f32 v15, v16;
	v15 =	vadd.s32 $0x2710, v11  }
0xac: {  	v24 =	vld [tilespmem:s13+$0x0];
	v20 =	vmul.f32 v20, v17  }
0xad: {  	v25 =	vld [tilespmem:s15+$0xCA0]  }
0xae: {  	v13 =	vmul.f32 v13, v10;
	[tilespmem:v8+s24+$0x0] =	vst.idx.add.f32.msk $0xffff, v19  }
0xaf: {  	v19 =	vadd.s32 $0x2710, v21;
	v26 =	vadd.s32 $0x4E20, v21;
	v27 =	vadd.s32 $0x7530, v21;
	[tilespmem:v9+s24+$0x0] =	vst.idx.add.f32.msk $0xffff, v12  }
0xb0: {  	v28 =	vadd.s32 $0x2710, v22;
	v29 =	vadd.s32 $0x4E20, v22;
	v30 =	vadd.s32 $0x7530, v22;
	[tilespmem:v15+s24+$0x0] =	vst.idx.add.f32.msk $0xffff, v13  }
0xb1: {  	v31 =	vadd.s32 $0x2710, v24;
	v32 =	vadd.s32 $0x4E20, v24;
	v33 =	vadd.s32 $0x7530, v24;
	v34 =	vld [tilespmem:s12+$0xFFFFF3B0]  }
0xb2: {  	v35 =	vadd.s32 $0x9C40, v21;
	v36 =	vadd.s32 $0x9C40, v22;
	v15 =	vadd.s32 $0x9C40, v24;
	[tilespmem:v21+s24+$0x0] =	vst.idx.add.f32.msk $0xffff, v14  }
0xb3: {  	v12 =	vadd.s32 $0xC350, v22;
	v14 =	vadd.s32 $0xC350, v21;
	[tilespmem:v22+s24+$0x0] =	vst.idx.add.f32.msk $0xffff, v23;
	v23 =	vadd.s32 $0x4E20, v11  }
0xb4: {  	v8 =	vadd.s32 $0xEA60, v21;
	v13 =	vadd.s32 $0xC350, v24;
	[tilespmem:v24+s24+$0x0] =	vst.idx.add.f32.msk $0xffff, v20;
	v20 =	vmul.f32 v25, v3  }
0xb5: {  	v9 =	vadd.s32 $0xEA60, v22;
	v37 =	vadd.s32 $0xEA60, v24;
	v21 =	vadd.s32 $0x11170, v21;
	v25 =	vld [tilespmem:s12+$0xFFFFED40]  }
0xb6: {  	v22 =	vadd.s32 $0x11170, v22;
	v24 =	vadd.s32 $0x11170, v24;
	v38 =	vld [tilespmem:s12+$0xFFFFED50];
	v34 =	vmul.f32 v34, v10  }
0xb7: {  	v39 =	vld [tilespmem:s12+$0xFFFFED60]  }
0xb8: {  	[tilespmem:v23+s24+$0x0] =	vst.idx.add.f32.msk $0xffff, v34  }
0xb9: {  	v23 =	vld [tilespmem:s12+$0xFFFFF9F0]  }
0xba: {  	v25 =	vmul.f32 v25, v18;
	[tilespmem:v7+s24+$0x0] =	vst.idx.add.f32.msk $0xffff, v20;
	v7 =	vmov v37  }
0xbb: {  	v34 =	vadd.s32 $0x7530, v11;
	v20 =	vmul.f32 v38, v16;
	v37 =	vld [tilespmem:s15+$0x12C0]  }
0xbc: {  	[tilespmem:v19+s24+$0x0] =	vst.idx.add.f32.msk $0xffff, v25;
	v19 =	vmul.f32 v39, v17  }
0xbd: {  	[tilespmem:v28+s24+$0x0] =	vst.idx.add.f32.msk $0xffff, v20  }
0xbe: {  	[tilespmem:v31+s24+$0x0] =	vst.idx.add.f32.msk $0xffff, v19;
	v19 =	vmul.f32 v23, v10  }
0xbf: {  	v20 =	vld [tilespmem:s12+$0xFFFFF380]  }
0xc0: {  	[tilespmem:v34+s24+$0x0] =	vst.idx.add.f32.msk $0xffff, v19;
	v19 =	vmul.f32 v37, v2;
	v2 =	vmov v18  }
0xc1: {  	v18 =	vld [tilespmem:s12+$0x30]  }
0xc2: {  	v23 =	vld [tilespmem:s12+$0xFFFFF390]  }
0xc3: {  	v28 =	vadd.s32 $0x9C40, v11;
	v25 =	vld [tilespmem:s12+$0xFFFFF3A0]  }
0xc4: {  	v20 =	vmul.f32 v20, v2;
	v31 =	vld [tilespmem:s15+$0x12D0]  }
0xc5: {  	v34 =	vld [tilespmem:s15+$0x12E0];
	s15 =	smov.u32 s12  }
0xc6: {  	[tilespmem:v26+s24+$0x0] =	vst.idx.add.f32.msk $0xffff, v20;
	v18 =	vmul.f32 v18, v10  }
0xc7: {  	v20 =	vld [tilespmem:s12+$0xFFFFF9C0];
	v23 =	vmul.f32 v23, v16  }
0xc8: {  	v25 =	vmul.f32 v25, v17;
	[tilespmem:v28+s24+$0x0] =	vst.idx.add.f32.msk $0xffff, v18  }
0xc9: {  	v18 =	vld [tilespmem:s12+$0x670];
	v26 =	vmul.f32 v31, v1;
	v1 =	vmov v16  }
0xca: {  	[tilespmem:v29+s24+$0x0] =	vst.idx.add.f32.msk $0xffff, v23;
	v16 =	vmul.f32 v34, v3;
	v3 =	vmov v17  }
0xcb: {  	v17 =	vadd.s32 $0xC350, v11;
	[tilespmem:v32+s24+$0x0] =	vst.idx.add.f32.msk $0xffff, v25  }
0xcc: {  	v20 =	vmul.f32 v20, v2;
	v23 =	vld [tilespmem:s12+$0xFFFFF9D0]  }
0xcd: {  	v25 =	vld [tilespmem:s12+$0xFFFFF9E0]  }
0xce: {  	[tilespmem:v27+s24+$0x0] =	vst.idx.add.f32.msk $0xffff, v20;
	v18 =	vmul.f32 v18, v10  }
0xcf: {  	v20 =	vld [tilespmem:s12+$0x0]  }
0xd0: {  	[tilespmem:v17+s24+$0x0] =	vst.idx.add.f32.msk $0xffff, v18  }
0xd1: {  	v17 =	vmul.f32 v23, v1;
	v18 =	vld [tilespmem:s12+$0xCB0]  }
0xd2: {  	v23 =	vmul.f32 v25, v3;
	[tilespmem:v4+s24+$0x0] =	vst.idx.add.f32.msk $0xffff, v19;
	v4 =	vmov v21  }
0xd3: {  	[tilespmem:v30+s24+$0x0] =	vst.idx.add.f32.msk $0xffff, v17;
	v17 =	vadd.s32 $0xEA60, v11  }
0xd4: {  	v19 =	vmul.f32 v20, v2;
	[tilespmem:v33+s24+$0x0] =	vst.idx.add.f32.msk $0xffff, v23  }
0xd5: {  	v20 =	vld [tilespmem:s12+$0x10]  }
0xd6: {  	v21 =	vld [tilespmem:s12+$0x20];
	v18 =	vmul.f32 v18, v10  }
0xd7: {  	[tilespmem:v35+s24+$0x0] =	vst.idx.add.f32.msk $0xffff, v19  }
0xd8: {  	[tilespmem:v17+s24+$0x0] =	vst.idx.add.f32.msk $0xffff, v18  }
0xd9: {  	v17 =	vld [tilespmem:s12+$0x12F0]  }
0xda: {  	v18 =	vld [tilespmem:s12+$0x640];
	v19 =	vmul.f32 v20, v1  }
0xdb: {  	v11 =	vadd.s32 $0x11170, v11;
	v20 =	vmul.f32 v21, v3;
	[tilespmem:v6+s24+$0x0] =	vst.idx.add.f32.msk $0xffff, v26;
	v6 =	vmov v22  }
0xdc: {  	[tilespmem:v36+s24+$0x0] =	vst.idx.add.f32.msk $0xffff, v19  }
0xdd: {  	[tilespmem:v15+s24+$0x0] =	vst.idx.add.f32.msk $0xffff, v20  }
0xde: {  	v15 =	vld [tilespmem:s12+$0x650];
	v17 =	vmul.f32 v17, v10  }
.Ltmp1:
0xdf: {  	v18 =	vmul.f32 v18, v2;
	v10 =	vld [tilespmem:s12+$0x660];
	(pc) =	sbr.rel @p0 .LBB2_5-.Ltmp1, $4  }
0xe0: {  	[tilespmem:v11+s24+$0x0] =	vst.idx.add.f32.msk $0xffff, v17  }
0xe1: {  	[tilespmem:v14+s24+$0x0] =	vst.idx.add.f32.msk $0xffff, v18  }
0xe2: {  	v11 =	vld [tilespmem:s12+$0xC80]  }
0xe3: {  	s19 =	sadd.s32 $0x40, s19;
	v14 =	vmul.f32 v15, v1;
	[tilespmem:v5+s24+$0x0] =	vst.idx.add.f32.msk $0xffff, v16;
	v5 =	vmov v24  }
0xe4: {  	_ =	sdelay $0x2  }
0xe5: {  	v10 =	vmul.f32 v10, v3  }
0xe6: {  	[tilespmem:v12+s24+$0x0] =	vst.idx.add.f32.msk $0xffff, v14  }
0xe7: {  	[tilespmem:v13+s24+$0x0] =	vst.idx.add.f32.msk $0xffff, v10  }
0xe8: {  	v10 =	vld [tilespmem:s12+$0xC90]  }
0xe9: {  	v12 =	vld [tilespmem:s15+$0xCA0];
	_ =	sdelay $0x2  }
0xea: {  	v11 =	vmul.f32 v11, v2  }
0xeb: {  	v10 =	vmul.f32 v10, v1  }
0xec: {  	[tilespmem:v8+s24+$0x0] =	vst.idx.add.f32.msk $0xffff, v11;
	v8 =	vmul.f32 v12, v3  }
0xed: {  	[tilespmem:v9+s24+$0x0] =	vst.idx.add.f32.msk $0xffff, v10  }
0xee: {  	[tilespmem:v7+s24+$0x0] =	vst.idx.add.f32.msk $0xffff, v8  }
0xef: {  	v7 =	vld [tilespmem:s15+$0x12C0]  }
0xf0: {  	v8 =	vld [tilespmem:s15+$0x12D0]  }
0xf1: {  	v9 =	vld [tilespmem:s15+$0x12E0];
	_ =	sdelay $0x2  }
0xf2: {  	v2 =	vmul.f32 v7, v2  }
0xf3: {  	p0 =	seq.s32 s10, $0x31;
	v1 =	vmul.f32 v8, v1  }
0xf4: {  	s11 =	sadd.s32 @!p0 $0xC80, s11;
	v3 =	vmul.f32 v9, v3;
	[tilespmem:v4+s24+$0x0] =	vst.idx.add.f32.msk $0xffff, v2  }
0xf5: {  	s16 =	simm.s32 @!p0 $0x2710;
	s12 =	sshrl.u32 @!p0 s11, $0x3;
	s11 =	sadd.s32 @!p0 s4, s11;
	[tilespmem:v6+s24+$0x0] =	vst.idx.add.f32.msk $0xffff, v1  }
0xf6: {  	s13 =	sadd.s32 @!p0 s1, s12;
	s11 =	sshrl.u32 @!p0 s11, $0x3;
	s15 =	simm.s32 @!p0 $0x0;
	[tilespmem:v5+s24+$0x0] =	vst.idx.add.f32.msk $0xffff, v3  }
0xf7: {  	[tilespmem:s16], [sflag:$0x1] =	stream.linear.gather @!p0 [hbm4b:s13+s15], $0x640, $0x38;
	[tilespmem:$0x1DC90] =	vst v63  }
0xf8: {  	s12 =	sadd.s32 @!p0 s3, s12;
	s11 =	sadd.s32 @!p0 s6, s11;
	s13 =	simm.s32 @!p0 $0x3390  }
0xf9: {  	[tilespmem:s13], [sflag:$0x1] =	stream.linear.gather @!p0 [hbm4b:s12+s15], $0x640, $0x38;
	[tilespmem:$0x1DC90] =	vst v63  }
0xfa: {  	s12 =	simm.s32 @!p0 $0x640;
	s13 =	simm.s32 @!p0 $0x27100;
	s15 =	simm.s32 @!p0 $0x4010  }
0xfb: {  	[tilespmem:s15], [sflag:$0x1] =	stream.strided.gather @!p0 [hbm4b:s11+s12], $0x3200, s13, s12, $0x38;
	[tilespmem:$0x1DC90] =	vst v63  }
0xfc: {  	_ =	swait.ge [sflag:s25], $0x640  }
0xfd: {  	[sflag:s25] =	ssyncset.done $0x0  }
0xfe: {  	[sflag:s25] =	ssyncadd.s32 $0xFFFFF9C0  }
0xff: {  	_ =	swait.ge [sflag:s25], $0x640  }
0x100: {  	[sflag:s25] =	ssyncset.done $0x0  }
0x101: {  	[sflag:s25] =	ssyncadd.s32 $0xFFFFF9C0  }
0x102: {  	_ =	swait.ge [sflag:s25], $0x3200  }
0x103: {  	[sflag:s25] =	ssyncset.done $0x0  }
0x104: {  	s19 =	simm.s32 $0x0;
	[sflag:s25] =	ssyncadd.s32 $0xFFFFCE00  }
0x105: {  	v1 =	vld [tilespmem:s19+$0x2D80];
	_ =	sdelay $0x4  }
0x106: {  	v2 =	vld [tilespmem:s19+$0x3A00]  }
0x107: {  	v4 =	vld [tilespmem:s19+$0x2D50]  }
0x108: {  	v3 =	vld [tilespmem:s19+$0x7240]  }
0x109: {  	v1 =	vld.idx.msk [tilespmem:v1+s5+$0x0], $0xffff;
	_ =	sdelay $0x1  }
0x10a: {  	v5 =	vld [tilespmem:s19+$0x2D60]  }
0x10b: {  	v6 =	vld [tilespmem:s19+$0x2D70]  }
0x10c: {  	v11 =	vld [tilespmem:s19+$0x7220]  }
0x10d: {  	v8 =	vld [tilespmem:s19+$0x39D0];
	v3 =	vmul.f32 v3, v1  }
0x10e: {  	v7 =	vld.idx.msk [tilespmem:v4+s5+$0x0], $0xffff  }
0x10f: {  	[tilespmem:v2+s24+$0x0] =	vst.idx.add.f32.msk $0xffff, v3  }
0x110: {  	v3 =	vld [tilespmem:s19+$0x7880]  }
0x111: {  	v4 =	vld [tilespmem:s19+$0x39E0]  }
0x112: {  	v12 =	vadd.s32 $0x2710, v2;
	v5 =	vld.idx.msk [tilespmem:v5+s5+$0x0], $0xffff  }
0x113: {  	v9 =	vld [tilespmem:s19+$0x7210]  }
0x114: {  	v13 =	vld [tilespmem:s19+$0x7230]  }
0x115: {  	v10 =	vld.idx.msk [tilespmem:v6+s5+$0x0], $0xffff;
	v3 =	vmul.f32 v3, v1  }
0x116: {  	v6 =	vld [tilespmem:s19+$0x39F0]  }
0x117: {  	v11 =	vmul.f32 v11, v5;
	[tilespmem:v12+s24+$0x0] =	vst.idx.add.f32.msk $0xffff, v3  }
0x118: {  	v3 =	vmul.f32 v9, v7;
	v9 =	vld [tilespmem:s19+$0x7EC0]  }
0x119: {  	[tilespmem:v4+s24+$0x0] =	vst.idx.add.f32.msk $0xffff, v11  }
0x11a: {  	[tilespmem:v8+s24+$0x0] =	vst.idx.add.f32.msk $0xffff, v3;
	v3 =	vadd.s32 $0x4E20, v2  }
0x11b: {  	v12 =	vld [tilespmem:s19+$0x7860];
	_ =	sdelay $0x1  }
0x11c: {  	v15 =	vadd.s32 $0x2710, v4;
	v11 =	vld [tilespmem:s19+$0x7850];
	v9 =	vmul.f32 v9, v1;
	_ =	sdelay $0x1  }
0x11d: {  	v14 =	vadd.s32 $0x2710, v8;
	v13 =	vmul.f32 v13, v10;
	[tilespmem:v3+s24+$0x0] =	vst.idx.add.f32.msk $0xffff, v9  }
0x11e: {  	v12 =	vmul.f32 v12, v5;
	v3 =	vld [tilespmem:s19+$0x8500]  }
0x11f: {  	[tilespmem:v6+s24+$0x0] =	vst.idx.add.f32.msk $0xffff, v13  }
0x120: {  	v13 =	vadd.s32 $0x7530, v2;
	[tilespmem:v15+s24+$0x0] =	vst.idx.add.f32.msk $0xffff, v12;
	v9 =	vmul.f32 v11, v7  }
0x121: {  	v11 =	vld [tilespmem:s19+$0x7870]  }
0x122: {  	[tilespmem:v14+s24+$0x0] =	vst.idx.add.f32.msk $0xffff, v9  }
0x123: {  	v9 =	vadd.s32 $0x2710, v6;
	v12 =	vld [tilespmem:s19+$0x7E90];
	v3 =	vmul.f32 v3, v1  }
0x124: {  	v14 =	vld [tilespmem:s19+$0x7EA0]  }
0x125: {  	v15 =	vadd.s32 $0x4E20, v8;
	[tilespmem:v13+s24+$0x0] =	vst.idx.add.f32.msk $0xffff, v3  }
0x126: {  	v11 =	vmul.f32 v11, v10;
	v3 =	vadd.s32 $0x4E20, v4;
	v13 =	vld [tilespmem:s19+$0x8B40];
	_ =	sdelay $0x1  }
0x127: {  	[tilespmem:v9+s24+$0x0] =	vst.idx.add.f32.msk $0xffff, v11;
	v11 =	vmul.f32 v12, v7;
	v12 =	vadd.s32 $0x9C40, v2  }
0x128: {  	v14 =	vmul.f32 v14, v5;
	v9 =	vld [tilespmem:s19+$0x7EB0]  }
0x129: {  	[tilespmem:v15+s24+$0x0] =	vst.idx.add.f32.msk $0xffff, v11  }
0x12a: {  	v16 =	vadd.s32 $0x4E20, v6;
	[tilespmem:v3+s24+$0x0] =	vst.idx.add.f32.msk $0xffff, v14;
	v3 =	vmul.f32 v13, v1  }
0x12b: {  	v11 =	vld [tilespmem:s19+$0x84D0]  }
0x12c: {  	[tilespmem:v12+s24+$0x0] =	vst.idx.add.f32.msk $0xffff, v3  }
0x12d: {  	s11 =	simm.s32 $0x40;
	v9 =	vmul.f32 v9, v10;
	v3 =	vadd.s32 $0x7530, v8;
	v12 =	vld [tilespmem:s19+$0x9180]  }
0x12e: {  	v17 =	vld [tilespmem:s11+$0x7230]  }
0x12f: {  	v13 =	vadd.s32 $0xC350, v2;
	[tilespmem:v16+s24+$0x0] =	vst.idx.add.f32.msk $0xffff, v9  }
0x130: {  	v9 =	vld [tilespmem:s19+$0x84E0];
	v11 =	vmul.f32 v11, v7  }
0x131: {  	v14 =	vld [tilespmem:s19+$0x84F0]  }
0x132: {  	v15 =	vadd.s32 $0x7530, v4;
	[tilespmem:v3+s24+$0x0] =	vst.idx.add.f32.msk $0xffff, v11;
	v3 =	vmul.f32 v12, v1  }
0x133: {  	v16 =	vadd.s32 $0x7530, v6;
	v11 =	vld [tilespmem:s19+$0x8B10]  }
0x134: {  	[tilespmem:v13+s24+$0x0] =	vst.idx.add.f32.msk $0xffff, v3  }
0x135: {  	v9 =	vmul.f32 v9, v5;
	v3 =	vadd.s32 $0x9C40, v8;
	v13 =	vld [tilespmem:s19+$0x97C0]  }
0x136: {  	v18 =	vld [tilespmem:s11+$0x3A00];
	v12 =	vmul.f32 v14, v10  }
0x137: {  	[tilespmem:v15+s24+$0x0] =	vst.idx.add.f32.msk $0xffff, v9;
	v9 =	vadd.s32 $0xEA60, v2  }
0x138: {  	[tilespmem:v16+s24+$0x0] =	vst.idx.add.f32.msk $0xffff, v12;
	v11 =	vmul.f32 v11, v7  }
0x139: {  	v12 =	vld [tilespmem:s19+$0x8B20]  }
0x13a: {  	[tilespmem:v3+s24+$0x0] =	vst.idx.add.f32.msk $0xffff, v11;
	v3 =	vmul.f32 v13, v1  }
0x13b: {  	v14 =	vld [tilespmem:s19+$0x8B30]  }
0x13c: {  	[tilespmem:v9+s24+$0x0] =	vst.idx.add.f32.msk $0xffff, v3  }
0x13d: {  	v15 =	vadd.s32 $0x9C40, v4;
	v9 =	vld [tilespmem:s19+$0x9E00]  }
0x13e: {  	v20 =	vld [tilespmem:s11+$0x7240];
	v11 =	vadd.s32 $0x9C40, v6  }
0x13f: {  	v2 =	vadd.s32 $0x11170, v2;
	v13 =	vld [tilespmem:s19+$0x9150]  }
0x140: {  	v22 =	vld [tilespmem:s11+$0x39E0];
	v3 =	vmul.f32 v12, v5  }
0x141: {  	v23 =	vld [tilespmem:s11+$0x39F0];
	v14 =	vmul.f32 v14, v10;
	v12 =	vadd.s32 $0xC350, v8  }
0x142: {  	[tilespmem:v15+s24+$0x0] =	vst.idx.add.f32.msk $0xffff, v3;
	v1 =	vmul.f32 v9, v1  }
0x143: {  	[tilespmem:v11+s24+$0x0] =	vst.idx.add.f32.msk $0xffff, v14  }
0x144: {  	v3 =	vmul.f32 v13, v7;
	[tilespmem:v2+s24+$0x0] =	vst.idx.add.f32.msk $0xffff, v1  }
0x145: {  	v1 =	vld [tilespmem:s11+$0x2D80]  }
0x146: {  	[tilespmem:v12+s24+$0x0] =	vst.idx.add.f32.msk $0xffff, v3  }
0x147: {  	v2 =	vld [tilespmem:s11+$0x2D50]  }
0x148: {  	v12 =	vld [tilespmem:s11+$0x2D60]  }
0x149: {  	v14 =	vld [tilespmem:s11+$0x2D70]  }
0x14a: {  	v16 =	vld [tilespmem:s11+$0x7220]  }
0x14b: {  	v15 =	vld [tilespmem:s11+$0x7210]  }
0x14c: {  	v11 =	vld [tilespmem:s19+$0x9160]  }
0x14d: {  	v19 =	vld.idx.msk [tilespmem:v1+s5+$0x0], $0xffff  }
0x14e: {  	v13 =	vld [tilespmem:s19+$0x9170]  }
0x14f: {  	v3 =	vld.idx.msk [tilespmem:v2+s5+$0x0], $0xffff  }
0x150: {  	v2 =	vld.idx.msk [tilespmem:v12+s5+$0x0], $0xffff  }
0x151: {  	v21 =	vadd.s32 $0xC350, v6;
	v1 =	vld.idx.msk [tilespmem:v14+s5+$0x0], $0xffff  }
0x152: {  	v12 =	vadd.s32 $0xC350, v4;
	v14 =	vld [tilespmem:s11+$0x39D0];
	v20 =	vmul.f32 v20, v19  }
0x153: {  	v9 =	vld [tilespmem:s19+$0x9790]  }
0x154: {  	v13 =	vmul.f32 v13, v10;
	[tilespmem:v18+s24+$0x0] =	vst.idx.add.f32.msk $0xffff, v20  }
0x155: {  	v11 =	vmul.f32 v11, v5;
	v20 =	vld [tilespmem:s11+$0x7880]  }
0x156: {  	[tilespmem:v21+s24+$0x0] =	vst.idx.add.f32.msk $0xffff, v13  }
0x157: {  	[tilespmem:v12+s24+$0x0] =	vst.idx.add.f32.msk $0xffff, v11;
	v12 =	vadd.s32 $0x2710, v18  }
0x158: {  	v25 =	vld [tilespmem:s19+$0x97B0];
	v11 =	vmul.f32 v15, v3  }
0x159: {  	v13 =	vmul.f32 v16, v2;
	v15 =	vld [tilespmem:s19+$0x97A0]  }
0x15a: {  	[tilespmem:v14+s24+$0x0] =	vst.idx.add.f32.msk $0xffff, v11;
	v11 =	vmul.f32 v20, v19  }
0x15b: {  	[tilespmem:v22+s24+$0x0] =	vst.idx.add.f32.msk $0xffff, v13  }
0x15c: {  	v16 =	vmul.f32 v17, v1;
	[tilespmem:v12+s24+$0x0] =	vst.idx.add.f32.msk $0xffff, v11  }
0x15d: {  	v13 =	vadd.s32 $0xEA60, v4;
	v12 =	vld [tilespmem:s11+$0x7EC0]  }
0x15e: {  	[tilespmem:v23+s24+$0x0] =	vst.idx.add.f32.msk $0xffff, v16;
	v11 =	vadd.s32 $0xEA60, v8  }
0x15f: {  	v54 =	vadd.s32 $0x4E20, v18;
	v16 =	vld [tilespmem:s11+$0x7850]  }
0x160: {  	v17 =	vld [tilespmem:s11+$0x7860];
	v15 =	vmul.f32 v15, v5  }
0x161: {  	v9 =	vmul.f32 v9, v7;
	v24 =	vadd.s32 $0x2710, v14;
	v55 =	vld [tilespmem:s11+$0x7870]  }
0x162: {  	v26 =	vadd.s32 $0x2710, v22;
	[tilespmem:v13+s24+$0x0] =	vst.idx.add.f32.msk $0xffff, v15;
	v12 =	vmul.f32 v12, v19  }
0x163: {  	[tilespmem:v11+s24+$0x0] =	vst.idx.add.f32.msk $0xffff, v9;
	v9 =	vadd.s32 $0x2710, v23  }
0x164: {  	v11 =	vmul.f32 v16, v3;
	[tilespmem:v54+s24+$0x0] =	vst.idx.add.f32.msk $0xffff, v12  }
0x165: {  	v12 =	vmul.f32 v17, v2;
	v13 =	vld [tilespmem:s11+$0x8500]  }
0x166: {  	v15 =	vmul.f32 v55, v1;
	[tilespmem:v24+s24+$0x0] =	vst.idx.add.f32.msk $0xffff, v11  }
0x167: {  	v11 =	vadd.s32 $0x7530, v18;
	[tilespmem:v26+s24+$0x0] =	vst.idx.add.f32.msk $0xffff, v12  }
0x168: {  	[tilespmem:v9+s24+$0x0] =	vst.idx.add.f32.msk $0xffff, v15  }
0x169: {  	v12 =	vld [tilespmem:s11+$0x7E90]  }
0x16a: {  	v9 =	vadd.s32 $0xEA60, v6;
	v15 =	vld [tilespmem:s11+$0x7EA0];
	v13 =	vmul.f32 v13, v19  }
0x16b: {  	v16 =	vadd.s32 $0x4E20, v14;
	v17 =	vld [tilespmem:s11+$0x7EB0]  }
0x16c: {  	v56 =	vadd.s32 $0x4E20, v22;
	[tilespmem:v11+s24+$0x0] =	vst.idx.add.f32.msk $0xffff, v13  }
0x16d: {  	v57 =	vmul.f32 v25, v10;
	v11 =	vadd.s32 $0x4E20, v23;
	v13 =	vld [tilespmem:s11+$0x8B40]  }
0x16e: {  	v58 =	vld [tilespmem:s19+$0x9DD0];
	v12 =	vmul.f32 v12, v3  }
0x16f: {  	[tilespmem:v9+s24+$0x0] =	vst.idx.add.f32.msk $0xffff, v57;
	v9 =	vmul.f32 v15, v2;
	v15 =	vadd.s32 $0x9C40, v18  }
0x170: {  	[tilespmem:v16+s24+$0x0] =	vst.idx.add.f32.msk $0xffff, v12;
	v12 =	vmul.f32 v17, v1  }
0x171: {  	v8 =	vadd.s32 $0x11170, v8;
	[tilespmem:v56+s24+$0x0] =	vst.idx.add.f32.msk $0xffff, v9  }
0x172: {  	[tilespmem:v11+s24+$0x0] =	vst.idx.add.f32.msk $0xffff, v12;
	v9 =	vmul.f32 v13, v19  }
0x173: {  	v11 =	vld [tilespmem:s11+$0x84D0]  }
0x174: {  	v7 =	vmul.f32 v58, v7;
	[tilespmem:v15+s24+$0x0] =	vst.idx.add.f32.msk $0xffff, v9  }
0x175: {  	v9 =	vadd.s32 $0x7530, v14;
	v12 =	vld [tilespmem:s11+$0x9180]  }
0x176: {  	[tilespmem:v8+s24+$0x0] =	vst.idx.add.f32.msk $0xffff, v7  }
0x177: {  	v16 =	vadd.s32 $0xC350, v18;
	v13 =	vld [tilespmem:s11+$0x84E0]  }
0x178: {  	v15 =	vld [tilespmem:s11+$0x84F0];
	v11 =	vmul.f32 v11, v3  }
0x179: {  	v59 =	vadd.s32 $0x7530, v22;
	v60 =	vld [tilespmem:s19+$0x9DF0]  }
0x17a: {  	v61 =	vadd.s32 $0x7530, v23;
	[tilespmem:v9+s24+$0x0] =	vst.idx.add.f32.msk $0xffff, v11;
	v9 =	vmul.f32 v12, v19  }
0x17b: {  	v11 =	vld [tilespmem:s11+$0x8B10]  }
0x17c: {  	v12 =	vmul.f32 v13, v2;
	[tilespmem:v16+s24+$0x0] =	vst.idx.add.f32.msk $0xffff, v9  }
0x17d: {  	v13 =	vmul.f32 v15, v1;
	v9 =	vadd.s32 $0x9C40, v14;
	v15 =	vld [tilespmem:s11+$0x97C0]  }
0x17e: {  	[tilespmem:v59+s24+$0x0] =	vst.idx.add.f32.msk $0xffff, v12  }
0x17f: {  	[tilespmem:v61+s24+$0x0] =	vst.idx.add.f32.msk $0xffff, v13;
	v12 =	vadd.s32 $0xEA60, v18  }
0x180: {  	v13 =	vld [tilespmem:s11+$0x8B20];
	v11 =	vmul.f32 v11, v3  }
0x181: {  	v16 =	vld [tilespmem:s11+$0x8B30]  }
0x182: {  	v62 =	vadd.s32 $0x9C40, v22;
	[tilespmem:v9+s24+$0x0] =	vst.idx.add.f32.msk $0xffff, v11;
	v9 =	vmul.f32 v15, v19  }
0x183: {  	v11 =	vadd.s32 $0x9C40, v23;
	v15 =	vld [tilespmem:s11+$0x9150]  }
0x184: {  	[tilespmem:v12+s24+$0x0] =	vst.idx.add.f32.msk $0xffff, v9  }
0x185: {  	v9 =	vmul.f32 v13, v2;
	v12 =	vld [tilespmem:s11+$0x9E00]  }
0x186: {  	v63 =	vadd.s32 $0xC350, v14;
	v17 =	vld [tilespmem:s19+$0x9DE0];
	v13 =	vmul.f32 v16, v1  }
0x187: {  	[tilespmem:v62+s24+$0x0] =	vst.idx.add.f32.msk $0xffff, v9;
	v9 =	vadd.s32 $0x11170, v18  }
0x188: {  	[tilespmem:v11+s24+$0x0] =	vst.idx.add.f32.msk $0xffff, v13  }
0x189: {  	v18 =	vadd.s32 $0x11170, v4;
	v7 =	vmul.f32 v15, v3;
	v20 =	vld [tilespmem:s11+$0x9160]  }
0x18a: {  	v4 =	vadd.s32 $0x11170, v6;
	v13 =	vld [tilespmem:s11+$0x9170];
	v15 =	vmul.f32 v12, v19  }
0x18b: {  	v8 =	vadd.s32 $0xEA60, v14;
	v16 =	vmul.f32 v60, v10;
	[tilespmem:v63+s24+$0x0] =	vst.idx.add.f32.msk $0xffff, v7  }
0x18c: {  	v11 =	vadd.s32 $0xC350, v23;
	v6 =	vadd.s32 $0x11170, v14;
	v19 =	vmul.f32 v17, v5;
	[tilespmem:v9+s24+$0x0] =	vst.idx.add.f32.msk $0xffff, v15  }
0x18d: {  	v14 =	vadd.s32 $0x11170, v23;
	v7 =	vadd.s32 $0xEA60, v22;
	v12 =	vadd.s32 $0xC350, v22;
	v15 =	vld [tilespmem:s11+$0x9790]  }
0x18e: {  	s12 =	simm.s32 $0x4;
	s13 =	simm.s32 $0x200;
	v5 =	vadd.s32 $0x11170, v22;
	v9 =	vadd.s32 $0xEA60, v23;
	v17 =	vmul.f32 v20, v2;
	[tilespmem:v18+s24+$0x0] =	vst.idx.add.f32.msk $0xffff, v19  }
.LBB2_7:
0x18f: {  	s15 =	sshra.s32 s13, $0x2;
	s12 =	sadd.s32 $0x4, s12;
	v18 =	vmul.f32 v13, v1;
	[tilespmem:v4+s24+$0x0] =	vst.idx.add.f32.msk $0xffff, v16;
	v4 =	vmov v14  }
0x190: {  	v10 =	vld [tilespmem:s15+$0x2D80];
	p0 =	slt.u32 s12, $0x60  }
0x191: {  	v14 =	vld [tilespmem:s15+$0x2D50]  }
0x192: {  	v16 =	vld [tilespmem:s15+$0x2D60];
	v21 =	vmul.f32 v15, v3  }
0x193: {  	v15 =	vld [tilespmem:s15+$0x2D70]  }
0x194: {  	v19 =	vld [tilespmem:s15+$0x7210]  }
0x195: {  	v20 =	vld [tilespmem:s15+$0x7220]  }
0x196: {  	v22 =	vld [tilespmem:s15+$0x7230]  }
0x197: {  	v13 =	vld [tilespmem:s15+$0x3A00]  }
0x198: {  	v10 =	vld.idx.msk [tilespmem:v10+s5+$0x0], $0xffff  }
0x199: {  	v23 =	vld [tilespmem:s15+$0x7240]  }
0x19a: {  	v24 =	vld.idx.msk [tilespmem:v14+s5+$0x0], $0xffff  }
0x19b: {  	v16 =	vld.idx.msk [tilespmem:v16+s5+$0x0], $0xffff  }
0x19c: {  	v15 =	vld.idx.msk [tilespmem:v15+s5+$0x0], $0xffff  }
0x19d: {  	v14 =	vld [tilespmem:s15+$0x39D0]  }
0x19e: {  	v25 =	vld [tilespmem:s15+$0x39E0];
	v23 =	vmul.f32 v23, v10  }
0x19f: {  	v26 =	vld [tilespmem:s15+$0x39F0]  }
0x1a0: {  	v19 =	vmul.f32 v19, v24;
	[tilespmem:v13+s24+$0x0] =	vst.idx.add.f32.msk $0xffff, v23  }
0x1a1: {  	v20 =	vmul.f32 v20, v16;
	v23 =	vld [tilespmem:s15+$0x7880]  }
0x1a2: {  	v22 =	vmul.f32 v22, v15;
	v27 =	vadd.s32 $0x2710, v14;
	v28 =	vadd.s32 $0x4E20, v14;
	[tilespmem:v12+s24+$0x0] =	vst.idx.add.f32.msk $0xffff, v17  }
0x1a3: {  	v31 =	vadd.s32 $0x2710, v13;
	v29 =	vadd.s32 $0x2710, v25;
	v30 =	vadd.s32 $0x4E20, v25;
	[tilespmem:v11+s24+$0x0] =	vst.idx.add.f32.msk $0xffff, v18  }
0x1a4: {  	v32 =	vadd.s32 $0x7530, v14;
	v33 =	vadd.s32 $0x2710, v26;
	v34 =	vadd.s32 $0x4E20, v26;
	v35 =	vld [tilespmem:s11+$0x97A0]  }
0x1a5: {  	v36 =	vadd.s32 $0x9C40, v14;
	v37 =	vadd.s32 $0x7530, v25;
	v38 =	vadd.s32 $0x7530, v26;
	[tilespmem:v14+s24+$0x0] =	vst.idx.add.f32.msk $0xffff, v19  }
0x1a6: {  	v19 =	vadd.s32 $0x9C40, v26;
	[tilespmem:v25+s24+$0x0] =	vst.idx.add.f32.msk $0xffff, v20;
	v20 =	vadd.s32 $0x9C40, v25;
	v18 =	vmul.f32 v23, v10  }
0x1a7: {  	v17 =	vadd.s32 $0xC350, v14;
	v12 =	vadd.s32 $0xC350, v25;
	v11 =	vadd.s32 $0xC350, v26;
	[tilespmem:v26+s24+$0x0] =	vst.idx.add.f32.msk $0xffff, v22  }
0x1a8: {  	v39 =	vadd.s32 $0xEA60, v26;
	v23 =	vadd.s32 $0xEA60, v25;
	v22 =	vadd.s32 $0xEA60, v14;
	[tilespmem:v31+s24+$0x0] =	vst.idx.add.f32.msk $0xffff, v18  }
0x1a9: {  	v31 =	vadd.s32 $0x11170, v14;
	v18 =	vadd.s32 $0x11170, v25;
	v25 =	vld [tilespmem:s15+$0x7EC0];
	v35 =	vmul.f32 v35, v2  }
0x1aa: {  	v14 =	vadd.s32 $0x11170, v26;
	v40 =	vld [tilespmem:s15+$0x7850]  }
0x1ab: {  	v41 =	vadd.s32 $0x4E20, v13;
	v26 =	vld [tilespmem:s15+$0x7860]  }
0x1ac: {  	v42 =	vld [tilespmem:s15+$0x7870]  }
0x1ad: {  	v43 =	vld [tilespmem:s11+$0x97B0]  }
0x1ae: {  	v25 =	vmul.f32 v25, v10;
	[tilespmem:v8+s24+$0x0] =	vst.idx.add.f32.msk $0xffff, v21;
	v8 =	vmov v22  }
0x1af: {  	v21 =	vmul.f32 v40, v24;
	[tilespmem:v7+s24+$0x0] =	vst.idx.add.f32.msk $0xffff, v35;
	v7 =	vmov v23  }
0x1b0: {  	v22 =	vmul.f32 v26, v16;
	[tilespmem:v41+s24+$0x0] =	vst.idx.add.f32.msk $0xffff, v25  }
0x1b1: {  	v23 =	vmul.f32 v42, v15;
	v25 =	vld [tilespmem:s15+$0x8500]  }
0x1b2: {  	[tilespmem:v27+s24+$0x0] =	vst.idx.add.f32.msk $0xffff, v21;
	v21 =	vmul.f32 v43, v1  }
0x1b3: {  	[tilespmem:v29+s24+$0x0] =	vst.idx.add.f32.msk $0xffff, v22;
	v22 =	vadd.s32 $0x7530, v13  }
0x1b4: {  	[tilespmem:v33+s24+$0x0] =	vst.idx.add.f32.msk $0xffff, v23  }
0x1b5: {  	v23 =	vld [tilespmem:s15+$0x7E90]  }
0x1b6: {  	v26 =	vld [tilespmem:s15+$0x7EA0];
	v25 =	vmul.f32 v25, v10  }
0x1b7: {  	v27 =	vld [tilespmem:s15+$0x7EB0]  }
0x1b8: {  	[tilespmem:v22+s24+$0x0] =	vst.idx.add.f32.msk $0xffff, v25  }
0x1b9: {  	v22 =	vld [tilespmem:s15+$0x8B40]  }
0x1ba: {  	v23 =	vmul.f32 v23, v24;
	[tilespmem:v9+s24+$0x0] =	vst.idx.add.f32.msk $0xffff, v21;
	v9 =	vmov v39  }
0x1bb: {  	v25 =	vadd.s32 $0x9C40, v13;
	v21 =	vmul.f32 v26, v16;
	v26 =	vld [tilespmem:s11+$0x9DD0]  }
0x1bc: {  	[tilespmem:v28+s24+$0x0] =	vst.idx.add.f32.msk $0xffff, v23;
	v23 =	vmul.f32 v27, v15  }
0x1bd: {  	[tilespmem:v30+s24+$0x0] =	vst.idx.add.f32.msk $0xffff, v21  }
0x1be: {  	[tilespmem:v34+s24+$0x0] =	vst.idx.add.f32.msk $0xffff, v23;
	v21 =	vmul.f32 v22, v10  }
0x1bf: {  	v22 =	vld [tilespmem:s15+$0x84D0]  }
0x1c0: {  	[tilespmem:v25+s24+$0x0] =	vst.idx.add.f32.msk $0xffff, v21;
	v21 =	vmul.f32 v26, v3;
	v3 =	vmov v24  }
0x1c1: {  	v23 =	vld [tilespmem:s15+$0x9180]  }
0x1c2: {  	v24 =	vld [tilespmem:s15+$0x84E0]  }
0x1c3: {  	v26 =	vadd.s32 $0xC350, v13;
	v25 =	vld [tilespmem:s15+$0x84F0]  }
0x1c4: {  	v22 =	vmul.f32 v22, v3;
	v27 =	vld [tilespmem:s11+$0x9DE0]  }
0x1c5: {  	v28 =	vld [tilespmem:s11+$0x9DF0];
	s11 =	smov.u32 s15  }
0x1c6: {  	[tilespmem:v32+s24+$0x0] =	vst.idx.add.f32.msk $0xffff, v22;
	v22 =	vmul.f32 v23, v10  }
0x1c7: {  	v23 =	vld [tilespmem:s11+$0x8B10];
	v24 =	vmul.f32 v24, v16  }
0x1c8: {  	v25 =	vmul.f32 v25, v15;
	[tilespmem:v26+s24+$0x0] =	vst.idx.add.f32.msk $0xffff, v22  }
0x1c9: {  	v22 =	vld [tilespmem:s11+$0x97C0];
	v26 =	vmul.f32 v27, v2;
	v2 =	vmov v16  }
0x1ca: {  	[tilespmem:v37+s24+$0x0] =	vst.idx.add.f32.msk $0xffff, v24;
	v16 =	vmul.f32 v28, v1;
	v1 =	vmov v15  }
0x1cb: {  	v15 =	vadd.s32 $0xEA60, v13;
	[tilespmem:v38+s24+$0x0] =	vst.idx.add.f32.msk $0xffff, v25  }
0x1cc: {  	v23 =	vmul.f32 v23, v3;
	v24 =	vld [tilespmem:s11+$0x8B20]  }
0x1cd: {  	v25 =	vld [tilespmem:s11+$0x8B30]  }
0x1ce: {  	[tilespmem:v36+s24+$0x0] =	vst.idx.add.f32.msk $0xffff, v23;
	v22 =	vmul.f32 v22, v10  }
0x1cf: {  	v23 =	vld [tilespmem:s11+$0x9150]  }
0x1d0: {  	[tilespmem:v15+s24+$0x0] =	vst.idx.add.f32.msk $0xffff, v22  }
0x1d1: {  	v15 =	vmul.f32 v24, v2;
	v22 =	vld [tilespmem:s11+$0x9E00]  }
0x1d2: {  	v24 =	vmul.f32 v25, v1;
	[tilespmem:v6+s24+$0x0] =	vst.idx.add.f32.msk $0xffff, v21;
	v6 =	vmov v31  }
0x1d3: {  	[tilespmem:v20+s24+$0x0] =	vst.idx.add.f32.msk $0xffff, v15;
	v15 =	vadd.s32 $0x11170, v13  }
0x1d4: {  	v20 =	vmul.f32 v23, v3;
	[tilespmem:v19+s24+$0x0] =	vst.idx.add.f32.msk $0xffff, v24  }
0x1d5: {  	v19 =	vld [tilespmem:s11+$0x9160]  }
.Ltmp2:
0x1d6: {  	v13 =	vld [tilespmem:s11+$0x9170];
	v10 =	vmul.f32 v22, v10;
	(pc) =	sbr.rel @p0 .LBB2_7-.Ltmp2, $4  }
0x1d7: {  	[tilespmem:v17+s24+$0x0] =	vst.idx.add.f32.msk $0xffff, v20  }
0x1d8: {  	[tilespmem:v15+s24+$0x0] =	vst.idx.add.f32.msk $0xffff, v10  }
0x1d9: {  	v15 =	vld [tilespmem:s11+$0x9790]  }
0x1da: {  	s13 =	sadd.s32 $0x100, s13;
	v17 =	vmul.f32 v19, v2;
	[tilespmem:v5+s24+$0x0] =	vst.idx.add.f32.msk $0xffff, v26;
	v5 =	vmov v18  }
0x1db: {  	_ =	sdelay $0x2  }
0x1dc: {  	v10 =	vmul.f32 v13, v1  }
0x1dd: {  	[tilespmem:v12+s24+$0x0] =	vst.idx.add.f32.msk $0xffff, v17  }
0x1de: {  	[tilespmem:v11+s24+$0x0] =	vst.idx.add.f32.msk $0xffff, v10  }
0x1df: {  	v59 =	vld [tilespmem:s11+$0x97A0]  }
0x1e0: {  	v11 =	vld [tilespmem:s11+$0x97B0];
	_ =	sdelay $0x1  }
0x1e1: {  	v60 =	vmul.f32 v15, v3;
	_ =	sdelay $0x1  }
0x1e2: {  	[tilespmem:v8+s24+$0x0] =	vst.idx.add.f32.msk $0xffff, v60;
	v10 =	vmul.f32 v59, v2  }
0x1e3: {  	v62 =	vld [tilespmem:s11+$0x9DD0];
	v61 =	vmul.f32 v11, v1  }
0x1e4: {  	[tilespmem:v7+s24+$0x0] =	vst.idx.add.f32.msk $0xffff, v10  }
0x1e5: {  	[tilespmem:v9+s24+$0x0] =	vst.idx.add.f32.msk $0xffff, v61  }
0x1e6: {  	v63 =	vld [tilespmem:s11+$0x9DE0]  }
0x1e7: {  	v9 =	vld [tilespmem:s11+$0x9DF0]  }
0x1e8: {  	s10 =	sadd.s32 $0x1, s10  }
0x1e9: {  	p0 =	sne.s32 s10, $0x32  }
.Ltmp3:
0x1ea: {  	v3 =	vmul.f32 v62, v3;
	(pc) =	sbr.rel @p0 .LBB2_4-.Ltmp3, $4  }
0x1eb: {  	[tilespmem:v4+s24+$0x0] =	vst.idx.add.f32.msk $0xffff, v16;
	v2 =	vmul.f32 v63, v2  }
0x1ec: {  	[tilespmem:v6+s24+$0x0] =	vst.idx.add.f32.msk $0xffff, v3;
	v1 =	vmul.f32 v9, v1  }
0x1ed: {  	[tilespmem:v5+s24+$0x0] =	vst.idx.add.f32.msk $0xffff, v2  }
0x1ee: {  	[tilespmem:v14+s24+$0x0] =	vst.idx.add.f32.msk $0xffff, v1  }
0x1ef: {  	s10 =	rddreg [dreg:$0x5]  }
0x1f0: {  	[hbm4b:s10+s5] =	stream.linear.scatter [tilespmem:s24], [sflag:$0x3], $0x2710, $0x38;
	[tilespmem:$0x1DC90] =	vst v63  }
0x1f1: {  	_ =	swait.ge [sflag:s14], $0x2710  }
0x1f2: {  	[sflag:s14] =	ssyncset.done $0x0  }
0x1f3: {  	s13 =	rddreg [dreg:$0x6];
	[sflag:s14] =	ssyncadd.s32 $0xFFFFD8F0  }
0x1f4: {  	[hbm4b:s13+s5] =	stream.linear.scatter [tilespmem:s26], [sflag:$0x3], $0x2710, $0x38;
	[tilespmem:$0x1DC90] =	vst v63  }
0x1f5: {  	_ =	swait.ge [sflag:s14], $0x2710  }
0x1f6: {  	[sflag:s14] =	ssyncset.done $0x0  }
0x1f7: {  	s15 =	rddreg [dreg:$0x7];
	[sflag:s14] =	ssyncadd.s32 $0xFFFFD8F0  }
0x1f8: {  	[hbm4b:s15+s5] =	stream.linear.scatter [tilespmem:s28], [sflag:$0x3], $0x2710, $0x38;
	[tilespmem:$0x1DC90] =	vst v63  }
0x1f9: {  	_ =	swait.ge [sflag:s14], $0x2710  }
0x1fa: {  	[sflag:s14] =	ssyncset.done $0x0  }
0x1fb: {  	s16 =	rddreg [dreg:$0xc];
	[sflag:s14] =	ssyncadd.s32 $0xFFFFD8F0  }
0x1fc: {  	[hbm4b:s16+s5] =	stream.linear.scatter [tilespmem:s29], [sflag:$0x3], $0x2710, $0x38;
	[tilespmem:$0x1DC90] =	vst v63  }
0x1fd: {  	_ =	swait.ge [sflag:s14], $0x2710  }
0x1fe: {  	[sflag:s14] =	ssyncset.done $0x0  }
0x1ff: {  	s19 =	rddreg [dreg:$0x8];
	[sflag:s14] =	ssyncadd.s32 $0xFFFFD8F0  }
0x200: {  	[hbm4b:s19+s5] =	stream.linear.scatter [tilespmem:s30], [sflag:$0x3], $0x2710, $0x38;
	[tilespmem:$0x1DC90] =	vst v63  }
0x201: {  	_ =	swait.ge [sflag:s14], $0x2710  }
0x202: {  	[sflag:s14] =	ssyncset.done $0x0  }
0x203: {  	s11 =	rddreg [dreg:$0x9];
	[sflag:s14] =	ssyncadd.s32 $0xFFFFD8F0  }
0x204: {  	[hbm4b:s11+s5] =	stream.linear.scatter [tilespmem:s31], [sflag:$0x3], $0x2710, $0x38;
	[tilespmem:$0x1DC90] =	vst v63  }
0x205: {  	_ =	swait.ge [sflag:s14], $0x2710  }
0x206: {  	[sflag:s14] =	ssyncset.done $0x0  }
0x207: {  	s12 =	rddreg [dreg:$0xa];
	[sflag:s14] =	ssyncadd.s32 $0xFFFFD8F0  }
0x208: {  	[hbm4b:s12+s5] =	stream.linear.scatter [tilespmem:s2], [sflag:$0x3], $0x2710, $0x38;
	[tilespmem:$0x1DC90] =	vst v63  }
0x209: {  	_ =	swait.ge [sflag:s14], $0x2710  }
0x20a: {  	[sflag:s14] =	ssyncset.done $0x0  }
0x20b: {  	s13 =	rddreg [dreg:$0xb];
	[sflag:s14] =	ssyncadd.s32 $0xFFFFD8F0  }
0x20c: {  	[hbm4b:s13+s5] =	stream.linear.scatter [tilespmem:s0], [sflag:$0x3], $0x2710, $0x38;
	[tilespmem:$0x1DC90] =	vst v63  }
0x20d: {  	_ =	swait.ge [sflag:s14], $0x2710  }
0x20e: {  	[sflag:s14] =	ssyncset.done $0x0  }
0x20f: {  	s15 =	simm.s32 $0x2710;
	[sflag:s14] =	ssyncadd.s32 $0xFFFFD8F0  }
0x210: {  	[tilespmem:s15], [sflag:$0x1] =	stream.linear.gather [hbm4b:s1+s5], $0x640, $0x38;
	[tilespmem:$0x1DC90] =	vst v63  }
0x211: {  	s16 =	simm.s32 $0x3390  }
0x212: {  	[tilespmem:s16], [sflag:$0x1] =	stream.linear.gather [hbm4b:s3+s5], $0x640, $0x38;
	[tilespmem:$0x1DC90] =	vst v63  }
0x213: {  	s10 =	simm.s32 $0xA450;
	s11 =	simm.s32 $0x4010;
	s19 =	rddreg [dreg:$0x1b]  }
0x214: {  	[tilespmem:s11], [sflag:$0x1] =	stream.strided.gather [hbm4b:s19+s17], $0x3200, s18, s17, $0x38;
	[tilespmem:$0x1DC90] =	vst v63  }
0x215: {  	[tilespmem:s10+$0xFFFFFFC0] =	vst v0  }
0x216: {  	[tilespmem:s10+$0x30] =	vst v0  }
0x217: {  	[tilespmem:s10+$0x20] =	vst v0  }
0x218: {  	[tilespmem:s10+$0x10] =	vst v0  }
0x219: {  	[tilespmem:s10+$0x0] =	vst v0  }
0x21a: {  	[tilespmem:s10+$0xFFFFFFF0] =	vst v0  }
0x21b: {  	s11 =	simm.s32 $0x0;
	[tilespmem:s10+$0xFFFFFFE0] =	vst v0  }
.LBB2_10:
0x21c: {  	s11 =	sadd.s32 $0x8, s11;
	[tilespmem:s10+$0xFFFFFFD0] =	vst v0;
	s10 =	sadd.s32 $0x80, s10  }
0x21d: {  	[tilespmem:s10+$0xFFFFFFC0] =	vst v0;
	p0 =	slt.u32 s11, $0x1380  }
0x21e: {  	[tilespmem:s10+$0x30] =	vst v0  }
.Ltmp4:
0x21f: {  	[tilespmem:s10+$0x20] =	vst v0;
	(pc) =	sbr.rel @p0 .LBB2_10-.Ltmp4, $4  }
0x220: {  	[tilespmem:s10+$0x10] =	vst v0  }
0x221: {  	[tilespmem:s10+$0x0] =	vst v0  }
0x222: {  	[tilespmem:s10+$0xFFFFFFF0] =	vst v0  }
0x223: {  	[tilespmem:s10+$0xFFFFFFE0] =	vst v0  }
0x224: {  	[tilespmem:s10+$0xFFFFFFD0] =	vst v0;
	s10 =	simm.s32 $0x0  }
.LBB2_12:
0x225: {  	s11 =	smul.u32 $0xC80, s10;
	_ =	sdelay $0x1  }
0x226: {  	s12 =	sadd.s32 $0x640, s11  }
0x227: {  	s13 =	sshrl.u32 s12, $0x3  }
0x228: {  	s12 =	sadd.s32 s4, s12;
	s15 =	sadd.s32 s1, s13  }
0x229: {  	[tilespmem:s20], [sflag:$0x2] =	stream.linear.gather [hbm4b:s15+s5], $0x640, $0x38;
	[tilespmem:$0x1DC90] =	vst v63  }
0x22a: {  	s13 =	sadd.s32 s3, s13;
	s12 =	sshrl.u32 s12, $0x3  }
0x22b: {  	[tilespmem:s21], [sflag:$0x2] =	stream.linear.gather [hbm4b:s13+s5], $0x640, $0x38;
	[tilespmem:$0x1DC90] =	vst v63  }
0x22c: {  	s12 =	sadd.s32 s7, s12  }
0x22d: {  	[tilespmem:s22], [sflag:$0x2] =	stream.strided.gather [hbm4b:s12+s17], $0x3200, s18, s17, $0x38;
	[tilespmem:$0x1DC90] =	vst v63  }
0x22e: {  	_ =	swait.ge [sflag:s23], $0x640  }
0x22f: {  	[sflag:s23] =	ssyncset.done $0x0  }
0x230: {  	[sflag:s23] =	ssyncadd.s32 $0xFFFFF9C0  }
0x231: {  	_ =	swait.ge [sflag:s23], $0x640  }
0x232: {  	[sflag:s23] =	ssyncset.done $0x0  }
0x233: {  	[sflag:s23] =	ssyncadd.s32 $0xFFFFF9C0  }
0x234: {  	_ =	swait.ge [sflag:s23], $0x3200  }
0x235: {  	[sflag:s23] =	ssyncset.done $0x0  }
0x236: {  	s19 =	simm.s32 $0x2730;
	[sflag:s23] =	ssyncadd.s32 $0xFFFFCE00  }
0x237: {  	v1 =	vld [tilespmem:s19+$0x10];
	_ =	sdelay $0x5  }
0x238: {  	s13 =	simm.s32 $0x33B0  }
0x239: {  	v4 =	vld [tilespmem:s13+$0x10]  }
0x23a: {  	s12 =	simm.s32 $0x5910;
	v5 =	vld.idx.msk [tilespmem:v1+s5+$0x0], $0xffff  }
0x23b: {  	v1 =	vld [tilespmem:s12+$0xFFFFE730];
	_ =	sdelay $0x2  }
0x23c: {  	v2 =	vld [tilespmem:s19+$0xFFFFFFF0]  }
0x23d: {  	v3 =	vld [tilespmem:s19+$0xFFFFFFE0]  }
0x23e: {  	v6 =	vld [tilespmem:s19+$0x0];
	v7 =	vmul.f32 v1, v5  }
0x23f: {  	v8 =	vld [tilespmem:s12+$0xFFFFE700]  }
0x240: {  	[tilespmem:v4+s24+$0x0] =	vst.idx.add.f32.msk $0xffff, v7  }
0x241: {  	v7 =	vld [tilespmem:s12+$0xFFFFED70]  }
0x242: {  	v11 =	vld [tilespmem:s13+$0xFFFFFFE0]  }
0x243: {  	v14 =	vld [tilespmem:s13+$0xFFFFFFF0];
	v9 =	vadd.s32 $0x2710, v4  }
0x244: {  	v1 =	vld.idx.msk [tilespmem:v2+s5+$0x0], $0xffff  }
0x245: {  	v2 =	vld.idx.msk [tilespmem:v3+s5+$0x0], $0xffff  }
0x246: {  	v10 =	vld [tilespmem:s12+$0xFFFFE710];
	v7 =	vmul.f32 v7, v5  }
0x247: {  	v3 =	vld.idx.msk [tilespmem:v6+s5+$0x0], $0xffff  }
0x248: {  	[tilespmem:v9+s24+$0x0] =	vst.idx.add.f32.msk $0xffff, v7  }
0x249: {  	v6 =	vld [tilespmem:s12+$0xFFFFF3B0]  }
0x24a: {  	v15 =	vld [tilespmem:s13+$0x0];
	v7 =	vmul.f32 v8, v2  }
0x24b: {  	v8 =	vld [tilespmem:s12+$0xFFFFE720];
	v9 =	vmul.f32 v10, v1;
	v10 =	vadd.s32 $0x4E20, v4  }
0x24c: {  	[tilespmem:v11+s24+$0x0] =	vst.idx.add.f32.msk $0xffff, v7  }
0x24d: {  	[tilespmem:v14+s24+$0x0] =	vst.idx.add.f32.msk $0xffff, v9  }
0x24e: {  	v7 =	vld [tilespmem:s12+$0xFFFFED40];
	v6 =	vmul.f32 v6, v5  }
0x24f: {  	v9 =	vld [tilespmem:s12+$0xFFFFED50]  }
0x250: {  	v12 =	vadd.s32 $0x2710, v11;
	v8 =	vmul.f32 v8, v3;
	[tilespmem:v10+s24+$0x0] =	vst.idx.add.f32.msk $0xffff, v6  }
0x251: {  	v6 =	vadd.s32 $0x2710, v14;
	v10 =	vld [tilespmem:s12+$0xFFFFF9F0]  }
0x252: {  	[tilespmem:v15+s24+$0x0] =	vst.idx.add.f32.msk $0xffff, v8  }
0x253: {  	v13 =	vadd.s32 $0x7530, v4;
	v8 =	vld [tilespmem:s12+$0xFFFFED60];
	v7 =	vmul.f32 v7, v2  }
0x254: {  	v9 =	vmul.f32 v9, v1  }
0x255: {  	v16 =	vadd.s32 $0x2710, v15;
	[tilespmem:v12+s24+$0x0] =	vst.idx.add.f32.msk $0xffff, v7  }
0x256: {  	[tilespmem:v6+s24+$0x0] =	vst.idx.add.f32.msk $0xffff, v9;
	v6 =	vmul.f32 v10, v5  }
0x257: {  	v7 =	vld [tilespmem:s12+$0xFFFFF380]  }
0x258: {  	v8 =	vmul.f32 v8, v3;
	[tilespmem:v13+s24+$0x0] =	vst.idx.add.f32.msk $0xffff, v6  }
0x259: {  	v6 =	vadd.s32 $0x4E20, v11;
	v9 =	vld [tilespmem:s12+$0x30]  }
0x25a: {  	[tilespmem:v16+s24+$0x0] =	vst.idx.add.f32.msk $0xffff, v8  }
0x25b: {  	v10 =	vadd.s32 $0x9C40, v4;
	v8 =	vld [tilespmem:s12+$0xFFFFF390]  }
0x25c: {  	v12 =	vld [tilespmem:s12+$0xFFFFF3A0];
	v7 =	vmul.f32 v7, v2  }
0x25d: {  	v13 =	vadd.s32 $0x4E20, v14  }
0x25e: {  	v62 =	vadd.s32 $0x4E20, v15;
	[tilespmem:v6+s24+$0x0] =	vst.idx.add.f32.msk $0xffff, v7;
	v6 =	vmul.f32 v9, v5  }
0x25f: {  	v7 =	vld [tilespmem:s12+$0xFFFFF9C0]  }
0x260: {  	v8 =	vmul.f32 v8, v1;
	[tilespmem:v10+s24+$0x0] =	vst.idx.add.f32.msk $0xffff, v6  }
0x261: {  	v9 =	vmul.f32 v12, v3;
	v6 =	vadd.s32 $0x7530, v11;
	v10 =	vld [tilespmem:s12+$0x670]  }
0x262: {  	[tilespmem:v13+s24+$0x0] =	vst.idx.add.f32.msk $0xffff, v8  }
0x263: {  	v8 =	vadd.s32 $0xC350, v4;
	[tilespmem:v62+s24+$0x0] =	vst.idx.add.f32.msk $0xffff, v9  }
0x264: {  	v9 =	vld [tilespmem:s12+$0xFFFFF9D0];
	v7 =	vmul.f32 v7, v2  }
0x265: {  	v12 =	vld [tilespmem:s12+$0xFFFFF9E0]  }
0x266: {  	v13 =	vadd.s32 $0x7530, v14;
	[tilespmem:v6+s24+$0x0] =	vst.idx.add.f32.msk $0xffff, v7;
	v6 =	vmul.f32 v10, v5  }
0x267: {  	v7 =	vadd.s32 $0x7530, v15;
	v10 =	vld [tilespmem:s12+$0x0]  }
0x268: {  	[tilespmem:v8+s24+$0x0] =	vst.idx.add.f32.msk $0xffff, v6  }
0x269: {  	v6 =	vmul.f32 v9, v1;
	v8 =	vld [tilespmem:s12+$0xCB0]  }
0x26a: {  	v12 =	vmul.f32 v12, v3;
	v9 =	vadd.s32 $0x9C40, v11  }
0x26b: {  	[tilespmem:v13+s24+$0x0] =	vst.idx.add.f32.msk $0xffff, v6;
	v6 =	vadd.s32 $0xEA60, v4  }
0x26c: {  	[tilespmem:v7+s24+$0x0] =	vst.idx.add.f32.msk $0xffff, v12  }
0x26d: {  	v7 =	vmul.f32 v10, v2;
	v10 =	vld [tilespmem:s12+$0x10]  }
0x26e: {  	v12 =	vld [tilespmem:s12+$0x20];
	v8 =	vmul.f32 v8, v5  }
0x26f: {  	v13 =	vadd.s32 $0x9C40, v14;
	[tilespmem:v9+s24+$0x0] =	vst.idx.add.f32.msk $0xffff, v7  }
0x270: {  	[tilespmem:v6+s24+$0x0] =	vst.idx.add.f32.msk $0xffff, v8  }
0x271: {  	v6 =	vadd.s32 $0x9C40, v15;
	v8 =	vld [tilespmem:s12+$0x640]  }
0x272: {  	v9 =	vmul.f32 v10, v1;
	v7 =	vld [tilespmem:s12+$0x12F0]  }
0x273: {  	v63 =	vadd.s32 $0xC350, v11  }
0x274: {  	v4 =	vadd.s32 $0x11170, v4;
	v10 =	vmul.f32 v12, v3;
	[tilespmem:v13+s24+$0x0] =	vst.idx.add.f32.msk $0xffff, v9  }
0x275: {  	v17 =	vld [tilespmem:s12+$0x650]  }
0x276: {  	[tilespmem:v6+s24+$0x0] =	vst.idx.add.f32.msk $0xffff, v10;
	v6 =	vmul.f32 v8, v2  }
0x277: {  	v5 =	vmul.f32 v7, v5;
	v10 =	vld [tilespmem:s12+$0x660]  }
0x278: {  	[tilespmem:v63+s24+$0x0] =	vst.idx.add.f32.msk $0xffff, v6  }
0x279: {  	v12 =	vadd.s32 $0xC350, v14;
	v13 =	vadd.s32 $0xC350, v15;
	v9 =	vadd.s32 $0xEA60, v14;
	[tilespmem:v4+s24+$0x0] =	vst.idx.add.f32.msk $0xffff, v5  }
0x27a: {  	v8 =	vadd.s32 $0xEA60, v11;
	v7 =	vadd.s32 $0xEA60, v15;
	v4 =	vadd.s32 $0x11170, v11;
	v11 =	vld [tilespmem:s12+$0xC80]  }
0x27b: {  	s16 =	simm.s32 $0x0;
	s15 =	simm.s32 $0x5910;
	s19 =	simm.s32 $0x2770;
	v6 =	vadd.s32 $0x11170, v14;
	v5 =	vadd.s32 $0x11170, v15;
	v14 =	vmul.f32 v17, v1  }
.LBB2_13:
0x27c: {  	v15 =	vld [tilespmem:s19+$0x10];
	s16 =	sadd.s32 $0x4, s16;
	v10 =	vmul.f32 v10, v3  }
0x27d: {  	v16 =	vld [tilespmem:s19+$0xFFFFFFF0];
	p0 =	slt.u32 s16, $0x60  }
0x27e: {  	v17 =	vld [tilespmem:s19+$0x0]  }
0x27f: {  	v18 =	vld [tilespmem:s19+$0xFFFFFFE0];
	v19 =	vmul.f32 v11, v2  }
0x280: {  	[tilespmem:v12+s24+$0x0] =	vst.idx.add.f32.msk $0xffff, v14  }
0x281: {  	[tilespmem:v13+s24+$0x0] =	vst.idx.add.f32.msk $0xffff, v10  }
0x282: {  	s13 =	sadd.s32 $0x40, s13;
	v12 =	vld [tilespmem:s12+$0xC90]  }
0x283: {  	v11 =	vld [tilespmem:s13+$0x10]  }
0x284: {  	s12 =	sadd.s32 $0x40, s12;
	v10 =	vld.idx.msk [tilespmem:v15+s5+$0x0], $0xffff  }
0x285: {  	v13 =	vld [tilespmem:s12+$0xFFFFE730]  }
0x286: {  	v16 =	vld.idx.msk [tilespmem:v16+s5+$0x0], $0xffff  }
0x287: {  	v18 =	vld.idx.msk [tilespmem:v18+s5+$0x0], $0xffff;
	v12 =	vmul.f32 v12, v1  }
0x288: {  	v17 =	vld.idx.msk [tilespmem:v17+s5+$0x0], $0xffff  }
0x289: {  	v14 =	vld [tilespmem:s12+$0xFFFFE700]  }
0x28a: {  	v15 =	vld [tilespmem:s12+$0xFFFFE710];
	v13 =	vmul.f32 v13, v10  }
0x28b: {  	v20 =	vld [tilespmem:s12+$0xFFFFE720]  }
0x28c: {  	[tilespmem:v11+s24+$0x0] =	vst.idx.add.f32.msk $0xffff, v13  }
0x28d: {  	v13 =	vld [tilespmem:s12+$0xFFFFED70]  }
0x28e: {  	v21 =	vld [tilespmem:s13+$0xFFFFFFE0];
	v14 =	vmul.f32 v14, v18  }
0x28f: {  	v22 =	vld [tilespmem:s13+$0xFFFFFFF0];
	v23 =	vmul.f32 v15, v16;
	v15 =	vadd.s32 $0x2710, v11  }
0x290: {  	v24 =	vld [tilespmem:s13+$0x0];
	v20 =	vmul.f32 v20, v17  }
0x291: {  	v25 =	vld [tilespmem:s15+$0xCA0]  }
0x292: {  	v13 =	vmul.f32 v13, v10;
	[tilespmem:v8+s24+$0x0] =	vst.idx.add.f32.msk $0xffff, v19  }
0x293: {  	v19 =	vadd.s32 $0x2710, v21;
	v26 =	vadd.s32 $0x4E20, v21;
	v27 =	vadd.s32 $0x7530, v21;
	[tilespmem:v9+s24+$0x0] =	vst.idx.add.f32.msk $0xffff, v12  }
0x294: {  	v28 =	vadd.s32 $0x2710, v22;
	v29 =	vadd.s32 $0x4E20, v22;
	v30 =	vadd.s32 $0x7530, v22;
	[tilespmem:v15+s24+$0x0] =	vst.idx.add.f32.msk $0xffff, v13  }
0x295: {  	v31 =	vadd.s32 $0x2710, v24;
	v32 =	vadd.s32 $0x4E20, v24;
	v33 =	vadd.s32 $0x7530, v24;
	v34 =	vld [tilespmem:s12+$0xFFFFF3B0]  }
0x296: {  	v35 =	vadd.s32 $0x9C40, v21;
	v36 =	vadd.s32 $0x9C40, v22;
	v15 =	vadd.s32 $0x9C40, v24;
	[tilespmem:v21+s24+$0x0] =	vst.idx.add.f32.msk $0xffff, v14  }
0x297: {  	v12 =	vadd.s32 $0xC350, v22;
	v14 =	vadd.s32 $0xC350, v21;
	[tilespmem:v22+s24+$0x0] =	vst.idx.add.f32.msk $0xffff, v23;
	v23 =	vadd.s32 $0x4E20, v11  }
0x298: {  	v8 =	vadd.s32 $0xEA60, v21;
	v13 =	vadd.s32 $0xC350, v24;
	[tilespmem:v24+s24+$0x0] =	vst.idx.add.f32.msk $0xffff, v20;
	v20 =	vmul.f32 v25, v3  }
0x299: {  	v9 =	vadd.s32 $0xEA60, v22;
	v37 =	vadd.s32 $0xEA60, v24;
	v21 =	vadd.s32 $0x11170, v21;
	v25 =	vld [tilespmem:s12+$0xFFFFED40]  }
0x29a: {  	v22 =	vadd.s32 $0x11170, v22;
	v24 =	vadd.s32 $0x11170, v24;
	v38 =	vld [tilespmem:s12+$0xFFFFED50];
	v34 =	vmul.f32 v34, v10  }
0x29b: {  	v39 =	vld [tilespmem:s12+$0xFFFFED60]  }
0x29c: {  	[tilespmem:v23+s24+$0x0] =	vst.idx.add.f32.msk $0xffff, v34  }
0x29d: {  	v23 =	vld [tilespmem:s12+$0xFFFFF9F0]  }
0x29e: {  	v25 =	vmul.f32 v25, v18;
	[tilespmem:v7+s24+$0x0] =	vst.idx.add.f32.msk $0xffff, v20;
	v7 =	vmov v37  }
0x29f: {  	v34 =	vadd.s32 $0x7530, v11;
	v20 =	vmul.f32 v38, v16;
	v37 =	vld [tilespmem:s15+$0x12C0]  }
0x2a0: {  	[tilespmem:v19+s24+$0x0] =	vst.idx.add.f32.msk $0xffff, v25;
	v19 =	vmul.f32 v39, v17  }
0x2a1: {  	[tilespmem:v28+s24+$0x0] =	vst.idx.add.f32.msk $0xffff, v20  }
0x2a2: {  	[tilespmem:v31+s24+$0x0] =	vst.idx.add.f32.msk $0xffff, v19;
	v19 =	vmul.f32 v23, v10  }
0x2a3: {  	v20 =	vld [tilespmem:s12+$0xFFFFF380]  }
0x2a4: {  	[tilespmem:v34+s24+$0x0] =	vst.idx.add.f32.msk $0xffff, v19;
	v19 =	vmul.f32 v37, v2;
	v2 =	vmov v18  }
0x2a5: {  	v18 =	vld [tilespmem:s12+$0x30]  }
0x2a6: {  	v23 =	vld [tilespmem:s12+$0xFFFFF390]  }
0x2a7: {  	v28 =	vadd.s32 $0x9C40, v11;
	v25 =	vld [tilespmem:s12+$0xFFFFF3A0]  }
0x2a8: {  	v20 =	vmul.f32 v20, v2;
	v31 =	vld [tilespmem:s15+$0x12D0]  }
0x2a9: {  	v34 =	vld [tilespmem:s15+$0x12E0];
	s15 =	smov.u32 s12  }
0x2aa: {  	[tilespmem:v26+s24+$0x0] =	vst.idx.add.f32.msk $0xffff, v20;
	v18 =	vmul.f32 v18, v10  }
0x2ab: {  	v20 =	vld [tilespmem:s12+$0xFFFFF9C0];
	v23 =	vmul.f32 v23, v16  }
0x2ac: {  	v25 =	vmul.f32 v25, v17;
	[tilespmem:v28+s24+$0x0] =	vst.idx.add.f32.msk $0xffff, v18  }
0x2ad: {  	v18 =	vld [tilespmem:s12+$0x670];
	v26 =	vmul.f32 v31, v1;
	v1 =	vmov v16  }
0x2ae: {  	[tilespmem:v29+s24+$0x0] =	vst.idx.add.f32.msk $0xffff, v23;
	v16 =	vmul.f32 v34, v3;
	v3 =	vmov v17  }
0x2af: {  	v17 =	vadd.s32 $0xC350, v11;
	[tilespmem:v32+s24+$0x0] =	vst.idx.add.f32.msk $0xffff, v25  }
0x2b0: {  	v20 =	vmul.f32 v20, v2;
	v23 =	vld [tilespmem:s12+$0xFFFFF9D0]  }
0x2b1: {  	v25 =	vld [tilespmem:s12+$0xFFFFF9E0]  }
0x2b2: {  	[tilespmem:v27+s24+$0x0] =	vst.idx.add.f32.msk $0xffff, v20;
	v18 =	vmul.f32 v18, v10  }
0x2b3: {  	v20 =	vld [tilespmem:s12+$0x0]  }
0x2b4: {  	[tilespmem:v17+s24+$0x0] =	vst.idx.add.f32.msk $0xffff, v18  }
0x2b5: {  	v17 =	vmul.f32 v23, v1;
	v18 =	vld [tilespmem:s12+$0xCB0]  }
0x2b6: {  	v23 =	vmul.f32 v25, v3;
	[tilespmem:v4+s24+$0x0] =	vst.idx.add.f32.msk $0xffff, v19;
	v4 =	vmov v21  }
0x2b7: {  	[tilespmem:v30+s24+$0x0] =	vst.idx.add.f32.msk $0xffff, v17;
	v17 =	vadd.s32 $0xEA60, v11  }
0x2b8: {  	v19 =	vmul.f32 v20, v2;
	[tilespmem:v33+s24+$0x0] =	vst.idx.add.f32.msk $0xffff, v23  }
0x2b9: {  	v20 =	vld [tilespmem:s12+$0x10]  }
0x2ba: {  	v21 =	vld [tilespmem:s12+$0x20];
	v18 =	vmul.f32 v18, v10  }
0x2bb: {  	[tilespmem:v35+s24+$0x0] =	vst.idx.add.f32.msk $0xffff, v19  }
0x2bc: {  	[tilespmem:v17+s24+$0x0] =	vst.idx.add.f32.msk $0xffff, v18  }
0x2bd: {  	v17 =	vld [tilespmem:s12+$0x12F0]  }
0x2be: {  	v18 =	vld [tilespmem:s12+$0x640];
	v19 =	vmul.f32 v20, v1  }
0x2bf: {  	v11 =	vadd.s32 $0x11170, v11;
	v20 =	vmul.f32 v21, v3;
	[tilespmem:v6+s24+$0x0] =	vst.idx.add.f32.msk $0xffff, v26;
	v6 =	vmov v22  }
0x2c0: {  	[tilespmem:v36+s24+$0x0] =	vst.idx.add.f32.msk $0xffff, v19  }
0x2c1: {  	[tilespmem:v15+s24+$0x0] =	vst.idx.add.f32.msk $0xffff, v20  }
0x2c2: {  	v15 =	vld [tilespmem:s12+$0x650];
	v17 =	vmul.f32 v17, v10  }
.Ltmp5:
0x2c3: {  	v18 =	vmul.f32 v18, v2;
	v10 =	vld [tilespmem:s12+$0x660];
	(pc) =	sbr.rel @p0 .LBB2_13-.Ltmp5, $4  }
0x2c4: {  	[tilespmem:v11+s24+$0x0] =	vst.idx.add.f32.msk $0xffff, v17  }
0x2c5: {  	[tilespmem:v14+s24+$0x0] =	vst.idx.add.f32.msk $0xffff, v18  }
0x2c6: {  	v11 =	vld [tilespmem:s12+$0xC80]  }
0x2c7: {  	s19 =	sadd.s32 $0x40, s19;
	v14 =	vmul.f32 v15, v1;
	[tilespmem:v5+s24+$0x0] =	vst.idx.add.f32.msk $0xffff, v16;
	v5 =	vmov v24  }
0x2c8: {  	_ =	sdelay $0x2  }
0x2c9: {  	v10 =	vmul.f32 v10, v3  }
0x2ca: {  	[tilespmem:v12+s24+$0x0] =	vst.idx.add.f32.msk $0xffff, v14  }
0x2cb: {  	[tilespmem:v13+s24+$0x0] =	vst.idx.add.f32.msk $0xffff, v10  }
0x2cc: {  	v10 =	vld [tilespmem:s12+$0xC90]  }
0x2cd: {  	v12 =	vld [tilespmem:s15+$0xCA0];
	_ =	sdelay $0x2  }
0x2ce: {  	v11 =	vmul.f32 v11, v2  }
0x2cf: {  	v10 =	vmul.f32 v10, v1  }
0x2d0: {  	[tilespmem:v8+s24+$0x0] =	vst.idx.add.f32.msk $0xffff, v11;
	v8 =	vmul.f32 v12, v3  }
0x2d1: {  	[tilespmem:v9+s24+$0x0] =	vst.idx.add.f32.msk $0xffff, v10  }
0x2d2: {  	[tilespmem:v7+s24+$0x0] =	vst.idx.add.f32.msk $0xffff, v8  }
0x2d3: {  	v7 =	vld [tilespmem:s15+$0x12C0]  }
0x2d4: {  	v8 =	vld [tilespmem:s15+$0x12D0]  }
0x2d5: {  	v9 =	vld [tilespmem:s15+$0x12E0];
	_ =	sdelay $0x2  }
0x2d6: {  	v2 =	vmul.f32 v7, v2  }
0x2d7: {  	p0 =	seq.s32 s10, $0x31;
	v1 =	vmul.f32 v8, v1  }
0x2d8: {  	s11 =	sadd.s32 @!p0 $0xC80, s11;
	v3 =	vmul.f32 v9, v3;
	[tilespmem:v4+s24+$0x0] =	vst.idx.add.f32.msk $0xffff, v2  }
0x2d9: {  	s16 =	simm.s32 @!p0 $0x2710;
	s12 =	sshrl.u32 @!p0 s11, $0x3;
	s11 =	sadd.s32 @!p0 s4, s11;
	[tilespmem:v6+s24+$0x0] =	vst.idx.add.f32.msk $0xffff, v1  }
0x2da: {  	s13 =	sadd.s32 @!p0 s1, s12;
	s11 =	sshrl.u32 @!p0 s11, $0x3;
	s15 =	simm.s32 @!p0 $0x0;
	[tilespmem:v5+s24+$0x0] =	vst.idx.add.f32.msk $0xffff, v3  }
0x2db: {  	[tilespmem:s16], [sflag:$0x1] =	stream.linear.gather @!p0 [hbm4b:s13+s15], $0x640, $0x38;
	[tilespmem:$0x1DC90] =	vst v63  }
0x2dc: {  	s12 =	sadd.s32 @!p0 s3, s12;
	s11 =	sadd.s32 @!p0 s7, s11;
	s13 =	simm.s32 @!p0 $0x3390  }
0x2dd: {  	[tilespmem:s13], [sflag:$0x1] =	stream.linear.gather @!p0 [hbm4b:s12+s15], $0x640, $0x38;
	[tilespmem:$0x1DC90] =	vst v63  }
0x2de: {  	s12 =	simm.s32 @!p0 $0x640;
	s13 =	simm.s32 @!p0 $0x27100;
	s15 =	simm.s32 @!p0 $0x4010  }
0x2df: {  	[tilespmem:s15], [sflag:$0x1] =	stream.strided.gather @!p0 [hbm4b:s11+s12], $0x3200, s13, s12, $0x38;
	[tilespmem:$0x1DC90] =	vst v63  }
0x2e0: {  	_ =	swait.ge [sflag:s25], $0x640  }
0x2e1: {  	[sflag:s25] =	ssyncset.done $0x0  }
0x2e2: {  	[sflag:s25] =	ssyncadd.s32 $0xFFFFF9C0  }
0x2e3: {  	_ =	swait.ge [sflag:s25], $0x640  }
0x2e4: {  	[sflag:s25] =	ssyncset.done $0x0  }
0x2e5: {  	[sflag:s25] =	ssyncadd.s32 $0xFFFFF9C0  }
0x2e6: {  	_ =	swait.ge [sflag:s25], $0x3200  }
0x2e7: {  	[sflag:s25] =	ssyncset.done $0x0  }
0x2e8: {  	s19 =	simm.s32 $0x0;
	[sflag:s25] =	ssyncadd.s32 $0xFFFFCE00  }
0x2e9: {  	v1 =	vld [tilespmem:s19+$0x2D80];
	_ =	sdelay $0x4  }
0x2ea: {  	v2 =	vld [tilespmem:s19+$0x3A00]  }
0x2eb: {  	v4 =	vld [tilespmem:s19+$0x2D50]  }
0x2ec: {  	v3 =	vld [tilespmem:s19+$0x7240]  }
0x2ed: {  	v1 =	vld.idx.msk [tilespmem:v1+s5+$0x0], $0xffff;
	_ =	sdelay $0x1  }
0x2ee: {  	v5 =	vld [tilespmem:s19+$0x2D60]  }
0x2ef: {  	v6 =	vld [tilespmem:s19+$0x2D70]  }
0x2f0: {  	v11 =	vld [tilespmem:s19+$0x7220]  }
0x2f1: {  	v8 =	vld [tilespmem:s19+$0x39D0];
	v3 =	vmul.f32 v3, v1  }
0x2f2: {  	v7 =	vld.idx.msk [tilespmem:v4+s5+$0x0], $0xffff  }
0x2f3: {  	[tilespmem:v2+s24+$0x0] =	vst.idx.add.f32.msk $0xffff, v3  }
0x2f4: {  	v3 =	vld [tilespmem:s19+$0x7880]  }
0x2f5: {  	v4 =	vld [tilespmem:s19+$0x39E0]  }
0x2f6: {  	v12 =	vadd.s32 $0x2710, v2;
	v5 =	vld.idx.msk [tilespmem:v5+s5+$0x0], $0xffff  }
0x2f7: {  	v9 =	vld [tilespmem:s19+$0x7210]  }
0x2f8: {  	v13 =	vld [tilespmem:s19+$0x7230]  }
0x2f9: {  	v10 =	vld.idx.msk [tilespmem:v6+s5+$0x0], $0xffff;
	v3 =	vmul.f32 v3, v1  }
0x2fa: {  	v6 =	vld [tilespmem:s19+$0x39F0]  }
0x2fb: {  	v11 =	vmul.f32 v11, v5;
	[tilespmem:v12+s24+$0x0] =	vst.idx.add.f32.msk $0xffff, v3  }
0x2fc: {  	v3 =	vmul.f32 v9, v7;
	v9 =	vld [tilespmem:s19+$0x7EC0]  }
0x2fd: {  	[tilespmem:v4+s24+$0x0] =	vst.idx.add.f32.msk $0xffff, v11  }
0x2fe: {  	[tilespmem:v8+s24+$0x0] =	vst.idx.add.f32.msk $0xffff, v3;
	v3 =	vadd.s32 $0x4E20, v2  }
0x2ff: {  	v12 =	vld [tilespmem:s19+$0x7860];
	_ =	sdelay $0x1  }
0x300: {  	v15 =	vadd.s32 $0x2710, v4;
	v11 =	vld [tilespmem:s19+$0x7850];
	v9 =	vmul.f32 v9, v1;
	_ =	sdelay $0x1  }
0x301: {  	v14 =	vadd.s32 $0x2710, v8;
	v13 =	vmul.f32 v13, v10;
	[tilespmem:v3+s24+$0x0] =	vst.idx.add.f32.msk $0xffff, v9  }
0x302: {  	v12 =	vmul.f32 v12, v5;
	v3 =	vld [tilespmem:s19+$0x8500]  }
0x303: {  	[tilespmem:v6+s24+$0x0] =	vst.idx.add.f32.msk $0xffff, v13  }
0x304: {  	v13 =	vadd.s32 $0x7530, v2;
	[tilespmem:v15+s24+$0x0] =	vst.idx.add.f32.msk $0xffff, v12;
	v9 =	vmul.f32 v11, v7  }
0x305: {  	v11 =	vld [tilespmem:s19+$0x7870]  }
0x306: {  	[tilespmem:v14+s24+$0x0] =	vst.idx.add.f32.msk $0xffff, v9  }
0x307: {  	v9 =	vadd.s32 $0x2710, v6;
	v12 =	vld [tilespmem:s19+$0x7E90];
	v3 =	vmul.f32 v3, v1  }
0x308: {  	v14 =	vld [tilespmem:s19+$0x7EA0]  }
0x309: {  	v15 =	vadd.s32 $0x4E20, v8;
	[tilespmem:v13+s24+$0x0] =	vst.idx.add.f32.msk $0xffff, v3  }
0x30a: {  	v11 =	vmul.f32 v11, v10;
	v3 =	vadd.s32 $0x4E20, v4;
	v13 =	vld [tilespmem:s19+$0x8B40];
	_ =	sdelay $0x1  }
0x30b: {  	[tilespmem:v9+s24+$0x0] =	vst.idx.add.f32.msk $0xffff, v11;
	v11 =	vmul.f32 v12, v7;
	v12 =	vadd.s32 $0x9C40, v2  }
0x30c: {  	v14 =	vmul.f32 v14, v5;
	v9 =	vld [tilespmem:s19+$0x7EB0]  }
0x30d: {  	[tilespmem:v15+s24+$0x0] =	vst.idx.add.f32.msk $0xffff, v11  }
0x30e: {  	v16 =	vadd.s32 $0x4E20, v6;
	[tilespmem:v3+s24+$0x0] =	vst.idx.add.f32.msk $0xffff, v14;
	v3 =	vmul.f32 v13, v1  }
0x30f: {  	v11 =	vld [tilespmem:s19+$0x84D0]  }
0x310: {  	[tilespmem:v12+s24+$0x0] =	vst.idx.add.f32.msk $0xffff, v3  }
0x311: {  	s11 =	simm.s32 $0x40;
	v9 =	vmul.f32 v9, v10;
	v3 =	vadd.s32 $0x7530, v8;
	v12 =	vld [tilespmem:s19+$0x9180]  }
0x312: {  	v17 =	vld [tilespmem:s11+$0x7230]  }
0x313: {  	v13 =	vadd.s32 $0xC350, v2;
	[tilespmem:v16+s24+$0x0] =	vst.idx.add.f32.msk $0xffff, v9  }
0x314: {  	v9 =	vld [tilespmem:s19+$0x84E0];
	v11 =	vmul.f32 v11, v7  }
0x315: {  	v14 =	vld [tilespmem:s19+$0x84F0]  }
0x316: {  	v15 =	vadd.s32 $0x7530, v4;
	[tilespmem:v3+s24+$0x0] =	vst.idx.add.f32.msk $0xffff, v11;
	v3 =	vmul.f32 v12, v1  }
0x317: {  	v16 =	vadd.s32 $0x7530, v6;
	v11 =	vld [tilespmem:s19+$0x8B10]  }
0x318: {  	[tilespmem:v13+s24+$0x0] =	vst.idx.add.f32.msk $0xffff, v3  }
0x319: {  	v9 =	vmul.f32 v9, v5;
	v3 =	vadd.s32 $0x9C40, v8;
	v13 =	vld [tilespmem:s19+$0x97C0]  }
0x31a: {  	v18 =	vld [tilespmem:s11+$0x3A00];
	v12 =	vmul.f32 v14, v10  }
0x31b: {  	[tilespmem:v15+s24+$0x0] =	vst.idx.add.f32.msk $0xffff, v9;
	v9 =	vadd.s32 $0xEA60, v2  }
0x31c: {  	[tilespmem:v16+s24+$0x0] =	vst.idx.add.f32.msk $0xffff, v12;
	v11 =	vmul.f32 v11, v7  }
0x31d: {  	v12 =	vld [tilespmem:s19+$0x8B20]  }
0x31e: {  	[tilespmem:v3+s24+$0x0] =	vst.idx.add.f32.msk $0xffff, v11;
	v3 =	vmul.f32 v13, v1  }
0x31f: {  	v14 =	vld [tilespmem:s19+$0x8B30]  }
0x320: {  	[tilespmem:v9+s24+$0x0] =	vst.idx.add.f32.msk $0xffff, v3  }
0x321: {  	v15 =	vadd.s32 $0x9C40, v4;
	v9 =	vld [tilespmem:s19+$0x9E00]  }
0x322: {  	v20 =	vld [tilespmem:s11+$0x7240];
	v11 =	vadd.s32 $0x9C40, v6  }
0x323: {  	v2 =	vadd.s32 $0x11170, v2;
	v13 =	vld [tilespmem:s19+$0x9150]  }
0x324: {  	v22 =	vld [tilespmem:s11+$0x39E0];
	v3 =	vmul.f32 v12, v5  }
0x325: {  	v23 =	vld [tilespmem:s11+$0x39F0];
	v14 =	vmul.f32 v14, v10;
	v12 =	vadd.s32 $0xC350, v8  }
0x326: {  	[tilespmem:v15+s24+$0x0] =	vst.idx.add.f32.msk $0xffff, v3;
	v1 =	vmul.f32 v9, v1  }
0x327: {  	[tilespmem:v11+s24+$0x0] =	vst.idx.add.f32.msk $0xffff, v14  }
0x328: {  	v3 =	vmul.f32 v13, v7;
	[tilespmem:v2+s24+$0x0] =	vst.idx.add.f32.msk $0xffff, v1  }
0x329: {  	v1 =	vld [tilespmem:s11+$0x2D80]  }
0x32a: {  	[tilespmem:v12+s24+$0x0] =	vst.idx.add.f32.msk $0xffff, v3  }
0x32b: {  	v2 =	vld [tilespmem:s11+$0x2D50]  }
0x32c: {  	v12 =	vld [tilespmem:s11+$0x2D60]  }
0x32d: {  	v14 =	vld [tilespmem:s11+$0x2D70]  }
0x32e: {  	v16 =	vld [tilespmem:s11+$0x7220]  }
0x32f: {  	v15 =	vld [tilespmem:s11+$0x7210]  }
0x330: {  	v11 =	vld [tilespmem:s19+$0x9160]  }
0x331: {  	v19 =	vld.idx.msk [tilespmem:v1+s5+$0x0], $0xffff  }
0x332: {  	v13 =	vld [tilespmem:s19+$0x9170]  }
0x333: {  	v3 =	vld.idx.msk [tilespmem:v2+s5+$0x0], $0xffff  }
0x334: {  	v2 =	vld.idx.msk [tilespmem:v12+s5+$0x0], $0xffff  }
0x335: {  	v21 =	vadd.s32 $0xC350, v6;
	v1 =	vld.idx.msk [tilespmem:v14+s5+$0x0], $0xffff  }
0x336: {  	v12 =	vadd.s32 $0xC350, v4;
	v14 =	vld [tilespmem:s11+$0x39D0];
	v20 =	vmul.f32 v20, v19  }
0x337: {  	v9 =	vld [tilespmem:s19+$0x9790]  }
0x338: {  	v13 =	vmul.f32 v13, v10;
	[tilespmem:v18+s24+$0x0] =	vst.idx.add.f32.msk $0xffff, v20  }
0x339: {  	v11 =	vmul.f32 v11, v5;
	v20 =	vld [tilespmem:s11+$0x7880]  }
0x33a: {  	[tilespmem:v21+s24+$0x0] =	vst.idx.add.f32.msk $0xffff, v13  }
0x33b: {  	[tilespmem:v12+s24+$0x0] =	vst.idx.add.f32.msk $0xffff, v11;
	v12 =	vadd.s32 $0x2710, v18  }
0x33c: {  	v25 =	vld [tilespmem:s19+$0x97B0];
	v11 =	vmul.f32 v15, v3  }
0x33d: {  	v13 =	vmul.f32 v16, v2;
	v15 =	vld [tilespmem:s19+$0x97A0]  }
0x33e: {  	[tilespmem:v14+s24+$0x0] =	vst.idx.add.f32.msk $0xffff, v11;
	v11 =	vmul.f32 v20, v19  }
0x33f: {  	[tilespmem:v22+s24+$0x0] =	vst.idx.add.f32.msk $0xffff, v13  }
0x340: {  	v16 =	vmul.f32 v17, v1;
	[tilespmem:v12+s24+$0x0] =	vst.idx.add.f32.msk $0xffff, v11  }
0x341: {  	v13 =	vadd.s32 $0xEA60, v4;
	v12 =	vld [tilespmem:s11+$0x7EC0]  }
0x342: {  	[tilespmem:v23+s24+$0x0] =	vst.idx.add.f32.msk $0xffff, v16;
	v11 =	vadd.s32 $0xEA60, v8  }
0x343: {  	v54 =	vadd.s32 $0x4E20, v18;
	v16 =	vld [tilespmem:s11+$0x7850]  }
0x344: {  	v17 =	vld [tilespmem:s11+$0x7860];
	v15 =	vmul.f32 v15, v5  }
0x345: {  	v9 =	vmul.f32 v9, v7;
	v24 =	vadd.s32 $0x2710, v14;
	v55 =	vld [tilespmem:s11+$0x7870]  }
0x346: {  	v26 =	vadd.s32 $0x2710, v22;
	[tilespmem:v13+s24+$0x0] =	vst.idx.add.f32.msk $0xffff, v15;
	v12 =	vmul.f32 v12, v19  }
0x347: {  	[tilespmem:v11+s24+$0x0] =	vst.idx.add.f32.msk $0xffff, v9;
	v9 =	vadd.s32 $0x2710, v23  }
0x348: {  	v11 =	vmul.f32 v16, v3;
	[tilespmem:v54+s24+$0x0] =	vst.idx.add.f32.msk $0xffff, v12  }
0x349: {  	v12 =	vmul.f32 v17, v2;
	v13 =	vld [tilespmem:s11+$0x8500]  }
0x34a: {  	v15 =	vmul.f32 v55, v1;
	[tilespmem:v24+s24+$0x0] =	vst.idx.add.f32.msk $0xffff, v11  }
0x34b: {  	v11 =	vadd.s32 $0x7530, v18;
	[tilespmem:v26+s24+$0x0] =	vst.idx.add.f32.msk $0xffff, v12  }
0x34c: {  	[tilespmem:v9+s24+$0x0] =	vst.idx.add.f32.msk $0xffff, v15  }
0x34d: {  	v12 =	vld [tilespmem:s11+$0x7E90]  }
0x34e: {  	v9 =	vadd.s32 $0xEA60, v6;
	v15 =	vld [tilespmem:s11+$0x7EA0];
	v13 =	vmul.f32 v13, v19  }
0x34f: {  	v16 =	vadd.s32 $0x4E20, v14;
	v17 =	vld [tilespmem:s11+$0x7EB0]  }
0x350: {  	v56 =	vadd.s32 $0x4E20, v22;
	[tilespmem:v11+s24+$0x0] =	vst.idx.add.f32.msk $0xffff, v13  }
0x351: {  	v57 =	vmul.f32 v25, v10;
	v11 =	vadd.s32 $0x4E20, v23;
	v13 =	vld [tilespmem:s11+$0x8B40]  }
0x352: {  	v58 =	vld [tilespmem:s19+$0x9DD0];
	v12 =	vmul.f32 v12, v3  }
0x353: {  	[tilespmem:v9+s24+$0x0] =	vst.idx.add.f32.msk $0xffff, v57;
	v9 =	vmul.f32 v15, v2;
	v15 =	vadd.s32 $0x9C40, v18  }
0x354: {  	[tilespmem:v16+s24+$0x0] =	vst.idx.add.f32.msk $0xffff, v12;
	v12 =	vmul.f32 v17, v1  }
0x355: {  	v8 =	vadd.s32 $0x11170, v8;
	[tilespmem:v56+s24+$0x0] =	vst.idx.add.f32.msk $0xffff, v9  }
0x356: {  	[tilespmem:v11+s24+$0x0] =	vst.idx.add.f32.msk $0xffff, v12;
	v9 =	vmul.f32 v13, v19  }
0x357: {  	v11 =	vld [tilespmem:s11+$0x84D0]  }
0x358: {  	v7 =	vmul.f32 v58, v7;
	[tilespmem:v15+s24+$0x0] =	vst.idx.add.f32.msk $0xffff, v9  }
0x359: {  	v9 =	vadd.s32 $0x7530, v14;
	v12 =	vld [tilespmem:s11+$0x9180]  }
0x35a: {  	[tilespmem:v8+s24+$0x0] =	vst.idx.add.f32.msk $0xffff, v7  }
0x35b: {  	v16 =	vadd.s32 $0xC350, v18;
	v13 =	vld [tilespmem:s11+$0x84E0]  }
0x35c: {  	v15 =	vld [tilespmem:s11+$0x84F0];
	v11 =	vmul.f32 v11, v3  }
0x35d: {  	v59 =	vadd.s32 $0x7530, v22;
	v60 =	vld [tilespmem:s19+$0x9DF0]  }
0x35e: {  	v61 =	vadd.s32 $0x7530, v23;
	[tilespmem:v9+s24+$0x0] =	vst.idx.add.f32.msk $0xffff, v11;
	v9 =	vmul.f32 v12, v19  }
0x35f: {  	v11 =	vld [tilespmem:s11+$0x8B10]  }
0x360: {  	v12 =	vmul.f32 v13, v2;
	[tilespmem:v16+s24+$0x0] =	vst.idx.add.f32.msk $0xffff, v9  }
0x361: {  	v13 =	vmul.f32 v15, v1;
	v9 =	vadd.s32 $0x9C40, v14;
	v15 =	vld [tilespmem:s11+$0x97C0]  }
0x362: {  	[tilespmem:v59+s24+$0x0] =	vst.idx.add.f32.msk $0xffff, v12  }
0x363: {  	[tilespmem:v61+s24+$0x0] =	vst.idx.add.f32.msk $0xffff, v13;
	v12 =	vadd.s32 $0xEA60, v18  }
0x364: {  	v13 =	vld [tilespmem:s11+$0x8B20];
	v11 =	vmul.f32 v11, v3  }
0x365: {  	v16 =	vld [tilespmem:s11+$0x8B30]  }
0x366: {  	v62 =	vadd.s32 $0x9C40, v22;
	[tilespmem:v9+s24+$0x0] =	vst.idx.add.f32.msk $0xffff, v11;
	v9 =	vmul.f32 v15, v19  }
0x367: {  	v11 =	vadd.s32 $0x9C40, v23;
	v15 =	vld [tilespmem:s11+$0x9150]  }
0x368: {  	[tilespmem:v12+s24+$0x0] =	vst.idx.add.f32.msk $0xffff, v9  }
0x369: {  	v9 =	vmul.f32 v13, v2;
	v12 =	vld [tilespmem:s11+$0x9E00]  }
0x36a: {  	v63 =	vadd.s32 $0xC350, v14;
	v17 =	vld [tilespmem:s19+$0x9DE0];
	v13 =	vmul.f32 v16, v1  }
0x36b: {  	[tilespmem:v62+s24+$0x0] =	vst.idx.add.f32.msk $0xffff, v9;
	v9 =	vadd.s32 $0x11170, v18  }
0x36c: {  	[tilespmem:v11+s24+$0x0] =	vst.idx.add.f32.msk $0xffff, v13  }
0x36d: {  	v18 =	vadd.s32 $0x11170, v4;
	v7 =	vmul.f32 v15, v3;
	v20 =	vld [tilespmem:s11+$0x9160]  }
0x36e: {  	v4 =	vadd.s32 $0x11170, v6;
	v13 =	vld [tilespmem:s11+$0x9170];
	v15 =	vmul.f32 v12, v19  }
0x36f: {  	v8 =	vadd.s32 $0xEA60, v14;
	v16 =	vmul.f32 v60, v10;
	[tilespmem:v63+s24+$0x0] =	vst.idx.add.f32.msk $0xffff, v7  }
0x370: {  	v11 =	vadd.s32 $0xC350, v23;
	v6 =	vadd.s32 $0x11170, v14;
	v19 =	vmul.f32 v17, v5;
	[tilespmem:v9+s24+$0x0] =	vst.idx.add.f32.msk $0xffff, v15  }
0x371: {  	v14 =	vadd.s32 $0x11170, v23;
	v7 =	vadd.s32 $0xEA60, v22;
	v12 =	vadd.s32 $0xC350, v22;
	v15 =	vld [tilespmem:s11+$0x9790]  }
0x372: {  	s12 =	simm.s32 $0x4;
	s13 =	simm.s32 $0x200;
	v5 =	vadd.s32 $0x11170, v22;
	v9 =	vadd.s32 $0xEA60, v23;
	v17 =	vmul.f32 v20, v2;
	[tilespmem:v18+s24+$0x0] =	vst.idx.add.f32.msk $0xffff, v19  }
.LBB2_15:
0x373: {  	s15 =	sshra.s32 s13, $0x2;
	s12 =	sadd.s32 $0x4, s12;
	v18 =	vmul.f32 v13, v1;
	[tilespmem:v4+s24+$0x0] =	vst.idx.add.f32.msk $0xffff, v16;
	v4 =	vmov v14  }
0x374: {  	v10 =	vld [tilespmem:s15+$0x2D80];
	p0 =	slt.u32 s12, $0x60  }
0x375: {  	v14 =	vld [tilespmem:s15+$0x2D50]  }
0x376: {  	v16 =	vld [tilespmem:s15+$0x2D60];
	v21 =	vmul.f32 v15, v3  }
0x377: {  	v15 =	vld [tilespmem:s15+$0x2D70]  }
0x378: {  	v19 =	vld [tilespmem:s15+$0x7210]  }
0x379: {  	v20 =	vld [tilespmem:s15+$0x7220]  }
0x37a: {  	v22 =	vld [tilespmem:s15+$0x7230]  }
0x37b: {  	v13 =	vld [tilespmem:s15+$0x3A00]  }
0x37c: {  	v10 =	vld.idx.msk [tilespmem:v10+s5+$0x0], $0xffff  }
0x37d: {  	v23 =	vld [tilespmem:s15+$0x7240]  }
0x37e: {  	v24 =	vld.idx.msk [tilespmem:v14+s5+$0x0], $0xffff  }
0x37f: {  	v16 =	vld.idx.msk [tilespmem:v16+s5+$0x0], $0xffff  }
0x380: {  	v15 =	vld.idx.msk [tilespmem:v15+s5+$0x0], $0xffff  }
0x381: {  	v14 =	vld [tilespmem:s15+$0x39D0]  }
0x382: {  	v25 =	vld [tilespmem:s15+$0x39E0];
	v23 =	vmul.f32 v23, v10  }
0x383: {  	v26 =	vld [tilespmem:s15+$0x39F0]  }
0x384: {  	v19 =	vmul.f32 v19, v24;
	[tilespmem:v13+s24+$0x0] =	vst.idx.add.f32.msk $0xffff, v23  }
0x385: {  	v20 =	vmul.f32 v20, v16;
	v23 =	vld [tilespmem:s15+$0x7880]  }
0x386: {  	v22 =	vmul.f32 v22, v15;
	v27 =	vadd.s32 $0x2710, v14;
	v28 =	vadd.s32 $0x4E20, v14;
	[tilespmem:v12+s24+$0x0] =	vst.idx.add.f32.msk $0xffff, v17  }
0x387: {  	v31 =	vadd.s32 $0x2710, v13;
	v29 =	vadd.s32 $0x2710, v25;
	v30 =	vadd.s32 $0x4E20, v25;
	[tilespmem:v11+s24+$0x0] =	vst.idx.add.f32.msk $0xffff, v18  }
0x388: {  	v32 =	vadd.s32 $0x7530, v14;
	v33 =	vadd.s32 $0x2710, v26;
	v34 =	vadd.s32 $0x4E20, v26;
	v35 =	vld [tilespmem:s11+$0x97A0]  }
0x389: {  	v36 =	vadd.s32 $0x9C40, v14;
	v37 =	vadd.s32 $0x7530, v25;
	v38 =	vadd.s32 $0x7530, v26;
	[tilespmem:v14+s24+$0x0] =	vst.idx.add.f32.msk $0xffff, v19  }
0x38a: {  	v19 =	vadd.s32 $0x9C40, v26;
	[tilespmem:v25+s24+$0x0] =	vst.idx.add.f32.msk $0xffff, v20;
	v20 =	vadd.s32 $0x9C40, v25;
	v18 =	vmul.f32 v23, v10  }
0x38b: {  	v17 =	vadd.s32 $0xC350, v14;
	v12 =	vadd.s32 $0xC350, v25;
	v11 =	vadd.s32 $0xC350, v26;
	[tilespmem:v26+s24+$0x0] =	vst.idx.add.f32.msk $0xffff, v22  }
0x38c: {  	v39 =	vadd.s32 $0xEA60, v26;
	v23 =	vadd.s32 $0xEA60, v25;
	v22 =	vadd.s32 $0xEA60, v14;
	[tilespmem:v31+s24+$0x0] =	vst.idx.add.f32.msk $0xffff, v18  }
0x38d: {  	v31 =	vadd.s32 $0x11170, v14;
	v18 =	vadd.s32 $0x11170, v25;
	v25 =	vld [tilespmem:s15+$0x7EC0];
	v35 =	vmul.f32 v35, v2  }
0x38e: {  	v14 =	vadd.s32 $0x11170, v26;
	v40 =	vld [tilespmem:s15+$0x7850]  }
0x38f: {  	v41 =	vadd.s32 $0x4E20, v13;
	v26 =	vld [tilespmem:s15+$0x7860]  }
0x390: {  	v42 =	vld [tilespmem:s15+$0x7870]  }
0x391: {  	v43 =	vld [tilespmem:s11+$0x97B0]  }
0x392: {  	v25 =	vmul.f32 v25, v10;
	[tilespmem:v8+s24+$0x0] =	vst.idx.add.f32.msk $0xffff, v21;
	v8 =	vmov v22  }
0x393: {  	v21 =	vmul.f32 v40, v24;
	[tilespmem:v7+s24+$0x0] =	vst.idx.add.f32.msk $0xffff, v35;
	v7 =	vmov v23  }
0x394: {  	v22 =	vmul.f32 v26, v16;
	[tilespmem:v41+s24+$0x0] =	vst.idx.add.f32.msk $0xffff, v25  }
0x395: {  	v23 =	vmul.f32 v42, v15;
	v25 =	vld [tilespmem:s15+$0x8500]  }
0x396: {  	[tilespmem:v27+s24+$0x0] =	vst.idx.add.f32.msk $0xffff, v21;
	v21 =	vmul.f32 v43, v1  }
0x397: {  	[tilespmem:v29+s24+$0x0] =	vst.idx.add.f32.msk $0xffff, v22;
	v22 =	vadd.s32 $0x7530, v13  }
0x398: {  	[tilespmem:v33+s24+$0x0] =	vst.idx.add.f32.msk $0xffff, v23  }
0x399: {  	v23 =	vld [tilespmem:s15+$0x7E90]  }
0x39a: {  	v26 =	vld [tilespmem:s15+$0x7EA0];
	v25 =	vmul.f32 v25, v10  }
0x39b: {  	v27 =	vld [tilespmem:s15+$0x7EB0]  }
0x39c: {  	[tilespmem:v22+s24+$0x0] =	vst.idx.add.f32.msk $0xffff, v25  }
0x39d: {  	v22 =	vld [tilespmem:s15+$0x8B40]  }
0x39e: {  	v23 =	vmul.f32 v23, v24;
	[tilespmem:v9+s24+$0x0] =	vst.idx.add.f32.msk $0xffff, v21;
	v9 =	vmov v39  }
0x39f: {  	v25 =	vadd.s32 $0x9C40, v13;
	v21 =	vmul.f32 v26, v16;
	v26 =	vld [tilespmem:s11+$0x9DD0]  }
0x3a0: {  	[tilespmem:v28+s24+$0x0] =	vst.idx.add.f32.msk $0xffff, v23;
	v23 =	vmul.f32 v27, v15  }
0x3a1: {  	[tilespmem:v30+s24+$0x0] =	vst.idx.add.f32.msk $0xffff, v21  }
0x3a2: {  	[tilespmem:v34+s24+$0x0] =	vst.idx.add.f32.msk $0xffff, v23;
	v21 =	vmul.f32 v22, v10  }
0x3a3: {  	v22 =	vld [tilespmem:s15+$0x84D0]  }
0x3a4: {  	[tilespmem:v25+s24+$0x0] =	vst.idx.add.f32.msk $0xffff, v21;
	v21 =	vmul.f32 v26, v3;
	v3 =	vmov v24  }
0x3a5: {  	v23 =	vld [tilespmem:s15+$0x9180]  }
0x3a6: {  	v24 =	vld [tilespmem:s15+$0x84E0]  }
0x3a7: {  	v26 =	vadd.s32 $0xC350, v13;
	v25 =	vld [tilespmem:s15+$0x84F0]  }
0x3a8: {  	v22 =	vmul.f32 v22, v3;
	v27 =	vld [tilespmem:s11+$0x9DE0]  }
0x3a9: {  	v28 =	vld [tilespmem:s11+$0x9DF0];
	s11 =	smov.u32 s15  }
0x3aa: {  	[tilespmem:v32+s24+$0x0] =	vst.idx.add.f32.msk $0xffff, v22;
	v22 =	vmul.f32 v23, v10  }
0x3ab: {  	v23 =	vld [tilespmem:s11+$0x8B10];
	v24 =	vmul.f32 v24, v16  }
0x3ac: {  	v25 =	vmul.f32 v25, v15;
	[tilespmem:v26+s24+$0x0] =	vst.idx.add.f32.msk $0xffff, v22  }
0x3ad: {  	v22 =	vld [tilespmem:s11+$0x97C0];
	v26 =	vmul.f32 v27, v2;
	v2 =	vmov v16  }
0x3ae: {  	[tilespmem:v37+s24+$0x0] =	vst.idx.add.f32.msk $0xffff, v24;
	v16 =	vmul.f32 v28, v1;
	v1 =	vmov v15  }
0x3af: {  	v15 =	vadd.s32 $0xEA60, v13;
	[tilespmem:v38+s24+$0x0] =	vst.idx.add.f32.msk $0xffff, v25  }
0x3b0: {  	v23 =	vmul.f32 v23, v3;
	v24 =	vld [tilespmem:s11+$0x8B20]  }
0x3b1: {  	v25 =	vld [tilespmem:s11+$0x8B30]  }
0x3b2: {  	[tilespmem:v36+s24+$0x0] =	vst.idx.add.f32.msk $0xffff, v23;
	v22 =	vmul.f32 v22, v10  }
0x3b3: {  	v23 =	vld [tilespmem:s11+$0x9150]  }
0x3b4: {  	[tilespmem:v15+s24+$0x0] =	vst.idx.add.f32.msk $0xffff, v22  }
0x3b5: {  	v15 =	vmul.f32 v24, v2;
	v22 =	vld [tilespmem:s11+$0x9E00]  }
0x3b6: {  	v24 =	vmul.f32 v25, v1;
	[tilespmem:v6+s24+$0x0] =	vst.idx.add.f32.msk $0xffff, v21;
	v6 =	vmov v31  }
0x3b7: {  	[tilespmem:v20+s24+$0x0] =	vst.idx.add.f32.msk $0xffff, v15;
	v15 =	vadd.s32 $0x11170, v13  }
0x3b8: {  	v20 =	vmul.f32 v23, v3;
	[tilespmem:v19+s24+$0x0] =	vst.idx.add.f32.msk $0xffff, v24  }
0x3b9: {  	v19 =	vld [tilespmem:s11+$0x9160]  }
.Ltmp6:
0x3ba: {  	v13 =	vld [tilespmem:s11+$0x9170];
	v10 =	vmul.f32 v22, v10;
	(pc) =	sbr.rel @p0 .LBB2_15-.Ltmp6, $4  }
0x3bb: {  	[tilespmem:v17+s24+$0x0] =	vst.idx.add.f32.msk $0xffff, v20  }
0x3bc: {  	[tilespmem:v15+s24+$0x0] =	vst.idx.add.f32.msk $0xffff, v10  }
0x3bd: {  	v15 =	vld [tilespmem:s11+$0x9790]  }
0x3be: {  	s13 =	sadd.s32 $0x100, s13;
	v17 =	vmul.f32 v19, v2;
	[tilespmem:v5+s24+$0x0] =	vst.idx.add.f32.msk $0xffff, v26;
	v5 =	vmov v18  }
0x3bf: {  	_ =	sdelay $0x2  }
0x3c0: {  	v10 =	vmul.f32 v13, v1  }
0x3c1: {  	[tilespmem:v12+s24+$0x0] =	vst.idx.add.f32.msk $0xffff, v17  }
0x3c2: {  	[tilespmem:v11+s24+$0x0] =	vst.idx.add.f32.msk $0xffff, v10  }
0x3c3: {  	v59 =	vld [tilespmem:s11+$0x97A0]  }
0x3c4: {  	v11 =	vld [tilespmem:s11+$0x97B0];
	_ =	sdelay $0x1  }
0x3c5: {  	v60 =	vmul.f32 v15, v3;
	_ =	sdelay $0x1  }
0x3c6: {  	[tilespmem:v8+s24+$0x0] =	vst.idx.add.f32.msk $0xffff, v60;
	v10 =	vmul.f32 v59, v2  }
0x3c7: {  	v62 =	vld [tilespmem:s11+$0x9DD0];
	v61 =	vmul.f32 v11, v1  }
0x3c8: {  	[tilespmem:v7+s24+$0x0] =	vst.idx.add.f32.msk $0xffff, v10  }
0x3c9: {  	[tilespmem:v9+s24+$0x0] =	vst.idx.add.f32.msk $0xffff, v61  }
0x3ca: {  	v63 =	vld [tilespmem:s11+$0x9DE0]  }
0x3cb: {  	v9 =	vld [tilespmem:s11+$0x9DF0]  }
0x3cc: {  	s10 =	sadd.s32 $0x1, s10  }
0x3cd: {  	p0 =	sne.s32 s10, $0x32  }
.Ltmp7:
0x3ce: {  	v3 =	vmul.f32 v62, v3;
	(pc) =	sbr.rel @p0 .LBB2_12-.Ltmp7, $4  }
0x3cf: {  	[tilespmem:v4+s24+$0x0] =	vst.idx.add.f32.msk $0xffff, v16;
	v2 =	vmul.f32 v63, v2  }
0x3d0: {  	[tilespmem:v6+s24+$0x0] =	vst.idx.add.f32.msk $0xffff, v3;
	v1 =	vmul.f32 v9, v1  }
0x3d1: {  	[tilespmem:v5+s24+$0x0] =	vst.idx.add.f32.msk $0xffff, v2  }
0x3d2: {  	[tilespmem:v14+s24+$0x0] =	vst.idx.add.f32.msk $0xffff, v1  }
0x3d3: {  	s10 =	rddreg [dreg:$0xd]  }
0x3d4: {  	[hbm4b:s10+s5] =	stream.linear.scatter [tilespmem:s24], [sflag:$0x3], $0x2710, $0x38;
	[tilespmem:$0x1DC90] =	vst v63  }
0x3d5: {  	_ =	swait.ge [sflag:s14], $0x2710  }
0x3d6: {  	[sflag:s14] =	ssyncset.done $0x0  }
0x3d7: {  	s13 =	rddreg [dreg:$0xe];
	[sflag:s14] =	ssyncadd.s32 $0xFFFFD8F0  }
0x3d8: {  	[hbm4b:s13+s5] =	stream.linear.scatter [tilespmem:s26], [sflag:$0x3], $0x2710, $0x38;
	[tilespmem:$0x1DC90] =	vst v63  }
0x3d9: {  	_ =	swait.ge [sflag:s14], $0x2710  }
0x3da: {  	[sflag:s14] =	ssyncset.done $0x0  }
0x3db: {  	s15 =	rddreg [dreg:$0xf];
	[sflag:s14] =	ssyncadd.s32 $0xFFFFD8F0  }
0x3dc: {  	[hbm4b:s15+s5] =	stream.linear.scatter [tilespmem:s28], [sflag:$0x3], $0x2710, $0x38;
	[tilespmem:$0x1DC90] =	vst v63  }
0x3dd: {  	_ =	swait.ge [sflag:s14], $0x2710  }
0x3de: {  	[sflag:s14] =	ssyncset.done $0x0  }
0x3df: {  	s16 =	rddreg [dreg:$0x10];
	[sflag:s14] =	ssyncadd.s32 $0xFFFFD8F0  }
0x3e0: {  	[hbm4b:s16+s5] =	stream.linear.scatter [tilespmem:s29], [sflag:$0x3], $0x2710, $0x38;
	[tilespmem:$0x1DC90] =	vst v63  }
0x3e1: {  	_ =	swait.ge [sflag:s14], $0x2710  }
0x3e2: {  	[sflag:s14] =	ssyncset.done $0x0  }
0x3e3: {  	s19 =	rddreg [dreg:$0x11];
	[sflag:s14] =	ssyncadd.s32 $0xFFFFD8F0  }
0x3e4: {  	[hbm4b:s19+s5] =	stream.linear.scatter [tilespmem:s30], [sflag:$0x3], $0x2710, $0x38;
	[tilespmem:$0x1DC90] =	vst v63  }
0x3e5: {  	_ =	swait.ge [sflag:s14], $0x2710  }
0x3e6: {  	[sflag:s14] =	ssyncset.done $0x0  }
0x3e7: {  	s11 =	rddreg [dreg:$0x12];
	[sflag:s14] =	ssyncadd.s32 $0xFFFFD8F0  }
0x3e8: {  	[hbm4b:s11+s5] =	stream.linear.scatter [tilespmem:s31], [sflag:$0x3], $0x2710, $0x38;
	[tilespmem:$0x1DC90] =	vst v63  }
0x3e9: {  	_ =	swait.ge [sflag:s14], $0x2710  }
0x3ea: {  	[sflag:s14] =	ssyncset.done $0x0  }
0x3eb: {  	s12 =	rddreg [dreg:$0x14];
	[sflag:s14] =	ssyncadd.s32 $0xFFFFD8F0  }
0x3ec: {  	[hbm4b:s12+s5] =	stream.linear.scatter [tilespmem:s2], [sflag:$0x3], $0x2710, $0x38;
	[tilespmem:$0x1DC90] =	vst v63  }
0x3ed: {  	_ =	swait.ge [sflag:s14], $0x2710  }
0x3ee: {  	[sflag:s14] =	ssyncset.done $0x0  }
0x3ef: {  	s13 =	rddreg [dreg:$0x15];
	[sflag:s14] =	ssyncadd.s32 $0xFFFFD8F0  }
0x3f0: {  	[hbm4b:s13+s5] =	stream.linear.scatter [tilespmem:s0], [sflag:$0x3], $0x2710, $0x38;
	[tilespmem:$0x1DC90] =	vst v63  }
0x3f1: {  	_ =	swait.ge [sflag:s14], $0x2710  }
0x3f2: {  	[sflag:s14] =	ssyncset.done $0x0  }
0x3f3: {  	s15 =	simm.s32 $0x2710;
	[sflag:s14] =	ssyncadd.s32 $0xFFFFD8F0  }
0x3f4: {  	[tilespmem:s15], [sflag:$0x1] =	stream.linear.gather [hbm4b:s1+s5], $0x640, $0x38;
	[tilespmem:$0x1DC90] =	vst v63  }
0x3f5: {  	s16 =	simm.s32 $0x3390  }
0x3f6: {  	[tilespmem:s16], [sflag:$0x1] =	stream.linear.gather [hbm4b:s3+s5], $0x640, $0x38;
	[tilespmem:$0x1DC90] =	vst v63  }
0x3f7: {  	s10 =	simm.s32 $0xA450;
	s11 =	simm.s32 $0x4010;
	s19 =	rddreg [dreg:$0x1e]  }
0x3f8: {  	[tilespmem:s11], [sflag:$0x1] =	stream.strided.gather [hbm4b:s19+s17], $0x3200, s18, s17, $0x38;
	[tilespmem:$0x1DC90] =	vst v63  }
0x3f9: {  	[tilespmem:s10+$0xFFFFFFC0] =	vst v0  }
0x3fa: {  	[tilespmem:s10+$0x30] =	vst v0  }
0x3fb: {  	[tilespmem:s10+$0x20] =	vst v0  }
0x3fc: {  	[tilespmem:s10+$0x10] =	vst v0  }
0x3fd: {  	[tilespmem:s10+$0x0] =	vst v0  }
0x3fe: {  	[tilespmem:s10+$0xFFFFFFF0] =	vst v0  }
0x3ff: {  	s11 =	simm.s32 $0x0;
	[tilespmem:s10+$0xFFFFFFE0] =	vst v0  }
.LBB2_18:
0x400: {  	s11 =	sadd.s32 $0x8, s11;
	[tilespmem:s10+$0xFFFFFFD0] =	vst v0;
	s10 =	sadd.s32 $0x80, s10  }
0x401: {  	[tilespmem:s10+$0xFFFFFFC0] =	vst v0;
	p0 =	slt.u32 s11, $0x1380  }
0x402: {  	[tilespmem:s10+$0x30] =	vst v0  }
.Ltmp8:
0x403: {  	[tilespmem:s10+$0x20] =	vst v0;
	(pc) =	sbr.rel @p0 .LBB2_18-.Ltmp8, $4  }
0x404: {  	[tilespmem:s10+$0x10] =	vst v0  }
0x405: {  	[tilespmem:s10+$0x0] =	vst v0  }
0x406: {  	[tilespmem:s10+$0xFFFFFFF0] =	vst v0  }
0x407: {  	[tilespmem:s10+$0xFFFFFFE0] =	vst v0  }
0x408: {  	[tilespmem:s10+$0xFFFFFFD0] =	vst v0;
	s10 =	simm.s32 $0x0  }
.LBB2_20:
0x409: {  	s11 =	smul.u32 $0xC80, s10;
	_ =	sdelay $0x1  }
0x40a: {  	s12 =	sadd.s32 $0x640, s11  }
0x40b: {  	s13 =	sshrl.u32 s12, $0x3  }
0x40c: {  	s12 =	sadd.s32 s4, s12;
	s15 =	sadd.s32 s1, s13  }
0x40d: {  	[tilespmem:s20], [sflag:$0x2] =	stream.linear.gather [hbm4b:s15+s5], $0x640, $0x38;
	[tilespmem:$0x1DC90] =	vst v63  }
0x40e: {  	s13 =	sadd.s32 s3, s13;
	s12 =	sshrl.u32 s12, $0x3  }
0x40f: {  	[tilespmem:s21], [sflag:$0x2] =	stream.linear.gather [hbm4b:s13+s5], $0x640, $0x38;
	[tilespmem:$0x1DC90] =	vst v63  }
0x410: {  	s12 =	sadd.s32 s8, s12  }
0x411: {  	[tilespmem:s22], [sflag:$0x2] =	stream.strided.gather [hbm4b:s12+s17], $0x3200, s18, s17, $0x38;
	[tilespmem:$0x1DC90] =	vst v63  }
0x412: {  	_ =	swait.ge [sflag:s23], $0x640  }
0x413: {  	[sflag:s23] =	ssyncset.done $0x0  }
0x414: {  	[sflag:s23] =	ssyncadd.s32 $0xFFFFF9C0  }
0x415: {  	_ =	swait.ge [sflag:s23], $0x640  }
0x416: {  	[sflag:s23] =	ssyncset.done $0x0  }
0x417: {  	[sflag:s23] =	ssyncadd.s32 $0xFFFFF9C0  }
0x418: {  	_ =	swait.ge [sflag:s23], $0x3200  }
0x419: {  	[sflag:s23] =	ssyncset.done $0x0  }
0x41a: {  	s19 =	simm.s32 $0x2730;
	[sflag:s23] =	ssyncadd.s32 $0xFFFFCE00  }
0x41b: {  	v1 =	vld [tilespmem:s19+$0x10];
	_ =	sdelay $0x5  }
0x41c: {  	s13 =	simm.s32 $0x33B0  }
0x41d: {  	v4 =	vld [tilespmem:s13+$0x10]  }
0x41e: {  	s12 =	simm.s32 $0x5910;
	v5 =	vld.idx.msk [tilespmem:v1+s5+$0x0], $0xffff  }
0x41f: {  	v1 =	vld [tilespmem:s12+$0xFFFFE730];
	_ =	sdelay $0x2  }
0x420: {  	v2 =	vld [tilespmem:s19+$0xFFFFFFF0]  }
0x421: {  	v3 =	vld [tilespmem:s19+$0xFFFFFFE0]  }
0x422: {  	v6 =	vld [tilespmem:s19+$0x0];
	v7 =	vmul.f32 v1, v5  }
0x423: {  	v8 =	vld [tilespmem:s12+$0xFFFFE700]  }
0x424: {  	[tilespmem:v4+s24+$0x0] =	vst.idx.add.f32.msk $0xffff, v7  }
0x425: {  	v7 =	vld [tilespmem:s12+$0xFFFFED70]  }
0x426: {  	v11 =	vld [tilespmem:s13+$0xFFFFFFE0]  }
0x427: {  	v14 =	vld [tilespmem:s13+$0xFFFFFFF0];
	v9 =	vadd.s32 $0x2710, v4  }
0x428: {  	v1 =	vld.idx.msk [tilespmem:v2+s5+$0x0], $0xffff  }
0x429: {  	v2 =	vld.idx.msk [tilespmem:v3+s5+$0x0], $0xffff  }
0x42a: {  	v10 =	vld [tilespmem:s12+$0xFFFFE710];
	v7 =	vmul.f32 v7, v5  }
0x42b: {  	v3 =	vld.idx.msk [tilespmem:v6+s5+$0x0], $0xffff  }
0x42c: {  	[tilespmem:v9+s24+$0x0] =	vst.idx.add.f32.msk $0xffff, v7  }
0x42d: {  	v6 =	vld [tilespmem:s12+$0xFFFFF3B0]  }
0x42e: {  	v15 =	vld [tilespmem:s13+$0x0];
	v7 =	vmul.f32 v8, v2  }
0x42f: {  	v8 =	vld [tilespmem:s12+$0xFFFFE720];
	v9 =	vmul.f32 v10, v1;
	v10 =	vadd.s32 $0x4E20, v4  }
0x430: {  	[tilespmem:v11+s24+$0x0] =	vst.idx.add.f32.msk $0xffff, v7  }
0x431: {  	[tilespmem:v14+s24+$0x0] =	vst.idx.add.f32.msk $0xffff, v9  }
0x432: {  	v7 =	vld [tilespmem:s12+$0xFFFFED40];
	v6 =	vmul.f32 v6, v5  }
0x433: {  	v9 =	vld [tilespmem:s12+$0xFFFFED50]  }
0x434: {  	v12 =	vadd.s32 $0x2710, v11;
	v8 =	vmul.f32 v8, v3;
	[tilespmem:v10+s24+$0x0] =	vst.idx.add.f32.msk $0xffff, v6  }
0x435: {  	v6 =	vadd.s32 $0x2710, v14;
	v10 =	vld [tilespmem:s12+$0xFFFFF9F0]  }
0x436: {  	[tilespmem:v15+s24+$0x0] =	vst.idx.add.f32.msk $0xffff, v8  }
0x437: {  	v13 =	vadd.s32 $0x7530, v4;
	v8 =	vld [tilespmem:s12+$0xFFFFED60];
	v7 =	vmul.f32 v7, v2  }
0x438: {  	v9 =	vmul.f32 v9, v1  }
0x439: {  	v16 =	vadd.s32 $0x2710, v15;
	[tilespmem:v12+s24+$0x0] =	vst.idx.add.f32.msk $0xffff, v7  }
0x43a: {  	[tilespmem:v6+s24+$0x0] =	vst.idx.add.f32.msk $0xffff, v9;
	v6 =	vmul.f32 v10, v5  }
0x43b: {  	v7 =	vld [tilespmem:s12+$0xFFFFF380]  }
0x43c: {  	v8 =	vmul.f32 v8, v3;
	[tilespmem:v13+s24+$0x0] =	vst.idx.add.f32.msk $0xffff, v6  }
0x43d: {  	v6 =	vadd.s32 $0x4E20, v11;
	v9 =	vld [tilespmem:s12+$0x30]  }
0x43e: {  	[tilespmem:v16+s24+$0x0] =	vst.idx.add.f32.msk $0xffff, v8  }
0x43f: {  	v10 =	vadd.s32 $0x9C40, v4;
	v8 =	vld [tilespmem:s12+$0xFFFFF390]  }
0x440: {  	v12 =	vld [tilespmem:s12+$0xFFFFF3A0];
	v7 =	vmul.f32 v7, v2  }
0x441: {  	v13 =	vadd.s32 $0x4E20, v14  }
0x442: {  	v62 =	vadd.s32 $0x4E20, v15;
	[tilespmem:v6+s24+$0x0] =	vst.idx.add.f32.msk $0xffff, v7;
	v6 =	vmul.f32 v9, v5  }
0x443: {  	v7 =	vld [tilespmem:s12+$0xFFFFF9C0]  }
0x444: {  	v8 =	vmul.f32 v8, v1;
	[tilespmem:v10+s24+$0x0] =	vst.idx.add.f32.msk $0xffff, v6  }
0x445: {  	v9 =	vmul.f32 v12, v3;
	v6 =	vadd.s32 $0x7530, v11;
	v10 =	vld [tilespmem:s12+$0x670]  }
0x446: {  	[tilespmem:v13+s24+$0x0] =	vst.idx.add.f32.msk $0xffff, v8  }
0x447: {  	v8 =	vadd.s32 $0xC350, v4;
	[tilespmem:v62+s24+$0x0] =	vst.idx.add.f32.msk $0xffff, v9  }
0x448: {  	v9 =	vld [tilespmem:s12+$0xFFFFF9D0];
	v7 =	vmul.f32 v7, v2  }
0x449: {  	v12 =	vld [tilespmem:s12+$0xFFFFF9E0]  }
0x44a: {  	v13 =	vadd.s32 $0x7530, v14;
	[tilespmem:v6+s24+$0x0] =	vst.idx.add.f32.msk $0xffff, v7;
	v6 =	vmul.f32 v10, v5  }
0x44b: {  	v7 =	vadd.s32 $0x7530, v15;
	v10 =	vld [tilespmem:s12+$0x0]  }
0x44c: {  	[tilespmem:v8+s24+$0x0] =	vst.idx.add.f32.msk $0xffff, v6  }
0x44d: {  	v6 =	vmul.f32 v9, v1;
	v8 =	vld [tilespmem:s12+$0xCB0]  }
0x44e: {  	v12 =	vmul.f32 v12, v3;
	v9 =	vadd.s32 $0x9C40, v11  }
0x44f: {  	[tilespmem:v13+s24+$0x0] =	vst.idx.add.f32.msk $0xffff, v6;
	v6 =	vadd.s32 $0xEA60, v4  }
0x450: {  	[tilespmem:v7+s24+$0x0] =	vst.idx.add.f32.msk $0xffff, v12  }
0x451: {  	v7 =	vmul.f32 v10, v2;
	v10 =	vld [tilespmem:s12+$0x10]  }
0x452: {  	v12 =	vld [tilespmem:s12+$0x20];
	v8 =	vmul.f32 v8, v5  }
0x453: {  	v13 =	vadd.s32 $0x9C40, v14;
	[tilespmem:v9+s24+$0x0] =	vst.idx.add.f32.msk $0xffff, v7  }
0x454: {  	[tilespmem:v6+s24+$0x0] =	vst.idx.add.f32.msk $0xffff, v8  }
0x455: {  	v6 =	vadd.s32 $0x9C40, v15;
	v8 =	vld [tilespmem:s12+$0x640]  }
0x456: {  	v9 =	vmul.f32 v10, v1;
	v7 =	vld [tilespmem:s12+$0x12F0]  }
0x457: {  	v63 =	vadd.s32 $0xC350, v11  }
0x458: {  	v4 =	vadd.s32 $0x11170, v4;
	v10 =	vmul.f32 v12, v3;
	[tilespmem:v13+s24+$0x0] =	vst.idx.add.f32.msk $0xffff, v9  }
0x459: {  	v17 =	vld [tilespmem:s12+$0x650]  }
0x45a: {  	[tilespmem:v6+s24+$0x0] =	vst.idx.add.f32.msk $0xffff, v10;
	v6 =	vmul.f32 v8, v2  }
0x45b: {  	v5 =	vmul.f32 v7, v5;
	v10 =	vld [tilespmem:s12+$0x660]  }
0x45c: {  	[tilespmem:v63+s24+$0x0] =	vst.idx.add.f32.msk $0xffff, v6  }
0x45d: {  	v12 =	vadd.s32 $0xC350, v14;
	v13 =	vadd.s32 $0xC350, v15;
	v9 =	vadd.s32 $0xEA60, v14;
	[tilespmem:v4+s24+$0x0] =	vst.idx.add.f32.msk $0xffff, v5  }
0x45e: {  	v8 =	vadd.s32 $0xEA60, v11;
	v7 =	vadd.s32 $0xEA60, v15;
	v4 =	vadd.s32 $0x11170, v11;
	v11 =	vld [tilespmem:s12+$0xC80]  }
0x45f: {  	s16 =	simm.s32 $0x0;
	s15 =	simm.s32 $0x5910;
	s19 =	simm.s32 $0x2770;
	v6 =	vadd.s32 $0x11170, v14;
	v5 =	vadd.s32 $0x11170, v15;
	v14 =	vmul.f32 v17, v1  }
.LBB2_21:
0x460: {  	v15 =	vld [tilespmem:s19+$0x10];
	s16 =	sadd.s32 $0x4, s16;
	v10 =	vmul.f32 v10, v3  }
0x461: {  	v16 =	vld [tilespmem:s19+$0xFFFFFFF0];
	p0 =	slt.u32 s16, $0x60  }
0x462: {  	v17 =	vld [tilespmem:s19+$0x0]  }
0x463: {  	v18 =	vld [tilespmem:s19+$0xFFFFFFE0];
	v19 =	vmul.f32 v11, v2  }
0x464: {  	[tilespmem:v12+s24+$0x0] =	vst.idx.add.f32.msk $0xffff, v14  }
0x465: {  	[tilespmem:v13+s24+$0x0] =	vst.idx.add.f32.msk $0xffff, v10  }
0x466: {  	s13 =	sadd.s32 $0x40, s13;
	v12 =	vld [tilespmem:s12+$0xC90]  }
0x467: {  	v11 =	vld [tilespmem:s13+$0x10]  }
0x468: {  	s12 =	sadd.s32 $0x40, s12;
	v10 =	vld.idx.msk [tilespmem:v15+s5+$0x0], $0xffff  }
0x469: {  	v13 =	vld [tilespmem:s12+$0xFFFFE730]  }
0x46a: {  	v16 =	vld.idx.msk [tilespmem:v16+s5+$0x0], $0xffff  }
0x46b: {  	v18 =	vld.idx.msk [tilespmem:v18+s5+$0x0], $0xffff;
	v12 =	vmul.f32 v12, v1  }
0x46c: {  	v17 =	vld.idx.msk [tilespmem:v17+s5+$0x0], $0xffff  }
0x46d: {  	v14 =	vld [tilespmem:s12+$0xFFFFE700]  }
0x46e: {  	v15 =	vld [tilespmem:s12+$0xFFFFE710];
	v13 =	vmul.f32 v13, v10  }
0x46f: {  	v20 =	vld [tilespmem:s12+$0xFFFFE720]  }
0x470: {  	[tilespmem:v11+s24+$0x0] =	vst.idx.add.f32.msk $0xffff, v13  }
0x471: {  	v13 =	vld [tilespmem:s12+$0xFFFFED70]  }
0x472: {  	v21 =	vld [tilespmem:s13+$0xFFFFFFE0];
	v14 =	vmul.f32 v14, v18  }
0x473: {  	v22 =	vld [tilespmem:s13+$0xFFFFFFF0];
	v23 =	vmul.f32 v15, v16;
	v15 =	vadd.s32 $0x2710, v11  }
0x474: {  	v24 =	vld [tilespmem:s13+$0x0];
	v20 =	vmul.f32 v20, v17  }
0x475: {  	v25 =	vld [tilespmem:s15+$0xCA0]  }
0x476: {  	v13 =	vmul.f32 v13, v10;
	[tilespmem:v8+s24+$0x0] =	vst.idx.add.f32.msk $0xffff, v19  }
0x477: {  	v19 =	vadd.s32 $0x2710, v21;
	v26 =	vadd.s32 $0x4E20, v21;
	v27 =	vadd.s32 $0x7530, v21;
	[tilespmem:v9+s24+$0x0] =	vst.idx.add.f32.msk $0xffff, v12  }
0x478: {  	v28 =	vadd.s32 $0x2710, v22;
	v29 =	vadd.s32 $0x4E20, v22;
	v30 =	vadd.s32 $0x7530, v22;
	[tilespmem:v15+s24+$0x0] =	vst.idx.add.f32.msk $0xffff, v13  }
0x479: {  	v31 =	vadd.s32 $0x2710, v24;
	v32 =	vadd.s32 $0x4E20, v24;
	v33 =	vadd.s32 $0x7530, v24;
	v34 =	vld [tilespmem:s12+$0xFFFFF3B0]  }
0x47a: {  	v35 =	vadd.s32 $0x9C40, v21;
	v36 =	vadd.s32 $0x9C40, v22;
	v15 =	vadd.s32 $0x9C40, v24;
	[tilespmem:v21+s24+$0x0] =	vst.idx.add.f32.msk $0xffff, v14  }
0x47b: {  	v12 =	vadd.s32 $0xC350, v22;
	v14 =	vadd.s32 $0xC350, v21;
	[tilespmem:v22+s24+$0x0] =	vst.idx.add.f32.msk $0xffff, v23;
	v23 =	vadd.s32 $0x4E20, v11  }
0x47c: {  	v8 =	vadd.s32 $0xEA60, v21;
	v13 =	vadd.s32 $0xC350, v24;
	[tilespmem:v24+s24+$0x0] =	vst.idx.add.f32.msk $0xffff, v20;
	v20 =	vmul.f32 v25, v3  }
0x47d: {  	v9 =	vadd.s32 $0xEA60, v22;
	v37 =	vadd.s32 $0xEA60, v24;
	v21 =	vadd.s32 $0x11170, v21;
	v25 =	vld [tilespmem:s12+$0xFFFFED40]  }
0x47e: {  	v22 =	vadd.s32 $0x11170, v22;
	v24 =	vadd.s32 $0x11170, v24;
	v38 =	vld [tilespmem:s12+$0xFFFFED50];
	v34 =	vmul.f32 v34, v10  }
0x47f: {  	v39 =	vld [tilespmem:s12+$0xFFFFED60]  }
0x480: {  	[tilespmem:v23+s24+$0x0] =	vst.idx.add.f32.msk $0xffff, v34  }
0x481: {  	v23 =	vld [tilespmem:s12+$0xFFFFF9F0]  }
0x482: {  	v25 =	vmul.f32 v25, v18;
	[tilespmem:v7+s24+$0x0] =	vst.idx.add.f32.msk $0xffff, v20;
	v7 =	vmov v37  }
0x483: {  	v34 =	vadd.s32 $0x7530, v11;
	v20 =	vmul.f32 v38, v16;
	v37 =	vld [tilespmem:s15+$0x12C0]  }
0x484: {  	[tilespmem:v19+s24+$0x0] =	vst.idx.add.f32.msk $0xffff, v25;
	v19 =	vmul.f32 v39, v17  }
0x485: {  	[tilespmem:v28+s24+$0x0] =	vst.idx.add.f32.msk $0xffff, v20  }
0x486: {  	[tilespmem:v31+s24+$0x0] =	vst.idx.add.f32.msk $0xffff, v19;
	v19 =	vmul.f32 v23, v10  }
0x487: {  	v20 =	vld [tilespmem:s12+$0xFFFFF380]  }
0x488: {  	[tilespmem:v34+s24+$0x0] =	vst.idx.add.f32.msk $0xffff, v19;
	v19 =	vmul.f32 v37, v2;
	v2 =	vmov v18  }
0x489: {  	v18 =	vld [tilespmem:s12+$0x30]  }
0x48a: {  	v23 =	vld [tilespmem:s12+$0xFFFFF390]  }
0x48b: {  	v28 =	vadd.s32 $0x9C40, v11;
	v25 =	vld [tilespmem:s12+$0xFFFFF3A0]  }
0x48c: {  	v20 =	vmul.f32 v20, v2;
	v31 =	vld [tilespmem:s15+$0x12D0]  }
0x48d: {  	v34 =	vld [tilespmem:s15+$0x12E0];
	s15 =	smov.u32 s12  }
0x48e: {  	[tilespmem:v26+s24+$0x0] =	vst.idx.add.f32.msk $0xffff, v20;
	v18 =	vmul.f32 v18, v10  }
0x48f: {  	v20 =	vld [tilespmem:s12+$0xFFFFF9C0];
	v23 =	vmul.f32 v23, v16  }
0x490: {  	v25 =	vmul.f32 v25, v17;
	[tilespmem:v28+s24+$0x0] =	vst.idx.add.f32.msk $0xffff, v18  }
0x491: {  	v18 =	vld [tilespmem:s12+$0x670];
	v26 =	vmul.f32 v31, v1;
	v1 =	vmov v16  }
0x492: {  	[tilespmem:v29+s24+$0x0] =	vst.idx.add.f32.msk $0xffff, v23;
	v16 =	vmul.f32 v34, v3;
	v3 =	vmov v17  }
0x493: {  	v17 =	vadd.s32 $0xC350, v11;
	[tilespmem:v32+s24+$0x0] =	vst.idx.add.f32.msk $0xffff, v25  }
0x494: {  	v20 =	vmul.f32 v20, v2;
	v23 =	vld [tilespmem:s12+$0xFFFFF9D0]  }
0x495: {  	v25 =	vld [tilespmem:s12+$0xFFFFF9E0]  }
0x496: {  	[tilespmem:v27+s24+$0x0] =	vst.idx.add.f32.msk $0xffff, v20;
	v18 =	vmul.f32 v18, v10  }
0x497: {  	v20 =	vld [tilespmem:s12+$0x0]  }
0x498: {  	[tilespmem:v17+s24+$0x0] =	vst.idx.add.f32.msk $0xffff, v18  }
0x499: {  	v17 =	vmul.f32 v23, v1;
	v18 =	vld [tilespmem:s12+$0xCB0]  }
0x49a: {  	v23 =	vmul.f32 v25, v3;
	[tilespmem:v4+s24+$0x0] =	vst.idx.add.f32.msk $0xffff, v19;
	v4 =	vmov v21  }
0x49b: {  	[tilespmem:v30+s24+$0x0] =	vst.idx.add.f32.msk $0xffff, v17;
	v17 =	vadd.s32 $0xEA60, v11  }
0x49c: {  	v19 =	vmul.f32 v20, v2;
	[tilespmem:v33+s24+$0x0] =	vst.idx.add.f32.msk $0xffff, v23  }
0x49d: {  	v20 =	vld [tilespmem:s12+$0x10]  }
0x49e: {  	v21 =	vld [tilespmem:s12+$0x20];
	v18 =	vmul.f32 v18, v10  }
0x49f: {  	[tilespmem:v35+s24+$0x0] =	vst.idx.add.f32.msk $0xffff, v19  }
0x4a0: {  	[tilespmem:v17+s24+$0x0] =	vst.idx.add.f32.msk $0xffff, v18  }
0x4a1: {  	v17 =	vld [tilespmem:s12+$0x12F0]  }
0x4a2: {  	v18 =	vld [tilespmem:s12+$0x640];
	v19 =	vmul.f32 v20, v1  }
0x4a3: {  	v11 =	vadd.s32 $0x11170, v11;
	v20 =	vmul.f32 v21, v3;
	[tilespmem:v6+s24+$0x0] =	vst.idx.add.f32.msk $0xffff, v26;
	v6 =	vmov v22  }
0x4a4: {  	[tilespmem:v36+s24+$0x0] =	vst.idx.add.f32.msk $0xffff, v19  }
0x4a5: {  	[tilespmem:v15+s24+$0x0] =	vst.idx.add.f32.msk $0xffff, v20  }
0x4a6: {  	v15 =	vld [tilespmem:s12+$0x650];
	v17 =	vmul.f32 v17, v10  }
.Ltmp9:
0x4a7: {  	v18 =	vmul.f32 v18, v2;
	v10 =	vld [tilespmem:s12+$0x660];
	(pc) =	sbr.rel @p0 .LBB2_21-.Ltmp9, $4  }
0x4a8: {  	[tilespmem:v11+s24+$0x0] =	vst.idx.add.f32.msk $0xffff, v17  }
0x4a9: {  	[tilespmem:v14+s24+$0x0] =	vst.idx.add.f32.msk $0xffff, v18  }
0x4aa: {  	v11 =	vld [tilespmem:s12+$0xC80]  }
0x4ab: {  	s19 =	sadd.s32 $0x40, s19;
	v14 =	vmul.f32 v15, v1;
	[tilespmem:v5+s24+$0x0] =	vst.idx.add.f32.msk $0xffff, v16;
	v5 =	vmov v24  }
0x4ac: {  	_ =	sdelay $0x2  }
0x4ad: {  	v10 =	vmul.f32 v10, v3  }
0x4ae: {  	[tilespmem:v12+s24+$0x0] =	vst.idx.add.f32.msk $0xffff, v14  }
0x4af: {  	[tilespmem:v13+s24+$0x0] =	vst.idx.add.f32.msk $0xffff, v10  }
0x4b0: {  	v10 =	vld [tilespmem:s12+$0xC90]  }
0x4b1: {  	v12 =	vld [tilespmem:s15+$0xCA0];
	_ =	sdelay $0x2  }
0x4b2: {  	v11 =	vmul.f32 v11, v2  }
0x4b3: {  	v10 =	vmul.f32 v10, v1  }
0x4b4: {  	[tilespmem:v8+s24+$0x0] =	vst.idx.add.f32.msk $0xffff, v11;
	v8 =	vmul.f32 v12, v3  }
0x4b5: {  	[tilespmem:v9+s24+$0x0] =	vst.idx.add.f32.msk $0xffff, v10  }
0x4b6: {  	[tilespmem:v7+s24+$0x0] =	vst.idx.add.f32.msk $0xffff, v8  }
0x4b7: {  	v7 =	vld [tilespmem:s15+$0x12C0]  }
0x4b8: {  	v8 =	vld [tilespmem:s15+$0x12D0]  }
0x4b9: {  	v9 =	vld [tilespmem:s15+$0x12E0];
	_ =	sdelay $0x2  }
0x4ba: {  	v2 =	vmul.f32 v7, v2  }
0x4bb: {  	p0 =	seq.s32 s10, $0x31;
	v1 =	vmul.f32 v8, v1  }
0x4bc: {  	s11 =	sadd.s32 @!p0 $0xC80, s11;
	v3 =	vmul.f32 v9, v3;
	[tilespmem:v4+s24+$0x0] =	vst.idx.add.f32.msk $0xffff, v2  }
0x4bd: {  	s16 =	simm.s32 @!p0 $0x2710;
	s12 =	sshrl.u32 @!p0 s11, $0x3;
	s11 =	sadd.s32 @!p0 s4, s11;
	[tilespmem:v6+s24+$0x0] =	vst.idx.add.f32.msk $0xffff, v1  }
0x4be: {  	s13 =	sadd.s32 @!p0 s1, s12;
	s11 =	sshrl.u32 @!p0 s11, $0x3;
	s15 =	simm.s32 @!p0 $0x0;
	[tilespmem:v5+s24+$0x0] =	vst.idx.add.f32.msk $0xffff, v3  }
0x4bf: {  	[tilespmem:s16], [sflag:$0x1] =	stream.linear.gather @!p0 [hbm4b:s13+s15], $0x640, $0x38;
	[tilespmem:$0x1DC90] =	vst v63  }
0x4c0: {  	s12 =	sadd.s32 @!p0 s3, s12;
	s11 =	sadd.s32 @!p0 s8, s11;
	s13 =	simm.s32 @!p0 $0x3390  }
0x4c1: {  	[tilespmem:s13], [sflag:$0x1] =	stream.linear.gather @!p0 [hbm4b:s12+s15], $0x640, $0x38;
	[tilespmem:$0x1DC90] =	vst v63  }
0x4c2: {  	s12 =	simm.s32 @!p0 $0x640;
	s13 =	simm.s32 @!p0 $0x27100;
	s15 =	simm.s32 @!p0 $0x4010  }
0x4c3: {  	[tilespmem:s15], [sflag:$0x1] =	stream.strided.gather @!p0 [hbm4b:s11+s12], $0x3200, s13, s12, $0x38;
	[tilespmem:$0x1DC90] =	vst v63  }
0x4c4: {  	_ =	swait.ge [sflag:s25], $0x640  }
0x4c5: {  	[sflag:s25] =	ssyncset.done $0x0  }
0x4c6: {  	[sflag:s25] =	ssyncadd.s32 $0xFFFFF9C0  }
0x4c7: {  	_ =	swait.ge [sflag:s25], $0x640  }
0x4c8: {  	[sflag:s25] =	ssyncset.done $0x0  }
0x4c9: {  	[sflag:s25] =	ssyncadd.s32 $0xFFFFF9C0  }
0x4ca: {  	_ =	swait.ge [sflag:s25], $0x3200  }
0x4cb: {  	[sflag:s25] =	ssyncset.done $0x0  }
0x4cc: {  	s19 =	simm.s32 $0x0;
	[sflag:s25] =	ssyncadd.s32 $0xFFFFCE00  }
0x4cd: {  	v1 =	vld [tilespmem:s19+$0x2D80];
	_ =	sdelay $0x4  }
0x4ce: {  	v2 =	vld [tilespmem:s19+$0x3A00]  }
0x4cf: {  	v4 =	vld [tilespmem:s19+$0x2D50]  }
0x4d0: {  	v3 =	vld [tilespmem:s19+$0x7240]  }
0x4d1: {  	v1 =	vld.idx.msk [tilespmem:v1+s5+$0x0], $0xffff;
	_ =	sdelay $0x1  }
0x4d2: {  	v5 =	vld [tilespmem:s19+$0x2D60]  }
0x4d3: {  	v6 =	vld [tilespmem:s19+$0x2D70]  }
0x4d4: {  	v11 =	vld [tilespmem:s19+$0x7220]  }
0x4d5: {  	v8 =	vld [tilespmem:s19+$0x39D0];
	v3 =	vmul.f32 v3, v1  }
0x4d6: {  	v7 =	vld.idx.msk [tilespmem:v4+s5+$0x0], $0xffff  }
0x4d7: {  	[tilespmem:v2+s24+$0x0] =	vst.idx.add.f32.msk $0xffff, v3  }
0x4d8: {  	v3 =	vld [tilespmem:s19+$0x7880]  }
0x4d9: {  	v4 =	vld [tilespmem:s19+$0x39E0]  }
0x4da: {  	v12 =	vadd.s32 $0x2710, v2;
	v5 =	vld.idx.msk [tilespmem:v5+s5+$0x0], $0xffff  }
0x4db: {  	v9 =	vld [tilespmem:s19+$0x7210]  }
0x4dc: {  	v13 =	vld [tilespmem:s19+$0x7230]  }
0x4dd: {  	v10 =	vld.idx.msk [tilespmem:v6+s5+$0x0], $0xffff;
	v3 =	vmul.f32 v3, v1  }
0x4de: {  	v6 =	vld [tilespmem:s19+$0x39F0]  }
0x4df: {  	v11 =	vmul.f32 v11, v5;
	[tilespmem:v12+s24+$0x0] =	vst.idx.add.f32.msk $0xffff, v3  }
0x4e0: {  	v3 =	vmul.f32 v9, v7;
	v9 =	vld [tilespmem:s19+$0x7EC0]  }
0x4e1: {  	[tilespmem:v4+s24+$0x0] =	vst.idx.add.f32.msk $0xffff, v11  }
0x4e2: {  	[tilespmem:v8+s24+$0x0] =	vst.idx.add.f32.msk $0xffff, v3;
	v3 =	vadd.s32 $0x4E20, v2  }
0x4e3: {  	v12 =	vld [tilespmem:s19+$0x7860];
	_ =	sdelay $0x1  }
0x4e4: {  	v15 =	vadd.s32 $0x2710, v4;
	v11 =	vld [tilespmem:s19+$0x7850];
	v9 =	vmul.f32 v9, v1;
	_ =	sdelay $0x1  }
0x4e5: {  	v14 =	vadd.s32 $0x2710, v8;
	v13 =	vmul.f32 v13, v10;
	[tilespmem:v3+s24+$0x0] =	vst.idx.add.f32.msk $0xffff, v9  }
0x4e6: {  	v12 =	vmul.f32 v12, v5;
	v3 =	vld [tilespmem:s19+$0x8500]  }
0x4e7: {  	[tilespmem:v6+s24+$0x0] =	vst.idx.add.f32.msk $0xffff, v13  }
0x4e8: {  	v13 =	vadd.s32 $0x7530, v2;
	[tilespmem:v15+s24+$0x0] =	vst.idx.add.f32.msk $0xffff, v12;
	v9 =	vmul.f32 v11, v7  }
0x4e9: {  	v11 =	vld [tilespmem:s19+$0x7870]  }
0x4ea: {  	[tilespmem:v14+s24+$0x0] =	vst.idx.add.f32.msk $0xffff, v9  }
0x4eb: {  	v9 =	vadd.s32 $0x2710, v6;
	v12 =	vld [tilespmem:s19+$0x7E90];
	v3 =	vmul.f32 v3, v1  }
0x4ec: {  	v14 =	vld [tilespmem:s19+$0x7EA0]  }
0x4ed: {  	v15 =	vadd.s32 $0x4E20, v8;
	[tilespmem:v13+s24+$0x0] =	vst.idx.add.f32.msk $0xffff, v3  }
0x4ee: {  	v11 =	vmul.f32 v11, v10;
	v3 =	vadd.s32 $0x4E20, v4;
	v13 =	vld [tilespmem:s19+$0x8B40];
	_ =	sdelay $0x1  }
0x4ef: {  	[tilespmem:v9+s24+$0x0] =	vst.idx.add.f32.msk $0xffff, v11;
	v11 =	vmul.f32 v12, v7;
	v12 =	vadd.s32 $0x9C40, v2  }
0x4f0: {  	v14 =	vmul.f32 v14, v5;
	v9 =	vld [tilespmem:s19+$0x7EB0]  }
0x4f1: {  	[tilespmem:v15+s24+$0x0] =	vst.idx.add.f32.msk $0xffff, v11  }
0x4f2: {  	v16 =	vadd.s32 $0x4E20, v6;
	[tilespmem:v3+s24+$0x0] =	vst.idx.add.f32.msk $0xffff, v14;
	v3 =	vmul.f32 v13, v1  }
0x4f3: {  	v11 =	vld [tilespmem:s19+$0x84D0]  }
0x4f4: {  	[tilespmem:v12+s24+$0x0] =	vst.idx.add.f32.msk $0xffff, v3  }
0x4f5: {  	s11 =	simm.s32 $0x40;
	v9 =	vmul.f32 v9, v10;
	v3 =	vadd.s32 $0x7530, v8;
	v12 =	vld [tilespmem:s19+$0x9180]  }
0x4f6: {  	v17 =	vld [tilespmem:s11+$0x7230]  }
0x4f7: {  	v13 =	vadd.s32 $0xC350, v2;
	[tilespmem:v16+s24+$0x0] =	vst.idx.add.f32.msk $0xffff, v9  }
0x4f8: {  	v9 =	vld [tilespmem:s19+$0x84E0];
	v11 =	vmul.f32 v11, v7  }
0x4f9: {  	v14 =	vld [tilespmem:s19+$0x84F0]  }
0x4fa: {  	v15 =	vadd.s32 $0x7530, v4;
	[tilespmem:v3+s24+$0x0] =	vst.idx.add.f32.msk $0xffff, v11;
	v3 =	vmul.f32 v12, v1  }
0x4fb: {  	v16 =	vadd.s32 $0x7530, v6;
	v11 =	vld [tilespmem:s19+$0x8B10]  }
0x4fc: {  	[tilespmem:v13+s24+$0x0] =	vst.idx.add.f32.msk $0xffff, v3  }
0x4fd: {  	v9 =	vmul.f32 v9, v5;
	v3 =	vadd.s32 $0x9C40, v8;
	v13 =	vld [tilespmem:s19+$0x97C0]  }
0x4fe: {  	v18 =	vld [tilespmem:s11+$0x3A00];
	v12 =	vmul.f32 v14, v10  }
0x4ff: {  	[tilespmem:v15+s24+$0x0] =	vst.idx.add.f32.msk $0xffff, v9;
	v9 =	vadd.s32 $0xEA60, v2  }
0x500: {  	[tilespmem:v16+s24+$0x0] =	vst.idx.add.f32.msk $0xffff, v12;
	v11 =	vmul.f32 v11, v7  }
0x501: {  	v12 =	vld [tilespmem:s19+$0x8B20]  }
0x502: {  	[tilespmem:v3+s24+$0x0] =	vst.idx.add.f32.msk $0xffff, v11;
	v3 =	vmul.f32 v13, v1  }
0x503: {  	v14 =	vld [tilespmem:s19+$0x8B30]  }
0x504: {  	[tilespmem:v9+s24+$0x0] =	vst.idx.add.f32.msk $0xffff, v3  }
0x505: {  	v15 =	vadd.s32 $0x9C40, v4;
	v9 =	vld [tilespmem:s19+$0x9E00]  }
0x506: {  	v20 =	vld [tilespmem:s11+$0x7240];
	v11 =	vadd.s32 $0x9C40, v6  }
0x507: {  	v2 =	vadd.s32 $0x11170, v2;
	v13 =	vld [tilespmem:s19+$0x9150]  }
0x508: {  	v22 =	vld [tilespmem:s11+$0x39E0];
	v3 =	vmul.f32 v12, v5  }
0x509: {  	v23 =	vld [tilespmem:s11+$0x39F0];
	v14 =	vmul.f32 v14, v10;
	v12 =	vadd.s32 $0xC350, v8  }
0x50a: {  	[tilespmem:v15+s24+$0x0] =	vst.idx.add.f32.msk $0xffff, v3;
	v1 =	vmul.f32 v9, v1  }
0x50b: {  	[tilespmem:v11+s24+$0x0] =	vst.idx.add.f32.msk $0xffff, v14  }
0x50c: {  	v3 =	vmul.f32 v13, v7;
	[tilespmem:v2+s24+$0x0] =	vst.idx.add.f32.msk $0xffff, v1  }
0x50d: {  	v1 =	vld [tilespmem:s11+$0x2D80]  }
0x50e: {  	[tilespmem:v12+s24+$0x0] =	vst.idx.add.f32.msk $0xffff, v3  }
0x50f: {  	v2 =	vld [tilespmem:s11+$0x2D50]  }
0x510: {  	v12 =	vld [tilespmem:s11+$0x2D60]  }
0x511: {  	v14 =	vld [tilespmem:s11+$0x2D70]  }
0x512: {  	v16 =	vld [tilespmem:s11+$0x7220]  }
0x513: {  	v15 =	vld [tilespmem:s11+$0x7210]  }
0x514: {  	v11 =	vld [tilespmem:s19+$0x9160]  }
0x515: {  	v19 =	vld.idx.msk [tilespmem:v1+s5+$0x0], $0xffff  }
0x516: {  	v13 =	vld [tilespmem:s19+$0x9170]  }
0x517: {  	v3 =	vld.idx.msk [tilespmem:v2+s5+$0x0], $0xffff  }
0x518: {  	v2 =	vld.idx.msk [tilespmem:v12+s5+$0x0], $0xffff  }
0x519: {  	v21 =	vadd.s32 $0xC350, v6;
	v1 =	vld.idx.msk [tilespmem:v14+s5+$0x0], $0xffff  }
0x51a: {  	v12 =	vadd.s32 $0xC350, v4;
	v14 =	vld [tilespmem:s11+$0x39D0];
	v20 =	vmul.f32 v20, v19  }
0x51b: {  	v9 =	vld [tilespmem:s19+$0x9790]  }
0x51c: {  	v13 =	vmul.f32 v13, v10;
	[tilespmem:v18+s24+$0x0] =	vst.idx.add.f32.msk $0xffff, v20  }
0x51d: {  	v11 =	vmul.f32 v11, v5;
	v20 =	vld [tilespmem:s11+$0x7880]  }
0x51e: {  	[tilespmem:v21+s24+$0x0] =	vst.idx.add.f32.msk $0xffff, v13  }
0x51f: {  	[tilespmem:v12+s24+$0x0] =	vst.idx.add.f32.msk $0xffff, v11;
	v12 =	vadd.s32 $0x2710, v18  }
0x520: {  	v25 =	vld [tilespmem:s19+$0x97B0];
	v11 =	vmul.f32 v15, v3  }
0x521: {  	v13 =	vmul.f32 v16, v2;
	v15 =	vld [tilespmem:s19+$0x97A0]  }
0x522: {  	[tilespmem:v14+s24+$0x0] =	vst.idx.add.f32.msk $0xffff, v11;
	v11 =	vmul.f32 v20, v19  }
0x523: {  	[tilespmem:v22+s24+$0x0] =	vst.idx.add.f32.msk $0xffff, v13  }
0x524: {  	v16 =	vmul.f32 v17, v1;
	[tilespmem:v12+s24+$0x0] =	vst.idx.add.f32.msk $0xffff, v11  }
0x525: {  	v13 =	vadd.s32 $0xEA60, v4;
	v12 =	vld [tilespmem:s11+$0x7EC0]  }
0x526: {  	[tilespmem:v23+s24+$0x0] =	vst.idx.add.f32.msk $0xffff, v16;
	v11 =	vadd.s32 $0xEA60, v8  }
0x527: {  	v54 =	vadd.s32 $0x4E20, v18;
	v16 =	vld [tilespmem:s11+$0x7850]  }
0x528: {  	v17 =	vld [tilespmem:s11+$0x7860];
	v15 =	vmul.f32 v15, v5  }
0x529: {  	v9 =	vmul.f32 v9, v7;
	v24 =	vadd.s32 $0x2710, v14;
	v55 =	vld [tilespmem:s11+$0x7870]  }
0x52a: {  	v26 =	vadd.s32 $0x2710, v22;
	[tilespmem:v13+s24+$0x0] =	vst.idx.add.f32.msk $0xffff, v15;
	v12 =	vmul.f32 v12, v19  }
0x52b: {  	[tilespmem:v11+s24+$0x0] =	vst.idx.add.f32.msk $0xffff, v9;
	v9 =	vadd.s32 $0x2710, v23  }
0x52c: {  	v11 =	vmul.f32 v16, v3;
	[tilespmem:v54+s24+$0x0] =	vst.idx.add.f32.msk $0xffff, v12  }
0x52d: {  	v12 =	vmul.f32 v17, v2;
	v13 =	vld [tilespmem:s11+$0x8500]  }
0x52e: {  	v15 =	vmul.f32 v55, v1;
	[tilespmem:v24+s24+$0x0] =	vst.idx.add.f32.msk $0xffff, v11  }
0x52f: {  	v11 =	vadd.s32 $0x7530, v18;
	[tilespmem:v26+s24+$0x0] =	vst.idx.add.f32.msk $0xffff, v12  }
0x530: {  	[tilespmem:v9+s24+$0x0] =	vst.idx.add.f32.msk $0xffff, v15  }
0x531: {  	v12 =	vld [tilespmem:s11+$0x7E90]  }
0x532: {  	v9 =	vadd.s32 $0xEA60, v6;
	v15 =	vld [tilespmem:s11+$0x7EA0];
	v13 =	vmul.f32 v13, v19  }
0x533: {  	v16 =	vadd.s32 $0x4E20, v14;
	v17 =	vld [tilespmem:s11+$0x7EB0]  }
0x534: {  	v56 =	vadd.s32 $0x4E20, v22;
	[tilespmem:v11+s24+$0x0] =	vst.idx.add.f32.msk $0xffff, v13  }
0x535: {  	v57 =	vmul.f32 v25, v10;
	v11 =	vadd.s32 $0x4E20, v23;
	v13 =	vld [tilespmem:s11+$0x8B40]  }
0x536: {  	v58 =	vld [tilespmem:s19+$0x9DD0];
	v12 =	vmul.f32 v12, v3  }
0x537: {  	[tilespmem:v9+s24+$0x0] =	vst.idx.add.f32.msk $0xffff, v57;
	v9 =	vmul.f32 v15, v2;
	v15 =	vadd.s32 $0x9C40, v18  }
0x538: {  	[tilespmem:v16+s24+$0x0] =	vst.idx.add.f32.msk $0xffff, v12;
	v12 =	vmul.f32 v17, v1  }
0x539: {  	v8 =	vadd.s32 $0x11170, v8;
	[tilespmem:v56+s24+$0x0] =	vst.idx.add.f32.msk $0xffff, v9  }
0x53a: {  	[tilespmem:v11+s24+$0x0] =	vst.idx.add.f32.msk $0xffff, v12;
	v9 =	vmul.f32 v13, v19  }
0x53b: {  	v11 =	vld [tilespmem:s11+$0x84D0]  }
0x53c: {  	v7 =	vmul.f32 v58, v7;
	[tilespmem:v15+s24+$0x0] =	vst.idx.add.f32.msk $0xffff, v9  }
0x53d: {  	v9 =	vadd.s32 $0x7530, v14;
	v12 =	vld [tilespmem:s11+$0x9180]  }
0x53e: {  	[tilespmem:v8+s24+$0x0] =	vst.idx.add.f32.msk $0xffff, v7  }
0x53f: {  	v16 =	vadd.s32 $0xC350, v18;
	v13 =	vld [tilespmem:s11+$0x84E0]  }
0x540: {  	v15 =	vld [tilespmem:s11+$0x84F0];
	v11 =	vmul.f32 v11, v3  }
0x541: {  	v59 =	vadd.s32 $0x7530, v22;
	v60 =	vld [tilespmem:s19+$0x9DF0]  }
0x542: {  	v61 =	vadd.s32 $0x7530, v23;
	[tilespmem:v9+s24+$0x0] =	vst.idx.add.f32.msk $0xffff, v11;
	v9 =	vmul.f32 v12, v19  }
0x543: {  	v11 =	vld [tilespmem:s11+$0x8B10]  }
0x544: {  	v12 =	vmul.f32 v13, v2;
	[tilespmem:v16+s24+$0x0] =	vst.idx.add.f32.msk $0xffff, v9  }
0x545: {  	v13 =	vmul.f32 v15, v1;
	v9 =	vadd.s32 $0x9C40, v14;
	v15 =	vld [tilespmem:s11+$0x97C0]  }
0x546: {  	[tilespmem:v59+s24+$0x0] =	vst.idx.add.f32.msk $0xffff, v12  }
0x547: {  	[tilespmem:v61+s24+$0x0] =	vst.idx.add.f32.msk $0xffff, v13;
	v12 =	vadd.s32 $0xEA60, v18  }
0x548: {  	v13 =	vld [tilespmem:s11+$0x8B20];
	v11 =	vmul.f32 v11, v3  }
0x549: {  	v16 =	vld [tilespmem:s11+$0x8B30]  }
0x54a: {  	v62 =	vadd.s32 $0x9C40, v22;
	[tilespmem:v9+s24+$0x0] =	vst.idx.add.f32.msk $0xffff, v11;
	v9 =	vmul.f32 v15, v19  }
0x54b: {  	v11 =	vadd.s32 $0x9C40, v23;
	v15 =	vld [tilespmem:s11+$0x9150]  }
0x54c: {  	[tilespmem:v12+s24+$0x0] =	vst.idx.add.f32.msk $0xffff, v9  }
0x54d: {  	v9 =	vmul.f32 v13, v2;
	v12 =	vld [tilespmem:s11+$0x9E00]  }
0x54e: {  	v63 =	vadd.s32 $0xC350, v14;
	v17 =	vld [tilespmem:s19+$0x9DE0];
	v13 =	vmul.f32 v16, v1  }
0x54f: {  	[tilespmem:v62+s24+$0x0] =	vst.idx.add.f32.msk $0xffff, v9;
	v9 =	vadd.s32 $0x11170, v18  }
0x550: {  	[tilespmem:v11+s24+$0x0] =	vst.idx.add.f32.msk $0xffff, v13  }
0x551: {  	v18 =	vadd.s32 $0x11170, v4;
	v7 =	vmul.f32 v15, v3;
	v20 =	vld [tilespmem:s11+$0x9160]  }
0x552: {  	v4 =	vadd.s32 $0x11170, v6;
	v13 =	vld [tilespmem:s11+$0x9170];
	v15 =	vmul.f32 v12, v19  }
0x553: {  	v8 =	vadd.s32 $0xEA60, v14;
	v16 =	vmul.f32 v60, v10;
	[tilespmem:v63+s24+$0x0] =	vst.idx.add.f32.msk $0xffff, v7  }
0x554: {  	v11 =	vadd.s32 $0xC350, v23;
	v6 =	vadd.s32 $0x11170, v14;
	v19 =	vmul.f32 v17, v5;
	[tilespmem:v9+s24+$0x0] =	vst.idx.add.f32.msk $0xffff, v15  }
0x555: {  	v14 =	vadd.s32 $0x11170, v23;
	v7 =	vadd.s32 $0xEA60, v22;
	v12 =	vadd.s32 $0xC350, v22;
	v15 =	vld [tilespmem:s11+$0x9790]  }
0x556: {  	s12 =	simm.s32 $0x4;
	s13 =	simm.s32 $0x200;
	v5 =	vadd.s32 $0x11170, v22;
	v9 =	vadd.s32 $0xEA60, v23;
	v17 =	vmul.f32 v20, v2;
	[tilespmem:v18+s24+$0x0] =	vst.idx.add.f32.msk $0xffff, v19  }
.LBB2_23:
0x557: {  	s15 =	sshra.s32 s13, $0x2;
	s12 =	sadd.s32 $0x4, s12;
	v18 =	vmul.f32 v13, v1;
	[tilespmem:v4+s24+$0x0] =	vst.idx.add.f32.msk $0xffff, v16;
	v4 =	vmov v14  }
0x558: {  	v10 =	vld [tilespmem:s15+$0x2D80];
	p0 =	slt.u32 s12, $0x60  }
0x559: {  	v14 =	vld [tilespmem:s15+$0x2D50]  }
0x55a: {  	v16 =	vld [tilespmem:s15+$0x2D60];
	v21 =	vmul.f32 v15, v3  }
0x55b: {  	v15 =	vld [tilespmem:s15+$0x2D70]  }
0x55c: {  	v19 =	vld [tilespmem:s15+$0x7210]  }
0x55d: {  	v20 =	vld [tilespmem:s15+$0x7220]  }
0x55e: {  	v22 =	vld [tilespmem:s15+$0x7230]  }
0x55f: {  	v13 =	vld [tilespmem:s15+$0x3A00]  }
0x560: {  	v10 =	vld.idx.msk [tilespmem:v10+s5+$0x0], $0xffff  }
0x561: {  	v23 =	vld [tilespmem:s15+$0x7240]  }
0x562: {  	v24 =	vld.idx.msk [tilespmem:v14+s5+$0x0], $0xffff  }
0x563: {  	v16 =	vld.idx.msk [tilespmem:v16+s5+$0x0], $0xffff  }
0x564: {  	v15 =	vld.idx.msk [tilespmem:v15+s5+$0x0], $0xffff  }
0x565: {  	v14 =	vld [tilespmem:s15+$0x39D0]  }
0x566: {  	v25 =	vld [tilespmem:s15+$0x39E0];
	v23 =	vmul.f32 v23, v10  }
0x567: {  	v26 =	vld [tilespmem:s15+$0x39F0]  }
0x568: {  	v19 =	vmul.f32 v19, v24;
	[tilespmem:v13+s24+$0x0] =	vst.idx.add.f32.msk $0xffff, v23  }
0x569: {  	v20 =	vmul.f32 v20, v16;
	v23 =	vld [tilespmem:s15+$0x7880]  }
0x56a: {  	v22 =	vmul.f32 v22, v15;
	v27 =	vadd.s32 $0x2710, v14;
	v28 =	vadd.s32 $0x4E20, v14;
	[tilespmem:v12+s24+$0x0] =	vst.idx.add.f32.msk $0xffff, v17  }
0x56b: {  	v31 =	vadd.s32 $0x2710, v13;
	v29 =	vadd.s32 $0x2710, v25;
	v30 =	vadd.s32 $0x4E20, v25;
	[tilespmem:v11+s24+$0x0] =	vst.idx.add.f32.msk $0xffff, v18  }
0x56c: {  	v32 =	vadd.s32 $0x7530, v14;
	v33 =	vadd.s32 $0x2710, v26;
	v34 =	vadd.s32 $0x4E20, v26;
	v35 =	vld [tilespmem:s11+$0x97A0]  }
0x56d: {  	v36 =	vadd.s32 $0x9C40, v14;
	v37 =	vadd.s32 $0x7530, v25;
	v38 =	vadd.s32 $0x7530, v26;
	[tilespmem:v14+s24+$0x0] =	vst.idx.add.f32.msk $0xffff, v19  }
0x56e: {  	v19 =	vadd.s32 $0x9C40, v26;
	[tilespmem:v25+s24+$0x0] =	vst.idx.add.f32.msk $0xffff, v20;
	v20 =	vadd.s32 $0x9C40, v25;
	v18 =	vmul.f32 v23, v10  }
0x56f: {  	v17 =	vadd.s32 $0xC350, v14;
	v12 =	vadd.s32 $0xC350, v25;
	v11 =	vadd.s32 $0xC350, v26;
	[tilespmem:v26+s24+$0x0] =	vst.idx.add.f32.msk $0xffff, v22  }
0x570: {  	v39 =	vadd.s32 $0xEA60, v26;
	v23 =	vadd.s32 $0xEA60, v25;
	v22 =	vadd.s32 $0xEA60, v14;
	[tilespmem:v31+s24+$0x0] =	vst.idx.add.f32.msk $0xffff, v18  }
0x571: {  	v31 =	vadd.s32 $0x11170, v14;
	v18 =	vadd.s32 $0x11170, v25;
	v25 =	vld [tilespmem:s15+$0x7EC0];
	v35 =	vmul.f32 v35, v2  }
0x572: {  	v14 =	vadd.s32 $0x11170, v26;
	v40 =	vld [tilespmem:s15+$0x7850]  }
0x573: {  	v41 =	vadd.s32 $0x4E20, v13;
	v26 =	vld [tilespmem:s15+$0x7860]  }
0x574: {  	v42 =	vld [tilespmem:s15+$0x7870]  }
0x575: {  	v43 =	vld [tilespmem:s11+$0x97B0]  }
0x576: {  	v25 =	vmul.f32 v25, v10;
	[tilespmem:v8+s24+$0x0] =	vst.idx.add.f32.msk $0xffff, v21;
	v8 =	vmov v22  }
0x577: {  	v21 =	vmul.f32 v40, v24;
	[tilespmem:v7+s24+$0x0] =	vst.idx.add.f32.msk $0xffff, v35;
	v7 =	vmov v23  }
0x578: {  	v22 =	vmul.f32 v26, v16;
	[tilespmem:v41+s24+$0x0] =	vst.idx.add.f32.msk $0xffff, v25  }
0x579: {  	v23 =	vmul.f32 v42, v15;
	v25 =	vld [tilespmem:s15+$0x8500]  }
0x57a: {  	[tilespmem:v27+s24+$0x0] =	vst.idx.add.f32.msk $0xffff, v21;
	v21 =	vmul.f32 v43, v1  }
0x57b: {  	[tilespmem:v29+s24+$0x0] =	vst.idx.add.f32.msk $0xffff, v22;
	v22 =	vadd.s32 $0x7530, v13  }
0x57c: {  	[tilespmem:v33+s24+$0x0] =	vst.idx.add.f32.msk $0xffff, v23  }
0x57d: {  	v23 =	vld [tilespmem:s15+$0x7E90]  }
0x57e: {  	v26 =	vld [tilespmem:s15+$0x7EA0];
	v25 =	vmul.f32 v25, v10  }
0x57f: {  	v27 =	vld [tilespmem:s15+$0x7EB0]  }
0x580: {  	[tilespmem:v22+s24+$0x0] =	vst.idx.add.f32.msk $0xffff, v25  }
0x581: {  	v22 =	vld [tilespmem:s15+$0x8B40]  }
0x582: {  	v23 =	vmul.f32 v23, v24;
	[tilespmem:v9+s24+$0x0] =	vst.idx.add.f32.msk $0xffff, v21;
	v9 =	vmov v39  }
0x583: {  	v25 =	vadd.s32 $0x9C40, v13;
	v21 =	vmul.f32 v26, v16;
	v26 =	vld [tilespmem:s11+$0x9DD0]  }
0x584: {  	[tilespmem:v28+s24+$0x0] =	vst.idx.add.f32.msk $0xffff, v23;
	v23 =	vmul.f32 v27, v15  }
0x585: {  	[tilespmem:v30+s24+$0x0] =	vst.idx.add.f32.msk $0xffff, v21  }
0x586: {  	[tilespmem:v34+s24+$0x0] =	vst.idx.add.f32.msk $0xffff, v23;
	v21 =	vmul.f32 v22, v10  }
0x587: {  	v22 =	vld [tilespmem:s15+$0x84D0]  }
0x588: {  	[tilespmem:v25+s24+$0x0] =	vst.idx.add.f32.msk $0xffff, v21;
	v21 =	vmul.f32 v26, v3;
	v3 =	vmov v24  }
0x589: {  	v23 =	vld [tilespmem:s15+$0x9180]  }
0x58a: {  	v24 =	vld [tilespmem:s15+$0x84E0]  }
0x58b: {  	v26 =	vadd.s32 $0xC350, v13;
	v25 =	vld [tilespmem:s15+$0x84F0]  }
0x58c: {  	v22 =	vmul.f32 v22, v3;
	v27 =	vld [tilespmem:s11+$0x9DE0]  }
0x58d: {  	v28 =	vld [tilespmem:s11+$0x9DF0];
	s11 =	smov.u32 s15  }
0x58e: {  	[tilespmem:v32+s24+$0x0] =	vst.idx.add.f32.msk $0xffff, v22;
	v22 =	vmul.f32 v23, v10  }
0x58f: {  	v23 =	vld [tilespmem:s11+$0x8B10];
	v24 =	vmul.f32 v24, v16  }
0x590: {  	v25 =	vmul.f32 v25, v15;
	[tilespmem:v26+s24+$0x0] =	vst.idx.add.f32.msk $0xffff, v22  }
0x591: {  	v22 =	vld [tilespmem:s11+$0x97C0];
	v26 =	vmul.f32 v27, v2;
	v2 =	vmov v16  }
0x592: {  	[tilespmem:v37+s24+$0x0] =	vst.idx.add.f32.msk $0xffff, v24;
	v16 =	vmul.f32 v28, v1;
	v1 =	vmov v15  }
0x593: {  	v15 =	vadd.s32 $0xEA60, v13;
	[tilespmem:v38+s24+$0x0] =	vst.idx.add.f32.msk $0xffff, v25  }
0x594: {  	v23 =	vmul.f32 v23, v3;
	v24 =	vld [tilespmem:s11+$0x8B20]  }
0x595: {  	v25 =	vld [tilespmem:s11+$0x8B30]  }
0x596: {  	[tilespmem:v36+s24+$0x0] =	vst.idx.add.f32.msk $0xffff, v23;
	v22 =	vmul.f32 v22, v10  }
0x597: {  	v23 =	vld [tilespmem:s11+$0x9150]  }
0x598: {  	[tilespmem:v15+s24+$0x0] =	vst.idx.add.f32.msk $0xffff, v22  }
0x599: {  	v15 =	vmul.f32 v24, v2;
	v22 =	vld [tilespmem:s11+$0x9E00]  }
0x59a: {  	v24 =	vmul.f32 v25, v1;
	[tilespmem:v6+s24+$0x0] =	vst.idx.add.f32.msk $0xffff, v21;
	v6 =	vmov v31  }
0x59b: {  	[tilespmem:v20+s24+$0x0] =	vst.idx.add.f32.msk $0xffff, v15;
	v15 =	vadd.s32 $0x11170, v13  }
0x59c: {  	v20 =	vmul.f32 v23, v3;
	[tilespmem:v19+s24+$0x0] =	vst.idx.add.f32.msk $0xffff, v24  }
0x59d: {  	v19 =	vld [tilespmem:s11+$0x9160]  }
.Ltmp10:
0x59e: {  	v13 =	vld [tilespmem:s11+$0x9170];
	v10 =	vmul.f32 v22, v10;
	(pc) =	sbr.rel @p0 .LBB2_23-.Ltmp10, $4  }
0x59f: {  	[tilespmem:v17+s24+$0x0] =	vst.idx.add.f32.msk $0xffff, v20  }
0x5a0: {  	[tilespmem:v15+s24+$0x0] =	vst.idx.add.f32.msk $0xffff, v10  }
0x5a1: {  	v15 =	vld [tilespmem:s11+$0x9790]  }
0x5a2: {  	s13 =	sadd.s32 $0x100, s13;
	v17 =	vmul.f32 v19, v2;
	[tilespmem:v5+s24+$0x0] =	vst.idx.add.f32.msk $0xffff, v26;
	v5 =	vmov v18  }
0x5a3: {  	_ =	sdelay $0x2  }
0x5a4: {  	v10 =	vmul.f32 v13, v1  }
0x5a5: {  	[tilespmem:v12+s24+$0x0] =	vst.idx.add.f32.msk $0xffff, v17  }
0x5a6: {  	[tilespmem:v11+s24+$0x0] =	vst.idx.add.f32.msk $0xffff, v10  }
0x5a7: {  	v59 =	vld [tilespmem:s11+$0x97A0]  }
0x5a8: {  	v11 =	vld [tilespmem:s11+$0x97B0];
	_ =	sdelay $0x1  }
0x5a9: {  	v60 =	vmul.f32 v15, v3;
	_ =	sdelay $0x1  }
0x5aa: {  	[tilespmem:v8+s24+$0x0] =	vst.idx.add.f32.msk $0xffff, v60;
	v10 =	vmul.f32 v59, v2  }
0x5ab: {  	v62 =	vld [tilespmem:s11+$0x9DD0];
	v61 =	vmul.f32 v11, v1  }
0x5ac: {  	[tilespmem:v7+s24+$0x0] =	vst.idx.add.f32.msk $0xffff, v10  }
0x5ad: {  	[tilespmem:v9+s24+$0x0] =	vst.idx.add.f32.msk $0xffff, v61  }
0x5ae: {  	v63 =	vld [tilespmem:s11+$0x9DE0]  }
0x5af: {  	v9 =	vld [tilespmem:s11+$0x9DF0]  }
0x5b0: {  	s10 =	sadd.s32 $0x1, s10  }
0x5b1: {  	p0 =	sne.s32 s10, $0x32  }
.Ltmp11:
0x5b2: {  	v3 =	vmul.f32 v62, v3;
	(pc) =	sbr.rel @p0 .LBB2_20-.Ltmp11, $4  }
0x5b3: {  	[tilespmem:v4+s24+$0x0] =	vst.idx.add.f32.msk $0xffff, v16;
	v2 =	vmul.f32 v63, v2  }
0x5b4: {  	[tilespmem:v6+s24+$0x0] =	vst.idx.add.f32.msk $0xffff, v3;
	v1 =	vmul.f32 v9, v1  }
0x5b5: {  	[tilespmem:v5+s24+$0x0] =	vst.idx.add.f32.msk $0xffff, v2  }
0x5b6: {  	[tilespmem:v14+s24+$0x0] =	vst.idx.add.f32.msk $0xffff, v1  }
0x5b7: {  	s10 =	rddreg [dreg:$0x16]  }
0x5b8: {  	[hbm4b:s10+s5] =	stream.linear.scatter [tilespmem:s24], [sflag:$0x3], $0x2710, $0x38;
	[tilespmem:$0x1DC90] =	vst v63  }
0x5b9: {  	_ =	swait.ge [sflag:s14], $0x2710  }
0x5ba: {  	[sflag:s14] =	ssyncset.done $0x0  }
0x5bb: {  	s16 =	rddreg [dreg:$0x17];
	[sflag:s14] =	ssyncadd.s32 $0xFFFFD8F0  }
0x5bc: {  	[hbm4b:s16+s5] =	stream.linear.scatter [tilespmem:s26], [sflag:$0x3], $0x2710, $0x38;
	[tilespmem:$0x1DC90] =	vst v63  }
0x5bd: {  	_ =	swait.ge [sflag:s14], $0x2710  }
0x5be: {  	[sflag:s14] =	ssyncset.done $0x0  }
0x5bf: {  	s19 =	rddreg [dreg:$0x19];
	[sflag:s14] =	ssyncadd.s32 $0xFFFFD8F0  }
0x5c0: {  	[hbm4b:s19+s5] =	stream.linear.scatter [tilespmem:s28], [sflag:$0x3], $0x2710, $0x38;
	[tilespmem:$0x1DC90] =	vst v63  }
0x5c1: {  	_ =	swait.ge [sflag:s14], $0x2710  }
0x5c2: {  	[sflag:s14] =	ssyncset.done $0x0  }
0x5c3: {  	s11 =	rddreg [dreg:$0x1a];
	[sflag:s14] =	ssyncadd.s32 $0xFFFFD8F0  }
0x5c4: {  	[hbm4b:s11+s5] =	stream.linear.scatter [tilespmem:s29], [sflag:$0x3], $0x2710, $0x38;
	[tilespmem:$0x1DC90] =	vst v63  }
0x5c5: {  	_ =	swait.ge [sflag:s14], $0x2710  }
0x5c6: {  	[sflag:s14] =	ssyncset.done $0x0  }
0x5c7: {  	s12 =	rddreg [dreg:$0x1c];
	[sflag:s14] =	ssyncadd.s32 $0xFFFFD8F0  }
0x5c8: {  	[hbm4b:s12+s5] =	stream.linear.scatter [tilespmem:s30], [sflag:$0x3], $0x2710, $0x38;
	[tilespmem:$0x1DC90] =	vst v63  }
0x5c9: {  	_ =	swait.ge [sflag:s14], $0x2710  }
0x5ca: {  	[sflag:s14] =	ssyncset.done $0x0  }
0x5cb: {  	s13 =	rddreg [dreg:$0x1d];
	[sflag:s14] =	ssyncadd.s32 $0xFFFFD8F0  }
0x5cc: {  	[hbm4b:s13+s5] =	stream.linear.scatter [tilespmem:s31], [sflag:$0x3], $0x2710, $0x38;
	[tilespmem:$0x1DC90] =	vst v63  }
0x5cd: {  	_ =	swait.ge [sflag:s14], $0x2710  }
0x5ce: {  	[sflag:s14] =	ssyncset.done $0x0  }
0x5cf: {  	s15 =	rddreg [dreg:$0x1f];
	[sflag:s14] =	ssyncadd.s32 $0xFFFFD8F0  }
0x5d0: {  	[hbm4b:s15+s5] =	stream.linear.scatter [tilespmem:s2], [sflag:$0x3], $0x2710, $0x38;
	[tilespmem:$0x1DC90] =	vst v63  }
0x5d1: {  	_ =	swait.ge [sflag:s14], $0x2710  }
0x5d2: {  	s16 =	sld [smem:$0x7FC]  }
0x5d3: {  	[sflag:s14] =	ssyncset.done $0x0  }
0x5d4: {  	[sflag:s14] =	ssyncadd.s32 $0xFFFFD8F0  }
0x5d5: {  	[hbm4b:s16+s5] =	stream.linear.scatter [tilespmem:s0], [sflag:$0x3], $0x2710, $0x38;
	[tilespmem:$0x1DC90] =	vst v63  }
0x5d6: {  	_ =	swait.ge [sflag:s14], $0x2710  }
0x5d7: {  	s19 =	sld [smem:$0x7FD];
	_ =	sdelay $0x1  }
0x5d8: {  	s9 =	sadd.s32 $0x1, s9  }
0x5d9: {  	p0 =	sne.s32 s9, s19  }
.Ltmp12:
0x5da: {  	_ = 	snop;
	(pc) =	sbr.rel @p0 .LBB2_1-.Ltmp12, $3  }
0x5db: {  	_ =	sdelay $0x1  }
0x5dc: {  	[sflag:s14] =	ssyncset.done $0x0  }
0x5dd: {  	[sflag:s14] =	ssyncadd.s32 $0xFFFFD8F0  }
0x5de: {  	_ =	sfence.sel $0x180000  }
0x5df: {  	[bflag:$0x0] =	sbarrier.arrive $0xFFFF  }
0x5e0: {  	_ =	strace $0x90000047  }
0x5e1: {  	s0 =	stileid.u32;
	[bflag:$0x2] =	sbarrier.arrive $0xFFFF  }
0x5e2: {  	p0 =	sne.s32 s0, $0x0;
	s0 =	rddreg [dreg:$0x4]  }
0x5e3: {  	s0 =	sadd.s32 @!p0 $0x100000, s0  }
0x5e4: {  	[sflag:s0] =	ssyncadd.tile.s32 @!p0 $0x1;
	_ =	shalt  }
.Lfunc_end2:
_tile_overlayer_lowered:
.L_overlay_start_2:
0x5e5: {  	(tag) =	ssettag $0x2  }
0x5e6: {  	s0 =	rddreg [dreg:$0x0];
	s2 =	stileid.u32  }
0x5e7: {  	s1 =	rddreg [dreg:$0x1];
	p0 =	sne.s32 s2, $0x0  }
0x5e8: {  	s3 =	rddreg [dreg:$0x2];
	[bflag:$0x3] =	sbarrier.arrive $0xFFFF;
	s2 =	simm.s32 @!p0 $0x1C03  }
0x5e9: {  	[timem:s3], [sflag:s2] =	dma.local @!p0 [hbm:s0], s1  }
0x5ea: {  	s0 =	simm.s32 @!p0 $0x3  }
0x5eb: {  	_ =	swait.ge @!p0 [sflag:s0], s1  }
0x5ec: {  	s1 =	ssub.s32 @!p0 $0x0, s1;
	[sflag:s0] =	ssyncset.done @!p0 $0x0  }
0x5ed: {  	[sflag:s0] =	ssyncadd.s32 @!p0 s1  }
0x5ee: {  	[bflag:$0x3] =	sbarrier.arrive $0xFFFF  }
0x5ef: {  	_ =	shalt  }

</sc_bundles>
